<compile_context>
chip_gen: v7x
topology: tpu7x:2x2x1
jax: 0.10.2.dev20260603
libtpu: 0.0.44.dev20260713+nightly
codegen_flags: <defaults>
</compile_context>

<pallas_src>
import jax
import jax.numpy as jnp
from jax import lax
from jax.experimental import pallas as pl
from jax.experimental.pallas import tpu as pltpu
from jax.experimental.pallas import tpu_sc as plsc

ROWS = 64
N = 8192
TOP_K = 512
L = 16
CH = N // L
H = 4
HH = CH // H
HSH = 7
NB = 256
HB = NB * L
NW = 32
R = 2


def _to_key(bits):
    m = lax.shift_right_arithmetic(bits, 31)
    return bits ^ (jnp.bitwise_not(m) & jnp.int32(0x7FFFFFFF))


def _sort_body(in_hbm, sel_hbm, not_hbm,
               v0, v1, ka0, ka1, kb0, kb1, ib0, ib1,
               hc0, hc1, hn0, hn1, dma_sem):
    wid = lax.axis_index("s") * 2 + lax.axis_index("c")
    lanes = lax.iota(jnp.int32, L)
    g_base = lanes * CH
    ones = jnp.ones((L,), jnp.int32)
    zeros = jnp.zeros((L,), jnp.int32)
    row0 = wid * R

    vals = (v0, v1)
    ka = (ka0, ka1)
    kb = (kb0, kb1)
    ib = (ib0, ib1)
    hc = (hc0, hc1)
    hn = (hn0, hn1)

    for r in range(R):
        pltpu.sync_copy(in_hbm.at[row0 + r], vals[r])

    def zero(hists):
        def step(i, _):
            for h in hists:
                for x in range(H):
                    h[pl.ds(i * L + x * HB, L)] = zeros
            return 0
        lax.fori_loop(0, NB, step, 0)

    def scan(hists, zhists=None):
        def step(i, carry):
            sls = [pl.ds(i * L + x * HB, L) for x in range(H)]
            nxt = []
            for r in range(R):
                hs = [hists[r][s_] for s_ in sls]
                s = hs[0]
                for x in range(1, H):
                    s = s + hs[x]
                inc = plsc.cumsum(s)
                b = inc - s + carry[r]
                for x in range(H):
                    hists[r][sls[x]] = b
                    if x + 1 < H:
                        b = b + hs[x]
                nxt.append(carry[r] + inc[L - 1])
            if zhists is not None:
                for z in zhists:
                    for s_ in sls:
                        z[s_] = zeros
            return tuple(nxt)
        lax.fori_loop(0, NB, step, (jnp.int32(0),) * R, unroll=2)

    def addr0(k):
        return (lax.shift_left(k, 4) | lanes) & jnp.int32(0xFFF)

    def addrp(k, shift, low):
        return (lax.shift_right_logical(k, shift - 4) & jnp.int32(0xFF0)) | low

    def halfbit(off):
        return lax.shift_left(
            lax.shift_right_logical(off, HSH) & jnp.int32(H - 1), 12)

    def dest(off):
        own = lax.shift_right_logical(off, 9)
        q = lax.shift_left(off & jnp.int32(CH - 1), 4) | own
        return own, q

    RH = tuple((r, x) for r in range(R) for x in range(H))

    def s0_step(t, _):
        g = [g_base + t + x * HH for (r, x) in RH]
        v = [plsc.load_gather(vals[r], [g[j]]) for j, (r, x) in enumerate(RH)]
        k = [_to_key(lax.bitcast_convert_type(vj + jnp.float32(0.0),
                                              jnp.int32)) for vj in v]
        a = [addr0(k[j]) + x * HB for j, (r, x) in enumerate(RH)]
        for j, (r, x) in enumerate(RH):
            ka[r][pl.ds((t + x * HH) * L, L)] = k[j]
        for j, (r, x) in enumerate(RH):
            plsc.addupdate_scatter(hc[r], [a[j]], ones)
        return 0

    def scat0():
        def step(t, _):
            sl = [pl.ds((t + x * HH) * L, L) for (r, x) in RH]
            g = [g_base + t + x * HH for (r, x) in RH]
            k = [ka[r][sl[j]] for j, (r, x) in enumerate(RH)]
            a = [addr0(k[j]) + x * HB for j, (r, x) in enumerate(RH)]
            off = [plsc.load_gather(hc[r], [a[j]])
                   for j, (r, x) in enumerate(RH)]
            oq = [dest(o) for o in off]
            a2 = [addrp(k[j], 8, oq[j][0]) | halfbit(off[j])
                  for j in range(len(RH))]
            for j, (r, x) in enumerate(RH):
                plsc.store_scatter(kb[r], [oq[j][1]], k[j])
            for j, (r, x) in enumerate(RH):
                plsc.store_scatter(ib[r], [oq[j][1]], g[j])
            for j, (r, x) in enumerate(RH):
                plsc.addupdate_scatter(hc[r], [a[j]], ones)
            for j, (r, x) in enumerate(RH):
                plsc.addupdate_scatter(hn[r], [a2[j]], ones)
            return 0
        lax.fori_loop(0, HH, step, 0, unroll=2)

    def scat1():
        def step(t, _):
            sl = [pl.ds((t + x * HH) * L, L) for (r, x) in RH]
            k = [kb[r][sl[j]] for j, (r, x) in enumerate(RH)]
            i = [ib[r][sl[j]] for j, (r, x) in enumerate(RH)]
            a = [addrp(k[j], 8, lanes) + x * HB
                 for j, (r, x) in enumerate(RH)]
            off = [plsc.load_gather(hn[r], [a[j]])
                   for j, (r, x) in enumerate(RH)]
            oq = [dest(o) for o in off]
            a2 = [addrp(k[j], 16, oq[j][0]) | halfbit(off[j])
                  for j in range(len(RH))]
            pk = [lax.shift_left(lax.shift_right_logical(k[j], 16), 13)
                  | i[j] for j in range(len(RH))]
            for j, (r, x) in enumerate(RH):
                plsc.store_scatter(ka[r], [oq[j][1]], pk[j])
            for j, (r, x) in enumerate(RH):
                plsc.addupdate_scatter(hn[r], [a[j]], ones)
            for j, (r, x) in enumerate(RH):
                plsc.addupdate_scatter(hc[r], [a2[j]], ones)
            return 0
        lax.fori_loop(0, HH, step, 0, unroll=2)

    def addr_pk(p_, sh, low):
        return (lax.shift_right_logical(p_, sh) & jnp.int32(0xFF0)) | low

    def scat2():
        def step(t, _):
            sl = [pl.ds((t + x * HH) * L, L) for (r, x) in RH]
            p_ = [ka[r][sl[j]] for j, (r, x) in enumerate(RH)]
            a = [addr_pk(p_[j], 9, lanes) + x * HB
                 for j, (r, x) in enumerate(RH)]
            off = [plsc.load_gather(hc[r], [a[j]])
                   for j, (r, x) in enumerate(RH)]
            oq = [dest(o) for o in off]
            a2 = [addr_pk(p_[j], 17, oq[j][0]) | halfbit(off[j])
                  for j in range(len(RH))]
            for j, (r, x) in enumerate(RH):
                plsc.store_scatter(kb[r], [oq[j][1]], p_[j])
            for j, (r, x) in enumerate(RH):
                plsc.addupdate_scatter(hc[r], [a[j]], ones)
            for j, (r, x) in enumerate(RH):
                plsc.addupdate_scatter(hn[r], [a2[j]], ones)
            return 0
        lax.fori_loop(0, HH, step, 0, unroll=2)

    def scat3():
        def step(t, _):
            sl = [pl.ds((t + x * HH) * L, L) for (r, x) in RH]
            p_ = [kb[r][sl[j]] for j, (r, x) in enumerate(RH)]
            a = [addr_pk(p_[j], 17, lanes) + x * HB
                 for j, (r, x) in enumerate(RH)]
            off = [plsc.load_gather(hn[r], [a[j]])
                   for j, (r, x) in enumerate(RH)]
            for j, (r, x) in enumerate(RH):
                plsc.store_scatter(ib[r], [off[j]],
                                   p_[j] & jnp.int32(0x1FFF))
            for j, (r, x) in enumerate(RH):
                plsc.addupdate_scatter(hn[r], [a[j]], ones)
            return 0
        lax.fori_loop(0, HH, step, 0, unroll=2)

    zero(hc)
    lax.fori_loop(0, HH, s0_step, 0, unroll=2)
    scan(hc, zhists=hn)
    scat0()
    scan(hn, zhists=hc)
    scat1()
    scan(hc, zhists=hn)
    scat2()
    scan(hn)
    scat3()

    for r in range(R):
        pltpu.sync_copy(ib[r].at[pl.ds(0, TOP_K)], sel_hbm.at[row0 + r])
        pltpu.sync_copy(ib[r].at[pl.ds(TOP_K, N - TOP_K)],
                        not_hbm.at[row0 + r])


@jax.jit
def _run(inputs):
    mesh = plsc.VectorSubcoreMesh(core_axis_name="c", subcore_axis_name="s")
    f = pl.kernel(
        _sort_body,
        out_type=(
            jax.ShapeDtypeStruct((ROWS, TOP_K), jnp.int32),
            jax.ShapeDtypeStruct((ROWS, N - TOP_K), jnp.int32),
        ),
        mesh=mesh,
        scratch_types=[
            pltpu.VMEM((N,), jnp.float32),
            pltpu.VMEM((N,), jnp.float32),
            pltpu.VMEM((N,), jnp.int32),
            pltpu.VMEM((N,), jnp.int32),
            pltpu.VMEM((N,), jnp.int32),
            pltpu.VMEM((N,), jnp.int32),
            pltpu.VMEM((N,), jnp.int32),
            pltpu.VMEM((N,), jnp.int32),
            pltpu.VMEM((H * NB * L,), jnp.int32),
            pltpu.VMEM((H * NB * L,), jnp.int32),
            pltpu.VMEM((H * NB * L,), jnp.int32),
            pltpu.VMEM((H * NB * L,), jnp.int32),
            pltpu.SemaphoreType.DMA,
        ],
        compiler_params=pltpu.CompilerParams(needs_layout_passes=False),
    )
    return f(inputs)


def kernel(inputs):
    return _run(inputs)

# --- scband reference (transcript-rebuilt; emitter-appended) ---
"""Pipeline reference for scband-select-top-k-88802743812524 (READ-ONLY COPY).

The authoritative reference and input builder live on the scoring server;
editing this copy changes nothing except your own understanding.
"""

import jax, jax.numpy as jnp
import numpy as np

TOP_K = 512

def setup_inputs(seed: int = 0) -> dict:
    key = jax.random.key(seed)
    inputs = jax.random.normal(key, (64, 8192), dtype=jnp.float32)
    return {"inputs": inputs}

def reference(inputs):
    # random_k is None -> pure top-k branch of SelectTopK.call
    # tf.argsort(inputs, direction='DESCENDING') == argsort of negated values ascending
    pos = jnp.argsort(-inputs, axis=-1).astype(jnp.int32)
    selected = pos[:, :TOP_K]
    not_selected = pos[:, TOP_K:]
    return (selected, not_selected)

if __name__ == "__main__":
    import jax
    _d = setup_inputs()
    print(jax.jit(kernel)(*tuple(_d.values())))

</pallas_src>

<mosaic_0001>
#map = affine_map<(d0, d1) -> (0, 0)>
module attributes {stable_mosaic.version = 14 : i64} {
  func.func @_sort_body(%arg0: i32, %arg1: i32, %arg2: memref<64x8192xf32, #tpu.memory_space<hbm>>, %arg3: memref<64x512xi32, #tpu.memory_space<hbm>>, %arg4: memref<64x7680xi32, #tpu.memory_space<hbm>>, %arg5: memref<8192xf32, #tpu.memory_space<vmem>>, %arg6: memref<8192xf32, #tpu.memory_space<vmem>>, %arg7: memref<8192xi32, #tpu.memory_space<vmem>>, %arg8: memref<8192xi32, #tpu.memory_space<vmem>>, %arg9: memref<8192xi32, #tpu.memory_space<vmem>>, %arg10: memref<8192xi32, #tpu.memory_space<vmem>>, %arg11: memref<8192xi32, #tpu.memory_space<vmem>>, %arg12: memref<8192xi32, #tpu.memory_space<vmem>>, %arg13: memref<16384xi32, #tpu.memory_space<vmem>>, %arg14: memref<16384xi32, #tpu.memory_space<vmem>>, %arg15: memref<16384xi32, #tpu.memory_space<vmem>>, %arg16: memref<16384xi32, #tpu.memory_space<vmem>>, %arg17: memref<!tpu.dma_semaphore, #tpu.memory_space<semaphore_mem>>) attributes {dimension_semantics = [#tpu.dimension_semantics<core_parallel>, #tpu.dimension_semantics<subcore_parallel>], iteration_bounds = array<i64: 2, 16>, scalar_prefetch = 0 : i64, scratch_operands = 13 : i64, tpu.core_type = #tpu.core_type<sc_vector_subcore>, window_params = [{transform_indices = #map}, {transform_indices = #map}, {transform_indices = #map}]} {
    %mul3A = arith.constant 2 : i32
    %mul3A_0 = arith.muli %arg1, %mul3A : i32
    %add3A = arith.addi %mul3A_0, %arg0 : i32
    %iota3A = tpu.iota {dimensions = array<i32: 0>} : vector<16xi32>
    %mul3A_1 = arith.constant 512 : i32
    %mul3A_2 = vector.broadcast %mul3A_1 : i32 to vector<16xi32>
    %mul3A_3 = arith.muli %iota3A, %mul3A_2 : vector<16xi32>
    %broadcast_in_dim3A = arith.constant 1 : i32
    %broadcast_in_dim3A_4 = vector.broadcast %broadcast_in_dim3A : i32 to vector<16xi32>
    %broadcast_in_dim3A_5 = arith.constant 0 : i32
    %broadcast_in_dim3A_6 = vector.broadcast %broadcast_in_dim3A_5 : i32 to vector<16xi32>
    %mul3A_7 = arith.constant 2 : i32
    %mul3A_8 = arith.muli %add3A, %mul3A_7 : i32
    %add3A_9 = arith.constant 0 : i32
    %add3A_10 = arith.addi %mul3A_8, %add3A_9 : i32
    "tpu.region"() ({
      %run_scoped3A = tpu.sem_alloc : memref<!tpu.dma_semaphore, #tpu.memory_space<semaphore_mem>>
      %dma_start3A = arith.constant 0 : i32
      %dma_start3A_94 = tpu.memref_slice %arg2[%add3A_10, %dma_start3A] : memref<64x8192xf32, #tpu.memory_space<hbm>> -> memref<1x8192xf32, #tpu.memory_space<hbm>>
      %dma_start3A_95 = tpu.memref_squeeze %dma_start3A_94 : memref<1x8192xf32, #tpu.memory_space<hbm>> -> memref<8192xf32, #tpu.memory_space<hbm>>
      %dma_start3A_96 = arith.constant 0 : i32
      %dma_start3A_97 = tpu.memref_slice %arg2[%add3A_10, %dma_start3A_96] : memref<64x8192xf32, #tpu.memory_space<hbm>> -> memref<1x8192xf32, #tpu.memory_space<hbm>>
      %dma_start3A_98 = tpu.memref_squeeze %dma_start3A_97 : memref<1x8192xf32, #tpu.memory_space<hbm>> -> memref<8192xf32, #tpu.memory_space<hbm>>
      tpu.enqueue_dma source(%dma_start3A_98 : memref<8192xf32, #tpu.memory_space<hbm>>) target(%arg5 : memref<8192xf32, #tpu.memory_space<vmem>>) target_semaphore(%run_scoped3A : memref<!tpu.dma_semaphore, #tpu.memory_space<semaphore_mem>>)
      %dma_wait3A = arith.constant 0 : i32
      %dma_wait3A_99 = tpu.memref_slice %arg2[%add3A_10, %dma_wait3A] : memref<64x8192xf32, #tpu.memory_space<hbm>> -> memref<1x8192xf32, #tpu.memory_space<hbm>>
      %dma_wait3A_100 = tpu.memref_squeeze %dma_wait3A_99 : memref<1x8192xf32, #tpu.memory_space<hbm>> -> memref<8192xf32, #tpu.memory_space<hbm>>
      %dma_wait3A_101 = arith.constant 0 : i32
      %dma_wait3A_102 = tpu.memref_slice %arg2[%add3A_10, %dma_wait3A_101] : memref<64x8192xf32, #tpu.memory_space<hbm>> -> memref<1x8192xf32, #tpu.memory_space<hbm>>
      %dma_wait3A_103 = tpu.memref_squeeze %dma_wait3A_102 : memref<1x8192xf32, #tpu.memory_space<hbm>> -> memref<8192xf32, #tpu.memory_space<hbm>>
      tpu.wait_dma2 semaphore(%run_scoped3A : memref<!tpu.dma_semaphore, #tpu.memory_space<semaphore_mem>>) src(%dma_wait3A_103 : memref<8192xf32, #tpu.memory_space<hbm>>) dst(%arg5 : memref<8192xf32, #tpu.memory_space<vmem>>)
      tpu.yield
    }) : () -> ()
    %add3A_11 = arith.constant 1 : i32
    %add3A_12 = arith.addi %mul3A_8, %add3A_11 : i32
    "tpu.region"() ({
      %run_scoped3A = tpu.sem_alloc : memref<!tpu.dma_semaphore, #tpu.memory_space<semaphore_mem>>
      %dma_start3A = arith.constant 0 : i32
      %dma_start3A_94 = tpu.memref_slice %arg2[%add3A_12, %dma_start3A] : memref<64x8192xf32, #tpu.memory_space<hbm>> -> memref<1x8192xf32, #tpu.memory_space<hbm>>
      %dma_start3A_95 = tpu.memref_squeeze %dma_start3A_94 : memref<1x8192xf32, #tpu.memory_space<hbm>> -> memref<8192xf32, #tpu.memory_space<hbm>>
      %dma_start3A_96 = arith.constant 0 : i32
      %dma_start3A_97 = tpu.memref_slice %arg2[%add3A_12, %dma_start3A_96] : memref<64x8192xf32, #tpu.memory_space<hbm>> -> memref<1x8192xf32, #tpu.memory_space<hbm>>
      %dma_start3A_98 = tpu.memref_squeeze %dma_start3A_97 : memref<1x8192xf32, #tpu.memory_space<hbm>> -> memref<8192xf32, #tpu.memory_space<hbm>>
      tpu.enqueue_dma source(%dma_start3A_98 : memref<8192xf32, #tpu.memory_space<hbm>>) target(%arg6 : memref<8192xf32, #tpu.memory_space<vmem>>) target_semaphore(%run_scoped3A : memref<!tpu.dma_semaphore, #tpu.memory_space<semaphore_mem>>)
      %dma_wait3A = arith.constant 0 : i32
      %dma_wait3A_99 = tpu.memref_slice %arg2[%add3A_12, %dma_wait3A] : memref<64x8192xf32, #tpu.memory_space<hbm>> -> memref<1x8192xf32, #tpu.memory_space<hbm>>
      %dma_wait3A_100 = tpu.memref_squeeze %dma_wait3A_99 : memref<1x8192xf32, #tpu.memory_space<hbm>> -> memref<8192xf32, #tpu.memory_space<hbm>>
      %dma_wait3A_101 = arith.constant 0 : i32
      %dma_wait3A_102 = tpu.memref_slice %arg2[%add3A_12, %dma_wait3A_101] : memref<64x8192xf32, #tpu.memory_space<hbm>> -> memref<1x8192xf32, #tpu.memory_space<hbm>>
      %dma_wait3A_103 = tpu.memref_squeeze %dma_wait3A_102 : memref<1x8192xf32, #tpu.memory_space<hbm>> -> memref<8192xf32, #tpu.memory_space<hbm>>
      tpu.wait_dma2 semaphore(%run_scoped3A : memref<!tpu.dma_semaphore, #tpu.memory_space<semaphore_mem>>) src(%dma_wait3A_103 : memref<8192xf32, #tpu.memory_space<hbm>>) dst(%arg6 : memref<8192xf32, #tpu.memory_space<vmem>>)
      tpu.yield
    }) : () -> ()
    %scan3A = arith.constant 0 : i32
    %scan3A_13 = arith.constant 0 : i32
    %scan3A_14 = arith.constant 256 : i32
    %scan3A_15 = arith.addi %scan3A_13, %scan3A_14 : i32
    %scan3A_16 = arith.constant 1 : i32
    %scan3A_17 = scf.for %scan3A_94 = %scan3A_13 to %scan3A_15 step %scan3A_16 iter_args(%scan3A_95 = %scan3A) -> (i32)  : i32 {
      %mul3A_96 = arith.constant 16 : i32
      %mul3A_97 = arith.muli %scan3A_94, %mul3A_96 : i32
      %add3A_98 = arith.constant 0 : i32
      %add3A_99 = arith.addi %mul3A_97, %add3A_98 : i32
      %swap3A = arith.index_cast %add3A_99 : i32 to index
      %swap3A_100 = tpu.vector_load %arg13[%swap3A] {strides = array<i32>} : memref<16384xi32, #tpu.memory_space<vmem>>, vector<16xi32>,
      tpu.vector_store %arg13[%swap3A], %broadcast_in_dim3A_6 {strides = array<i32>} : memref<16384xi32, #tpu.memory_space<vmem>>, vector<16xi32>,
      %mul3A_101 = arith.constant 16 : i32
      %mul3A_102 = arith.muli %scan3A_94, %mul3A_101 : i32
      %add3A_103 = arith.constant 4096 : i32
      %add3A_104 = arith.addi %mul3A_102, %add3A_103 : i32
      %swap3A_105 = arith.index_cast %add3A_104 : i32 to index
      %swap3A_106 = tpu.vector_load %arg13[%swap3A_105] {strides = array<i32>} : memref<16384xi32, #tpu.memory_space<vmem>>, vector<16xi32>,
      tpu.vector_store %arg13[%swap3A_105], %broadcast_in_dim3A_6 {strides = array<i32>} : memref<16384xi32, #tpu.memory_space<vmem>>, vector<16xi32>,
      %mul3A_107 = arith.constant 16 : i32
      %mul3A_108 = arith.muli %scan3A_94, %mul3A_107 : i32
      %add3A_109 = arith.constant 8192 : i32
      %add3A_110 = arith.addi %mul3A_108, %add3A_109 : i32
      %swap3A_111 = arith.index_cast %add3A_110 : i32 to index
      %swap3A_112 = tpu.vector_load %arg13[%swap3A_111] {strides = array<i32>} : memref<16384xi32, #tpu.memory_space<vmem>>, vector<16xi32>,
      tpu.vector_store %arg13[%swap3A_111], %broadcast_in_dim3A_6 {strides = array<i32>} : memref<16384xi32, #tpu.memory_space<vmem>>, vector<16xi32>,
      %mul3A_113 = arith.constant 16 : i32
      %mul3A_114 = arith.muli %scan3A_94, %mul3A_113 : i32
      %add3A_115 = arith.constant 12288 : i32
      %add3A_116 = arith.addi %mul3A_114, %add3A_115 : i32
      %swap3A_117 = arith.index_cast %add3A_116 : i32 to index
      %swap3A_118 = tpu.vector_load %arg13[%swap3A_117] {strides = array<i32>} : memref<16384xi32, #tpu.memory_space<vmem>>, vector<16xi32>,
      tpu.vector_store %arg13[%swap3A_117], %broadcast_in_dim3A_6 {strides = array<i32>} : memref<16384xi32, #tpu.memory_space<vmem>>, vector<16xi32>,
      %mul3A_119 = arith.constant 16 : i32
      %mul3A_120 = arith.muli %scan3A_94, %mul3A_119 : i32
      %add3A_121 = arith.constant 0 : i32
      %add3A_122 = arith.addi %mul3A_120, %add3A_121 : i32
      %swap3A_123 = arith.index_cast %add3A_122 : i32 to index
      %swap3A_124 = tpu.vector_load %arg14[%swap3A_123] {strides = array<i32>} : memref<16384xi32, #tpu.memory_space<vmem>>, vector<16xi32>,
      tpu.vector_store %arg14[%swap3A_123], %broadcast_in_dim3A_6 {strides = array<i32>} : memref<16384xi32, #tpu.memory_space<vmem>>, vector<16xi32>,
      %mul3A_125 = arith.constant 16 : i32
      %mul3A_126 = arith.muli %scan3A_94, %mul3A_125 : i32
      %add3A_127 = arith.constant 4096 : i32
      %add3A_128 = arith.addi %mul3A_126, %add3A_127 : i32
      %swap3A_129 = arith.index_cast %add3A_128 : i32 to index
      %swap3A_130 = tpu.vector_load %arg14[%swap3A_129] {strides = array<i32>} : memref<16384xi32, #tpu.memory_space<vmem>>, vector<16xi32>,
      tpu.vector_store %arg14[%swap3A_129], %broadcast_in_dim3A_6 {strides = array<i32>} : memref<16384xi32, #tpu.memory_space<vmem>>, vector<16xi32>,
      %mul3A_131 = arith.constant 16 : i32
      %mul3A_132 = arith.muli %scan3A_94, %mul3A_131 : i32
      %add3A_133 = arith.constant 8192 : i32
      %add3A_134 = arith.addi %mul3A_132, %add3A_133 : i32
      %swap3A_135 = arith.index_cast %add3A_134 : i32 to index
      %swap3A_136 = tpu.vector_load %arg14[%swap3A_135] {strides = array<i32>} : memref<16384xi32, #tpu.memory_space<vmem>>, vector<16xi32>,
      tpu.vector_store %arg14[%swap3A_135], %broadcast_in_dim3A_6 {strides = array<i32>} : memref<16384xi32, #tpu.memory_space<vmem>>, vector<16xi32>,
      %mul3A_137 = arith.constant 16 : i32
      %mul3A_138 = arith.muli %scan3A_94, %mul3A_137 : i32
      %add3A_139 = arith.constant 12288 : i32
      %add3A_140 = arith.addi %mul3A_138, %add3A_139 : i32
      %swap3A_141 = arith.index_cast %add3A_140 : i32 to index
      %swap3A_142 = tpu.vector_load %arg14[%swap3A_141] {strides = array<i32>} : memref<16384xi32, #tpu.memory_space<vmem>>, vector<16xi32>,
      tpu.vector_store %arg14[%swap3A_141], %broadcast_in_dim3A_6 {strides = array<i32>} : memref<16384xi32, #tpu.memory_space<vmem>>, vector<16xi32>,
      %scan3A_143 = arith.constant 0 : i32
      scf.yield %scan3A_143 : i32
    }
    %scan3A_18 = arith.constant 256 : i32
    %scan3A_19 = arith.constant 0 : i32
    %scan3A_20 = arith.constant 0 : i32
    %scan3A_21 = arith.constant 128 : i32
    %scan3A_22 = arith.addi %scan3A_20, %scan3A_21 : i32
    %scan3A_23 = arith.constant 2 : i32
    %scan3A_24 = scf.for %scan3A_94 = %scan3A_20 to %scan3A_22 step %scan3A_23 iter_args(%scan3A_95 = %scan3A_19) -> (i32)  : i32 {
      %add3A_96 = vector.broadcast %scan3A_94 : i32 to vector<16xi32>
      %add3A_97 = arith.addi %mul3A_3, %add3A_96 : vector<16xi32>
      %add3A_98 = arith.constant 0 : i32
      %add3A_99 = vector.broadcast %add3A_98 : i32 to vector<16xi32>
      %add3A_100 = arith.addi %add3A_97, %add3A_99 : vector<16xi32>
      %add3A_101 = vector.broadcast %scan3A_94 : i32 to vector<16xi32>
      %add3A_102 = arith.addi %mul3A_3, %add3A_101 : vector<16xi32>
      %add3A_103 = arith.constant 128 : i32
      %add3A_104 = vector.broadcast %add3A_103 : i32 to vector<16xi32>
      %add3A_105 = arith.addi %add3A_102, %add3A_104 : vector<16xi32>
      %add3A_106 = vector.broadcast %scan3A_94 : i32 to vector<16xi32>
      %add3A_107 = arith.addi %mul3A_3, %add3A_106 : vector<16xi32>
      %add3A_108 = arith.constant 256 : i32
      %add3A_109 = vector.broadcast %add3A_108 : i32 to vector<16xi32>
      %add3A_110 = arith.addi %add3A_107, %add3A_109 : vector<16xi32>
      %add3A_111 = vector.broadcast %scan3A_94 : i32 to vector<16xi32>
      %add3A_112 = arith.addi %mul3A_3, %add3A_111 : vector<16xi32>
      %add3A_113 = arith.constant 384 : i32
      %add3A_114 = vector.broadcast %add3A_113 : i32 to vector<16xi32>
      %add3A_115 = arith.addi %add3A_112, %add3A_114 : vector<16xi32>
      %add3A_116 = vector.broadcast %scan3A_94 : i32 to vector<16xi32>
      %add3A_117 = arith.addi %mul3A_3, %add3A_116 : vector<16xi32>
      %add3A_118 = arith.constant 0 : i32
      %add3A_119 = vector.broadcast %add3A_118 : i32 to vector<16xi32>
      %add3A_120 = arith.addi %add3A_117, %add3A_119 : vector<16xi32>
      %add3A_121 = vector.broadcast %scan3A_94 : i32 to vector<16xi32>
      %add3A_122 = arith.addi %mul3A_3, %add3A_121 : vector<16xi32>
      %add3A_123 = arith.constant 128 : i32
      %add3A_124 = vector.broadcast %add3A_123 : i32 to vector<16xi32>
      %add3A_125 = arith.addi %add3A_122, %add3A_124 : vector<16xi32>
      %add3A_126 = vector.broadcast %scan3A_94 : i32 to vector<16xi32>
      %add3A_127 = arith.addi %mul3A_3, %add3A_126 : vector<16xi32>
      %add3A_128 = arith.constant 256 : i32
      %add3A_129 = vector.broadcast %add3A_128 : i32 to vector<16xi32>
      %add3A_130 = arith.addi %add3A_127, %add3A_129 : vector<16xi32>
      %add3A_131 = vector.broadcast %scan3A_94 : i32 to vector<16xi32>
      %add3A_132 = arith.addi %mul3A_3, %add3A_131 : vector<16xi32>
      %add3A_133 = arith.constant 384 : i32
      %add3A_134 = vector.broadcast %add3A_133 : i32 to vector<16xi32>
      %add3A_135 = arith.addi %add3A_132, %add3A_134 : vector<16xi32>
      %gather3A = tpu.vector_load_idx %arg5[%add3A_100] : memref<8192xf32, #tpu.memory_space<vmem>>[vector<16xi32>], vector<16xf32>,
      %gather3A_136 = tpu.vector_load_idx %arg5[%add3A_105] : memref<8192xf32, #tpu.memory_space<vmem>>[vector<16xi32>], vector<16xf32>,
      %gather3A_137 = tpu.vector_load_idx %arg5[%add3A_110] : memref<8192xf32, #tpu.memory_space<vmem>>[vector<16xi32>], vector<16xf32>,
      %gather3A_138 = tpu.vector_load_idx %arg5[%add3A_115] : memref<8192xf32, #tpu.memory_space<vmem>>[vector<16xi32>], vector<16xf32>,
      %gather3A_139 = tpu.vector_load_idx %arg6[%add3A_120] : memref<8192xf32, #tpu.memory_space<vmem>>[vector<16xi32>], vector<16xf32>,
      %gather3A_140 = tpu.vector_load_idx %arg6[%add3A_125] : memref<8192xf32, #tpu.memory_space<vmem>>[vector<16xi32>], vector<16xf32>,
      %gather3A_141 = tpu.vector_load_idx %arg6[%add3A_130] : memref<8192xf32, #tpu.memory_space<vmem>>[vector<16xi32>], vector<16xf32>,
      %gather3A_142 = tpu.vector_load_idx %arg6[%add3A_135] : memref<8192xf32, #tpu.memory_space<vmem>>[vector<16xi32>], vector<16xf32>,
      %add3A_143 = arith.constant 0.000000e+00 : f32
      %add3A_144 = vector.broadcast %add3A_143 : f32 to vector<16xf32>
      %add3A_145 = arith.addf %gather3A, %add3A_144 : vector<16xf32>
      %bitcast_convert_type3A = tpu.bitcast %add3A_145 : vector<16xf32> -> vector<16xi32>
      %shift_right_arithmetic3A = arith.constant 31 : i32
      %shift_right_arithmetic3A_146 = vector.broadcast %shift_right_arithmetic3A : i32 to vector<16xi32>
      %shift_right_arithmetic3A_147 = arith.shrsi %bitcast_convert_type3A, %shift_right_arithmetic3A_146 : vector<16xi32>
      %not3A = arith.constant dense<-1> : vector<16xi32>
      %not3A_148 = arith.xori %shift_right_arithmetic3A_147, %not3A : vector<16xi32>
      %and3A = arith.constant 2147483647 : i32
      %and3A_149 = vector.broadcast %and3A : i32 to vector<16xi32>
      %and3A_150 = arith.andi %not3A_148, %and3A_149 : vector<16xi32>
      %xor3A = arith.xori %bitcast_convert_type3A, %and3A_150 : vector<16xi32>
      %add3A_151 = arith.constant 0.000000e+00 : f32
      %add3A_152 = vector.broadcast %add3A_151 : f32 to vector<16xf32>
      %add3A_153 = arith.addf %gather3A_136, %add3A_152 : vector<16xf32>
      %bitcast_convert_type3A_154 = tpu.bitcast %add3A_153 : vector<16xf32> -> vector<16xi32>
      %shift_right_arithmetic3A_155 = arith.constant 31 : i32
      %shift_right_arithmetic3A_156 = vector.broadcast %shift_right_arithmetic3A_155 : i32 to vector<16xi32>
      %shift_right_arithmetic3A_157 = arith.shrsi %bitcast_convert_type3A_154, %shift_right_arithmetic3A_156 : vector<16xi32>
      %not3A_158 = arith.constant dense<-1> : vector<16xi32>
      %not3A_159 = arith.xori %shift_right_arithmetic3A_157, %not3A_158 : vector<16xi32>
      %and3A_160 = arith.constant 2147483647 : i32
      %and3A_161 = vector.broadcast %and3A_160 : i32 to vector<16xi32>
      %and3A_162 = arith.andi %not3A_159, %and3A_161 : vector<16xi32>
      %xor3A_163 = arith.xori %bitcast_convert_type3A_154, %and3A_162 : vector<16xi32>
      %add3A_164 = arith.constant 0.000000e+00 : f32
      %add3A_165 = vector.broadcast %add3A_164 : f32 to vector<16xf32>
      %add3A_166 = arith.addf %gather3A_137, %add3A_165 : vector<16xf32>
      %bitcast_convert_type3A_167 = tpu.bitcast %add3A_166 : vector<16xf32> -> vector<16xi32>
      %shift_right_arithmetic3A_168 = arith.constant 31 : i32
      %shift_right_arithmetic3A_169 = vector.broadcast %shift_right_arithmetic3A_168 : i32 to vector<16xi32>
      %shift_right_arithmetic3A_170 = arith.shrsi %bitcast_convert_type3A_167, %shift_right_arithmetic3A_169 : vector<16xi32>
      %not3A_171 = arith.constant dense<-1> : vector<16xi32>
      %not3A_172 = arith.xori %shift_right_arithmetic3A_170, %not3A_171 : vector<16xi32>
      %and3A_173 = arith.constant 2147483647 : i32
      %and3A_174 = vector.broadcast %and3A_173 : i32 to vector<16xi32>
      %and3A_175 = arith.andi %not3A_172, %and3A_174 : vector<16xi32>
      %xor3A_176 = arith.xori %bitcast_convert_type3A_167, %and3A_175 : vector<16xi32>
      %add3A_177 = arith.constant 0.000000e+00 : f32
      %add3A_178 = vector.broadcast %add3A_177 : f32 to vector<16xf32>
      %add3A_179 = arith.addf %gather3A_138, %add3A_178 : vector<16xf32>
      %bitcast_convert_type3A_180 = tpu.bitcast %add3A_179 : vector<16xf32> -> vector<16xi32>
      %shift_right_arithmetic3A_181 = arith.constant 31 : i32
      %shift_right_arithmetic3A_182 = vector.broadcast %shift_right_arithmetic3A_181 : i32 to vector<16xi32>
      %shift_right_arithmetic3A_183 = arith.shrsi %bitcast_convert_type3A_180, %shift_right_arithmetic3A_182 : vector<16xi32>
      %not3A_184 = arith.constant dense<-1> : vector<16xi32>
      %not3A_185 = arith.xori %shift_right_arithmetic3A_183, %not3A_184 : vector<16xi32>
      %and3A_186 = arith.constant 2147483647 : i32
      %and3A_187 = vector.broadcast %and3A_186 : i32 to vector<16xi32>
      %and3A_188 = arith.andi %not3A_185, %and3A_187 : vector<16xi32>
      %xor3A_189 = arith.xori %bitcast_convert_type3A_180, %and3A_188 : vector<16xi32>
      %add3A_190 = arith.constant 0.000000e+00 : f32
      %add3A_191 = vector.broadcast %add3A_190 : f32 to vector<16xf32>
      %add3A_192 = arith.addf %gather3A_139, %add3A_191 : vector<16xf32>
      %bitcast_convert_type3A_193 = tpu.bitcast %add3A_192 : vector<16xf32> -> vector<16xi32>
      %shift_right_arithmetic3A_194 = arith.constant 31 : i32
      %shift_right_arithmetic3A_195 = vector.broadcast %shift_right_arithmetic3A_194 : i32 to vector<16xi32>
      %shift_right_arithmetic3A_196 = arith.shrsi %bitcast_convert_type3A_193, %shift_right_arithmetic3A_195 : vector<16xi32>
      %not3A_197 = arith.constant dense<-1> : vector<16xi32>
      %not3A_198 = arith.xori %shift_right_arithmetic3A_196, %not3A_197 : vector<16xi32>
      %and3A_199 = arith.constant 2147483647 : i32
      %and3A_200 = vector.broadcast %and3A_199 : i32 to vector<16xi32>
      %and3A_201 = arith.andi %not3A_198, %and3A_200 : vector<16xi32>
      %xor3A_202 = arith.xori %bitcast_convert_type3A_193, %and3A_201 : vector<16xi32>
      %add3A_203 = arith.constant 0.000000e+00 : f32
      %add3A_204 = vector.broadcast %add3A_203 : f32 to vector<16xf32>
      %add3A_205 = arith.addf %gather3A_140, %add3A_204 : vector<16xf32>
      %bitcast_convert_type3A_206 = tpu.bitcast %add3A_205 : vector<16xf32> -> vector<16xi32>
      %shift_right_arithmetic3A_207 = arith.constant 31 : i32
      %shift_right_arithmetic3A_208 = vector.broadcast %shift_right_arithmetic3A_207 : i32 to vector<16xi32>
      %shift_right_arithmetic3A_209 = arith.shrsi %bitcast_convert_type3A_206, %shift_right_arithmetic3A_208 : vector<16xi32>
      %not3A_210 = arith.constant dense<-1> : vector<16xi32>
      %not3A_211 = arith.xori %shift_right_arithmetic3A_209, %not3A_210 : vector<16xi32>
      %and3A_212 = arith.constant 2147483647 : i32
      %and3A_213 = vector.broadcast %and3A_212 : i32 to vector<16xi32>
      %and3A_214 = arith.andi %not3A_211, %and3A_213 : vector<16xi32>
      %xor3A_215 = arith.xori %bitcast_convert_type3A_206, %and3A_214 : vector<16xi32>
      %add3A_216 = arith.constant 0.000000e+00 : f32
      %add3A_217 = vector.broadcast %add3A_216 : f32 to vector<16xf32>
      %add3A_218 = arith.addf %gather3A_141, %add3A_217 : vector<16xf32>
      %bitcast_convert_type3A_219 = tpu.bitcast %add3A_218 : vector<16xf32> -> vector<16xi32>
      %shift_right_arithmetic3A_220 = arith.constant 31 : i32
      %shift_right_arithmetic3A_221 = vector.broadcast %shift_right_arithmetic3A_220 : i32 to vector<16xi32>
      %shift_right_arithmetic3A_222 = arith.shrsi %bitcast_convert_type3A_219, %shift_right_arithmetic3A_221 : vector<16xi32>
      %not3A_223 = arith.constant dense<-1> : vector<16xi32>
      %not3A_224 = arith.xori %shift_right_arithmetic3A_222, %not3A_223 : vector<16xi32>
      %and3A_225 = arith.constant 2147483647 : i32
      %and3A_226 = vector.broadcast %and3A_225 : i32 to vector<16xi32>
      %and3A_227 = arith.andi %not3A_224, %and3A_226 : vector<16xi32>
      %xor3A_228 = arith.xori %bitcast_convert_type3A_219, %and3A_227 : vector<16xi32>
      %add3A_229 = arith.constant 0.000000e+00 : f32
      %add3A_230 = vector.broadcast %add3A_229 : f32 to vector<16xf32>
      %add3A_231 = arith.addf %gather3A_142, %add3A_230 : vector<16xf32>
      %bitcast_convert_type3A_232 = tpu.bitcast %add3A_231 : vector<16xf32> -> vector<16xi32>
      %shift_right_arithmetic3A_233 = arith.constant 31 : i32
      %shift_right_arithmetic3A_234 = vector.broadcast %shift_right_arithmetic3A_233 : i32 to vector<16xi32>
      %shift_right_arithmetic3A_235 = arith.shrsi %bitcast_convert_type3A_232, %shift_right_arithmetic3A_234 : vector<16xi32>
      %not3A_236 = arith.constant dense<-1> : vector<16xi32>
      %not3A_237 = arith.xori %shift_right_arithmetic3A_235, %not3A_236 : vector<16xi32>
      %and3A_238 = arith.constant 2147483647 : i32
      %and3A_239 = vector.broadcast %and3A_238 : i32 to vector<16xi32>
      %and3A_240 = arith.andi %not3A_237, %and3A_239 : vector<16xi32>
      %xor3A_241 = arith.xori %bitcast_convert_type3A_232, %and3A_240 : vector<16xi32>
      %shift_left3A = arith.constant 4 : i32
      %shift_left3A_242 = vector.broadcast %shift_left3A : i32 to vector<16xi32>
      %shift_left3A_243 = arith.shli %xor3A, %shift_left3A_242 : vector<16xi32>
      %or3A = arith.ori %shift_left3A_243, %iota3A : vector<16xi32>
      %and3A_244 = arith.constant 4095 : i32
      %and3A_245 = vector.broadcast %and3A_244 : i32 to vector<16xi32>
      %and3A_246 = arith.andi %or3A, %and3A_245 : vector<16xi32>
      %add3A_247 = arith.constant 0 : i32
      %add3A_248 = vector.broadcast %add3A_247 : i32 to vector<16xi32>
      %add3A_249 = arith.addi %and3A_246, %add3A_248 : vector<16xi32>
      %shift_left3A_250 = arith.constant 4 : i32
      %shift_left3A_251 = vector.broadcast %shift_left3A_250 : i32 to vector<16xi32>
      %shift_left3A_252 = arith.shli %xor3A_163, %shift_left3A_251 : vector<16xi32>
      %or3A_253 = arith.ori %shift_left3A_252, %iota3A : vector<16xi32>
      %and3A_254 = arith.constant 4095 : i32
      %and3A_255 = vector.broadcast %and3A_254 : i32 to vector<16xi32>
      %and3A_256 = arith.andi %or3A_253, %and3A_255 : vector<16xi32>
      %add3A_257 = arith.constant 4096 : i32
      %add3A_258 = vector.broadcast %add3A_257 : i32 to vector<16xi32>
      %add3A_259 = arith.addi %and3A_256, %add3A_258 : vector<16xi32>
      %shift_left3A_260 = arith.constant 4 : i32
      %shift_left3A_261 = vector.broadcast %shift_left3A_260 : i32 to vector<16xi32>
      %shift_left3A_262 = arith.shli %xor3A_176, %shift_left3A_261 : vector<16xi32>
      %or3A_263 = arith.ori %shift_left3A_262, %iota3A : vector<16xi32>
      %and3A_264 = arith.constant 4095 : i32
      %and3A_265 = vector.broadcast %and3A_264 : i32 to vector<16xi32>
      %and3A_266 = arith.andi %or3A_263, %and3A_265 : vector<16xi32>
      %add3A_267 = arith.constant 8192 : i32
      %add3A_268 = vector.broadcast %add3A_267 : i32 to vector<16xi32>
      %add3A_269 = arith.addi %and3A_266, %add3A_268 : vector<16xi32>
      %shift_left3A_270 = arith.constant 4 : i32
      %shift_left3A_271 = vector.broadcast %shift_left3A_270 : i32 to vector<16xi32>
      %shift_left3A_272 = arith.shli %xor3A_189, %shift_left3A_271 : vector<16xi32>
      %or3A_273 = arith.ori %shift_left3A_272, %iota3A : vector<16xi32>
      %and3A_274 = arith.constant 4095 : i32
      %and3A_275 = vector.broadcast %and3A_274 : i32 to vector<16xi32>
      %and3A_276 = arith.andi %or3A_273, %and3A_275 : vector<16xi32>
      %add3A_277 = arith.constant 12288 : i32
      %add3A_278 = vector.broadcast %add3A_277 : i32 to vector<16xi32>
      %add3A_279 = arith.addi %and3A_276, %add3A_278 : vector<16xi32>
      %shift_left3A_280 = arith.constant 4 : i32
      %shift_left3A_281 = vector.broadcast %shift_left3A_280 : i32 to vector<16xi32>
      %shift_left3A_282 = arith.shli %xor3A_202, %shift_left3A_281 : vector<16xi32>
      %or3A_283 = arith.ori %shift_left3A_282, %iota3A : vector<16xi32>
      %and3A_284 = arith.constant 4095 : i32
      %and3A_285 = vector.broadcast %and3A_284 : i32 to vector<16xi32>
      %and3A_286 = arith.andi %or3A_283, %and3A_285 : vector<16xi32>
      %add3A_287 = arith.constant 0 : i32
      %add3A_288 = vector.broadcast %add3A_287 : i32 to vector<16xi32>
      %add3A_289 = arith.addi %and3A_286, %add3A_288 : vector<16xi32>
      %shift_left3A_290 = arith.constant 4 : i32
      %shift_left3A_291 = vector.broadcast %shift_left3A_290 : i32 to vector<16xi32>
      %shift_left3A_292 = arith.shli %xor3A_215, %shift_left3A_291 : vector<16xi32>
      %or3A_293 = arith.ori %shift_left3A_292, %iota3A : vector<16xi32>
      %and3A_294 = arith.constant 4095 : i32
      %and3A_295 = vector.broadcast %and3A_294 : i32 to vector<16xi32>
      %and3A_296 = arith.andi %or3A_293, %and3A_295 : vector<16xi32>
      %add3A_297 = arith.constant 4096 : i32
      %add3A_298 = vector.broadcast %add3A_297 : i32 to vector<16xi32>
      %add3A_299 = arith.addi %and3A_296, %add3A_298 : vector<16xi32>
      %shift_left3A_300 = arith.constant 4 : i32
      %shift_left3A_301 = vector.broadcast %shift_left3A_300 : i32 to vector<16xi32>
      %shift_left3A_302 = arith.shli %xor3A_228, %shift_left3A_301 : vector<16xi32>
      %or3A_303 = arith.ori %shift_left3A_302, %iota3A : vector<16xi32>
      %and3A_304 = arith.constant 4095 : i32
      %and3A_305 = vector.broadcast %and3A_304 : i32 to vector<16xi32>
      %and3A_306 = arith.andi %or3A_303, %and3A_305 : vector<16xi32>
      %add3A_307 = arith.constant 8192 : i32
      %add3A_308 = vector.broadcast %add3A_307 : i32 to vector<16xi32>
      %add3A_309 = arith.addi %and3A_306, %add3A_308 : vector<16xi32>
      %shift_left3A_310 = arith.constant 4 : i32
      %shift_left3A_311 = vector.broadcast %shift_left3A_310 : i32 to vector<16xi32>
      %shift_left3A_312 = arith.shli %xor3A_241, %shift_left3A_311 : vector<16xi32>
      %or3A_313 = arith.ori %shift_left3A_312, %iota3A : vector<16xi32>
      %and3A_314 = arith.constant 4095 : i32
      %and3A_315 = vector.broadcast %and3A_314 : i32 to vector<16xi32>
      %and3A_316 = arith.andi %or3A_313, %and3A_315 : vector<16xi32>
      %add3A_317 = arith.constant 12288 : i32
      %add3A_318 = vector.broadcast %add3A_317 : i32 to vector<16xi32>
      %add3A_319 = arith.addi %and3A_316, %add3A_318 : vector<16xi32>
      %add3A_320 = arith.constant 0 : i32
      %add3A_321 = arith.addi %scan3A_94, %add3A_320 : i32
      %mul3A_322 = arith.constant 16 : i32
      %mul3A_323 = arith.muli %add3A_321, %mul3A_322 : i32
      %swap3A = arith.index_cast %mul3A_323 : i32 to index
      %swap3A_324 = tpu.vector_load %arg7[%swap3A] {strides = array<i32>} : memref<8192xi32, #tpu.memory_space<vmem>>, vector<16xi32>,
      tpu.vector_store %arg7[%swap3A], %xor3A {strides = array<i32>} : memref<8192xi32, #tpu.memory_space<vmem>>, vector<16xi32>,
      %add3A_325 = arith.constant 128 : i32
      %add3A_326 = arith.addi %scan3A_94, %add3A_325 : i32
      %mul3A_327 = arith.constant 16 : i32
      %mul3A_328 = arith.muli %add3A_326, %mul3A_327 : i32
      %swap3A_329 = arith.index_cast %mul3A_328 : i32 to index
      %swap3A_330 = tpu.vector_load %arg7[%swap3A_329] {strides = array<i32>} : memref<8192xi32, #tpu.memory_space<vmem>>, vector<16xi32>,
      tpu.vector_store %arg7[%swap3A_329], %xor3A_163 {strides = array<i32>} : memref<8192xi32, #tpu.memory_space<vmem>>, vector<16xi32>,
      %add3A_331 = arith.constant 256 : i32
      %add3A_332 = arith.addi %scan3A_94, %add3A_331 : i32
      %mul3A_333 = arith.constant 16 : i32
      %mul3A_334 = arith.muli %add3A_332, %mul3A_333 : i32
      %swap3A_335 = arith.index_cast %mul3A_334 : i32 to index
      %swap3A_336 = tpu.vector_load %arg7[%swap3A_335] {strides = array<i32>} : memref<8192xi32, #tpu.memory_space<vmem>>, vector<16xi32>,
      tpu.vector_store %arg7[%swap3A_335], %xor3A_176 {strides = array<i32>} : memref<8192xi32, #tpu.memory_space<vmem>>, vector<16xi32>,
      %add3A_337 = arith.constant 384 : i32
      %add3A_338 = arith.addi %scan3A_94, %add3A_337 : i32
      %mul3A_339 = arith.constant 16 : i32
      %mul3A_340 = arith.muli %add3A_338, %mul3A_339 : i32
      %swap3A_341 = arith.index_cast %mul3A_340 : i32 to index
      %swap3A_342 = tpu.vector_load %arg7[%swap3A_341] {strides = array<i32>} : memref<8192xi32, #tpu.memory_space<vmem>>, vector<16xi32>,
      tpu.vector_store %arg7[%swap3A_341], %xor3A_189 {strides = array<i32>} : memref<8192xi32, #tpu.memory_space<vmem>>, vector<16xi32>,
      %add3A_343 = arith.constant 0 : i32
      %add3A_344 = arith.addi %scan3A_94, %add3A_343 : i32
      %mul3A_345 = arith.constant 16 : i32
      %mul3A_346 = arith.muli %add3A_344, %mul3A_345 : i32
      %swap3A_347 = arith.index_cast %mul3A_346 : i32 to index
      %swap3A_348 = tpu.vector_load %arg8[%swap3A_347] {strides = array<i32>} : memref<8192xi32, #tpu.memory_space<vmem>>, vector<16xi32>,
      tpu.vector_store %arg8[%swap3A_347], %xor3A_202 {strides = array<i32>} : memref<8192xi32, #tpu.memory_space<vmem>>, vector<16xi32>,
      %add3A_349 = arith.constant 128 : i32
      %add3A_350 = arith.addi %scan3A_94, %add3A_349 : i32
      %mul3A_351 = arith.constant 16 : i32
      %mul3A_352 = arith.muli %add3A_350, %mul3A_351 : i32
      %swap3A_353 = arith.index_cast %mul3A_352 : i32 to index
      %swap3A_354 = tpu.vector_load %arg8[%swap3A_353] {strides = array<i32>} : memref<8192xi32, #tpu.memory_space<vmem>>, vector<16xi32>,
      tpu.vector_store %arg8[%swap3A_353], %xor3A_215 {strides = array<i32>} : memref<8192xi32, #tpu.memory_space<vmem>>, vector<16xi32>,
      %add3A_355 = arith.constant 256 : i32
      %add3A_356 = arith.addi %scan3A_94, %add3A_355 : i32
      %mul3A_357 = arith.constant 16 : i32
      %mul3A_358 = arith.muli %add3A_356, %mul3A_357 : i32
      %swap3A_359 = arith.index_cast %mul3A_358 : i32 to index
      %swap3A_360 = tpu.vector_load %arg8[%swap3A_359] {strides = array<i32>} : memref<8192xi32, #tpu.memory_space<vmem>>, vector<16xi32>,
      tpu.vector_store %arg8[%swap3A_359], %xor3A_228 {strides = array<i32>} : memref<8192xi32, #tpu.memory_space<vmem>>, vector<16xi32>,
      %add3A_361 = arith.constant 384 : i32
      %add3A_362 = arith.addi %scan3A_94, %add3A_361 : i32
      %mul3A_363 = arith.constant 16 : i32
      %mul3A_364 = arith.muli %add3A_362, %mul3A_363 : i32
      %swap3A_365 = arith.index_cast %mul3A_364 : i32 to index
      %swap3A_366 = tpu.vector_load %arg8[%swap3A_365] {strides = array<i32>} : memref<8192xi32, #tpu.memory_space<vmem>>, vector<16xi32>,
      tpu.vector_store %arg8[%swap3A_365], %xor3A_241 {strides = array<i32>} : memref<8192xi32, #tpu.memory_space<vmem>>, vector<16xi32>,
      tpu.vector_store_idx %arg13[%add3A_249], %broadcast_in_dim3A_4 {add = true} : memref<16384xi32, #tpu.memory_space<vmem>>[vector<16xi32>], vector<16xi32>,
      tpu.vector_store_idx %arg13[%add3A_259], %broadcast_in_dim3A_4 {add = true} : memref<16384xi32, #tpu.memory_space<vmem>>[vector<16xi32>], vector<16xi32>,
      tpu.vector_store_idx %arg13[%add3A_269], %broadcast_in_dim3A_4 {add = true} : memref<16384xi32, #tpu.memory_space<vmem>>[vector<16xi32>], vector<16xi32>,
      tpu.vector_store_idx %arg13[%add3A_279], %broadcast_in_dim3A_4 {add = true} : memref<16384xi32, #tpu.memory_space<vmem>>[vector<16xi32>], vector<16xi32>,
      tpu.vector_store_idx %arg14[%add3A_289], %broadcast_in_dim3A_4 {add = true} : memref<16384xi32, #tpu.memory_space<vmem>>[vector<16xi32>], vector<16xi32>,
      tpu.vector_store_idx %arg14[%add3A_299], %broadcast_in_dim3A_4 {add = true} : memref<16384xi32, #tpu.memory_space<vmem>>[vector<16xi32>], vector<16xi32>,
      tpu.vector_store_idx %arg14[%add3A_309], %broadcast_in_dim3A_4 {add = true} : memref<16384xi32, #tpu.memory_space<vmem>>[vector<16xi32>], vector<16xi32>,
      tpu.vector_store_idx %arg14[%add3A_319], %broadcast_in_dim3A_4 {add = true} : memref<16384xi32, #tpu.memory_space<vmem>>[vector<16xi32>], vector<16xi32>,
      %scan3A_367 = arith.constant 0 : i32
      %scan3A_368 = arith.constant 1 : i32
      %scan3A_369 = arith.addi %scan3A_94, %scan3A_368 : i32
      %add3A_370 = vector.broadcast %scan3A_369 : i32 to vector<16xi32>
      %add3A_371 = arith.addi %mul3A_3, %add3A_370 : vector<16xi32>
      %add3A_372 = arith.constant 0 : i32
      %add3A_373 = vector.broadcast %add3A_372 : i32 to vector<16xi32>
      %add3A_374 = arith.addi %add3A_371, %add3A_373 : vector<16xi32>
      %add3A_375 = vector.broadcast %scan3A_369 : i32 to vector<16xi32>
      %add3A_376 = arith.addi %mul3A_3, %add3A_375 : vector<16xi32>
      %add3A_377 = arith.constant 128 : i32
      %add3A_378 = vector.broadcast %add3A_377 : i32 to vector<16xi32>
      %add3A_379 = arith.addi %add3A_376, %add3A_378 : vector<16xi32>
      %add3A_380 = vector.broadcast %scan3A_369 : i32 to vector<16xi32>
      %add3A_381 = arith.addi %mul3A_3, %add3A_380 : vector<16xi32>
      %add3A_382 = arith.constant 256 : i32
      %add3A_383 = vector.broadcast %add3A_382 : i32 to vector<16xi32>
      %add3A_384 = arith.addi %add3A_381, %add3A_383 : vector<16xi32>
      %add3A_385 = vector.broadcast %scan3A_369 : i32 to vector<16xi32>
      %add3A_386 = arith.addi %mul3A_3, %add3A_385 : vector<16xi32>
      %add3A_387 = arith.constant 384 : i32
      %add3A_388 = vector.broadcast %add3A_387 : i32 to vector<16xi32>
      %add3A_389 = arith.addi %add3A_386, %add3A_388 : vector<16xi32>
      %add3A_390 = vector.broadcast %scan3A_369 : i32 to vector<16xi32>
      %add3A_391 = arith.addi %mul3A_3, %add3A_390 : vector<16xi32>
      %add3A_392 = arith.constant 0 : i32
      %add3A_393 = vector.broadcast %add3A_392 : i32 to vector<16xi32>
      %add3A_394 = arith.addi %add3A_391, %add3A_393 : vector<16xi32>
      %add3A_395 = vector.broadcast %scan3A_369 : i32 to vector<16xi32>
      %add3A_396 = arith.addi %mul3A_3, %add3A_395 : vector<16xi32>
      %add3A_397 = arith.constant 128 : i32
      %add3A_398 = vector.broadcast %add3A_397 : i32 to vector<16xi32>
      %add3A_399 = arith.addi %add3A_396, %add3A_398 : vector<16xi32>
      %add3A_400 = vector.broadcast %scan3A_369 : i32 to vector<16xi32>
      %add3A_401 = arith.addi %mul3A_3, %add3A_400 : vector<16xi32>
      %add3A_402 = arith.constant 256 : i32
      %add3A_403 = vector.broadcast %add3A_402 : i32 to vector<16xi32>
      %add3A_404 = arith.addi %add3A_401, %add3A_403 : vector<16xi32>
      %add3A_405 = vector.broadcast %scan3A_369 : i32 to vector<16xi32>
      %add3A_406 = arith.addi %mul3A_3, %add3A_405 : vector<16xi32>
      %add3A_407 = arith.constant 384 : i32
      %add3A_408 = vector.broadcast %add3A_407 : i32 to vector<16xi32>
      %add3A_409 = arith.addi %add3A_406, %add3A_408 : vector<16xi32>
      %gather3A_410 = tpu.vector_load_idx %arg5[%add3A_374] : memref<8192xf32, #tpu.memory_space<vmem>>[vector<16xi32>], vector<16xf32>,
      %gather3A_411 = tpu.vector_load_idx %arg5[%add3A_379] : memref<8192xf32, #tpu.memory_space<vmem>>[vector<16xi32>], vector<16xf32>,
      %gather3A_412 = tpu.vector_load_idx %arg5[%add3A_384] : memref<8192xf32, #tpu.memory_space<vmem>>[vector<16xi32>], vector<16xf32>,
      %gather3A_413 = tpu.vector_load_idx %arg5[%add3A_389] : memref<8192xf32, #tpu.memory_space<vmem>>[vector<16xi32>], vector<16xf32>,
      %gather3A_414 = tpu.vector_load_idx %arg6[%add3A_394] : memref<8192xf32, #tpu.memory_space<vmem>>[vector<16xi32>], vector<16xf32>,
      %gather3A_415 = tpu.vector_load_idx %arg6[%add3A_399] : memref<8192xf32, #tpu.memory_space<vmem>>[vector<16xi32>], vector<16xf32>,
      %gather3A_416 = tpu.vector_load_idx %arg6[%add3A_404] : memref<8192xf32, #tpu.memory_space<vmem>>[vector<16xi32>], vector<16xf32>,
      %gather3A_417 = tpu.vector_load_idx %arg6[%add3A_409] : memref<8192xf32, #tpu.memory_space<vmem>>[vector<16xi32>], vector<16xf32>,
      %add3A_418 = arith.constant 0.000000e+00 : f32
      %add3A_419 = vector.broadcast %add3A_418 : f32 to vector<16xf32>
      %add3A_420 = arith.addf %gather3A_410, %add3A_419 : vector<16xf32>
      %bitcast_convert_type3A_421 = tpu.bitcast %add3A_420 : vector<16xf32> -> vector<16xi32>
      %shift_right_arithmetic3A_422 = arith.constant 31 : i32
      %shift_right_arithmetic3A_423 = vector.broadcast %shift_right_arithmetic3A_422 : i32 to vector<16xi32>
      %shift_right_arithmetic3A_424 = arith.shrsi %bitcast_convert_type3A_421, %shift_right_arithmetic3A_423 : vector<16xi32>
      %not3A_425 = arith.constant dense<-1> : vector<16xi32>
      %not3A_426 = arith.xori %shift_right_arithmetic3A_424, %not3A_425 : vector<16xi32>
      %and3A_427 = arith.constant 2147483647 : i32
      %and3A_428 = vector.broadcast %and3A_427 : i32 to vector<16xi32>
      %and3A_429 = arith.andi %not3A_426, %and3A_428 : vector<16xi32>
      %xor3A_430 = arith.xori %bitcast_convert_type3A_421, %and3A_429 : vector<16xi32>
      %add3A_431 = arith.constant 0.000000e+00 : f32
      %add3A_432 = vector.broadcast %add3A_431 : f32 to vector<16xf32>
      %add3A_433 = arith.addf %gather3A_411, %add3A_432 : vector<16xf32>
      %bitcast_convert_type3A_434 = tpu.bitcast %add3A_433 : vector<16xf32> -> vector<16xi32>
      %shift_right_arithmetic3A_435 = arith.constant 31 : i32
      %shift_right_arithmetic3A_436 = vector.broadcast %shift_right_arithmetic3A_435 : i32 to vector<16xi32>
      %shift_right_arithmetic3A_437 = arith.shrsi %bitcast_convert_type3A_434, %shift_right_arithmetic3A_436 : vector<16xi32>
      %not3A_438 = arith.constant dense<-1> : vector<16xi32>
      %not3A_439 = arith.xori %shift_right_arithmetic3A_437, %not3A_438 : vector<16xi32>
      %and3A_440 = arith.constant 2147483647 : i32
      %and3A_441 = vector.broadcast %and3A_440 : i32 to vector<16xi32>
      %and3A_442 = arith.andi %not3A_439, %and3A_441 : vector<16xi32>
      %xor3A_443 = arith.xori %bitcast_convert_type3A_434, %and3A_442 : vector<16xi32>
      %add3A_444 = arith.constant 0.000000e+00 : f32
      %add3A_445 = vector.broadcast %add3A_444 : f32 to vector<16xf32>
      %add3A_446 = arith.addf %gather3A_412, %add3A_445 : vector<16xf32>
      %bitcast_convert_type3A_447 = tpu.bitcast %add3A_446 : vector<16xf32> -> vector<16xi32>
      %shift_right_arithmetic3A_448 = arith.constant 31 : i32
      %shift_right_arithmetic3A_449 = vector.broadcast %shift_right_arithmetic3A_448 : i32 to vector<16xi32>
      %shift_right_arithmetic3A_450 = arith.shrsi %bitcast_convert_type3A_447, %shift_right_arithmetic3A_449 : vector<16xi32>
      %not3A_451 = arith.constant dense<-1> : vector<16xi32>
      %not3A_452 = arith.xori %shift_right_arithmetic3A_450, %not3A_451 : vector<16xi32>
      %and3A_453 = arith.constant 2147483647 : i32
      %and3A_454 = vector.broadcast %and3A_453 : i32 to vector<16xi32>
      %and3A_455 = arith.andi %not3A_452, %and3A_454 : vector<16xi32>
      %xor3A_456 = arith.xori %bitcast_convert_type3A_447, %and3A_455 : vector<16xi32>
      %add3A_457 = arith.constant 0.000000e+00 : f32
      %add3A_458 = vector.broadcast %add3A_457 : f32 to vector<16xf32>
      %add3A_459 = arith.addf %gather3A_413, %add3A_458 : vector<16xf32>
      %bitcast_convert_type3A_460 = tpu.bitcast %add3A_459 : vector<16xf32> -> vector<16xi32>
      %shift_right_arithmetic3A_461 = arith.constant 31 : i32
      %shift_right_arithmetic3A_462 = vector.broadcast %shift_right_arithmetic3A_461 : i32 to vector<16xi32>
      %shift_right_arithmetic3A_463 = arith.shrsi %bitcast_convert_type3A_460, %shift_right_arithmetic3A_462 : vector<16xi32>
      %not3A_464 = arith.constant dense<-1> : vector<16xi32>
      %not3A_465 = arith.xori %shift_right_arithmetic3A_463, %not3A_464 : vector<16xi32>
      %and3A_466 = arith.constant 2147483647 : i32
      %and3A_467 = vector.broadcast %and3A_466 : i32 to vector<16xi32>
      %and3A_468 = arith.andi %not3A_465, %and3A_467 : vector<16xi32>
      %xor3A_469 = arith.xori %bitcast_convert_type3A_460, %and3A_468 : vector<16xi32>
      %add3A_470 = arith.constant 0.000000e+00 : f32
      %add3A_471 = vector.broadcast %add3A_470 : f32 to vector<16xf32>
      %add3A_472 = arith.addf %gather3A_414, %add3A_471 : vector<16xf32>
      %bitcast_convert_type3A_473 = tpu.bitcast %add3A_472 : vector<16xf32> -> vector<16xi32>
      %shift_right_arithmetic3A_474 = arith.constant 31 : i32
      %shift_right_arithmetic3A_475 = vector.broadcast %shift_right_arithmetic3A_474 : i32 to vector<16xi32>
      %shift_right_arithmetic3A_476 = arith.shrsi %bitcast_convert_type3A_473, %shift_right_arithmetic3A_475 : vector<16xi32>
      %not3A_477 = arith.constant dense<-1> : vector<16xi32>
      %not3A_478 = arith.xori %shift_right_arithmetic3A_476, %not3A_477 : vector<16xi32>
      %and3A_479 = arith.constant 2147483647 : i32
      %and3A_480 = vector.broadcast %and3A_479 : i32 to vector<16xi32>
      %and3A_481 = arith.andi %not3A_478, %and3A_480 : vector<16xi32>
      %xor3A_482 = arith.xori %bitcast_convert_type3A_473, %and3A_481 : vector<16xi32>
      %add3A_483 = arith.constant 0.000000e+00 : f32
      %add3A_484 = vector.broadcast %add3A_483 : f32 to vector<16xf32>
      %add3A_485 = arith.addf %gather3A_415, %add3A_484 : vector<16xf32>
      %bitcast_convert_type3A_486 = tpu.bitcast %add3A_485 : vector<16xf32> -> vector<16xi32>
      %shift_right_arithmetic3A_487 = arith.constant 31 : i32
      %shift_right_arithmetic3A_488 = vector.broadcast %shift_right_arithmetic3A_487 : i32 to vector<16xi32>
      %shift_right_arithmetic3A_489 = arith.shrsi %bitcast_convert_type3A_486, %shift_right_arithmetic3A_488 : vector<16xi32>
      %not3A_490 = arith.constant dense<-1> : vector<16xi32>
      %not3A_491 = arith.xori %shift_right_arithmetic3A_489, %not3A_490 : vector<16xi32>
      %and3A_492 = arith.constant 2147483647 : i32
      %and3A_493 = vector.broadcast %and3A_492 : i32 to vector<16xi32>
      %and3A_494 = arith.andi %not3A_491, %and3A_493 : vector<16xi32>
      %xor3A_495 = arith.xori %bitcast_convert_type3A_486, %and3A_494 : vector<16xi32>
      %add3A_496 = arith.constant 0.000000e+00 : f32
      %add3A_497 = vector.broadcast %add3A_496 : f32 to vector<16xf32>
      %add3A_498 = arith.addf %gather3A_416, %add3A_497 : vector<16xf32>
      %bitcast_convert_type3A_499 = tpu.bitcast %add3A_498 : vector<16xf32> -> vector<16xi32>
      %shift_right_arithmetic3A_500 = arith.constant 31 : i32
      %shift_right_arithmetic3A_501 = vector.broadcast %shift_right_arithmetic3A_500 : i32 to vector<16xi32>
      %shift_right_arithmetic3A_502 = arith.shrsi %bitcast_convert_type3A_499, %shift_right_arithmetic3A_501 : vector<16xi32>
      %not3A_503 = arith.constant dense<-1> : vector<16xi32>
      %not3A_504 = arith.xori %shift_right_arithmetic3A_502, %not3A_503 : vector<16xi32>
      %and3A_505 = arith.constant 2147483647 : i32
      %and3A_506 = vector.broadcast %and3A_505 : i32 to vector<16xi32>
      %and3A_507 = arith.andi %not3A_504, %and3A_506 : vector<16xi32>
      %xor3A_508 = arith.xori %bitcast_convert_type3A_499, %and3A_507 : vector<16xi32>
      %add3A_509 = arith.constant 0.000000e+00 : f32
      %add3A_510 = vector.broadcast %add3A_509 : f32 to vector<16xf32>
      %add3A_511 = arith.addf %gather3A_417, %add3A_510 : vector<16xf32>
      %bitcast_convert_type3A_512 = tpu.bitcast %add3A_511 : vector<16xf32> -> vector<16xi32>
      %shift_right_arithmetic3A_513 = arith.constant 31 : i32
      %shift_right_arithmetic3A_514 = vector.broadcast %shift_right_arithmetic3A_513 : i32 to vector<16xi32>
      %shift_right_arithmetic3A_515 = arith.shrsi %bitcast_convert_type3A_512, %shift_right_arithmetic3A_514 : vector<16xi32>
      %not3A_516 = arith.constant dense<-1> : vector<16xi32>
      %not3A_517 = arith.xori %shift_right_arithmetic3A_515, %not3A_516 : vector<16xi32>
      %and3A_518 = arith.constant 2147483647 : i32
      %and3A_519 = vector.broadcast %and3A_518 : i32 to vector<16xi32>
      %and3A_520 = arith.andi %not3A_517, %and3A_519 : vector<16xi32>
      %xor3A_521 = arith.xori %bitcast_convert_type3A_512, %and3A_520 : vector<16xi32>
      %shift_left3A_522 = arith.constant 4 : i32
      %shift_left3A_523 = vector.broadcast %shift_left3A_522 : i32 to vector<16xi32>
      %shift_left3A_524 = arith.shli %xor3A_430, %shift_left3A_523 : vector<16xi32>
      %or3A_525 = arith.ori %shift_left3A_524, %iota3A : vector<16xi32>
      %and3A_526 = arith.constant 4095 : i32
      %and3A_527 = vector.broadcast %and3A_526 : i32 to vector<16xi32>
      %and3A_528 = arith.andi %or3A_525, %and3A_527 : vector<16xi32>
      %add3A_529 = arith.constant 0 : i32
      %add3A_530 = vector.broadcast %add3A_529 : i32 to vector<16xi32>
      %add3A_531 = arith.addi %and3A_528, %add3A_530 : vector<16xi32>
      %shift_left3A_532 = arith.constant 4 : i32
      %shift_left3A_533 = vector.broadcast %shift_left3A_532 : i32 to vector<16xi32>
      %shift_left3A_534 = arith.shli %xor3A_443, %shift_left3A_533 : vector<16xi32>
      %or3A_535 = arith.ori %shift_left3A_534, %iota3A : vector<16xi32>
      %and3A_536 = arith.constant 4095 : i32
      %and3A_537 = vector.broadcast %and3A_536 : i32 to vector<16xi32>
      %and3A_538 = arith.andi %or3A_535, %and3A_537 : vector<16xi32>
      %add3A_539 = arith.constant 4096 : i32
      %add3A_540 = vector.broadcast %add3A_539 : i32 to vector<16xi32>
      %add3A_541 = arith.addi %and3A_538, %add3A_540 : vector<16xi32>
      %shift_left3A_542 = arith.constant 4 : i32
      %shift_left3A_543 = vector.broadcast %shift_left3A_542 : i32 to vector<16xi32>
      %shift_left3A_544 = arith.shli %xor3A_456, %shift_left3A_543 : vector<16xi32>
      %or3A_545 = arith.ori %shift_left3A_544, %iota3A : vector<16xi32>
      %and3A_546 = arith.constant 4095 : i32
      %and3A_547 = vector.broadcast %and3A_546 : i32 to vector<16xi32>
      %and3A_548 = arith.andi %or3A_545, %and3A_547 : vector<16xi32>
      %add3A_549 = arith.constant 8192 : i32
      %add3A_550 = vector.broadcast %add3A_549 : i32 to vector<16xi32>
      %add3A_551 = arith.addi %and3A_548, %add3A_550 : vector<16xi32>
      %shift_left3A_552 = arith.constant 4 : i32
      %shift_left3A_553 = vector.broadcast %shift_left3A_552 : i32 to vector<16xi32>
      %shift_left3A_554 = arith.shli %xor3A_469, %shift_left3A_553 : vector<16xi32>
      %or3A_555 = arith.ori %shift_left3A_554, %iota3A : vector<16xi32>
      %and3A_556 = arith.constant 4095 : i32
      %and3A_557 = vector.broadcast %and3A_556 : i32 to vector<16xi32>
      %and3A_558 = arith.andi %or3A_555, %and3A_557 : vector<16xi32>
      %add3A_559 = arith.constant 12288 : i32
      %add3A_560 = vector.broadcast %add3A_559 : i32 to vector<16xi32>
      %add3A_561 = arith.addi %and3A_558, %add3A_560 : vector<16xi32>
      %shift_left3A_562 = arith.constant 4 : i32
      %shift_left3A_563 = vector.broadcast %shift_left3A_562 : i32 to vector<16xi32>
      %shift_left3A_564 = arith.shli %xor3A_482, %shift_left3A_563 : vector<16xi32>
      %or3A_565 = arith.ori %shift_left3A_564, %iota3A : vector<16xi32>
      %and3A_566 = arith.constant 4095 : i32
      %and3A_567 = vector.broadcast %and3A_566 : i32 to vector<16xi32>
      %and3A_568 = arith.andi %or3A_565, %and3A_567 : vector<16xi32>
      %add3A_569 = arith.constant 0 : i32
      %add3A_570 = vector.broadcast %add3A_569 : i32 to vector<16xi32>
      %add3A_571 = arith.addi %and3A_568, %add3A_570 : vector<16xi32>
      %shift_left3A_572 = arith.constant 4 : i32
      %shift_left3A_573 = vector.broadcast %shift_left3A_572 : i32 to vector<16xi32>
      %shift_left3A_574 = arith.shli %xor3A_495, %shift_left3A_573 : vector<16xi32>
      %or3A_575 = arith.ori %shift_left3A_574, %iota3A : vector<16xi32>
      %and3A_576 = arith.constant 4095 : i32
      %and3A_577 = vector.broadcast %and3A_576 : i32 to vector<16xi32>
      %and3A_578 = arith.andi %or3A_575, %and3A_577 : vector<16xi32>
      %add3A_579 = arith.constant 4096 : i32
      %add3A_580 = vector.broadcast %add3A_579 : i32 to vector<16xi32>
      %add3A_581 = arith.addi %and3A_578, %add3A_580 : vector<16xi32>
      %shift_left3A_582 = arith.constant 4 : i32
      %shift_left3A_583 = vector.broadcast %shift_left3A_582 : i32 to vector<16xi32>
      %shift_left3A_584 = arith.shli %xor3A_508, %shift_left3A_583 : vector<16xi32>
      %or3A_585 = arith.ori %shift_left3A_584, %iota3A : vector<16xi32>
      %and3A_586 = arith.constant 4095 : i32
      %and3A_587 = vector.broadcast %and3A_586 : i32 to vector<16xi32>
      %and3A_588 = arith.andi %or3A_585, %and3A_587 : vector<16xi32>
      %add3A_589 = arith.constant 8192 : i32
      %add3A_590 = vector.broadcast %add3A_589 : i32 to vector<16xi32>
      %add3A_591 = arith.addi %and3A_588, %add3A_590 : vector<16xi32>
      %shift_left3A_592 = arith.constant 4 : i32
      %shift_left3A_593 = vector.broadcast %shift_left3A_592 : i32 to vector<16xi32>
      %shift_left3A_594 = arith.shli %xor3A_521, %shift_left3A_593 : vector<16xi32>
      %or3A_595 = arith.ori %shift_left3A_594, %iota3A : vector<16xi32>
      %and3A_596 = arith.constant 4095 : i32
      %and3A_597 = vector.broadcast %and3A_596 : i32 to vector<16xi32>
      %and3A_598 = arith.andi %or3A_595, %and3A_597 : vector<16xi32>
      %add3A_599 = arith.constant 12288 : i32
      %add3A_600 = vector.broadcast %add3A_599 : i32 to vector<16xi32>
      %add3A_601 = arith.addi %and3A_598, %add3A_600 : vector<16xi32>
      %add3A_602 = arith.constant 0 : i32
      %add3A_603 = arith.addi %scan3A_369, %add3A_602 : i32
      %mul3A_604 = arith.constant 16 : i32
      %mul3A_605 = arith.muli %add3A_603, %mul3A_604 : i32
      %swap3A_606 = arith.index_cast %mul3A_605 : i32 to index
      %swap3A_607 = tpu.vector_load %arg7[%swap3A_606] {strides = array<i32>} : memref<8192xi32, #tpu.memory_space<vmem>>, vector<16xi32>,
      tpu.vector_store %arg7[%swap3A_606], %xor3A_430 {strides = array<i32>} : memref<8192xi32, #tpu.memory_space<vmem>>, vector<16xi32>,
      %add3A_608 = arith.constant 128 : i32
      %add3A_609 = arith.addi %scan3A_369, %add3A_608 : i32
      %mul3A_610 = arith.constant 16 : i32
      %mul3A_611 = arith.muli %add3A_609, %mul3A_610 : i32
      %swap3A_612 = arith.index_cast %mul3A_611 : i32 to index
      %swap3A_613 = tpu.vector_load %arg7[%swap3A_612] {strides = array<i32>} : memref<8192xi32, #tpu.memory_space<vmem>>, vector<16xi32>,
      tpu.vector_store %arg7[%swap3A_612], %xor3A_443 {strides = array<i32>} : memref<8192xi32, #tpu.memory_space<vmem>>, vector<16xi32>,
      %add3A_614 = arith.constant 256 : i32
      %add3A_615 = arith.addi %scan3A_369, %add3A_614 : i32
      %mul3A_616 = arith.constant 16 : i32
      %mul3A_617 = arith.muli %add3A_615, %mul3A_616 : i32
      %swap3A_618 = arith.index_cast %mul3A_617 : i32 to index
      %swap3A_619 = tpu.vector_load %arg7[%swap3A_618] {strides = array<i32>} : memref<8192xi32, #tpu.memory_space<vmem>>, vector<16xi32>,
      tpu.vector_store %arg7[%swap3A_618], %xor3A_456 {strides = array<i32>} : memref<8192xi32, #tpu.memory_space<vmem>>, vector<16xi32>,
      %add3A_620 = arith.constant 384 : i32
      %add3A_621 = arith.addi %scan3A_369, %add3A_620 : i32
      %mul3A_622 = arith.constant 16 : i32
      %mul3A_623 = arith.muli %add3A_621, %mul3A_622 : i32
      %swap3A_624 = arith.index_cast %mul3A_623 : i32 to index
      %swap3A_625 = tpu.vector_load %arg7[%swap3A_624] {strides = array<i32>} : memref<8192xi32, #tpu.memory_space<vmem>>, vector<16xi32>,
      tpu.vector_store %arg7[%swap3A_624], %xor3A_469 {strides = array<i32>} : memref<8192xi32, #tpu.memory_space<vmem>>, vector<16xi32>,
      %add3A_626 = arith.constant 0 : i32
      %add3A_627 = arith.addi %scan3A_369, %add3A_626 : i32
      %mul3A_628 = arith.constant 16 : i32
      %mul3A_629 = arith.muli %add3A_627, %mul3A_628 : i32
      %swap3A_630 = arith.index_cast %mul3A_629 : i32 to index
      %swap3A_631 = tpu.vector_load %arg8[%swap3A_630] {strides = array<i32>} : memref<8192xi32, #tpu.memory_space<vmem>>, vector<16xi32>,
      tpu.vector_store %arg8[%swap3A_630], %xor3A_482 {strides = array<i32>} : memref<8192xi32, #tpu.memory_space<vmem>>, vector<16xi32>,
      %add3A_632 = arith.constant 128 : i32
      %add3A_633 = arith.addi %scan3A_369, %add3A_632 : i32
      %mul3A_634 = arith.constant 16 : i32
      %mul3A_635 = arith.muli %add3A_633, %mul3A_634 : i32
      %swap3A_636 = arith.index_cast %mul3A_635 : i32 to index
      %swap3A_637 = tpu.vector_load %arg8[%swap3A_636] {strides = array<i32>} : memref<8192xi32, #tpu.memory_space<vmem>>, vector<16xi32>,
      tpu.vector_store %arg8[%swap3A_636], %xor3A_495 {strides = array<i32>} : memref<8192xi32, #tpu.memory_space<vmem>>, vector<16xi32>,
      %add3A_638 = arith.constant 256 : i32
      %add3A_639 = arith.addi %scan3A_369, %add3A_638 : i32
      %mul3A_640 = arith.constant 16 : i32
      %mul3A_641 = arith.muli %add3A_639, %mul3A_640 : i32
      %swap3A_642 = arith.index_cast %mul3A_641 : i32 to index
      %swap3A_643 = tpu.vector_load %arg8[%swap3A_642] {strides = array<i32>} : memref<8192xi32, #tpu.memory_space<vmem>>, vector<16xi32>,
      tpu.vector_store %arg8[%swap3A_642], %xor3A_508 {strides = array<i32>} : memref<8192xi32, #tpu.memory_space<vmem>>, vector<16xi32>,
      %add3A_644 = arith.constant 384 : i32
      %add3A_645 = arith.addi %scan3A_369, %add3A_644 : i32
      %mul3A_646 = arith.constant 16 : i32
      %mul3A_647 = arith.muli %add3A_645, %mul3A_646 : i32
      %swap3A_648 = arith.index_cast %mul3A_647 : i32 to index
      %swap3A_649 = tpu.vector_load %arg8[%swap3A_648] {strides = array<i32>} : memref<8192xi32, #tpu.memory_space<vmem>>, vector<16xi32>,
      tpu.vector_store %arg8[%swap3A_648], %xor3A_521 {strides = array<i32>} : memref<8192xi32, #tpu.memory_space<vmem>>, vector<16xi32>,
      tpu.vector_store_idx %arg13[%add3A_531], %broadcast_in_dim3A_4 {add = true} : memref<16384xi32, #tpu.memory_space<vmem>>[vector<16xi32>], vector<16xi32>,
      tpu.vector_store_idx %arg13[%add3A_541], %broadcast_in_dim3A_4 {add = true} : memref<16384xi32, #tpu.memory_space<vmem>>[vector<16xi32>], vector<16xi32>,
      tpu.vector_store_idx %arg13[%add3A_551], %broadcast_in_dim3A_4 {add = true} : memref<16384xi32, #tpu.memory_space<vmem>>[vector<16xi32>], vector<16xi32>,
      tpu.vector_store_idx %arg13[%add3A_561], %broadcast_in_dim3A_4 {add = true} : memref<16384xi32, #tpu.memory_space<vmem>>[vector<16xi32>], vector<16xi32>,
      tpu.vector_store_idx %arg14[%add3A_571], %broadcast_in_dim3A_4 {add = true} : memref<16384xi32, #tpu.memory_space<vmem>>[vector<16xi32>], vector<16xi32>,
      tpu.vector_store_idx %arg14[%add3A_581], %broadcast_in_dim3A_4 {add = true} : memref<16384xi32, #tpu.memory_space<vmem>>[vector<16xi32>], vector<16xi32>,
      tpu.vector_store_idx %arg14[%add3A_591], %broadcast_in_dim3A_4 {add = true} : memref<16384xi32, #tpu.memory_space<vmem>>[vector<16xi32>], vector<16xi32>,
      tpu.vector_store_idx %arg14[%add3A_601], %broadcast_in_dim3A_4 {add = true} : memref<16384xi32, #tpu.memory_space<vmem>>[vector<16xi32>], vector<16xi32>,
      %scan3A_650 = arith.constant 0 : i32
      scf.yield %scan3A_650 : i32
    }
    %scan3A_25 = arith.constant 128 : i32
    %scan3A_26 = arith.constant 0 : i32
    %scan3A_27 = arith.constant 0 : i32
    %scan3A_28 = arith.constant 0 : i32
    %scan3A_29 = arith.constant 256 : i32
    %scan3A_30 = arith.addi %scan3A_28, %scan3A_29 : i32
    %scan3A_31 = arith.constant 2 : i32
    %scan3A_32:2 = scf.for %scan3A_94 = %scan3A_28 to %scan3A_30 step %scan3A_31 iter_args(%scan3A_95 = %scan3A_26, %scan3A_96 = %scan3A_27) -> (i32, i32)  : i32 {
      %mul3A_97 = arith.constant 16 : i32
      %mul3A_98 = arith.muli %scan3A_94, %mul3A_97 : i32
      %add3A_99 = arith.constant 0 : i32
      %add3A_100 = arith.addi %mul3A_98, %add3A_99 : i32
      %mul3A_101 = arith.constant 16 : i32
      %mul3A_102 = arith.muli %scan3A_94, %mul3A_101 : i32
      %add3A_103 = arith.constant 4096 : i32
      %add3A_104 = arith.addi %mul3A_102, %add3A_103 : i32
      %mul3A_105 = arith.constant 16 : i32
      %mul3A_106 = arith.muli %scan3A_94, %mul3A_105 : i32
      %add3A_107 = arith.constant 8192 : i32
      %add3A_108 = arith.addi %mul3A_106, %add3A_107 : i32
      %mul3A_109 = arith.constant 16 : i32
      %mul3A_110 = arith.muli %scan3A_94, %mul3A_109 : i32
      %add3A_111 = arith.constant 12288 : i32
      %add3A_112 = arith.addi %mul3A_110, %add3A_111 : i32
      %get3A = arith.index_cast %add3A_100 : i32 to index
      %get3A_113 = tpu.vector_load %arg13[%get3A] {strides = array<i32>} : memref<16384xi32, #tpu.memory_space<vmem>>, vector<16xi32>,
      %get3A_114 = arith.index_cast %add3A_104 : i32 to index
      %get3A_115 = tpu.vector_load %arg13[%get3A_114] {strides = array<i32>} : memref<16384xi32, #tpu.memory_space<vmem>>, vector<16xi32>,
      %get3A_116 = arith.index_cast %add3A_108 : i32 to index
      %get3A_117 = tpu.vector_load %arg13[%get3A_116] {strides = array<i32>} : memref<16384xi32, #tpu.memory_space<vmem>>, vector<16xi32>,
      %get3A_118 = arith.index_cast %add3A_112 : i32 to index
      %get3A_119 = tpu.vector_load %arg13[%get3A_118] {strides = array<i32>} : memref<16384xi32, #tpu.memory_space<vmem>>, vector<16xi32>,
      %add3A_120 = arith.addi %get3A_113, %get3A_115 : vector<16xi32>
      %add3A_121 = arith.addi %add3A_120, %get3A_117 : vector<16xi32>
      %add3A_122 = arith.addi %add3A_121, %get3A_119 : vector<16xi32>
      %broadcast_in_dim3A_123 = arith.constant true
      %broadcast_in_dim3A_124 = vector.broadcast %broadcast_in_dim3A_123 : i1 to vector<16xi1>
      %masked_cumsum3A = tpu.scan <sum>, %add3A_122 masked %broadcast_in_dim3A_124 : vector<16xi32>, vector<16xi1> -> vector<16xi32>
      %sub3A = arith.subi %masked_cumsum3A, %add3A_122 : vector<16xi32>
      %add3A_125 = vector.broadcast %scan3A_95 : i32 to vector<16xi32>
      %add3A_126 = arith.addi %sub3A, %add3A_125 : vector<16xi32>
      %swap3A = arith.index_cast %add3A_100 : i32 to index
      %swap3A_127 = tpu.vector_load %arg13[%swap3A] {strides = array<i32>} : memref<16384xi32, #tpu.memory_space<vmem>>, vector<16xi32>,
      tpu.vector_store %arg13[%swap3A], %add3A_126 {strides = array<i32>} : memref<16384xi32, #tpu.memory_space<vmem>>, vector<16xi32>,
      %add3A_128 = arith.addi %add3A_126, %get3A_113 : vector<16xi32>
      %swap3A_129 = arith.index_cast %add3A_104 : i32 to index
      %swap3A_130 = tpu.vector_load %arg13[%swap3A_129] {strides = array<i32>} : memref<16384xi32, #tpu.memory_space<vmem>>, vector<16xi32>,
      tpu.vector_store %arg13[%swap3A_129], %add3A_128 {strides = array<i32>} : memref<16384xi32, #tpu.memory_space<vmem>>, vector<16xi32>,
      %add3A_131 = arith.addi %add3A_128, %get3A_115 : vector<16xi32>
      %swap3A_132 = arith.index_cast %add3A_108 : i32 to index
      %swap3A_133 = tpu.vector_load %arg13[%swap3A_132] {strides = array<i32>} : memref<16384xi32, #tpu.memory_space<vmem>>, vector<16xi32>,
      tpu.vector_store %arg13[%swap3A_132], %add3A_131 {strides = array<i32>} : memref<16384xi32, #tpu.memory_space<vmem>>, vector<16xi32>,
      %add3A_134 = arith.addi %add3A_131, %get3A_117 : vector<16xi32>
      %swap3A_135 = arith.index_cast %add3A_112 : i32 to index
      %swap3A_136 = tpu.vector_load %arg13[%swap3A_135] {strides = array<i32>} : memref<16384xi32, #tpu.memory_space<vmem>>, vector<16xi32>,
      tpu.vector_store %arg13[%swap3A_135], %add3A_134 {strides = array<i32>} : memref<16384xi32, #tpu.memory_space<vmem>>, vector<16xi32>,
      %slice3A = vector.extract_strided_slice %masked_cumsum3A {offsets = [15], sizes = [1], strides = [1]} : vector<16xi32> to vector<1xi32>
      %squeeze3A = vector.extract %slice3A[0] : i32 from vector<1xi32>
      %add3A_137 = arith.addi %scan3A_95, %squeeze3A : i32
      %get3A_138 = arith.index_cast %add3A_100 : i32 to index
      %get3A_139 = tpu.vector_load %arg14[%get3A_138] {strides = array<i32>} : memref<16384xi32, #tpu.memory_space<vmem>>, vector<16xi32>,
      %get3A_140 = arith.index_cast %add3A_104 : i32 to index
      %get3A_141 = tpu.vector_load %arg14[%get3A_140] {strides = array<i32>} : memref<16384xi32, #tpu.memory_space<vmem>>, vector<16xi32>,
      %get3A_142 = arith.index_cast %add3A_108 : i32 to index
      %get3A_143 = tpu.vector_load %arg14[%get3A_142] {strides = array<i32>} : memref<16384xi32, #tpu.memory_space<vmem>>, vector<16xi32>,
      %get3A_144 = arith.index_cast %add3A_112 : i32 to index
      %get3A_145 = tpu.vector_load %arg14[%get3A_144] {strides = array<i32>} : memref<16384xi32, #tpu.memory_space<vmem>>, vector<16xi32>,
      %add3A_146 = arith.addi %get3A_139, %get3A_141 : vector<16xi32>
      %add3A_147 = arith.addi %add3A_146, %get3A_143 : vector<16xi32>
      %add3A_148 = arith.addi %add3A_147, %get3A_145 : vector<16xi32>
      %broadcast_in_dim3A_149 = arith.constant true
      %broadcast_in_dim3A_150 = vector.broadcast %broadcast_in_dim3A_149 : i1 to vector<16xi1>
      %masked_cumsum3A_151 = tpu.scan <sum>, %add3A_148 masked %broadcast_in_dim3A_150 : vector<16xi32>, vector<16xi1> -> vector<16xi32>
      %sub3A_152 = arith.subi %masked_cumsum3A_151, %add3A_148 : vector<16xi32>
      %add3A_153 = vector.broadcast %scan3A_96 : i32 to vector<16xi32>
      %add3A_154 = arith.addi %sub3A_152, %add3A_153 : vector<16xi32>
      %swap3A_155 = arith.index_cast %add3A_100 : i32 to index
      %swap3A_156 = tpu.vector_load %arg14[%swap3A_155] {strides = array<i32>} : memref<16384xi32, #tpu.memory_space<vmem>>, vector<16xi32>,
      tpu.vector_store %arg14[%swap3A_155], %add3A_154 {strides = array<i32>} : memref<16384xi32, #tpu.memory_space<vmem>>, vector<16xi32>,
      %add3A_157 = arith.addi %add3A_154, %get3A_139 : vector<16xi32>
      %swap3A_158 = arith.index_cast %add3A_104 : i32 to index
      %swap3A_159 = tpu.vector_load %arg14[%swap3A_158] {strides = array<i32>} : memref<16384xi32, #tpu.memory_space<vmem>>, vector<16xi32>,
      tpu.vector_store %arg14[%swap3A_158], %add3A_157 {strides = array<i32>} : memref<16384xi32, #tpu.memory_space<vmem>>, vector<16xi32>,
      %add3A_160 = arith.addi %add3A_157, %get3A_141 : vector<16xi32>
      %swap3A_161 = arith.index_cast %add3A_108 : i32 to index
      %swap3A_162 = tpu.vector_load %arg14[%swap3A_161] {strides = array<i32>} : memref<16384xi32, #tpu.memory_space<vmem>>, vector<16xi32>,
      tpu.vector_store %arg14[%swap3A_161], %add3A_160 {strides = array<i32>} : memref<16384xi32, #tpu.memory_space<vmem>>, vector<16xi32>,
      %add3A_163 = arith.addi %add3A_160, %get3A_143 : vector<16xi32>
      %swap3A_164 = arith.index_cast %add3A_112 : i32 to index
      %swap3A_165 = tpu.vector_load %arg14[%swap3A_164] {strides = array<i32>} : memref<16384xi32, #tpu.memory_space<vmem>>, vector<16xi32>,
      tpu.vector_store %arg14[%swap3A_164], %add3A_163 {strides = array<i32>} : memref<16384xi32, #tpu.memory_space<vmem>>, vector<16xi32>,
      %slice3A_166 = vector.extract_strided_slice %masked_cumsum3A_151 {offsets = [15], sizes = [1], strides = [1]} : vector<16xi32> to vector<1xi32>
      %squeeze3A_167 = vector.extract %slice3A_166[0] : i32 from vector<1xi32>
      %add3A_168 = arith.addi %scan3A_96, %squeeze3A_167 : i32
      %swap3A_169 = arith.index_cast %add3A_100 : i32 to index
      %swap3A_170 = tpu.vector_load %arg15[%swap3A_169] {strides = array<i32>} : memref<16384xi32, #tpu.memory_space<vmem>>, vector<16xi32>,
      tpu.vector_store %arg15[%swap3A_169], %broadcast_in_dim3A_6 {strides = array<i32>} : memref<16384xi32, #tpu.memory_space<vmem>>, vector<16xi32>,
      %swap3A_171 = arith.index_cast %add3A_104 : i32 to index
      %swap3A_172 = tpu.vector_load %arg15[%swap3A_171] {strides = array<i32>} : memref<16384xi32, #tpu.memory_space<vmem>>, vector<16xi32>,
      tpu.vector_store %arg15[%swap3A_171], %broadcast_in_dim3A_6 {strides = array<i32>} : memref<16384xi32, #tpu.memory_space<vmem>>, vector<16xi32>,
      %swap3A_173 = arith.index_cast %add3A_108 : i32 to index
      %swap3A_174 = tpu.vector_load %arg15[%swap3A_173] {strides = array<i32>} : memref<16384xi32, #tpu.memory_space<vmem>>, vector<16xi32>,
      tpu.vector_store %arg15[%swap3A_173], %broadcast_in_dim3A_6 {strides = array<i32>} : memref<16384xi32, #tpu.memory_space<vmem>>, vector<16xi32>,
      %swap3A_175 = arith.index_cast %add3A_112 : i32 to index
      %swap3A_176 = tpu.vector_load %arg15[%swap3A_175] {strides = array<i32>} : memref<16384xi32, #tpu.memory_space<vmem>>, vector<16xi32>,
      tpu.vector_store %arg15[%swap3A_175], %broadcast_in_dim3A_6 {strides = array<i32>} : memref<16384xi32, #tpu.memory_space<vmem>>, vector<16xi32>,
      %swap3A_177 = arith.index_cast %add3A_100 : i32 to index
      %swap3A_178 = tpu.vector_load %arg16[%swap3A_177] {strides = array<i32>} : memref<16384xi32, #tpu.memory_space<vmem>>, vector<16xi32>,
      tpu.vector_store %arg16[%swap3A_177], %broadcast_in_dim3A_6 {strides = array<i32>} : memref<16384xi32, #tpu.memory_space<vmem>>, vector<16xi32>,
      %swap3A_179 = arith.index_cast %add3A_104 : i32 to index
      %swap3A_180 = tpu.vector_load %arg16[%swap3A_179] {strides = array<i32>} : memref<16384xi32, #tpu.memory_space<vmem>>, vector<16xi32>,
      tpu.vector_store %arg16[%swap3A_179], %broadcast_in_dim3A_6 {strides = array<i32>} : memref<16384xi32, #tpu.memory_space<vmem>>, vector<16xi32>,
      %swap3A_181 = arith.index_cast %add3A_108 : i32 to index
      %swap3A_182 = tpu.vector_load %arg16[%swap3A_181] {strides = array<i32>} : memref<16384xi32, #tpu.memory_space<vmem>>, vector<16xi32>,
      tpu.vector_store %arg16[%swap3A_181], %broadcast_in_dim3A_6 {strides = array<i32>} : memref<16384xi32, #tpu.memory_space<vmem>>, vector<16xi32>,
      %swap3A_183 = arith.index_cast %add3A_112 : i32 to index
      %swap3A_184 = tpu.vector_load %arg16[%swap3A_183] {strides = array<i32>} : memref<16384xi32, #tpu.memory_space<vmem>>, vector<16xi32>,
      tpu.vector_store %arg16[%swap3A_183], %broadcast_in_dim3A_6 {strides = array<i32>} : memref<16384xi32, #tpu.memory_space<vmem>>, vector<16xi32>,
      %scan3A_185 = arith.constant 1 : i32
      %scan3A_186 = arith.addi %scan3A_94, %scan3A_185 : i32
      %mul3A_187 = arith.constant 16 : i32
      %mul3A_188 = arith.muli %scan3A_186, %mul3A_187 : i32
      %add3A_189 = arith.constant 0 : i32
      %add3A_190 = arith.addi %mul3A_188, %add3A_189 : i32
      %mul3A_191 = arith.constant 16 : i32
      %mul3A_192 = arith.muli %scan3A_186, %mul3A_191 : i32
      %add3A_193 = arith.constant 4096 : i32
      %add3A_194 = arith.addi %mul3A_192, %add3A_193 : i32
      %mul3A_195 = arith.constant 16 : i32
      %mul3A_196 = arith.muli %scan3A_186, %mul3A_195 : i32
      %add3A_197 = arith.constant 8192 : i32
      %add3A_198 = arith.addi %mul3A_196, %add3A_197 : i32
      %mul3A_199 = arith.constant 16 : i32
      %mul3A_200 = arith.muli %scan3A_186, %mul3A_199 : i32
      %add3A_201 = arith.constant 12288 : i32
      %add3A_202 = arith.addi %mul3A_200, %add3A_201 : i32
      %get3A_203 = arith.index_cast %add3A_190 : i32 to index
      %get3A_204 = tpu.vector_load %arg13[%get3A_203] {strides = array<i32>} : memref<16384xi32, #tpu.memory_space<vmem>>, vector<16xi32>,
      %get3A_205 = arith.index_cast %add3A_194 : i32 to index
      %get3A_206 = tpu.vector_load %arg13[%get3A_205] {strides = array<i32>} : memref<16384xi32, #tpu.memory_space<vmem>>, vector<16xi32>,
      %get3A_207 = arith.index_cast %add3A_198 : i32 to index
      %get3A_208 = tpu.vector_load %arg13[%get3A_207] {strides = array<i32>} : memref<16384xi32, #tpu.memory_space<vmem>>, vector<16xi32>,
      %get3A_209 = arith.index_cast %add3A_202 : i32 to index
      %get3A_210 = tpu.vector_load %arg13[%get3A_209] {strides = array<i32>} : memref<16384xi32, #tpu.memory_space<vmem>>, vector<16xi32>,
      %add3A_211 = arith.addi %get3A_204, %get3A_206 : vector<16xi32>
      %add3A_212 = arith.addi %add3A_211, %get3A_208 : vector<16xi32>
      %add3A_213 = arith.addi %add3A_212, %get3A_210 : vector<16xi32>
      %broadcast_in_dim3A_214 = arith.constant true
      %broadcast_in_dim3A_215 = vector.broadcast %broadcast_in_dim3A_214 : i1 to vector<16xi1>
      %masked_cumsum3A_216 = tpu.scan <sum>, %add3A_213 masked %broadcast_in_dim3A_215 : vector<16xi32>, vector<16xi1> -> vector<16xi32>
      %sub3A_217 = arith.subi %masked_cumsum3A_216, %add3A_213 : vector<16xi32>
      %add3A_218 = vector.broadcast %add3A_137 : i32 to vector<16xi32>
      %add3A_219 = arith.addi %sub3A_217, %add3A_218 : vector<16xi32>
      %swap3A_220 = arith.index_cast %add3A_190 : i32 to index
      %swap3A_221 = tpu.vector_load %arg13[%swap3A_220] {strides = array<i32>} : memref<16384xi32, #tpu.memory_space<vmem>>, vector<16xi32>,
      tpu.vector_store %arg13[%swap3A_220], %add3A_219 {strides = array<i32>} : memref<16384xi32, #tpu.memory_space<vmem>>, vector<16xi32>,
      %add3A_222 = arith.addi %add3A_219, %get3A_204 : vector<16xi32>
      %swap3A_223 = arith.index_cast %add3A_194 : i32 to index
      %swap3A_224 = tpu.vector_load %arg13[%swap3A_223] {strides = array<i32>} : memref<16384xi32, #tpu.memory_space<vmem>>, vector<16xi32>,
      tpu.vector_store %arg13[%swap3A_223], %add3A_222 {strides = array<i32>} : memref<16384xi32, #tpu.memory_space<vmem>>, vector<16xi32>,
      %add3A_225 = arith.addi %add3A_222, %get3A_206 : vector<16xi32>
      %swap3A_226 = arith.index_cast %add3A_198 : i32 to index
      %swap3A_227 = tpu.vector_load %arg13[%swap3A_226] {strides = array<i32>} : memref<16384xi32, #tpu.memory_space<vmem>>, vector<16xi32>,
      tpu.vector_store %arg13[%swap3A_226], %add3A_225 {strides = array<i32>} : memref<16384xi32, #tpu.memory_space<vmem>>, vector<16xi32>,
      %add3A_228 = arith.addi %add3A_225, %get3A_208 : vector<16xi32>
      %swap3A_229 = arith.index_cast %add3A_202 : i32 to index
      %swap3A_230 = tpu.vector_load %arg13[%swap3A_229] {strides = array<i32>} : memref<16384xi32, #tpu.memory_space<vmem>>, vector<16xi32>,
      tpu.vector_store %arg13[%swap3A_229], %add3A_228 {strides = array<i32>} : memref<16384xi32, #tpu.memory_space<vmem>>, vector<16xi32>,
      %slice3A_231 = vector.extract_strided_slice %masked_cumsum3A_216 {offsets = [15], sizes = [1], strides = [1]} : vector<16xi32> to vector<1xi32>
      %squeeze3A_232 = vector.extract %slice3A_231[0] : i32 from vector<1xi32>
      %add3A_233 = arith.addi %add3A_137, %squeeze3A_232 : i32
      %get3A_234 = arith.index_cast %add3A_190 : i32 to index
      %get3A_235 = tpu.vector_load %arg14[%get3A_234] {strides = array<i32>} : memref<16384xi32, #tpu.memory_space<vmem>>, vector<16xi32>,
      %get3A_236 = arith.index_cast %add3A_194 : i32 to index
      %get3A_237 = tpu.vector_load %arg14[%get3A_236] {strides = array<i32>} : memref<16384xi32, #tpu.memory_space<vmem>>, vector<16xi32>,
      %get3A_238 = arith.index_cast %add3A_198 : i32 to index
      %get3A_239 = tpu.vector_load %arg14[%get3A_238] {strides = array<i32>} : memref<16384xi32, #tpu.memory_space<vmem>>, vector<16xi32>,
      %get3A_240 = arith.index_cast %add3A_202 : i32 to index
      %get3A_241 = tpu.vector_load %arg14[%get3A_240] {strides = array<i32>} : memref<16384xi32, #tpu.memory_space<vmem>>, vector<16xi32>,
      %add3A_242 = arith.addi %get3A_235, %get3A_237 : vector<16xi32>
      %add3A_243 = arith.addi %add3A_242, %get3A_239 : vector<16xi32>
      %add3A_244 = arith.addi %add3A_243, %get3A_241 : vector<16xi32>
      %broadcast_in_dim3A_245 = arith.constant true
      %broadcast_in_dim3A_246 = vector.broadcast %broadcast_in_dim3A_245 : i1 to vector<16xi1>
      %masked_cumsum3A_247 = tpu.scan <sum>, %add3A_244 masked %broadcast_in_dim3A_246 : vector<16xi32>, vector<16xi1> -> vector<16xi32>
      %sub3A_248 = arith.subi %masked_cumsum3A_247, %add3A_244 : vector<16xi32>
      %add3A_249 = vector.broadcast %add3A_168 : i32 to vector<16xi32>
      %add3A_250 = arith.addi %sub3A_248, %add3A_249 : vector<16xi32>
      %swap3A_251 = arith.index_cast %add3A_190 : i32 to index
      %swap3A_252 = tpu.vector_load %arg14[%swap3A_251] {strides = array<i32>} : memref<16384xi32, #tpu.memory_space<vmem>>, vector<16xi32>,
      tpu.vector_store %arg14[%swap3A_251], %add3A_250 {strides = array<i32>} : memref<16384xi32, #tpu.memory_space<vmem>>, vector<16xi32>,
      %add3A_253 = arith.addi %add3A_250, %get3A_235 : vector<16xi32>
      %swap3A_254 = arith.index_cast %add3A_194 : i32 to index
      %swap3A_255 = tpu.vector_load %arg14[%swap3A_254] {strides = array<i32>} : memref<16384xi32, #tpu.memory_space<vmem>>, vector<16xi32>,
      tpu.vector_store %arg14[%swap3A_254], %add3A_253 {strides = array<i32>} : memref<16384xi32, #tpu.memory_space<vmem>>, vector<16xi32>,
      %add3A_256 = arith.addi %add3A_253, %get3A_237 : vector<16xi32>
      %swap3A_257 = arith.index_cast %add3A_198 : i32 to index
      %swap3A_258 = tpu.vector_load %arg14[%swap3A_257] {strides = array<i32>} : memref<16384xi32, #tpu.memory_space<vmem>>, vector<16xi32>,
      tpu.vector_store %arg14[%swap3A_257], %add3A_256 {strides = array<i32>} : memref<16384xi32, #tpu.memory_space<vmem>>, vector<16xi32>,
      %add3A_259 = arith.addi %add3A_256, %get3A_239 : vector<16xi32>
      %swap3A_260 = arith.index_cast %add3A_202 : i32 to index
      %swap3A_261 = tpu.vector_load %arg14[%swap3A_260] {strides = array<i32>} : memref<16384xi32, #tpu.memory_space<vmem>>, vector<16xi32>,
      tpu.vector_store %arg14[%swap3A_260], %add3A_259 {strides = array<i32>} : memref<16384xi32, #tpu.memory_space<vmem>>, vector<16xi32>,
      %slice3A_262 = vector.extract_strided_slice %masked_cumsum3A_247 {offsets = [15], sizes = [1], strides = [1]} : vector<16xi32> to vector<1xi32>
      %squeeze3A_263 = vector.extract %slice3A_262[0] : i32 from vector<1xi32>
      %add3A_264 = arith.addi %add3A_168, %squeeze3A_263 : i32
      %swap3A_265 = arith.index_cast %add3A_190 : i32 to index
      %swap3A_266 = tpu.vector_load %arg15[%swap3A_265] {strides = array<i32>} : memref<16384xi32, #tpu.memory_space<vmem>>, vector<16xi32>,
      tpu.vector_store %arg15[%swap3A_265], %broadcast_in_dim3A_6 {strides = array<i32>} : memref<16384xi32, #tpu.memory_space<vmem>>, vector<16xi32>,
      %swap3A_267 = arith.index_cast %add3A_194 : i32 to index
      %swap3A_268 = tpu.vector_load %arg15[%swap3A_267] {strides = array<i32>} : memref<16384xi32, #tpu.memory_space<vmem>>, vector<16xi32>,
      tpu.vector_store %arg15[%swap3A_267], %broadcast_in_dim3A_6 {strides = array<i32>} : memref<16384xi32, #tpu.memory_space<vmem>>, vector<16xi32>,
      %swap3A_269 = arith.index_cast %add3A_198 : i32 to index
      %swap3A_270 = tpu.vector_load %arg15[%swap3A_269] {strides = array<i32>} : memref<16384xi32, #tpu.memory_space<vmem>>, vector<16xi32>,
      tpu.vector_store %arg15[%swap3A_269], %broadcast_in_dim3A_6 {strides = array<i32>} : memref<16384xi32, #tpu.memory_space<vmem>>, vector<16xi32>,
      %swap3A_271 = arith.index_cast %add3A_202 : i32 to index
      %swap3A_272 = tpu.vector_load %arg15[%swap3A_271] {strides = array<i32>} : memref<16384xi32, #tpu.memory_space<vmem>>, vector<16xi32>,
      tpu.vector_store %arg15[%swap3A_271], %broadcast_in_dim3A_6 {strides = array<i32>} : memref<16384xi32, #tpu.memory_space<vmem>>, vector<16xi32>,
      %swap3A_273 = arith.index_cast %add3A_190 : i32 to index
      %swap3A_274 = tpu.vector_load %arg16[%swap3A_273] {strides = array<i32>} : memref<16384xi32, #tpu.memory_space<vmem>>, vector<16xi32>,
      tpu.vector_store %arg16[%swap3A_273], %broadcast_in_dim3A_6 {strides = array<i32>} : memref<16384xi32, #tpu.memory_space<vmem>>, vector<16xi32>,
      %swap3A_275 = arith.index_cast %add3A_194 : i32 to index
      %swap3A_276 = tpu.vector_load %arg16[%swap3A_275] {strides = array<i32>} : memref<16384xi32, #tpu.memory_space<vmem>>, vector<16xi32>,
      tpu.vector_store %arg16[%swap3A_275], %broadcast_in_dim3A_6 {strides = array<i32>} : memref<16384xi32, #tpu.memory_space<vmem>>, vector<16xi32>,
      %swap3A_277 = arith.index_cast %add3A_198 : i32 to index
      %swap3A_278 = tpu.vector_load %arg16[%swap3A_277] {strides = array<i32>} : memref<16384xi32, #tpu.memory_space<vmem>>, vector<16xi32>,
      tpu.vector_store %arg16[%swap3A_277], %broadcast_in_dim3A_6 {strides = array<i32>} : memref<16384xi32, #tpu.memory_space<vmem>>, vector<16xi32>,
      %swap3A_279 = arith.index_cast %add3A_202 : i32 to index
      %swap3A_280 = tpu.vector_load %arg16[%swap3A_279] {strides = array<i32>} : memref<16384xi32, #tpu.memory_space<vmem>>, vector<16xi32>,
      tpu.vector_store %arg16[%swap3A_279], %broadcast_in_dim3A_6 {strides = array<i32>} : memref<16384xi32, #tpu.memory_space<vmem>>, vector<16xi32>,
      scf.yield %add3A_233, %add3A_264 : i32, i32
    }
    %scan3A_33 = arith.constant 256 : i32
    %scan3A_34 = arith.constant 0 : i32
    %scan3A_35 = arith.constant 0 : i32
    %scan3A_36 = arith.constant 128 : i32
    %scan3A_37 = arith.addi %scan3A_35, %scan3A_36 : i32
    %scan3A_38 = arith.constant 2 : i32
    %scan3A_39 = scf.for %scan3A_94 = %scan3A_35 to %scan3A_37 step %scan3A_38 iter_args(%scan3A_95 = %scan3A_34) -> (i32)  : i32 {
      %add3A_96 = arith.constant 0 : i32
      %add3A_97 = arith.addi %scan3A_94, %add3A_96 : i32
      %mul3A_98 = arith.constant 16 : i32
      %mul3A_99 = arith.muli %add3A_97, %mul3A_98 : i32
      %add3A_100 = arith.constant 128 : i32
      %add3A_101 = arith.addi %scan3A_94, %add3A_100 : i32
      %mul3A_102 = arith.constant 16 : i32
      %mul3A_103 = arith.muli %add3A_101, %mul3A_102 : i32
      %add3A_104 = arith.constant 256 : i32
      %add3A_105 = arith.addi %scan3A_94, %add3A_104 : i32
      %mul3A_106 = arith.constant 16 : i32
      %mul3A_107 = arith.muli %add3A_105, %mul3A_106 : i32
      %add3A_108 = arith.constant 384 : i32
      %add3A_109 = arith.addi %scan3A_94, %add3A_108 : i32
      %mul3A_110 = arith.constant 16 : i32
      %mul3A_111 = arith.muli %add3A_109, %mul3A_110 : i32
      %add3A_112 = arith.constant 0 : i32
      %add3A_113 = arith.addi %scan3A_94, %add3A_112 : i32
      %mul3A_114 = arith.constant 16 : i32
      %mul3A_115 = arith.muli %add3A_113, %mul3A_114 : i32
      %add3A_116 = arith.constant 128 : i32
      %add3A_117 = arith.addi %scan3A_94, %add3A_116 : i32
      %mul3A_118 = arith.constant 16 : i32
      %mul3A_119 = arith.muli %add3A_117, %mul3A_118 : i32
      %add3A_120 = arith.constant 256 : i32
      %add3A_121 = arith.addi %scan3A_94, %add3A_120 : i32
      %mul3A_122 = arith.constant 16 : i32
      %mul3A_123 = arith.muli %add3A_121, %mul3A_122 : i32
      %add3A_124 = arith.constant 384 : i32
      %add3A_125 = arith.addi %scan3A_94, %add3A_124 : i32
      %mul3A_126 = arith.constant 16 : i32
      %mul3A_127 = arith.muli %add3A_125, %mul3A_126 : i32
      %add3A_128 = vector.broadcast %scan3A_94 : i32 to vector<16xi32>
      %add3A_129 = arith.addi %mul3A_3, %add3A_128 : vector<16xi32>
      %add3A_130 = arith.constant 0 : i32
      %add3A_131 = vector.broadcast %add3A_130 : i32 to vector<16xi32>
      %add3A_132 = arith.addi %add3A_129, %add3A_131 : vector<16xi32>
      %add3A_133 = vector.broadcast %scan3A_94 : i32 to vector<16xi32>
      %add3A_134 = arith.addi %mul3A_3, %add3A_133 : vector<16xi32>
      %add3A_135 = arith.constant 128 : i32
      %add3A_136 = vector.broadcast %add3A_135 : i32 to vector<16xi32>
      %add3A_137 = arith.addi %add3A_134, %add3A_136 : vector<16xi32>
      %add3A_138 = vector.broadcast %scan3A_94 : i32 to vector<16xi32>
      %add3A_139 = arith.addi %mul3A_3, %add3A_138 : vector<16xi32>
      %add3A_140 = arith.constant 256 : i32
      %add3A_141 = vector.broadcast %add3A_140 : i32 to vector<16xi32>
      %add3A_142 = arith.addi %add3A_139, %add3A_141 : vector<16xi32>
      %add3A_143 = vector.broadcast %scan3A_94 : i32 to vector<16xi32>
      %add3A_144 = arith.addi %mul3A_3, %add3A_143 : vector<16xi32>
      %add3A_145 = arith.constant 384 : i32
      %add3A_146 = vector.broadcast %add3A_145 : i32 to vector<16xi32>
      %add3A_147 = arith.addi %add3A_144, %add3A_146 : vector<16xi32>
      %add3A_148 = vector.broadcast %scan3A_94 : i32 to vector<16xi32>
      %add3A_149 = arith.addi %mul3A_3, %add3A_148 : vector<16xi32>
      %add3A_150 = arith.constant 0 : i32
      %add3A_151 = vector.broadcast %add3A_150 : i32 to vector<16xi32>
      %add3A_152 = arith.addi %add3A_149, %add3A_151 : vector<16xi32>
      %add3A_153 = vector.broadcast %scan3A_94 : i32 to vector<16xi32>
      %add3A_154 = arith.addi %mul3A_3, %add3A_153 : vector<16xi32>
      %add3A_155 = arith.constant 128 : i32
      %add3A_156 = vector.broadcast %add3A_155 : i32 to vector<16xi32>
      %add3A_157 = arith.addi %add3A_154, %add3A_156 : vector<16xi32>
      %add3A_158 = vector.broadcast %scan3A_94 : i32 to vector<16xi32>
      %add3A_159 = arith.addi %mul3A_3, %add3A_158 : vector<16xi32>
      %add3A_160 = arith.constant 256 : i32
      %add3A_161 = vector.broadcast %add3A_160 : i32 to vector<16xi32>
      %add3A_162 = arith.addi %add3A_159, %add3A_161 : vector<16xi32>
      %add3A_163 = vector.broadcast %scan3A_94 : i32 to vector<16xi32>
      %add3A_164 = arith.addi %mul3A_3, %add3A_163 : vector<16xi32>
      %add3A_165 = arith.constant 384 : i32
      %add3A_166 = vector.broadcast %add3A_165 : i32 to vector<16xi32>
      %add3A_167 = arith.addi %add3A_164, %add3A_166 : vector<16xi32>
      %get3A = arith.index_cast %mul3A_99 : i32 to index
      %get3A_168 = tpu.vector_load %arg7[%get3A] {strides = array<i32>} : memref<8192xi32, #tpu.memory_space<vmem>>, vector<16xi32>,
      %get3A_169 = arith.index_cast %mul3A_103 : i32 to index
      %get3A_170 = tpu.vector_load %arg7[%get3A_169] {strides = array<i32>} : memref<8192xi32, #tpu.memory_space<vmem>>, vector<16xi32>,
      %get3A_171 = arith.index_cast %mul3A_107 : i32 to index
      %get3A_172 = tpu.vector_load %arg7[%get3A_171] {strides = array<i32>} : memref<8192xi32, #tpu.memory_space<vmem>>, vector<16xi32>,
      %get3A_173 = arith.index_cast %mul3A_111 : i32 to index
      %get3A_174 = tpu.vector_load %arg7[%get3A_173] {strides = array<i32>} : memref<8192xi32, #tpu.memory_space<vmem>>, vector<16xi32>,
      %get3A_175 = arith.index_cast %mul3A_115 : i32 to index
      %get3A_176 = tpu.vector_load %arg8[%get3A_175] {strides = array<i32>} : memref<8192xi32, #tpu.memory_space<vmem>>, vector<16xi32>,
      %get3A_177 = arith.index_cast %mul3A_119 : i32 to index
      %get3A_178 = tpu.vector_load %arg8[%get3A_177] {strides = array<i32>} : memref<8192xi32, #tpu.memory_space<vmem>>, vector<16xi32>,
      %get3A_179 = arith.index_cast %mul3A_123 : i32 to index
      %get3A_180 = tpu.vector_load %arg8[%get3A_179] {strides = array<i32>} : memref<8192xi32, #tpu.memory_space<vmem>>, vector<16xi32>,
      %get3A_181 = arith.index_cast %mul3A_127 : i32 to index
      %get3A_182 = tpu.vector_load %arg8[%get3A_181] {strides = array<i32>} : memref<8192xi32, #tpu.memory_space<vmem>>, vector<16xi32>,
      %shift_left3A = arith.constant 4 : i32
      %shift_left3A_183 = vector.broadcast %shift_left3A : i32 to vector<16xi32>
      %shift_left3A_184 = arith.shli %get3A_168, %shift_left3A_183 : vector<16xi32>
      %or3A = arith.ori %shift_left3A_184, %iota3A : vector<16xi32>
      %and3A = arith.constant 4095 : i32
      %and3A_185 = vector.broadcast %and3A : i32 to vector<16xi32>
      %and3A_186 = arith.andi %or3A, %and3A_185 : vector<16xi32>
      %add3A_187 = arith.constant 0 : i32
      %add3A_188 = vector.broadcast %add3A_187 : i32 to vector<16xi32>
      %add3A_189 = arith.addi %and3A_186, %add3A_188 : vector<16xi32>
      %shift_left3A_190 = arith.constant 4 : i32
      %shift_left3A_191 = vector.broadcast %shift_left3A_190 : i32 to vector<16xi32>
      %shift_left3A_192 = arith.shli %get3A_170, %shift_left3A_191 : vector<16xi32>
      %or3A_193 = arith.ori %shift_left3A_192, %iota3A : vector<16xi32>
      %and3A_194 = arith.constant 4095 : i32
      %and3A_195 = vector.broadcast %and3A_194 : i32 to vector<16xi32>
      %and3A_196 = arith.andi %or3A_193, %and3A_195 : vector<16xi32>
      %add3A_197 = arith.constant 4096 : i32
      %add3A_198 = vector.broadcast %add3A_197 : i32 to vector<16xi32>
      %add3A_199 = arith.addi %and3A_196, %add3A_198 : vector<16xi32>
      %shift_left3A_200 = arith.constant 4 : i32
      %shift_left3A_201 = vector.broadcast %shift_left3A_200 : i32 to vector<16xi32>
      %shift_left3A_202 = arith.shli %get3A_172, %shift_left3A_201 : vector<16xi32>
      %or3A_203 = arith.ori %shift_left3A_202, %iota3A : vector<16xi32>
      %and3A_204 = arith.constant 4095 : i32
      %and3A_205 = vector.broadcast %and3A_204 : i32 to vector<16xi32>
      %and3A_206 = arith.andi %or3A_203, %and3A_205 : vector<16xi32>
      %add3A_207 = arith.constant 8192 : i32
      %add3A_208 = vector.broadcast %add3A_207 : i32 to vector<16xi32>
      %add3A_209 = arith.addi %and3A_206, %add3A_208 : vector<16xi32>
      %shift_left3A_210 = arith.constant 4 : i32
      %shift_left3A_211 = vector.broadcast %shift_left3A_210 : i32 to vector<16xi32>
      %shift_left3A_212 = arith.shli %get3A_174, %shift_left3A_211 : vector<16xi32>
      %or3A_213 = arith.ori %shift_left3A_212, %iota3A : vector<16xi32>
      %and3A_214 = arith.constant 4095 : i32
      %and3A_215 = vector.broadcast %and3A_214 : i32 to vector<16xi32>
      %and3A_216 = arith.andi %or3A_213, %and3A_215 : vector<16xi32>
      %add3A_217 = arith.constant 12288 : i32
      %add3A_218 = vector.broadcast %add3A_217 : i32 to vector<16xi32>
      %add3A_219 = arith.addi %and3A_216, %add3A_218 : vector<16xi32>
      %shift_left3A_220 = arith.constant 4 : i32
      %shift_left3A_221 = vector.broadcast %shift_left3A_220 : i32 to vector<16xi32>
      %shift_left3A_222 = arith.shli %get3A_176, %shift_left3A_221 : vector<16xi32>
      %or3A_223 = arith.ori %shift_left3A_222, %iota3A : vector<16xi32>
      %and3A_224 = arith.constant 4095 : i32
      %and3A_225 = vector.broadcast %and3A_224 : i32 to vector<16xi32>
      %and3A_226 = arith.andi %or3A_223, %and3A_225 : vector<16xi32>
      %add3A_227 = arith.constant 0 : i32
      %add3A_228 = vector.broadcast %add3A_227 : i32 to vector<16xi32>
      %add3A_229 = arith.addi %and3A_226, %add3A_228 : vector<16xi32>
      %shift_left3A_230 = arith.constant 4 : i32
      %shift_left3A_231 = vector.broadcast %shift_left3A_230 : i32 to vector<16xi32>
      %shift_left3A_232 = arith.shli %get3A_178, %shift_left3A_231 : vector<16xi32>
      %or3A_233 = arith.ori %shift_left3A_232, %iota3A : vector<16xi32>
      %and3A_234 = arith.constant 4095 : i32
      %and3A_235 = vector.broadcast %and3A_234 : i32 to vector<16xi32>
      %and3A_236 = arith.andi %or3A_233, %and3A_235 : vector<16xi32>
      %add3A_237 = arith.constant 4096 : i32
      %add3A_238 = vector.broadcast %add3A_237 : i32 to vector<16xi32>
      %add3A_239 = arith.addi %and3A_236, %add3A_238 : vector<16xi32>
      %shift_left3A_240 = arith.constant 4 : i32
      %shift_left3A_241 = vector.broadcast %shift_left3A_240 : i32 to vector<16xi32>
      %shift_left3A_242 = arith.shli %get3A_180, %shift_left3A_241 : vector<16xi32>
      %or3A_243 = arith.ori %shift_left3A_242, %iota3A : vector<16xi32>
      %and3A_244 = arith.constant 4095 : i32
      %and3A_245 = vector.broadcast %and3A_244 : i32 to vector<16xi32>
      %and3A_246 = arith.andi %or3A_243, %and3A_245 : vector<16xi32>
      %add3A_247 = arith.constant 8192 : i32
      %add3A_248 = vector.broadcast %add3A_247 : i32 to vector<16xi32>
      %add3A_249 = arith.addi %and3A_246, %add3A_248 : vector<16xi32>
      %shift_left3A_250 = arith.constant 4 : i32
      %shift_left3A_251 = vector.broadcast %shift_left3A_250 : i32 to vector<16xi32>
      %shift_left3A_252 = arith.shli %get3A_182, %shift_left3A_251 : vector<16xi32>
      %or3A_253 = arith.ori %shift_left3A_252, %iota3A : vector<16xi32>
      %and3A_254 = arith.constant 4095 : i32
      %and3A_255 = vector.broadcast %and3A_254 : i32 to vector<16xi32>
      %and3A_256 = arith.andi %or3A_253, %and3A_255 : vector<16xi32>
      %add3A_257 = arith.constant 12288 : i32
      %add3A_258 = vector.broadcast %add3A_257 : i32 to vector<16xi32>
      %add3A_259 = arith.addi %and3A_256, %add3A_258 : vector<16xi32>
      %gather3A = tpu.vector_load_idx %arg13[%add3A_189] : memref<16384xi32, #tpu.memory_space<vmem>>[vector<16xi32>], vector<16xi32>,
      %gather3A_260 = tpu.vector_load_idx %arg13[%add3A_199] : memref<16384xi32, #tpu.memory_space<vmem>>[vector<16xi32>], vector<16xi32>,
      %gather3A_261 = tpu.vector_load_idx %arg13[%add3A_209] : memref<16384xi32, #tpu.memory_space<vmem>>[vector<16xi32>], vector<16xi32>,
      %gather3A_262 = tpu.vector_load_idx %arg13[%add3A_219] : memref<16384xi32, #tpu.memory_space<vmem>>[vector<16xi32>], vector<16xi32>,
      %gather3A_263 = tpu.vector_load_idx %arg14[%add3A_229] : memref<16384xi32, #tpu.memory_space<vmem>>[vector<16xi32>], vector<16xi32>,
      %gather3A_264 = tpu.vector_load_idx %arg14[%add3A_239] : memref<16384xi32, #tpu.memory_space<vmem>>[vector<16xi32>], vector<16xi32>,
      %gather3A_265 = tpu.vector_load_idx %arg14[%add3A_249] : memref<16384xi32, #tpu.memory_space<vmem>>[vector<16xi32>], vector<16xi32>,
      %gather3A_266 = tpu.vector_load_idx %arg14[%add3A_259] : memref<16384xi32, #tpu.memory_space<vmem>>[vector<16xi32>], vector<16xi32>,
      %shift_right_logical3A = arith.constant 9 : i32
      %shift_right_logical3A_267 = vector.broadcast %shift_right_logical3A : i32 to vector<16xi32>
      %shift_right_logical3A_268 = arith.shrui %gather3A, %shift_right_logical3A_267 : vector<16xi32>
      %and3A_269 = arith.constant 511 : i32
      %and3A_270 = vector.broadcast %and3A_269 : i32 to vector<16xi32>
      %and3A_271 = arith.andi %gather3A, %and3A_270 : vector<16xi32>
      %shift_left3A_272 = arith.constant 4 : i32
      %shift_left3A_273 = vector.broadcast %shift_left3A_272 : i32 to vector<16xi32>
      %shift_left3A_274 = arith.shli %and3A_271, %shift_left3A_273 : vector<16xi32>
      %or3A_275 = arith.ori %shift_left3A_274, %shift_right_logical3A_268 : vector<16xi32>
      %shift_right_logical3A_276 = arith.constant 9 : i32
      %shift_right_logical3A_277 = vector.broadcast %shift_right_logical3A_276 : i32 to vector<16xi32>
      %shift_right_logical3A_278 = arith.shrui %gather3A_260, %shift_right_logical3A_277 : vector<16xi32>
      %and3A_279 = arith.constant 511 : i32
      %and3A_280 = vector.broadcast %and3A_279 : i32 to vector<16xi32>
      %and3A_281 = arith.andi %gather3A_260, %and3A_280 : vector<16xi32>
      %shift_left3A_282 = arith.constant 4 : i32
      %shift_left3A_283 = vector.broadcast %shift_left3A_282 : i32 to vector<16xi32>
      %shift_left3A_284 = arith.shli %and3A_281, %shift_left3A_283 : vector<16xi32>
      %or3A_285 = arith.ori %shift_left3A_284, %shift_right_logical3A_278 : vector<16xi32>
      %shift_right_logical3A_286 = arith.constant 9 : i32
      %shift_right_logical3A_287 = vector.broadcast %shift_right_logical3A_286 : i32 to vector<16xi32>
      %shift_right_logical3A_288 = arith.shrui %gather3A_261, %shift_right_logical3A_287 : vector<16xi32>
      %and3A_289 = arith.constant 511 : i32
      %and3A_290 = vector.broadcast %and3A_289 : i32 to vector<16xi32>
      %and3A_291 = arith.andi %gather3A_261, %and3A_290 : vector<16xi32>
      %shift_left3A_292 = arith.constant 4 : i32
      %shift_left3A_293 = vector.broadcast %shift_left3A_292 : i32 to vector<16xi32>
      %shift_left3A_294 = arith.shli %and3A_291, %shift_left3A_293 : vector<16xi32>
      %or3A_295 = arith.ori %shift_left3A_294, %shift_right_logical3A_288 : vector<16xi32>
      %shift_right_logical3A_296 = arith.constant 9 : i32
      %shift_right_logical3A_297 = vector.broadcast %shift_right_logical3A_296 : i32 to vector<16xi32>
      %shift_right_logical3A_298 = arith.shrui %gather3A_262, %shift_right_logical3A_297 : vector<16xi32>
      %and3A_299 = arith.constant 511 : i32
      %and3A_300 = vector.broadcast %and3A_299 : i32 to vector<16xi32>
      %and3A_301 = arith.andi %gather3A_262, %and3A_300 : vector<16xi32>
      %shift_left3A_302 = arith.constant 4 : i32
      %shift_left3A_303 = vector.broadcast %shift_left3A_302 : i32 to vector<16xi32>
      %shift_left3A_304 = arith.shli %and3A_301, %shift_left3A_303 : vector<16xi32>
      %or3A_305 = arith.ori %shift_left3A_304, %shift_right_logical3A_298 : vector<16xi32>
      %shift_right_logical3A_306 = arith.constant 9 : i32
      %shift_right_logical3A_307 = vector.broadcast %shift_right_logical3A_306 : i32 to vector<16xi32>
      %shift_right_logical3A_308 = arith.shrui %gather3A_263, %shift_right_logical3A_307 : vector<16xi32>
      %and3A_309 = arith.constant 511 : i32
      %and3A_310 = vector.broadcast %and3A_309 : i32 to vector<16xi32>
      %and3A_311 = arith.andi %gather3A_263, %and3A_310 : vector<16xi32>
      %shift_left3A_312 = arith.constant 4 : i32
      %shift_left3A_313 = vector.broadcast %shift_left3A_312 : i32 to vector<16xi32>
      %shift_left3A_314 = arith.shli %and3A_311, %shift_left3A_313 : vector<16xi32>
      %or3A_315 = arith.ori %shift_left3A_314, %shift_right_logical3A_308 : vector<16xi32>
      %shift_right_logical3A_316 = arith.constant 9 : i32
      %shift_right_logical3A_317 = vector.broadcast %shift_right_logical3A_316 : i32 to vector<16xi32>
      %shift_right_logical3A_318 = arith.shrui %gather3A_264, %shift_right_logical3A_317 : vector<16xi32>
      %and3A_319 = arith.constant 511 : i32
      %and3A_320 = vector.broadcast %and3A_319 : i32 to vector<16xi32>
      %and3A_321 = arith.andi %gather3A_264, %and3A_320 : vector<16xi32>
      %shift_left3A_322 = arith.constant 4 : i32
      %shift_left3A_323 = vector.broadcast %shift_left3A_322 : i32 to vector<16xi32>
      %shift_left3A_324 = arith.shli %and3A_321, %shift_left3A_323 : vector<16xi32>
      %or3A_325 = arith.ori %shift_left3A_324, %shift_right_logical3A_318 : vector<16xi32>
      %shift_right_logical3A_326 = arith.constant 9 : i32
      %shift_right_logical3A_327 = vector.broadcast %shift_right_logical3A_326 : i32 to vector<16xi32>
      %shift_right_logical3A_328 = arith.shrui %gather3A_265, %shift_right_logical3A_327 : vector<16xi32>
      %and3A_329 = arith.constant 511 : i32
      %and3A_330 = vector.broadcast %and3A_329 : i32 to vector<16xi32>
      %and3A_331 = arith.andi %gather3A_265, %and3A_330 : vector<16xi32>
      %shift_left3A_332 = arith.constant 4 : i32
      %shift_left3A_333 = vector.broadcast %shift_left3A_332 : i32 to vector<16xi32>
      %shift_left3A_334 = arith.shli %and3A_331, %shift_left3A_333 : vector<16xi32>
      %or3A_335 = arith.ori %shift_left3A_334, %shift_right_logical3A_328 : vector<16xi32>
      %shift_right_logical3A_336 = arith.constant 9 : i32
      %shift_right_logical3A_337 = vector.broadcast %shift_right_logical3A_336 : i32 to vector<16xi32>
      %shift_right_logical3A_338 = arith.shrui %gather3A_266, %shift_right_logical3A_337 : vector<16xi32>
      %and3A_339 = arith.constant 511 : i32
      %and3A_340 = vector.broadcast %and3A_339 : i32 to vector<16xi32>
      %and3A_341 = arith.andi %gather3A_266, %and3A_340 : vector<16xi32>
      %shift_left3A_342 = arith.constant 4 : i32
      %shift_left3A_343 = vector.broadcast %shift_left3A_342 : i32 to vector<16xi32>
      %shift_left3A_344 = arith.shli %and3A_341, %shift_left3A_343 : vector<16xi32>
      %or3A_345 = arith.ori %shift_left3A_344, %shift_right_logical3A_338 : vector<16xi32>
      %shift_right_logical3A_346 = arith.constant 4 : i32
      %shift_right_logical3A_347 = vector.broadcast %shift_right_logical3A_346 : i32 to vector<16xi32>
      %shift_right_logical3A_348 = arith.shrui %get3A_168, %shift_right_logical3A_347 : vector<16xi32>
      %and3A_349 = arith.constant 4080 : i32
      %and3A_350 = vector.broadcast %and3A_349 : i32 to vector<16xi32>
      %and3A_351 = arith.andi %shift_right_logical3A_348, %and3A_350 : vector<16xi32>
      %or3A_352 = arith.ori %and3A_351, %shift_right_logical3A_268 : vector<16xi32>
      %shift_right_logical3A_353 = arith.constant 7 : i32
      %shift_right_logical3A_354 = vector.broadcast %shift_right_logical3A_353 : i32 to vector<16xi32>
      %shift_right_logical3A_355 = arith.shrui %gather3A, %shift_right_logical3A_354 : vector<16xi32>
      %and3A_356 = arith.constant 3 : i32
      %and3A_357 = vector.broadcast %and3A_356 : i32 to vector<16xi32>
      %and3A_358 = arith.andi %shift_right_logical3A_355, %and3A_357 : vector<16xi32>
      %shift_left3A_359 = arith.constant 12 : i32
      %shift_left3A_360 = vector.broadcast %shift_left3A_359 : i32 to vector<16xi32>
      %shift_left3A_361 = arith.shli %and3A_358, %shift_left3A_360 : vector<16xi32>
      %or3A_362 = arith.ori %or3A_352, %shift_left3A_361 : vector<16xi32>
      %shift_right_logical3A_363 = arith.constant 4 : i32
      %shift_right_logical3A_364 = vector.broadcast %shift_right_logical3A_363 : i32 to vector<16xi32>
      %shift_right_logical3A_365 = arith.shrui %get3A_170, %shift_right_logical3A_364 : vector<16xi32>
      %and3A_366 = arith.constant 4080 : i32
      %and3A_367 = vector.broadcast %and3A_366 : i32 to vector<16xi32>
      %and3A_368 = arith.andi %shift_right_logical3A_365, %and3A_367 : vector<16xi32>
      %or3A_369 = arith.ori %and3A_368, %shift_right_logical3A_278 : vector<16xi32>
      %shift_right_logical3A_370 = arith.constant 7 : i32
      %shift_right_logical3A_371 = vector.broadcast %shift_right_logical3A_370 : i32 to vector<16xi32>
      %shift_right_logical3A_372 = arith.shrui %gather3A_260, %shift_right_logical3A_371 : vector<16xi32>
      %and3A_373 = arith.constant 3 : i32
      %and3A_374 = vector.broadcast %and3A_373 : i32 to vector<16xi32>
      %and3A_375 = arith.andi %shift_right_logical3A_372, %and3A_374 : vector<16xi32>
      %shift_left3A_376 = arith.constant 12 : i32
      %shift_left3A_377 = vector.broadcast %shift_left3A_376 : i32 to vector<16xi32>
      %shift_left3A_378 = arith.shli %and3A_375, %shift_left3A_377 : vector<16xi32>
      %or3A_379 = arith.ori %or3A_369, %shift_left3A_378 : vector<16xi32>
      %shift_right_logical3A_380 = arith.constant 4 : i32
      %shift_right_logical3A_381 = vector.broadcast %shift_right_logical3A_380 : i32 to vector<16xi32>
      %shift_right_logical3A_382 = arith.shrui %get3A_172, %shift_right_logical3A_381 : vector<16xi32>
      %and3A_383 = arith.constant 4080 : i32
      %and3A_384 = vector.broadcast %and3A_383 : i32 to vector<16xi32>
      %and3A_385 = arith.andi %shift_right_logical3A_382, %and3A_384 : vector<16xi32>
      %or3A_386 = arith.ori %and3A_385, %shift_right_logical3A_288 : vector<16xi32>
      %shift_right_logical3A_387 = arith.constant 7 : i32
      %shift_right_logical3A_388 = vector.broadcast %shift_right_logical3A_387 : i32 to vector<16xi32>
      %shift_right_logical3A_389 = arith.shrui %gather3A_261, %shift_right_logical3A_388 : vector<16xi32>
      %and3A_390 = arith.constant 3 : i32
      %and3A_391 = vector.broadcast %and3A_390 : i32 to vector<16xi32>
      %and3A_392 = arith.andi %shift_right_logical3A_389, %and3A_391 : vector<16xi32>
      %shift_left3A_393 = arith.constant 12 : i32
      %shift_left3A_394 = vector.broadcast %shift_left3A_393 : i32 to vector<16xi32>
      %shift_left3A_395 = arith.shli %and3A_392, %shift_left3A_394 : vector<16xi32>
      %or3A_396 = arith.ori %or3A_386, %shift_left3A_395 : vector<16xi32>
      %shift_right_logical3A_397 = arith.constant 4 : i32
      %shift_right_logical3A_398 = vector.broadcast %shift_right_logical3A_397 : i32 to vector<16xi32>
      %shift_right_logical3A_399 = arith.shrui %get3A_174, %shift_right_logical3A_398 : vector<16xi32>
      %and3A_400 = arith.constant 4080 : i32
      %and3A_401 = vector.broadcast %and3A_400 : i32 to vector<16xi32>
      %and3A_402 = arith.andi %shift_right_logical3A_399, %and3A_401 : vector<16xi32>
      %or3A_403 = arith.ori %and3A_402, %shift_right_logical3A_298 : vector<16xi32>
      %shift_right_logical3A_404 = arith.constant 7 : i32
      %shift_right_logical3A_405 = vector.broadcast %shift_right_logical3A_404 : i32 to vector<16xi32>
      %shift_right_logical3A_406 = arith.shrui %gather3A_262, %shift_right_logical3A_405 : vector<16xi32>
      %and3A_407 = arith.constant 3 : i32
      %and3A_408 = vector.broadcast %and3A_407 : i32 to vector<16xi32>
      %and3A_409 = arith.andi %shift_right_logical3A_406, %and3A_408 : vector<16xi32>
      %shift_left3A_410 = arith.constant 12 : i32
      %shift_left3A_411 = vector.broadcast %shift_left3A_410 : i32 to vector<16xi32>
      %shift_left3A_412 = arith.shli %and3A_409, %shift_left3A_411 : vector<16xi32>
      %or3A_413 = arith.ori %or3A_403, %shift_left3A_412 : vector<16xi32>
      %shift_right_logical3A_414 = arith.constant 4 : i32
      %shift_right_logical3A_415 = vector.broadcast %shift_right_logical3A_414 : i32 to vector<16xi32>
      %shift_right_logical3A_416 = arith.shrui %get3A_176, %shift_right_logical3A_415 : vector<16xi32>
      %and3A_417 = arith.constant 4080 : i32
      %and3A_418 = vector.broadcast %and3A_417 : i32 to vector<16xi32>
      %and3A_419 = arith.andi %shift_right_logical3A_416, %and3A_418 : vector<16xi32>
      %or3A_420 = arith.ori %and3A_419, %shift_right_logical3A_308 : vector<16xi32>
      %shift_right_logical3A_421 = arith.constant 7 : i32
      %shift_right_logical3A_422 = vector.broadcast %shift_right_logical3A_421 : i32 to vector<16xi32>
      %shift_right_logical3A_423 = arith.shrui %gather3A_263, %shift_right_logical3A_422 : vector<16xi32>
      %and3A_424 = arith.constant 3 : i32
      %and3A_425 = vector.broadcast %and3A_424 : i32 to vector<16xi32>
      %and3A_426 = arith.andi %shift_right_logical3A_423, %and3A_425 : vector<16xi32>
      %shift_left3A_427 = arith.constant 12 : i32
      %shift_left3A_428 = vector.broadcast %shift_left3A_427 : i32 to vector<16xi32>
      %shift_left3A_429 = arith.shli %and3A_426, %shift_left3A_428 : vector<16xi32>
      %or3A_430 = arith.ori %or3A_420, %shift_left3A_429 : vector<16xi32>
      %shift_right_logical3A_431 = arith.constant 4 : i32
      %shift_right_logical3A_432 = vector.broadcast %shift_right_logical3A_431 : i32 to vector<16xi32>
      %shift_right_logical3A_433 = arith.shrui %get3A_178, %shift_right_logical3A_432 : vector<16xi32>
      %and3A_434 = arith.constant 4080 : i32
      %and3A_435 = vector.broadcast %and3A_434 : i32 to vector<16xi32>
      %and3A_436 = arith.andi %shift_right_logical3A_433, %and3A_435 : vector<16xi32>
      %or3A_437 = arith.ori %and3A_436, %shift_right_logical3A_318 : vector<16xi32>
      %shift_right_logical3A_438 = arith.constant 7 : i32
      %shift_right_logical3A_439 = vector.broadcast %shift_right_logical3A_438 : i32 to vector<16xi32>
      %shift_right_logical3A_440 = arith.shrui %gather3A_264, %shift_right_logical3A_439 : vector<16xi32>
      %and3A_441 = arith.constant 3 : i32
      %and3A_442 = vector.broadcast %and3A_441 : i32 to vector<16xi32>
      %and3A_443 = arith.andi %shift_right_logical3A_440, %and3A_442 : vector<16xi32>
      %shift_left3A_444 = arith.constant 12 : i32
      %shift_left3A_445 = vector.broadcast %shift_left3A_444 : i32 to vector<16xi32>
      %shift_left3A_446 = arith.shli %and3A_443, %shift_left3A_445 : vector<16xi32>
      %or3A_447 = arith.ori %or3A_437, %shift_left3A_446 : vector<16xi32>
      %shift_right_logical3A_448 = arith.constant 4 : i32
      %shift_right_logical3A_449 = vector.broadcast %shift_right_logical3A_448 : i32 to vector<16xi32>
      %shift_right_logical3A_450 = arith.shrui %get3A_180, %shift_right_logical3A_449 : vector<16xi32>
      %and3A_451 = arith.constant 4080 : i32
      %and3A_452 = vector.broadcast %and3A_451 : i32 to vector<16xi32>
      %and3A_453 = arith.andi %shift_right_logical3A_450, %and3A_452 : vector<16xi32>
      %or3A_454 = arith.ori %and3A_453, %shift_right_logical3A_328 : vector<16xi32>
      %shift_right_logical3A_455 = arith.constant 7 : i32
      %shift_right_logical3A_456 = vector.broadcast %shift_right_logical3A_455 : i32 to vector<16xi32>
      %shift_right_logical3A_457 = arith.shrui %gather3A_265, %shift_right_logical3A_456 : vector<16xi32>
      %and3A_458 = arith.constant 3 : i32
      %and3A_459 = vector.broadcast %and3A_458 : i32 to vector<16xi32>
      %and3A_460 = arith.andi %shift_right_logical3A_457, %and3A_459 : vector<16xi32>
      %shift_left3A_461 = arith.constant 12 : i32
      %shift_left3A_462 = vector.broadcast %shift_left3A_461 : i32 to vector<16xi32>
      %shift_left3A_463 = arith.shli %and3A_460, %shift_left3A_462 : vector<16xi32>
      %or3A_464 = arith.ori %or3A_454, %shift_left3A_463 : vector<16xi32>
      %shift_right_logical3A_465 = arith.constant 4 : i32
      %shift_right_logical3A_466 = vector.broadcast %shift_right_logical3A_465 : i32 to vector<16xi32>
      %shift_right_logical3A_467 = arith.shrui %get3A_182, %shift_right_logical3A_466 : vector<16xi32>
      %and3A_468 = arith.constant 4080 : i32
      %and3A_469 = vector.broadcast %and3A_468 : i32 to vector<16xi32>
      %and3A_470 = arith.andi %shift_right_logical3A_467, %and3A_469 : vector<16xi32>
      %or3A_471 = arith.ori %and3A_470, %shift_right_logical3A_338 : vector<16xi32>
      %shift_right_logical3A_472 = arith.constant 7 : i32
      %shift_right_logical3A_473 = vector.broadcast %shift_right_logical3A_472 : i32 to vector<16xi32>
      %shift_right_logical3A_474 = arith.shrui %gather3A_266, %shift_right_logical3A_473 : vector<16xi32>
      %and3A_475 = arith.constant 3 : i32
      %and3A_476 = vector.broadcast %and3A_475 : i32 to vector<16xi32>
      %and3A_477 = arith.andi %shift_right_logical3A_474, %and3A_476 : vector<16xi32>
      %shift_left3A_478 = arith.constant 12 : i32
      %shift_left3A_479 = vector.broadcast %shift_left3A_478 : i32 to vector<16xi32>
      %shift_left3A_480 = arith.shli %and3A_477, %shift_left3A_479 : vector<16xi32>
      %or3A_481 = arith.ori %or3A_471, %shift_left3A_480 : vector<16xi32>
      tpu.vector_store_idx %arg9[%or3A_275], %get3A_168 : memref<8192xi32, #tpu.memory_space<vmem>>[vector<16xi32>], vector<16xi32>,
      tpu.vector_store_idx %arg9[%or3A_285], %get3A_170 : memref<8192xi32, #tpu.memory_space<vmem>>[vector<16xi32>], vector<16xi32>,
      tpu.vector_store_idx %arg9[%or3A_295], %get3A_172 : memref<8192xi32, #tpu.memory_space<vmem>>[vector<16xi32>], vector<16xi32>,
      tpu.vector_store_idx %arg9[%or3A_305], %get3A_174 : memref<8192xi32, #tpu.memory_space<vmem>>[vector<16xi32>], vector<16xi32>,
      tpu.vector_store_idx %arg10[%or3A_315], %get3A_176 : memref<8192xi32, #tpu.memory_space<vmem>>[vector<16xi32>], vector<16xi32>,
      tpu.vector_store_idx %arg10[%or3A_325], %get3A_178 : memref<8192xi32, #tpu.memory_space<vmem>>[vector<16xi32>], vector<16xi32>,
      tpu.vector_store_idx %arg10[%or3A_335], %get3A_180 : memref<8192xi32, #tpu.memory_space<vmem>>[vector<16xi32>], vector<16xi32>,
      tpu.vector_store_idx %arg10[%or3A_345], %get3A_182 : memref<8192xi32, #tpu.memory_space<vmem>>[vector<16xi32>], vector<16xi32>,
      tpu.vector_store_idx %arg11[%or3A_275], %add3A_132 : memref<8192xi32, #tpu.memory_space<vmem>>[vector<16xi32>], vector<16xi32>,
      tpu.vector_store_idx %arg11[%or3A_285], %add3A_137 : memref<8192xi32, #tpu.memory_space<vmem>>[vector<16xi32>], vector<16xi32>,
      tpu.vector_store_idx %arg11[%or3A_295], %add3A_142 : memref<8192xi32, #tpu.memory_space<vmem>>[vector<16xi32>], vector<16xi32>,
      tpu.vector_store_idx %arg11[%or3A_305], %add3A_147 : memref<8192xi32, #tpu.memory_space<vmem>>[vector<16xi32>], vector<16xi32>,
      tpu.vector_store_idx %arg12[%or3A_315], %add3A_152 : memref<8192xi32, #tpu.memory_space<vmem>>[vector<16xi32>], vector<16xi32>,
      tpu.vector_store_idx %arg12[%or3A_325], %add3A_157 : memref<8192xi32, #tpu.memory_space<vmem>>[vector<16xi32>], vector<16xi32>,
      tpu.vector_store_idx %arg12[%or3A_335], %add3A_162 : memref<8192xi32, #tpu.memory_space<vmem>>[vector<16xi32>], vector<16xi32>,
      tpu.vector_store_idx %arg12[%or3A_345], %add3A_167 : memref<8192xi32, #tpu.memory_space<vmem>>[vector<16xi32>], vector<16xi32>,
      tpu.vector_store_idx %arg13[%add3A_189], %broadcast_in_dim3A_4 {add = true} : memref<16384xi32, #tpu.memory_space<vmem>>[vector<16xi32>], vector<16xi32>,
      tpu.vector_store_idx %arg13[%add3A_199], %broadcast_in_dim3A_4 {add = true} : memref<16384xi32, #tpu.memory_space<vmem>>[vector<16xi32>], vector<16xi32>,
      tpu.vector_store_idx %arg13[%add3A_209], %broadcast_in_dim3A_4 {add = true} : memref<16384xi32, #tpu.memory_space<vmem>>[vector<16xi32>], vector<16xi32>,
      tpu.vector_store_idx %arg13[%add3A_219], %broadcast_in_dim3A_4 {add = true} : memref<16384xi32, #tpu.memory_space<vmem>>[vector<16xi32>], vector<16xi32>,
      tpu.vector_store_idx %arg14[%add3A_229], %broadcast_in_dim3A_4 {add = true} : memref<16384xi32, #tpu.memory_space<vmem>>[vector<16xi32>], vector<16xi32>,
      tpu.vector_store_idx %arg14[%add3A_239], %broadcast_in_dim3A_4 {add = true} : memref<16384xi32, #tpu.memory_space<vmem>>[vector<16xi32>], vector<16xi32>,
      tpu.vector_store_idx %arg14[%add3A_249], %broadcast_in_dim3A_4 {add = true} : memref<16384xi32, #tpu.memory_space<vmem>>[vector<16xi32>], vector<16xi32>,
      tpu.vector_store_idx %arg14[%add3A_259], %broadcast_in_dim3A_4 {add = true} : memref<16384xi32, #tpu.memory_space<vmem>>[vector<16xi32>], vector<16xi32>,
      tpu.vector_store_idx %arg15[%or3A_362], %broadcast_in_dim3A_4 {add = true} : memref<16384xi32, #tpu.memory_space<vmem>>[vector<16xi32>], vector<16xi32>,
      tpu.vector_store_idx %arg15[%or3A_379], %broadcast_in_dim3A_4 {add = true} : memref<16384xi32, #tpu.memory_space<vmem>>[vector<16xi32>], vector<16xi32>,
      tpu.vector_store_idx %arg15[%or3A_396], %broadcast_in_dim3A_4 {add = true} : memref<16384xi32, #tpu.memory_space<vmem>>[vector<16xi32>], vector<16xi32>,
      tpu.vector_store_idx %arg15[%or3A_413], %broadcast_in_dim3A_4 {add = true} : memref<16384xi32, #tpu.memory_space<vmem>>[vector<16xi32>], vector<16xi32>,
      tpu.vector_store_idx %arg16[%or3A_430], %broadcast_in_dim3A_4 {add = true} : memref<16384xi32, #tpu.memory_space<vmem>>[vector<16xi32>], vector<16xi32>,
      tpu.vector_store_idx %arg16[%or3A_447], %broadcast_in_dim3A_4 {add = true} : memref<16384xi32, #tpu.memory_space<vmem>>[vector<16xi32>], vector<16xi32>,
      tpu.vector_store_idx %arg16[%or3A_464], %broadcast_in_dim3A_4 {add = true} : memref<16384xi32, #tpu.memory_space<vmem>>[vector<16xi32>], vector<16xi32>,
      tpu.vector_store_idx %arg16[%or3A_481], %broadcast_in_dim3A_4 {add = true} : memref<16384xi32, #tpu.memory_space<vmem>>[vector<16xi32>], vector<16xi32>,
      %scan3A_482 = arith.constant 0 : i32
      %scan3A_483 = arith.constant 1 : i32
      %scan3A_484 = arith.addi %scan3A_94, %scan3A_483 : i32
      %add3A_485 = arith.constant 0 : i32
      %add3A_486 = arith.addi %scan3A_484, %add3A_485 : i32
      %mul3A_487 = arith.constant 16 : i32
      %mul3A_488 = arith.muli %add3A_486, %mul3A_487 : i32
      %add3A_489 = arith.constant 128 : i32
      %add3A_490 = arith.addi %scan3A_484, %add3A_489 : i32
      %mul3A_491 = arith.constant 16 : i32
      %mul3A_492 = arith.muli %add3A_490, %mul3A_491 : i32
      %add3A_493 = arith.constant 256 : i32
      %add3A_494 = arith.addi %scan3A_484, %add3A_493 : i32
      %mul3A_495 = arith.constant 16 : i32
      %mul3A_496 = arith.muli %add3A_494, %mul3A_495 : i32
      %add3A_497 = arith.constant 384 : i32
      %add3A_498 = arith.addi %scan3A_484, %add3A_497 : i32
      %mul3A_499 = arith.constant 16 : i32
      %mul3A_500 = arith.muli %add3A_498, %mul3A_499 : i32
      %add3A_501 = arith.constant 0 : i32
      %add3A_502 = arith.addi %scan3A_484, %add3A_501 : i32
      %mul3A_503 = arith.constant 16 : i32
      %mul3A_504 = arith.muli %add3A_502, %mul3A_503 : i32
      %add3A_505 = arith.constant 128 : i32
      %add3A_506 = arith.addi %scan3A_484, %add3A_505 : i32
      %mul3A_507 = arith.constant 16 : i32
      %mul3A_508 = arith.muli %add3A_506, %mul3A_507 : i32
      %add3A_509 = arith.constant 256 : i32
      %add3A_510 = arith.addi %scan3A_484, %add3A_509 : i32
      %mul3A_511 = arith.constant 16 : i32
      %mul3A_512 = arith.muli %add3A_510, %mul3A_511 : i32
      %add3A_513 = arith.constant 384 : i32
      %add3A_514 = arith.addi %scan3A_484, %add3A_513 : i32
      %mul3A_515 = arith.constant 16 : i32
      %mul3A_516 = arith.muli %add3A_514, %mul3A_515 : i32
      %add3A_517 = vector.broadcast %scan3A_484 : i32 to vector<16xi32>
      %add3A_518 = arith.addi %mul3A_3, %add3A_517 : vector<16xi32>
      %add3A_519 = arith.constant 0 : i32
      %add3A_520 = vector.broadcast %add3A_519 : i32 to vector<16xi32>
      %add3A_521 = arith.addi %add3A_518, %add3A_520 : vector<16xi32>
      %add3A_522 = vector.broadcast %scan3A_484 : i32 to vector<16xi32>
      %add3A_523 = arith.addi %mul3A_3, %add3A_522 : vector<16xi32>
      %add3A_524 = arith.constant 128 : i32
      %add3A_525 = vector.broadcast %add3A_524 : i32 to vector<16xi32>
      %add3A_526 = arith.addi %add3A_523, %add3A_525 : vector<16xi32>
      %add3A_527 = vector.broadcast %scan3A_484 : i32 to vector<16xi32>
      %add3A_528 = arith.addi %mul3A_3, %add3A_527 : vector<16xi32>
      %add3A_529 = arith.constant 256 : i32
      %add3A_530 = vector.broadcast %add3A_529 : i32 to vector<16xi32>
      %add3A_531 = arith.addi %add3A_528, %add3A_530 : vector<16xi32>
      %add3A_532 = vector.broadcast %scan3A_484 : i32 to vector<16xi32>
      %add3A_533 = arith.addi %mul3A_3, %add3A_532 : vector<16xi32>
      %add3A_534 = arith.constant 384 : i32
      %add3A_535 = vector.broadcast %add3A_534 : i32 to vector<16xi32>
      %add3A_536 = arith.addi %add3A_533, %add3A_535 : vector<16xi32>
      %add3A_537 = vector.broadcast %scan3A_484 : i32 to vector<16xi32>
      %add3A_538 = arith.addi %mul3A_3, %add3A_537 : vector<16xi32>
      %add3A_539 = arith.constant 0 : i32
      %add3A_540 = vector.broadcast %add3A_539 : i32 to vector<16xi32>
      %add3A_541 = arith.addi %add3A_538, %add3A_540 : vector<16xi32>
      %add3A_542 = vector.broadcast %scan3A_484 : i32 to vector<16xi32>
      %add3A_543 = arith.addi %mul3A_3, %add3A_542 : vector<16xi32>
      %add3A_544 = arith.constant 128 : i32
      %add3A_545 = vector.broadcast %add3A_544 : i32 to vector<16xi32>
      %add3A_546 = arith.addi %add3A_543, %add3A_545 : vector<16xi32>
      %add3A_547 = vector.broadcast %scan3A_484 : i32 to vector<16xi32>
      %add3A_548 = arith.addi %mul3A_3, %add3A_547 : vector<16xi32>
      %add3A_549 = arith.constant 256 : i32
      %add3A_550 = vector.broadcast %add3A_549 : i32 to vector<16xi32>
      %add3A_551 = arith.addi %add3A_548, %add3A_550 : vector<16xi32>
      %add3A_552 = vector.broadcast %scan3A_484 : i32 to vector<16xi32>
      %add3A_553 = arith.addi %mul3A_3, %add3A_552 : vector<16xi32>
      %add3A_554 = arith.constant 384 : i32
      %add3A_555 = vector.broadcast %add3A_554 : i32 to vector<16xi32>
      %add3A_556 = arith.addi %add3A_553, %add3A_555 : vector<16xi32>
      %get3A_557 = arith.index_cast %mul3A_488 : i32 to index
      %get3A_558 = tpu.vector_load %arg7[%get3A_557] {strides = array<i32>} : memref<8192xi32, #tpu.memory_space<vmem>>, vector<16xi32>,
      %get3A_559 = arith.index_cast %mul3A_492 : i32 to index
      %get3A_560 = tpu.vector_load %arg7[%get3A_559] {strides = array<i32>} : memref<8192xi32, #tpu.memory_space<vmem>>, vector<16xi32>,
      %get3A_561 = arith.index_cast %mul3A_496 : i32 to index
      %get3A_562 = tpu.vector_load %arg7[%get3A_561] {strides = array<i32>} : memref<8192xi32, #tpu.memory_space<vmem>>, vector<16xi32>,
      %get3A_563 = arith.index_cast %mul3A_500 : i32 to index
      %get3A_564 = tpu.vector_load %arg7[%get3A_563] {strides = array<i32>} : memref<8192xi32, #tpu.memory_space<vmem>>, vector<16xi32>,
      %get3A_565 = arith.index_cast %mul3A_504 : i32 to index
      %get3A_566 = tpu.vector_load %arg8[%get3A_565] {strides = array<i32>} : memref<8192xi32, #tpu.memory_space<vmem>>, vector<16xi32>,
      %get3A_567 = arith.index_cast %mul3A_508 : i32 to index
      %get3A_568 = tpu.vector_load %arg8[%get3A_567] {strides = array<i32>} : memref<8192xi32, #tpu.memory_space<vmem>>, vector<16xi32>,
      %get3A_569 = arith.index_cast %mul3A_512 : i32 to index
      %get3A_570 = tpu.vector_load %arg8[%get3A_569] {strides = array<i32>} : memref<8192xi32, #tpu.memory_space<vmem>>, vector<16xi32>,
      %get3A_571 = arith.index_cast %mul3A_516 : i32 to index
      %get3A_572 = tpu.vector_load %arg8[%get3A_571] {strides = array<i32>} : memref<8192xi32, #tpu.memory_space<vmem>>, vector<16xi32>,
      %shift_left3A_573 = arith.constant 4 : i32
      %shift_left3A_574 = vector.broadcast %shift_left3A_573 : i32 to vector<16xi32>
      %shift_left3A_575 = arith.shli %get3A_558, %shift_left3A_574 : vector<16xi32>
      %or3A_576 = arith.ori %shift_left3A_575, %iota3A : vector<16xi32>
      %and3A_577 = arith.constant 4095 : i32
      %and3A_578 = vector.broadcast %and3A_577 : i32 to vector<16xi32>
      %and3A_579 = arith.andi %or3A_576, %and3A_578 : vector<16xi32>
      %add3A_580 = arith.constant 0 : i32
      %add3A_581 = vector.broadcast %add3A_580 : i32 to vector<16xi32>
      %add3A_582 = arith.addi %and3A_579, %add3A_581 : vector<16xi32>
      %shift_left3A_583 = arith.constant 4 : i32
      %shift_left3A_584 = vector.broadcast %shift_left3A_583 : i32 to vector<16xi32>
      %shift_left3A_585 = arith.shli %get3A_560, %shift_left3A_584 : vector<16xi32>
      %or3A_586 = arith.ori %shift_left3A_585, %iota3A : vector<16xi32>
      %and3A_587 = arith.constant 4095 : i32
      %and3A_588 = vector.broadcast %and3A_587 : i32 to vector<16xi32>
      %and3A_589 = arith.andi %or3A_586, %and3A_588 : vector<16xi32>
      %add3A_590 = arith.constant 4096 : i32
      %add3A_591 = vector.broadcast %add3A_590 : i32 to vector<16xi32>
      %add3A_592 = arith.addi %and3A_589, %add3A_591 : vector<16xi32>
      %shift_left3A_593 = arith.constant 4 : i32
      %shift_left3A_594 = vector.broadcast %shift_left3A_593 : i32 to vector<16xi32>
      %shift_left3A_595 = arith.shli %get3A_562, %shift_left3A_594 : vector<16xi32>
      %or3A_596 = arith.ori %shift_left3A_595, %iota3A : vector<16xi32>
      %and3A_597 = arith.constant 4095 : i32
      %and3A_598 = vector.broadcast %and3A_597 : i32 to vector<16xi32>
      %and3A_599 = arith.andi %or3A_596, %and3A_598 : vector<16xi32>
      %add3A_600 = arith.constant 8192 : i32
      %add3A_601 = vector.broadcast %add3A_600 : i32 to vector<16xi32>
      %add3A_602 = arith.addi %and3A_599, %add3A_601 : vector<16xi32>
      %shift_left3A_603 = arith.constant 4 : i32
      %shift_left3A_604 = vector.broadcast %shift_left3A_603 : i32 to vector<16xi32>
      %shift_left3A_605 = arith.shli %get3A_564, %shift_left3A_604 : vector<16xi32>
      %or3A_606 = arith.ori %shift_left3A_605, %iota3A : vector<16xi32>
      %and3A_607 = arith.constant 4095 : i32
      %and3A_608 = vector.broadcast %and3A_607 : i32 to vector<16xi32>
      %and3A_609 = arith.andi %or3A_606, %and3A_608 : vector<16xi32>
      %add3A_610 = arith.constant 12288 : i32
      %add3A_611 = vector.broadcast %add3A_610 : i32 to vector<16xi32>
      %add3A_612 = arith.addi %and3A_609, %add3A_611 : vector<16xi32>
      %shift_left3A_613 = arith.constant 4 : i32
      %shift_left3A_614 = vector.broadcast %shift_left3A_613 : i32 to vector<16xi32>
      %shift_left3A_615 = arith.shli %get3A_566, %shift_left3A_614 : vector<16xi32>
      %or3A_616 = arith.ori %shift_left3A_615, %iota3A : vector<16xi32>
      %and3A_617 = arith.constant 4095 : i32
      %and3A_618 = vector.broadcast %and3A_617 : i32 to vector<16xi32>
      %and3A_619 = arith.andi %or3A_616, %and3A_618 : vector<16xi32>
      %add3A_620 = arith.constant 0 : i32
      %add3A_621 = vector.broadcast %add3A_620 : i32 to vector<16xi32>
      %add3A_622 = arith.addi %and3A_619, %add3A_621 : vector<16xi32>
      %shift_left3A_623 = arith.constant 4 : i32
      %shift_left3A_624 = vector.broadcast %shift_left3A_623 : i32 to vector<16xi32>
      %shift_left3A_625 = arith.shli %get3A_568, %shift_left3A_624 : vector<16xi32>
      %or3A_626 = arith.ori %shift_left3A_625, %iota3A : vector<16xi32>
      %and3A_627 = arith.constant 4095 : i32
      %and3A_628 = vector.broadcast %and3A_627 : i32 to vector<16xi32>
      %and3A_629 = arith.andi %or3A_626, %and3A_628 : vector<16xi32>
      %add3A_630 = arith.constant 4096 : i32
      %add3A_631 = vector.broadcast %add3A_630 : i32 to vector<16xi32>
      %add3A_632 = arith.addi %and3A_629, %add3A_631 : vector<16xi32>
      %shift_left3A_633 = arith.constant 4 : i32
      %shift_left3A_634 = vector.broadcast %shift_left3A_633 : i32 to vector<16xi32>
      %shift_left3A_635 = arith.shli %get3A_570, %shift_left3A_634 : vector<16xi32>
      %or3A_636 = arith.ori %shift_left3A_635, %iota3A : vector<16xi32>
      %and3A_637 = arith.constant 4095 : i32
      %and3A_638 = vector.broadcast %and3A_637 : i32 to vector<16xi32>
      %and3A_639 = arith.andi %or3A_636, %and3A_638 : vector<16xi32>
      %add3A_640 = arith.constant 8192 : i32
      %add3A_641 = vector.broadcast %add3A_640 : i32 to vector<16xi32>
      %add3A_642 = arith.addi %and3A_639, %add3A_641 : vector<16xi32>
      %shift_left3A_643 = arith.constant 4 : i32
      %shift_left3A_644 = vector.broadcast %shift_left3A_643 : i32 to vector<16xi32>
      %shift_left3A_645 = arith.shli %get3A_572, %shift_left3A_644 : vector<16xi32>
      %or3A_646 = arith.ori %shift_left3A_645, %iota3A : vector<16xi32>
      %and3A_647 = arith.constant 4095 : i32
      %and3A_648 = vector.broadcast %and3A_647 : i32 to vector<16xi32>
      %and3A_649 = arith.andi %or3A_646, %and3A_648 : vector<16xi32>
      %add3A_650 = arith.constant 12288 : i32
      %add3A_651 = vector.broadcast %add3A_650 : i32 to vector<16xi32>
      %add3A_652 = arith.addi %and3A_649, %add3A_651 : vector<16xi32>
      %gather3A_653 = tpu.vector_load_idx %arg13[%add3A_582] : memref<16384xi32, #tpu.memory_space<vmem>>[vector<16xi32>], vector<16xi32>,
      %gather3A_654 = tpu.vector_load_idx %arg13[%add3A_592] : memref<16384xi32, #tpu.memory_space<vmem>>[vector<16xi32>], vector<16xi32>,
      %gather3A_655 = tpu.vector_load_idx %arg13[%add3A_602] : memref<16384xi32, #tpu.memory_space<vmem>>[vector<16xi32>], vector<16xi32>,
      %gather3A_656 = tpu.vector_load_idx %arg13[%add3A_612] : memref<16384xi32, #tpu.memory_space<vmem>>[vector<16xi32>], vector<16xi32>,
      %gather3A_657 = tpu.vector_load_idx %arg14[%add3A_622] : memref<16384xi32, #tpu.memory_space<vmem>>[vector<16xi32>], vector<16xi32>,
      %gather3A_658 = tpu.vector_load_idx %arg14[%add3A_632] : memref<16384xi32, #tpu.memory_space<vmem>>[vector<16xi32>], vector<16xi32>,
      %gather3A_659 = tpu.vector_load_idx %arg14[%add3A_642] : memref<16384xi32, #tpu.memory_space<vmem>>[vector<16xi32>], vector<16xi32>,
      %gather3A_660 = tpu.vector_load_idx %arg14[%add3A_652] : memref<16384xi32, #tpu.memory_space<vmem>>[vector<16xi32>], vector<16xi32>,
      %shift_right_logical3A_661 = arith.constant 9 : i32
      %shift_right_logical3A_662 = vector.broadcast %shift_right_logical3A_661 : i32 to vector<16xi32>
      %shift_right_logical3A_663 = arith.shrui %gather3A_653, %shift_right_logical3A_662 : vector<16xi32>
      %and3A_664 = arith.constant 511 : i32
      %and3A_665 = vector.broadcast %and3A_664 : i32 to vector<16xi32>
      %and3A_666 = arith.andi %gather3A_653, %and3A_665 : vector<16xi32>
      %shift_left3A_667 = arith.constant 4 : i32
      %shift_left3A_668 = vector.broadcast %shift_left3A_667 : i32 to vector<16xi32>
      %shift_left3A_669 = arith.shli %and3A_666, %shift_left3A_668 : vector<16xi32>
      %or3A_670 = arith.ori %shift_left3A_669, %shift_right_logical3A_663 : vector<16xi32>
      %shift_right_logical3A_671 = arith.constant 9 : i32
      %shift_right_logical3A_672 = vector.broadcast %shift_right_logical3A_671 : i32 to vector<16xi32>
      %shift_right_logical3A_673 = arith.shrui %gather3A_654, %shift_right_logical3A_672 : vector<16xi32>
      %and3A_674 = arith.constant 511 : i32
      %and3A_675 = vector.broadcast %and3A_674 : i32 to vector<16xi32>
      %and3A_676 = arith.andi %gather3A_654, %and3A_675 : vector<16xi32>
      %shift_left3A_677 = arith.constant 4 : i32
      %shift_left3A_678 = vector.broadcast %shift_left3A_677 : i32 to vector<16xi32>
      %shift_left3A_679 = arith.shli %and3A_676, %shift_left3A_678 : vector<16xi32>
      %or3A_680 = arith.ori %shift_left3A_679, %shift_right_logical3A_673 : vector<16xi32>
      %shift_right_logical3A_681 = arith.constant 9 : i32
      %shift_right_logical3A_682 = vector.broadcast %shift_right_logical3A_681 : i32 to vector<16xi32>
      %shift_right_logical3A_683 = arith.shrui %gather3A_655, %shift_right_logical3A_682 : vector<16xi32>
      %and3A_684 = arith.constant 511 : i32
      %and3A_685 = vector.broadcast %and3A_684 : i32 to vector<16xi32>
      %and3A_686 = arith.andi %gather3A_655, %and3A_685 : vector<16xi32>
      %shift_left3A_687 = arith.constant 4 : i32
      %shift_left3A_688 = vector.broadcast %shift_left3A_687 : i32 to vector<16xi32>
      %shift_left3A_689 = arith.shli %and3A_686, %shift_left3A_688 : vector<16xi32>
      %or3A_690 = arith.ori %shift_left3A_689, %shift_right_logical3A_683 : vector<16xi32>
      %shift_right_logical3A_691 = arith.constant 9 : i32
      %shift_right_logical3A_692 = vector.broadcast %shift_right_logical3A_691 : i32 to vector<16xi32>
      %shift_right_logical3A_693 = arith.shrui %gather3A_656, %shift_right_logical3A_692 : vector<16xi32>
      %and3A_694 = arith.constant 511 : i32
      %and3A_695 = vector.broadcast %and3A_694 : i32 to vector<16xi32>
      %and3A_696 = arith.andi %gather3A_656, %and3A_695 : vector<16xi32>
      %shift_left3A_697 = arith.constant 4 : i32
      %shift_left3A_698 = vector.broadcast %shift_left3A_697 : i32 to vector<16xi32>
      %shift_left3A_699 = arith.shli %and3A_696, %shift_left3A_698 : vector<16xi32>
      %or3A_700 = arith.ori %shift_left3A_699, %shift_right_logical3A_693 : vector<16xi32>
      %shift_right_logical3A_701 = arith.constant 9 : i32
      %shift_right_logical3A_702 = vector.broadcast %shift_right_logical3A_701 : i32 to vector<16xi32>
      %shift_right_logical3A_703 = arith.shrui %gather3A_657, %shift_right_logical3A_702 : vector<16xi32>
      %and3A_704 = arith.constant 511 : i32
      %and3A_705 = vector.broadcast %and3A_704 : i32 to vector<16xi32>
      %and3A_706 = arith.andi %gather3A_657, %and3A_705 : vector<16xi32>
      %shift_left3A_707 = arith.constant 4 : i32
      %shift_left3A_708 = vector.broadcast %shift_left3A_707 : i32 to vector<16xi32>
      %shift_left3A_709 = arith.shli %and3A_706, %shift_left3A_708 : vector<16xi32>
      %or3A_710 = arith.ori %shift_left3A_709, %shift_right_logical3A_703 : vector<16xi32>
      %shift_right_logical3A_711 = arith.constant 9 : i32
      %shift_right_logical3A_712 = vector.broadcast %shift_right_logical3A_711 : i32 to vector<16xi32>
      %shift_right_logical3A_713 = arith.shrui %gather3A_658, %shift_right_logical3A_712 : vector<16xi32>
      %and3A_714 = arith.constant 511 : i32
      %and3A_715 = vector.broadcast %and3A_714 : i32 to vector<16xi32>
      %and3A_716 = arith.andi %gather3A_658, %and3A_715 : vector<16xi32>
      %shift_left3A_717 = arith.constant 4 : i32
      %shift_left3A_718 = vector.broadcast %shift_left3A_717 : i32 to vector<16xi32>
      %shift_left3A_719 = arith.shli %and3A_716, %shift_left3A_718 : vector<16xi32>
      %or3A_720 = arith.ori %shift_left3A_719, %shift_right_logical3A_713 : vector<16xi32>
      %shift_right_logical3A_721 = arith.constant 9 : i32
      %shift_right_logical3A_722 = vector.broadcast %shift_right_logical3A_721 : i32 to vector<16xi32>
      %shift_right_logical3A_723 = arith.shrui %gather3A_659, %shift_right_logical3A_722 : vector<16xi32>
      %and3A_724 = arith.constant 511 : i32
      %and3A_725 = vector.broadcast %and3A_724 : i32 to vector<16xi32>
      %and3A_726 = arith.andi %gather3A_659, %and3A_725 : vector<16xi32>
      %shift_left3A_727 = arith.constant 4 : i32
      %shift_left3A_728 = vector.broadcast %shift_left3A_727 : i32 to vector<16xi32>
      %shift_left3A_729 = arith.shli %and3A_726, %shift_left3A_728 : vector<16xi32>
      %or3A_730 = arith.ori %shift_left3A_729, %shift_right_logical3A_723 : vector<16xi32>
      %shift_right_logical3A_731 = arith.constant 9 : i32
      %shift_right_logical3A_732 = vector.broadcast %shift_right_logical3A_731 : i32 to vector<16xi32>
      %shift_right_logical3A_733 = arith.shrui %gather3A_660, %shift_right_logical3A_732 : vector<16xi32>
      %and3A_734 = arith.constant 511 : i32
      %and3A_735 = vector.broadcast %and3A_734 : i32 to vector<16xi32>
      %and3A_736 = arith.andi %gather3A_660, %and3A_735 : vector<16xi32>
      %shift_left3A_737 = arith.constant 4 : i32
      %shift_left3A_738 = vector.broadcast %shift_left3A_737 : i32 to vector<16xi32>
      %shift_left3A_739 = arith.shli %and3A_736, %shift_left3A_738 : vector<16xi32>
      %or3A_740 = arith.ori %shift_left3A_739, %shift_right_logical3A_733 : vector<16xi32>
      %shift_right_logical3A_741 = arith.constant 4 : i32
      %shift_right_logical3A_742 = vector.broadcast %shift_right_logical3A_741 : i32 to vector<16xi32>
      %shift_right_logical3A_743 = arith.shrui %get3A_558, %shift_right_logical3A_742 : vector<16xi32>
      %and3A_744 = arith.constant 4080 : i32
      %and3A_745 = vector.broadcast %and3A_744 : i32 to vector<16xi32>
      %and3A_746 = arith.andi %shift_right_logical3A_743, %and3A_745 : vector<16xi32>
      %or3A_747 = arith.ori %and3A_746, %shift_right_logical3A_663 : vector<16xi32>
      %shift_right_logical3A_748 = arith.constant 7 : i32
      %shift_right_logical3A_749 = vector.broadcast %shift_right_logical3A_748 : i32 to vector<16xi32>
      %shift_right_logical3A_750 = arith.shrui %gather3A_653, %shift_right_logical3A_749 : vector<16xi32>
      %and3A_751 = arith.constant 3 : i32
      %and3A_752 = vector.broadcast %and3A_751 : i32 to vector<16xi32>
      %and3A_753 = arith.andi %shift_right_logical3A_750, %and3A_752 : vector<16xi32>
      %shift_left3A_754 = arith.constant 12 : i32
      %shift_left3A_755 = vector.broadcast %shift_left3A_754 : i32 to vector<16xi32>
      %shift_left3A_756 = arith.shli %and3A_753, %shift_left3A_755 : vector<16xi32>
      %or3A_757 = arith.ori %or3A_747, %shift_left3A_756 : vector<16xi32>
      %shift_right_logical3A_758 = arith.constant 4 : i32
      %shift_right_logical3A_759 = vector.broadcast %shift_right_logical3A_758 : i32 to vector<16xi32>
      %shift_right_logical3A_760 = arith.shrui %get3A_560, %shift_right_logical3A_759 : vector<16xi32>
      %and3A_761 = arith.constant 4080 : i32
      %and3A_762 = vector.broadcast %and3A_761 : i32 to vector<16xi32>
      %and3A_763 = arith.andi %shift_right_logical3A_760, %and3A_762 : vector<16xi32>
      %or3A_764 = arith.ori %and3A_763, %shift_right_logical3A_673 : vector<16xi32>
      %shift_right_logical3A_765 = arith.constant 7 : i32
      %shift_right_logical3A_766 = vector.broadcast %shift_right_logical3A_765 : i32 to vector<16xi32>
      %shift_right_logical3A_767 = arith.shrui %gather3A_654, %shift_right_logical3A_766 : vector<16xi32>
      %and3A_768 = arith.constant 3 : i32
      %and3A_769 = vector.broadcast %and3A_768 : i32 to vector<16xi32>
      %and3A_770 = arith.andi %shift_right_logical3A_767, %and3A_769 : vector<16xi32>
      %shift_left3A_771 = arith.constant 12 : i32
      %shift_left3A_772 = vector.broadcast %shift_left3A_771 : i32 to vector<16xi32>
      %shift_left3A_773 = arith.shli %and3A_770, %shift_left3A_772 : vector<16xi32>
      %or3A_774 = arith.ori %or3A_764, %shift_left3A_773 : vector<16xi32>
      %shift_right_logical3A_775 = arith.constant 4 : i32
      %shift_right_logical3A_776 = vector.broadcast %shift_right_logical3A_775 : i32 to vector<16xi32>
      %shift_right_logical3A_777 = arith.shrui %get3A_562, %shift_right_logical3A_776 : vector<16xi32>
      %and3A_778 = arith.constant 4080 : i32
      %and3A_779 = vector.broadcast %and3A_778 : i32 to vector<16xi32>
      %and3A_780 = arith.andi %shift_right_logical3A_777, %and3A_779 : vector<16xi32>
      %or3A_781 = arith.ori %and3A_780, %shift_right_logical3A_683 : vector<16xi32>
      %shift_right_logical3A_782 = arith.constant 7 : i32
      %shift_right_logical3A_783 = vector.broadcast %shift_right_logical3A_782 : i32 to vector<16xi32>
      %shift_right_logical3A_784 = arith.shrui %gather3A_655, %shift_right_logical3A_783 : vector<16xi32>
      %and3A_785 = arith.constant 3 : i32
      %and3A_786 = vector.broadcast %and3A_785 : i32 to vector<16xi32>
      %and3A_787 = arith.andi %shift_right_logical3A_784, %and3A_786 : vector<16xi32>
      %shift_left3A_788 = arith.constant 12 : i32
      %shift_left3A_789 = vector.broadcast %shift_left3A_788 : i32 to vector<16xi32>
      %shift_left3A_790 = arith.shli %and3A_787, %shift_left3A_789 : vector<16xi32>
      %or3A_791 = arith.ori %or3A_781, %shift_left3A_790 : vector<16xi32>
      %shift_right_logical3A_792 = arith.constant 4 : i32
      %shift_right_logical3A_793 = vector.broadcast %shift_right_logical3A_792 : i32 to vector<16xi32>
      %shift_right_logical3A_794 = arith.shrui %get3A_564, %shift_right_logical3A_793 : vector<16xi32>
      %and3A_795 = arith.constant 4080 : i32
      %and3A_796 = vector.broadcast %and3A_795 : i32 to vector<16xi32>
      %and3A_797 = arith.andi %shift_right_logical3A_794, %and3A_796 : vector<16xi32>
      %or3A_798 = arith.ori %and3A_797, %shift_right_logical3A_693 : vector<16xi32>
      %shift_right_logical3A_799 = arith.constant 7 : i32
      %shift_right_logical3A_800 = vector.broadcast %shift_right_logical3A_799 : i32 to vector<16xi32>
      %shift_right_logical3A_801 = arith.shrui %gather3A_656, %shift_right_logical3A_800 : vector<16xi32>
      %and3A_802 = arith.constant 3 : i32
      %and3A_803 = vector.broadcast %and3A_802 : i32 to vector<16xi32>
      %and3A_804 = arith.andi %shift_right_logical3A_801, %and3A_803 : vector<16xi32>
      %shift_left3A_805 = arith.constant 12 : i32
      %shift_left3A_806 = vector.broadcast %shift_left3A_805 : i32 to vector<16xi32>
      %shift_left3A_807 = arith.shli %and3A_804, %shift_left3A_806 : vector<16xi32>
      %or3A_808 = arith.ori %or3A_798, %shift_left3A_807 : vector<16xi32>
      %shift_right_logical3A_809 = arith.constant 4 : i32
      %shift_right_logical3A_810 = vector.broadcast %shift_right_logical3A_809 : i32 to vector<16xi32>
      %shift_right_logical3A_811 = arith.shrui %get3A_566, %shift_right_logical3A_810 : vector<16xi32>
      %and3A_812 = arith.constant 4080 : i32
      %and3A_813 = vector.broadcast %and3A_812 : i32 to vector<16xi32>
      %and3A_814 = arith.andi %shift_right_logical3A_811, %and3A_813 : vector<16xi32>
      %or3A_815 = arith.ori %and3A_814, %shift_right_logical3A_703 : vector<16xi32>
      %shift_right_logical3A_816 = arith.constant 7 : i32
      %shift_right_logical3A_817 = vector.broadcast %shift_right_logical3A_816 : i32 to vector<16xi32>
      %shift_right_logical3A_818 = arith.shrui %gather3A_657, %shift_right_logical3A_817 : vector<16xi32>
      %and3A_819 = arith.constant 3 : i32
      %and3A_820 = vector.broadcast %and3A_819 : i32 to vector<16xi32>
      %and3A_821 = arith.andi %shift_right_logical3A_818, %and3A_820 : vector<16xi32>
      %shift_left3A_822 = arith.constant 12 : i32
      %shift_left3A_823 = vector.broadcast %shift_left3A_822 : i32 to vector<16xi32>
      %shift_left3A_824 = arith.shli %and3A_821, %shift_left3A_823 : vector<16xi32>
      %or3A_825 = arith.ori %or3A_815, %shift_left3A_824 : vector<16xi32>
      %shift_right_logical3A_826 = arith.constant 4 : i32
      %shift_right_logical3A_827 = vector.broadcast %shift_right_logical3A_826 : i32 to vector<16xi32>
      %shift_right_logical3A_828 = arith.shrui %get3A_568, %shift_right_logical3A_827 : vector<16xi32>
      %and3A_829 = arith.constant 4080 : i32
      %and3A_830 = vector.broadcast %and3A_829 : i32 to vector<16xi32>
      %and3A_831 = arith.andi %shift_right_logical3A_828, %and3A_830 : vector<16xi32>
      %or3A_832 = arith.ori %and3A_831, %shift_right_logical3A_713 : vector<16xi32>
      %shift_right_logical3A_833 = arith.constant 7 : i32
      %shift_right_logical3A_834 = vector.broadcast %shift_right_logical3A_833 : i32 to vector<16xi32>
      %shift_right_logical3A_835 = arith.shrui %gather3A_658, %shift_right_logical3A_834 : vector<16xi32>
      %and3A_836 = arith.constant 3 : i32
      %and3A_837 = vector.broadcast %and3A_836 : i32 to vector<16xi32>
      %and3A_838 = arith.andi %shift_right_logical3A_835, %and3A_837 : vector<16xi32>
      %shift_left3A_839 = arith.constant 12 : i32
      %shift_left3A_840 = vector.broadcast %shift_left3A_839 : i32 to vector<16xi32>
      %shift_left3A_841 = arith.shli %and3A_838, %shift_left3A_840 : vector<16xi32>
      %or3A_842 = arith.ori %or3A_832, %shift_left3A_841 : vector<16xi32>
      %shift_right_logical3A_843 = arith.constant 4 : i32
      %shift_right_logical3A_844 = vector.broadcast %shift_right_logical3A_843 : i32 to vector<16xi32>
      %shift_right_logical3A_845 = arith.shrui %get3A_570, %shift_right_logical3A_844 : vector<16xi32>
      %and3A_846 = arith.constant 4080 : i32
      %and3A_847 = vector.broadcast %and3A_846 : i32 to vector<16xi32>
      %and3A_848 = arith.andi %shift_right_logical3A_845, %and3A_847 : vector<16xi32>
      %or3A_849 = arith.ori %and3A_848, %shift_right_logical3A_723 : vector<16xi32>
      %shift_right_logical3A_850 = arith.constant 7 : i32
      %shift_right_logical3A_851 = vector.broadcast %shift_right_logical3A_850 : i32 to vector<16xi32>
      %shift_right_logical3A_852 = arith.shrui %gather3A_659, %shift_right_logical3A_851 : vector<16xi32>
      %and3A_853 = arith.constant 3 : i32
      %and3A_854 = vector.broadcast %and3A_853 : i32 to vector<16xi32>
      %and3A_855 = arith.andi %shift_right_logical3A_852, %and3A_854 : vector<16xi32>
      %shift_left3A_856 = arith.constant 12 : i32
      %shift_left3A_857 = vector.broadcast %shift_left3A_856 : i32 to vector<16xi32>
      %shift_left3A_858 = arith.shli %and3A_855, %shift_left3A_857 : vector<16xi32>
      %or3A_859 = arith.ori %or3A_849, %shift_left3A_858 : vector<16xi32>
      %shift_right_logical3A_860 = arith.constant 4 : i32
      %shift_right_logical3A_861 = vector.broadcast %shift_right_logical3A_860 : i32 to vector<16xi32>
      %shift_right_logical3A_862 = arith.shrui %get3A_572, %shift_right_logical3A_861 : vector<16xi32>
      %and3A_863 = arith.constant 4080 : i32
      %and3A_864 = vector.broadcast %and3A_863 : i32 to vector<16xi32>
      %and3A_865 = arith.andi %shift_right_logical3A_862, %and3A_864 : vector<16xi32>
      %or3A_866 = arith.ori %and3A_865, %shift_right_logical3A_733 : vector<16xi32>
      %shift_right_logical3A_867 = arith.constant 7 : i32
      %shift_right_logical3A_868 = vector.broadcast %shift_right_logical3A_867 : i32 to vector<16xi32>
      %shift_right_logical3A_869 = arith.shrui %gather3A_660, %shift_right_logical3A_868 : vector<16xi32>
      %and3A_870 = arith.constant 3 : i32
      %and3A_871 = vector.broadcast %and3A_870 : i32 to vector<16xi32>
      %and3A_872 = arith.andi %shift_right_logical3A_869, %and3A_871 : vector<16xi32>
      %shift_left3A_873 = arith.constant 12 : i32
      %shift_left3A_874 = vector.broadcast %shift_left3A_873 : i32 to vector<16xi32>
      %shift_left3A_875 = arith.shli %and3A_872, %shift_left3A_874 : vector<16xi32>
      %or3A_876 = arith.ori %or3A_866, %shift_left3A_875 : vector<16xi32>
      tpu.vector_store_idx %arg9[%or3A_670], %get3A_558 : memref<8192xi32, #tpu.memory_space<vmem>>[vector<16xi32>], vector<16xi32>,
      tpu.vector_store_idx %arg9[%or3A_680], %get3A_560 : memref<8192xi32, #tpu.memory_space<vmem>>[vector<16xi32>], vector<16xi32>,
      tpu.vector_store_idx %arg9[%or3A_690], %get3A_562 : memref<8192xi32, #tpu.memory_space<vmem>>[vector<16xi32>], vector<16xi32>,
      tpu.vector_store_idx %arg9[%or3A_700], %get3A_564 : memref<8192xi32, #tpu.memory_space<vmem>>[vector<16xi32>], vector<16xi32>,
      tpu.vector_store_idx %arg10[%or3A_710], %get3A_566 : memref<8192xi32, #tpu.memory_space<vmem>>[vector<16xi32>], vector<16xi32>,
      tpu.vector_store_idx %arg10[%or3A_720], %get3A_568 : memref<8192xi32, #tpu.memory_space<vmem>>[vector<16xi32>], vector<16xi32>,
      tpu.vector_store_idx %arg10[%or3A_730], %get3A_570 : memref<8192xi32, #tpu.memory_space<vmem>>[vector<16xi32>], vector<16xi32>,
      tpu.vector_store_idx %arg10[%or3A_740], %get3A_572 : memref<8192xi32, #tpu.memory_space<vmem>>[vector<16xi32>], vector<16xi32>,
      tpu.vector_store_idx %arg11[%or3A_670], %add3A_521 : memref<8192xi32, #tpu.memory_space<vmem>>[vector<16xi32>], vector<16xi32>,
      tpu.vector_store_idx %arg11[%or3A_680], %add3A_526 : memref<8192xi32, #tpu.memory_space<vmem>>[vector<16xi32>], vector<16xi32>,
      tpu.vector_store_idx %arg11[%or3A_690], %add3A_531 : memref<8192xi32, #tpu.memory_space<vmem>>[vector<16xi32>], vector<16xi32>,
      tpu.vector_store_idx %arg11[%or3A_700], %add3A_536 : memref<8192xi32, #tpu.memory_space<vmem>>[vector<16xi32>], vector<16xi32>,
      tpu.vector_store_idx %arg12[%or3A_710], %add3A_541 : memref<8192xi32, #tpu.memory_space<vmem>>[vector<16xi32>], vector<16xi32>,
      tpu.vector_store_idx %arg12[%or3A_720], %add3A_546 : memref<8192xi32, #tpu.memory_space<vmem>>[vector<16xi32>], vector<16xi32>,
      tpu.vector_store_idx %arg12[%or3A_730], %add3A_551 : memref<8192xi32, #tpu.memory_space<vmem>>[vector<16xi32>], vector<16xi32>,
      tpu.vector_store_idx %arg12[%or3A_740], %add3A_556 : memref<8192xi32, #tpu.memory_space<vmem>>[vector<16xi32>], vector<16xi32>,
      tpu.vector_store_idx %arg13[%add3A_582], %broadcast_in_dim3A_4 {add = true} : memref<16384xi32, #tpu.memory_space<vmem>>[vector<16xi32>], vector<16xi32>,
      tpu.vector_store_idx %arg13[%add3A_592], %broadcast_in_dim3A_4 {add = true} : memref<16384xi32, #tpu.memory_space<vmem>>[vector<16xi32>], vector<16xi32>,
      tpu.vector_store_idx %arg13[%add3A_602], %broadcast_in_dim3A_4 {add = true} : memref<16384xi32, #tpu.memory_space<vmem>>[vector<16xi32>], vector<16xi32>,
      tpu.vector_store_idx %arg13[%add3A_612], %broadcast_in_dim3A_4 {add = true} : memref<16384xi32, #tpu.memory_space<vmem>>[vector<16xi32>], vector<16xi32>,
      tpu.vector_store_idx %arg14[%add3A_622], %broadcast_in_dim3A_4 {add = true} : memref<16384xi32, #tpu.memory_space<vmem>>[vector<16xi32>], vector<16xi32>,
      tpu.vector_store_idx %arg14[%add3A_632], %broadcast_in_dim3A_4 {add = true} : memref<16384xi32, #tpu.memory_space<vmem>>[vector<16xi32>], vector<16xi32>,
      tpu.vector_store_idx %arg14[%add3A_642], %broadcast_in_dim3A_4 {add = true} : memref<16384xi32, #tpu.memory_space<vmem>>[vector<16xi32>], vector<16xi32>,
      tpu.vector_store_idx %arg14[%add3A_652], %broadcast_in_dim3A_4 {add = true} : memref<16384xi32, #tpu.memory_space<vmem>>[vector<16xi32>], vector<16xi32>,
      tpu.vector_store_idx %arg15[%or3A_757], %broadcast_in_dim3A_4 {add = true} : memref<16384xi32, #tpu.memory_space<vmem>>[vector<16xi32>], vector<16xi32>,
      tpu.vector_store_idx %arg15[%or3A_774], %broadcast_in_dim3A_4 {add = true} : memref<16384xi32, #tpu.memory_space<vmem>>[vector<16xi32>], vector<16xi32>,
      tpu.vector_store_idx %arg15[%or3A_791], %broadcast_in_dim3A_4 {add = true} : memref<16384xi32, #tpu.memory_space<vmem>>[vector<16xi32>], vector<16xi32>,
      tpu.vector_store_idx %arg15[%or3A_808], %broadcast_in_dim3A_4 {add = true} : memref<16384xi32, #tpu.memory_space<vmem>>[vector<16xi32>], vector<16xi32>,
      tpu.vector_store_idx %arg16[%or3A_825], %broadcast_in_dim3A_4 {add = true} : memref<16384xi32, #tpu.memory_space<vmem>>[vector<16xi32>], vector<16xi32>,
      tpu.vector_store_idx %arg16[%or3A_842], %broadcast_in_dim3A_4 {add = true} : memref<16384xi32, #tpu.memory_space<vmem>>[vector<16xi32>], vector<16xi32>,
      tpu.vector_store_idx %arg16[%or3A_859], %broadcast_in_dim3A_4 {add = true} : memref<16384xi32, #tpu.memory_space<vmem>>[vector<16xi32>], vector<16xi32>,
      tpu.vector_store_idx %arg16[%or3A_876], %broadcast_in_dim3A_4 {add = true} : memref<16384xi32, #tpu.memory_space<vmem>>[vector<16xi32>], vector<16xi32>,
      %scan3A_877 = arith.constant 0 : i32
      scf.yield %scan3A_877 : i32
    }
    %scan3A_40 = arith.constant 128 : i32
    %scan3A_41 = arith.constant 0 : i32
    %scan3A_42 = arith.constant 0 : i32
    %scan3A_43 = arith.constant 0 : i32
    %scan3A_44 = arith.constant 256 : i32
    %scan3A_45 = arith.addi %scan3A_43, %scan3A_44 : i32
    %scan3A_46 = arith.constant 2 : i32
    %scan3A_47:2 = scf.for %scan3A_94 = %scan3A_43 to %scan3A_45 step %scan3A_46 iter_args(%scan3A_95 = %scan3A_41, %scan3A_96 = %scan3A_42) -> (i32, i32)  : i32 {
      %mul3A_97 = arith.constant 16 : i32
      %mul3A_98 = arith.muli %scan3A_94, %mul3A_97 : i32
      %add3A_99 = arith.constant 0 : i32
      %add3A_100 = arith.addi %mul3A_98, %add3A_99 : i32
      %mul3A_101 = arith.constant 16 : i32
      %mul3A_102 = arith.muli %scan3A_94, %mul3A_101 : i32
      %add3A_103 = arith.constant 4096 : i32
      %add3A_104 = arith.addi %mul3A_102, %add3A_103 : i32
      %mul3A_105 = arith.constant 16 : i32
      %mul3A_106 = arith.muli %scan3A_94, %mul3A_105 : i32
      %add3A_107 = arith.constant 8192 : i32
      %add3A_108 = arith.addi %mul3A_106, %add3A_107 : i32
      %mul3A_109 = arith.constant 16 : i32
      %mul3A_110 = arith.muli %scan3A_94, %mul3A_109 : i32
      %add3A_111 = arith.constant 12288 : i32
      %add3A_112 = arith.addi %mul3A_110, %add3A_111 : i32
      %get3A = arith.index_cast %add3A_100 : i32 to index
      %get3A_113 = tpu.vector_load %arg15[%get3A] {strides = array<i32>} : memref<16384xi32, #tpu.memory_space<vmem>>, vector<16xi32>,
      %get3A_114 = arith.index_cast %add3A_104 : i32 to index
      %get3A_115 = tpu.vector_load %arg15[%get3A_114] {strides = array<i32>} : memref<16384xi32, #tpu.memory_space<vmem>>, vector<16xi32>,
      %get3A_116 = arith.index_cast %add3A_108 : i32 to index
      %get3A_117 = tpu.vector_load %arg15[%get3A_116] {strides = array<i32>} : memref<16384xi32, #tpu.memory_space<vmem>>, vector<16xi32>,
      %get3A_118 = arith.index_cast %add3A_112 : i32 to index
      %get3A_119 = tpu.vector_load %arg15[%get3A_118] {strides = array<i32>} : memref<16384xi32, #tpu.memory_space<vmem>>, vector<16xi32>,
      %add3A_120 = arith.addi %get3A_113, %get3A_115 : vector<16xi32>
      %add3A_121 = arith.addi %add3A_120, %get3A_117 : vector<16xi32>
      %add3A_122 = arith.addi %add3A_121, %get3A_119 : vector<16xi32>
      %broadcast_in_dim3A_123 = arith.constant true
      %broadcast_in_dim3A_124 = vector.broadcast %broadcast_in_dim3A_123 : i1 to vector<16xi1>
      %masked_cumsum3A = tpu.scan <sum>, %add3A_122 masked %broadcast_in_dim3A_124 : vector<16xi32>, vector<16xi1> -> vector<16xi32>
      %sub3A = arith.subi %masked_cumsum3A, %add3A_122 : vector<16xi32>
      %add3A_125 = vector.broadcast %scan3A_95 : i32 to vector<16xi32>
      %add3A_126 = arith.addi %sub3A, %add3A_125 : vector<16xi32>
      %swap3A = arith.index_cast %add3A_100 : i32 to index
      %swap3A_127 = tpu.vector_load %arg15[%swap3A] {strides = array<i32>} : memref<16384xi32, #tpu.memory_space<vmem>>, vector<16xi32>,
      tpu.vector_store %arg15[%swap3A], %add3A_126 {strides = array<i32>} : memref<16384xi32, #tpu.memory_space<vmem>>, vector<16xi32>,
      %add3A_128 = arith.addi %add3A_126, %get3A_113 : vector<16xi32>
      %swap3A_129 = arith.index_cast %add3A_104 : i32 to index
      %swap3A_130 = tpu.vector_load %arg15[%swap3A_129] {strides = array<i32>} : memref<16384xi32, #tpu.memory_space<vmem>>, vector<16xi32>,
      tpu.vector_store %arg15[%swap3A_129], %add3A_128 {strides = array<i32>} : memref<16384xi32, #tpu.memory_space<vmem>>, vector<16xi32>,
      %add3A_131 = arith.addi %add3A_128, %get3A_115 : vector<16xi32>
      %swap3A_132 = arith.index_cast %add3A_108 : i32 to index
      %swap3A_133 = tpu.vector_load %arg15[%swap3A_132] {strides = array<i32>} : memref<16384xi32, #tpu.memory_space<vmem>>, vector<16xi32>,
      tpu.vector_store %arg15[%swap3A_132], %add3A_131 {strides = array<i32>} : memref<16384xi32, #tpu.memory_space<vmem>>, vector<16xi32>,
      %add3A_134 = arith.addi %add3A_131, %get3A_117 : vector<16xi32>
      %swap3A_135 = arith.index_cast %add3A_112 : i32 to index
      %swap3A_136 = tpu.vector_load %arg15[%swap3A_135] {strides = array<i32>} : memref<16384xi32, #tpu.memory_space<vmem>>, vector<16xi32>,
      tpu.vector_store %arg15[%swap3A_135], %add3A_134 {strides = array<i32>} : memref<16384xi32, #tpu.memory_space<vmem>>, vector<16xi32>,
      %slice3A = vector.extract_strided_slice %masked_cumsum3A {offsets = [15], sizes = [1], strides = [1]} : vector<16xi32> to vector<1xi32>
      %squeeze3A = vector.extract %slice3A[0] : i32 from vector<1xi32>
      %add3A_137 = arith.addi %scan3A_95, %squeeze3A : i32
      %get3A_138 = arith.index_cast %add3A_100 : i32 to index
      %get3A_139 = tpu.vector_load %arg16[%get3A_138] {strides = array<i32>} : memref<16384xi32, #tpu.memory_space<vmem>>, vector<16xi32>,
      %get3A_140 = arith.index_cast %add3A_104 : i32 to index
      %get3A_141 = tpu.vector_load %arg16[%get3A_140] {strides = array<i32>} : memref<16384xi32, #tpu.memory_space<vmem>>, vector<16xi32>,
      %get3A_142 = arith.index_cast %add3A_108 : i32 to index
      %get3A_143 = tpu.vector_load %arg16[%get3A_142] {strides = array<i32>} : memref<16384xi32, #tpu.memory_space<vmem>>, vector<16xi32>,
      %get3A_144 = arith.index_cast %add3A_112 : i32 to index
      %get3A_145 = tpu.vector_load %arg16[%get3A_144] {strides = array<i32>} : memref<16384xi32, #tpu.memory_space<vmem>>, vector<16xi32>,
      %add3A_146 = arith.addi %get3A_139, %get3A_141 : vector<16xi32>
      %add3A_147 = arith.addi %add3A_146, %get3A_143 : vector<16xi32>
      %add3A_148 = arith.addi %add3A_147, %get3A_145 : vector<16xi32>
      %broadcast_in_dim3A_149 = arith.constant true
      %broadcast_in_dim3A_150 = vector.broadcast %broadcast_in_dim3A_149 : i1 to vector<16xi1>
      %masked_cumsum3A_151 = tpu.scan <sum>, %add3A_148 masked %broadcast_in_dim3A_150 : vector<16xi32>, vector<16xi1> -> vector<16xi32>
      %sub3A_152 = arith.subi %masked_cumsum3A_151, %add3A_148 : vector<16xi32>
      %add3A_153 = vector.broadcast %scan3A_96 : i32 to vector<16xi32>
      %add3A_154 = arith.addi %sub3A_152, %add3A_153 : vector<16xi32>
      %swap3A_155 = arith.index_cast %add3A_100 : i32 to index
      %swap3A_156 = tpu.vector_load %arg16[%swap3A_155] {strides = array<i32>} : memref<16384xi32, #tpu.memory_space<vmem>>, vector<16xi32>,
      tpu.vector_store %arg16[%swap3A_155], %add3A_154 {strides = array<i32>} : memref<16384xi32, #tpu.memory_space<vmem>>, vector<16xi32>,
      %add3A_157 = arith.addi %add3A_154, %get3A_139 : vector<16xi32>
      %swap3A_158 = arith.index_cast %add3A_104 : i32 to index
      %swap3A_159 = tpu.vector_load %arg16[%swap3A_158] {strides = array<i32>} : memref<16384xi32, #tpu.memory_space<vmem>>, vector<16xi32>,
      tpu.vector_store %arg16[%swap3A_158], %add3A_157 {strides = array<i32>} : memref<16384xi32, #tpu.memory_space<vmem>>, vector<16xi32>,
      %add3A_160 = arith.addi %add3A_157, %get3A_141 : vector<16xi32>
      %swap3A_161 = arith.index_cast %add3A_108 : i32 to index
      %swap3A_162 = tpu.vector_load %arg16[%swap3A_161] {strides = array<i32>} : memref<16384xi32, #tpu.memory_space<vmem>>, vector<16xi32>,
      tpu.vector_store %arg16[%swap3A_161], %add3A_160 {strides = array<i32>} : memref<16384xi32, #tpu.memory_space<vmem>>, vector<16xi32>,
      %add3A_163 = arith.addi %add3A_160, %get3A_143 : vector<16xi32>
      %swap3A_164 = arith.index_cast %add3A_112 : i32 to index
      %swap3A_165 = tpu.vector_load %arg16[%swap3A_164] {strides = array<i32>} : memref<16384xi32, #tpu.memory_space<vmem>>, vector<16xi32>,
      tpu.vector_store %arg16[%swap3A_164], %add3A_163 {strides = array<i32>} : memref<16384xi32, #tpu.memory_space<vmem>>, vector<16xi32>,
      %slice3A_166 = vector.extract_strided_slice %masked_cumsum3A_151 {offsets = [15], sizes = [1], strides = [1]} : vector<16xi32> to vector<1xi32>
      %squeeze3A_167 = vector.extract %slice3A_166[0] : i32 from vector<1xi32>
      %add3A_168 = arith.addi %scan3A_96, %squeeze3A_167 : i32
      %swap3A_169 = arith.index_cast %add3A_100 : i32 to index
      %swap3A_170 = tpu.vector_load %arg13[%swap3A_169] {strides = array<i32>} : memref<16384xi32, #tpu.memory_space<vmem>>, vector<16xi32>,
      tpu.vector_store %arg13[%swap3A_169], %broadcast_in_dim3A_6 {strides = array<i32>} : memref<16384xi32, #tpu.memory_space<vmem>>, vector<16xi32>,
      %swap3A_171 = arith.index_cast %add3A_104 : i32 to index
      %swap3A_172 = tpu.vector_load %arg13[%swap3A_171] {strides = array<i32>} : memref<16384xi32, #tpu.memory_space<vmem>>, vector<16xi32>,
      tpu.vector_store %arg13[%swap3A_171], %broadcast_in_dim3A_6 {strides = array<i32>} : memref<16384xi32, #tpu.memory_space<vmem>>, vector<16xi32>,
      %swap3A_173 = arith.index_cast %add3A_108 : i32 to index
      %swap3A_174 = tpu.vector_load %arg13[%swap3A_173] {strides = array<i32>} : memref<16384xi32, #tpu.memory_space<vmem>>, vector<16xi32>,
      tpu.vector_store %arg13[%swap3A_173], %broadcast_in_dim3A_6 {strides = array<i32>} : memref<16384xi32, #tpu.memory_space<vmem>>, vector<16xi32>,
      %swap3A_175 = arith.index_cast %add3A_112 : i32 to index
      %swap3A_176 = tpu.vector_load %arg13[%swap3A_175] {strides = array<i32>} : memref<16384xi32, #tpu.memory_space<vmem>>, vector<16xi32>,
      tpu.vector_store %arg13[%swap3A_175], %broadcast_in_dim3A_6 {strides = array<i32>} : memref<16384xi32, #tpu.memory_space<vmem>>, vector<16xi32>,
      %swap3A_177 = arith.index_cast %add3A_100 : i32 to index
      %swap3A_178 = tpu.vector_load %arg14[%swap3A_177] {strides = array<i32>} : memref<16384xi32, #tpu.memory_space<vmem>>, vector<16xi32>,
      tpu.vector_store %arg14[%swap3A_177], %broadcast_in_dim3A_6 {strides = array<i32>} : memref<16384xi32, #tpu.memory_space<vmem>>, vector<16xi32>,
      %swap3A_179 = arith.index_cast %add3A_104 : i32 to index
      %swap3A_180 = tpu.vector_load %arg14[%swap3A_179] {strides = array<i32>} : memref<16384xi32, #tpu.memory_space<vmem>>, vector<16xi32>,
      tpu.vector_store %arg14[%swap3A_179], %broadcast_in_dim3A_6 {strides = array<i32>} : memref<16384xi32, #tpu.memory_space<vmem>>, vector<16xi32>,
      %swap3A_181 = arith.index_cast %add3A_108 : i32 to index
      %swap3A_182 = tpu.vector_load %arg14[%swap3A_181] {strides = array<i32>} : memref<16384xi32, #tpu.memory_space<vmem>>, vector<16xi32>,
      tpu.vector_store %arg14[%swap3A_181], %broadcast_in_dim3A_6 {strides = array<i32>} : memref<16384xi32, #tpu.memory_space<vmem>>, vector<16xi32>,
      %swap3A_183 = arith.index_cast %add3A_112 : i32 to index
      %swap3A_184 = tpu.vector_load %arg14[%swap3A_183] {strides = array<i32>} : memref<16384xi32, #tpu.memory_space<vmem>>, vector<16xi32>,
      tpu.vector_store %arg14[%swap3A_183], %broadcast_in_dim3A_6 {strides = array<i32>} : memref<16384xi32, #tpu.memory_space<vmem>>, vector<16xi32>,
      %scan3A_185 = arith.constant 1 : i32
      %scan3A_186 = arith.addi %scan3A_94, %scan3A_185 : i32
      %mul3A_187 = arith.constant 16 : i32
      %mul3A_188 = arith.muli %scan3A_186, %mul3A_187 : i32
      %add3A_189 = arith.constant 0 : i32
      %add3A_190 = arith.addi %mul3A_188, %add3A_189 : i32
      %mul3A_191 = arith.constant 16 : i32
      %mul3A_192 = arith.muli %scan3A_186, %mul3A_191 : i32
      %add3A_193 = arith.constant 4096 : i32
      %add3A_194 = arith.addi %mul3A_192, %add3A_193 : i32
      %mul3A_195 = arith.constant 16 : i32
      %mul3A_196 = arith.muli %scan3A_186, %mul3A_195 : i32
      %add3A_197 = arith.constant 8192 : i32
      %add3A_198 = arith.addi %mul3A_196, %add3A_197 : i32
      %mul3A_199 = arith.constant 16 : i32
      %mul3A_200 = arith.muli %scan3A_186, %mul3A_199 : i32
      %add3A_201 = arith.constant 12288 : i32
      %add3A_202 = arith.addi %mul3A_200, %add3A_201 : i32
      %get3A_203 = arith.index_cast %add3A_190 : i32 to index
      %get3A_204 = tpu.vector_load %arg15[%get3A_203] {strides = array<i32>} : memref<16384xi32, #tpu.memory_space<vmem>>, vector<16xi32>,
      %get3A_205 = arith.index_cast %add3A_194 : i32 to index
      %get3A_206 = tpu.vector_load %arg15[%get3A_205] {strides = array<i32>} : memref<16384xi32, #tpu.memory_space<vmem>>, vector<16xi32>,
      %get3A_207 = arith.index_cast %add3A_198 : i32 to index
      %get3A_208 = tpu.vector_load %arg15[%get3A_207] {strides = array<i32>} : memref<16384xi32, #tpu.memory_space<vmem>>, vector<16xi32>,
      %get3A_209 = arith.index_cast %add3A_202 : i32 to index
      %get3A_210 = tpu.vector_load %arg15[%get3A_209] {strides = array<i32>} : memref<16384xi32, #tpu.memory_space<vmem>>, vector<16xi32>,
      %add3A_211 = arith.addi %get3A_204, %get3A_206 : vector<16xi32>
      %add3A_212 = arith.addi %add3A_211, %get3A_208 : vector<16xi32>
      %add3A_213 = arith.addi %add3A_212, %get3A_210 : vector<16xi32>
      %broadcast_in_dim3A_214 = arith.constant true
      %broadcast_in_dim3A_215 = vector.broadcast %broadcast_in_dim3A_214 : i1 to vector<16xi1>
      %masked_cumsum3A_216 = tpu.scan <sum>, %add3A_213 masked %broadcast_in_dim3A_215 : vector<16xi32>, vector<16xi1> -> vector<16xi32>
      %sub3A_217 = arith.subi %masked_cumsum3A_216, %add3A_213 : vector<16xi32>
      %add3A_218 = vector.broadcast %add3A_137 : i32 to vector<16xi32>
      %add3A_219 = arith.addi %sub3A_217, %add3A_218 : vector<16xi32>
      %swap3A_220 = arith.index_cast %add3A_190 : i32 to index
      %swap3A_221 = tpu.vector_load %arg15[%swap3A_220] {strides = array<i32>} : memref<16384xi32, #tpu.memory_space<vmem>>, vector<16xi32>,
      tpu.vector_store %arg15[%swap3A_220], %add3A_219 {strides = array<i32>} : memref<16384xi32, #tpu.memory_space<vmem>>, vector<16xi32>,
      %add3A_222 = arith.addi %add3A_219, %get3A_204 : vector<16xi32>
      %swap3A_223 = arith.index_cast %add3A_194 : i32 to index
      %swap3A_224 = tpu.vector_load %arg15[%swap3A_223] {strides = array<i32>} : memref<16384xi32, #tpu.memory_space<vmem>>, vector<16xi32>,
      tpu.vector_store %arg15[%swap3A_223], %add3A_222 {strides = array<i32>} : memref<16384xi32, #tpu.memory_space<vmem>>, vector<16xi32>,
      %add3A_225 = arith.addi %add3A_222, %get3A_206 : vector<16xi32>
      %swap3A_226 = arith.index_cast %add3A_198 : i32 to index
      %swap3A_227 = tpu.vector_load %arg15[%swap3A_226] {strides = array<i32>} : memref<16384xi32, #tpu.memory_space<vmem>>, vector<16xi32>,
      tpu.vector_store %arg15[%swap3A_226], %add3A_225 {strides = array<i32>} : memref<16384xi32, #tpu.memory_space<vmem>>, vector<16xi32>,
      %add3A_228 = arith.addi %add3A_225, %get3A_208 : vector<16xi32>
      %swap3A_229 = arith.index_cast %add3A_202 : i32 to index
      %swap3A_230 = tpu.vector_load %arg15[%swap3A_229] {strides = array<i32>} : memref<16384xi32, #tpu.memory_space<vmem>>, vector<16xi32>,
      tpu.vector_store %arg15[%swap3A_229], %add3A_228 {strides = array<i32>} : memref<16384xi32, #tpu.memory_space<vmem>>, vector<16xi32>,
      %slice3A_231 = vector.extract_strided_slice %masked_cumsum3A_216 {offsets = [15], sizes = [1], strides = [1]} : vector<16xi32> to vector<1xi32>
      %squeeze3A_232 = vector.extract %slice3A_231[0] : i32 from vector<1xi32>
      %add3A_233 = arith.addi %add3A_137, %squeeze3A_232 : i32
      %get3A_234 = arith.index_cast %add3A_190 : i32 to index
      %get3A_235 = tpu.vector_load %arg16[%get3A_234] {strides = array<i32>} : memref<16384xi32, #tpu.memory_space<vmem>>, vector<16xi32>,
      %get3A_236 = arith.index_cast %add3A_194 : i32 to index
      %get3A_237 = tpu.vector_load %arg16[%get3A_236] {strides = array<i32>} : memref<16384xi32, #tpu.memory_space<vmem>>, vector<16xi32>,
      %get3A_238 = arith.index_cast %add3A_198 : i32 to index
      %get3A_239 = tpu.vector_load %arg16[%get3A_238] {strides = array<i32>} : memref<16384xi32, #tpu.memory_space<vmem>>, vector<16xi32>,
      %get3A_240 = arith.index_cast %add3A_202 : i32 to index
      %get3A_241 = tpu.vector_load %arg16[%get3A_240] {strides = array<i32>} : memref<16384xi32, #tpu.memory_space<vmem>>, vector<16xi32>,
      %add3A_242 = arith.addi %get3A_235, %get3A_237 : vector<16xi32>
      %add3A_243 = arith.addi %add3A_242, %get3A_239 : vector<16xi32>
      %add3A_244 = arith.addi %add3A_243, %get3A_241 : vector<16xi32>
      %broadcast_in_dim3A_245 = arith.constant true
      %broadcast_in_dim3A_246 = vector.broadcast %broadcast_in_dim3A_245 : i1 to vector<16xi1>
      %masked_cumsum3A_247 = tpu.scan <sum>, %add3A_244 masked %broadcast_in_dim3A_246 : vector<16xi32>, vector<16xi1> -> vector<16xi32>
      %sub3A_248 = arith.subi %masked_cumsum3A_247, %add3A_244 : vector<16xi32>
      %add3A_249 = vector.broadcast %add3A_168 : i32 to vector<16xi32>
      %add3A_250 = arith.addi %sub3A_248, %add3A_249 : vector<16xi32>
      %swap3A_251 = arith.index_cast %add3A_190 : i32 to index
      %swap3A_252 = tpu.vector_load %arg16[%swap3A_251] {strides = array<i32>} : memref<16384xi32, #tpu.memory_space<vmem>>, vector<16xi32>,
      tpu.vector_store %arg16[%swap3A_251], %add3A_250 {strides = array<i32>} : memref<16384xi32, #tpu.memory_space<vmem>>, vector<16xi32>,
      %add3A_253 = arith.addi %add3A_250, %get3A_235 : vector<16xi32>
      %swap3A_254 = arith.index_cast %add3A_194 : i32 to index
      %swap3A_255 = tpu.vector_load %arg16[%swap3A_254] {strides = array<i32>} : memref<16384xi32, #tpu.memory_space<vmem>>, vector<16xi32>,
      tpu.vector_store %arg16[%swap3A_254], %add3A_253 {strides = array<i32>} : memref<16384xi32, #tpu.memory_space<vmem>>, vector<16xi32>,
      %add3A_256 = arith.addi %add3A_253, %get3A_237 : vector<16xi32>
      %swap3A_257 = arith.index_cast %add3A_198 : i32 to index
      %swap3A_258 = tpu.vector_load %arg16[%swap3A_257] {strides = array<i32>} : memref<16384xi32, #tpu.memory_space<vmem>>, vector<16xi32>,
      tpu.vector_store %arg16[%swap3A_257], %add3A_256 {strides = array<i32>} : memref<16384xi32, #tpu.memory_space<vmem>>, vector<16xi32>,
      %add3A_259 = arith.addi %add3A_256, %get3A_239 : vector<16xi32>
      %swap3A_260 = arith.index_cast %add3A_202 : i32 to index
      %swap3A_261 = tpu.vector_load %arg16[%swap3A_260] {strides = array<i32>} : memref<16384xi32, #tpu.memory_space<vmem>>, vector<16xi32>,
      tpu.vector_store %arg16[%swap3A_260], %add3A_259 {strides = array<i32>} : memref<16384xi32, #tpu.memory_space<vmem>>, vector<16xi32>,
      %slice3A_262 = vector.extract_strided_slice %masked_cumsum3A_247 {offsets = [15], sizes = [1], strides = [1]} : vector<16xi32> to vector<1xi32>
      %squeeze3A_263 = vector.extract %slice3A_262[0] : i32 from vector<1xi32>
      %add3A_264 = arith.addi %add3A_168, %squeeze3A_263 : i32
      %swap3A_265 = arith.index_cast %add3A_190 : i32 to index
      %swap3A_266 = tpu.vector_load %arg13[%swap3A_265] {strides = array<i32>} : memref<16384xi32, #tpu.memory_space<vmem>>, vector<16xi32>,
      tpu.vector_store %arg13[%swap3A_265], %broadcast_in_dim3A_6 {strides = array<i32>} : memref<16384xi32, #tpu.memory_space<vmem>>, vector<16xi32>,
      %swap3A_267 = arith.index_cast %add3A_194 : i32 to index
      %swap3A_268 = tpu.vector_load %arg13[%swap3A_267] {strides = array<i32>} : memref<16384xi32, #tpu.memory_space<vmem>>, vector<16xi32>,
      tpu.vector_store %arg13[%swap3A_267], %broadcast_in_dim3A_6 {strides = array<i32>} : memref<16384xi32, #tpu.memory_space<vmem>>, vector<16xi32>,
      %swap3A_269 = arith.index_cast %add3A_198 : i32 to index
      %swap3A_270 = tpu.vector_load %arg13[%swap3A_269] {strides = array<i32>} : memref<16384xi32, #tpu.memory_space<vmem>>, vector<16xi32>,
      tpu.vector_store %arg13[%swap3A_269], %broadcast_in_dim3A_6 {strides = array<i32>} : memref<16384xi32, #tpu.memory_space<vmem>>, vector<16xi32>,
      %swap3A_271 = arith.index_cast %add3A_202 : i32 to index
      %swap3A_272 = tpu.vector_load %arg13[%swap3A_271] {strides = array<i32>} : memref<16384xi32, #tpu.memory_space<vmem>>, vector<16xi32>,
      tpu.vector_store %arg13[%swap3A_271], %broadcast_in_dim3A_6 {strides = array<i32>} : memref<16384xi32, #tpu.memory_space<vmem>>, vector<16xi32>,
      %swap3A_273 = arith.index_cast %add3A_190 : i32 to index
      %swap3A_274 = tpu.vector_load %arg14[%swap3A_273] {strides = array<i32>} : memref<16384xi32, #tpu.memory_space<vmem>>, vector<16xi32>,
      tpu.vector_store %arg14[%swap3A_273], %broadcast_in_dim3A_6 {strides = array<i32>} : memref<16384xi32, #tpu.memory_space<vmem>>, vector<16xi32>,
      %swap3A_275 = arith.index_cast %add3A_194 : i32 to index
      %swap3A_276 = tpu.vector_load %arg14[%swap3A_275] {strides = array<i32>} : memref<16384xi32, #tpu.memory_space<vmem>>, vector<16xi32>,
      tpu.vector_store %arg14[%swap3A_275], %broadcast_in_dim3A_6 {strides = array<i32>} : memref<16384xi32, #tpu.memory_space<vmem>>, vector<16xi32>,
      %swap3A_277 = arith.index_cast %add3A_198 : i32 to index
      %swap3A_278 = tpu.vector_load %arg14[%swap3A_277] {strides = array<i32>} : memref<16384xi32, #tpu.memory_space<vmem>>, vector<16xi32>,
      tpu.vector_store %arg14[%swap3A_277], %broadcast_in_dim3A_6 {strides = array<i32>} : memref<16384xi32, #tpu.memory_space<vmem>>, vector<16xi32>,
      %swap3A_279 = arith.index_cast %add3A_202 : i32 to index
      %swap3A_280 = tpu.vector_load %arg14[%swap3A_279] {strides = array<i32>} : memref<16384xi32, #tpu.memory_space<vmem>>, vector<16xi32>,
      tpu.vector_store %arg14[%swap3A_279], %broadcast_in_dim3A_6 {strides = array<i32>} : memref<16384xi32, #tpu.memory_space<vmem>>, vector<16xi32>,
      scf.yield %add3A_233, %add3A_264 : i32, i32
    }
    %scan3A_48 = arith.constant 256 : i32
    %scan3A_49 = arith.constant 0 : i32
    %scan3A_50 = arith.constant 0 : i32
    %scan3A_51 = arith.constant 128 : i32
    %scan3A_52 = arith.addi %scan3A_50, %scan3A_51 : i32
    %scan3A_53 = arith.constant 2 : i32
    %scan3A_54 = scf.for %scan3A_94 = %scan3A_50 to %scan3A_52 step %scan3A_53 iter_args(%scan3A_95 = %scan3A_49) -> (i32)  : i32 {
      %add3A_96 = arith.constant 0 : i32
      %add3A_97 = arith.addi %scan3A_94, %add3A_96 : i32
      %mul3A_98 = arith.constant 16 : i32
      %mul3A_99 = arith.muli %add3A_97, %mul3A_98 : i32
      %add3A_100 = arith.constant 128 : i32
      %add3A_101 = arith.addi %scan3A_94, %add3A_100 : i32
      %mul3A_102 = arith.constant 16 : i32
      %mul3A_103 = arith.muli %add3A_101, %mul3A_102 : i32
      %add3A_104 = arith.constant 256 : i32
      %add3A_105 = arith.addi %scan3A_94, %add3A_104 : i32
      %mul3A_106 = arith.constant 16 : i32
      %mul3A_107 = arith.muli %add3A_105, %mul3A_106 : i32
      %add3A_108 = arith.constant 384 : i32
      %add3A_109 = arith.addi %scan3A_94, %add3A_108 : i32
      %mul3A_110 = arith.constant 16 : i32
      %mul3A_111 = arith.muli %add3A_109, %mul3A_110 : i32
      %add3A_112 = arith.constant 0 : i32
      %add3A_113 = arith.addi %scan3A_94, %add3A_112 : i32
      %mul3A_114 = arith.constant 16 : i32
      %mul3A_115 = arith.muli %add3A_113, %mul3A_114 : i32
      %add3A_116 = arith.constant 128 : i32
      %add3A_117 = arith.addi %scan3A_94, %add3A_116 : i32
      %mul3A_118 = arith.constant 16 : i32
      %mul3A_119 = arith.muli %add3A_117, %mul3A_118 : i32
      %add3A_120 = arith.constant 256 : i32
      %add3A_121 = arith.addi %scan3A_94, %add3A_120 : i32
      %mul3A_122 = arith.constant 16 : i32
      %mul3A_123 = arith.muli %add3A_121, %mul3A_122 : i32
      %add3A_124 = arith.constant 384 : i32
      %add3A_125 = arith.addi %scan3A_94, %add3A_124 : i32
      %mul3A_126 = arith.constant 16 : i32
      %mul3A_127 = arith.muli %add3A_125, %mul3A_126 : i32
      %get3A = arith.index_cast %mul3A_99 : i32 to index
      %get3A_128 = tpu.vector_load %arg9[%get3A] {strides = array<i32>} : memref<8192xi32, #tpu.memory_space<vmem>>, vector<16xi32>,
      %get3A_129 = arith.index_cast %mul3A_103 : i32 to index
      %get3A_130 = tpu.vector_load %arg9[%get3A_129] {strides = array<i32>} : memref<8192xi32, #tpu.memory_space<vmem>>, vector<16xi32>,
      %get3A_131 = arith.index_cast %mul3A_107 : i32 to index
      %get3A_132 = tpu.vector_load %arg9[%get3A_131] {strides = array<i32>} : memref<8192xi32, #tpu.memory_space<vmem>>, vector<16xi32>,
      %get3A_133 = arith.index_cast %mul3A_111 : i32 to index
      %get3A_134 = tpu.vector_load %arg9[%get3A_133] {strides = array<i32>} : memref<8192xi32, #tpu.memory_space<vmem>>, vector<16xi32>,
      %get3A_135 = arith.index_cast %mul3A_115 : i32 to index
      %get3A_136 = tpu.vector_load %arg10[%get3A_135] {strides = array<i32>} : memref<8192xi32, #tpu.memory_space<vmem>>, vector<16xi32>,
      %get3A_137 = arith.index_cast %mul3A_119 : i32 to index
      %get3A_138 = tpu.vector_load %arg10[%get3A_137] {strides = array<i32>} : memref<8192xi32, #tpu.memory_space<vmem>>, vector<16xi32>,
      %get3A_139 = arith.index_cast %mul3A_123 : i32 to index
      %get3A_140 = tpu.vector_load %arg10[%get3A_139] {strides = array<i32>} : memref<8192xi32, #tpu.memory_space<vmem>>, vector<16xi32>,
      %get3A_141 = arith.index_cast %mul3A_127 : i32 to index
      %get3A_142 = tpu.vector_load %arg10[%get3A_141] {strides = array<i32>} : memref<8192xi32, #tpu.memory_space<vmem>>, vector<16xi32>,
      %get3A_143 = arith.index_cast %mul3A_99 : i32 to index
      %get3A_144 = tpu.vector_load %arg11[%get3A_143] {strides = array<i32>} : memref<8192xi32, #tpu.memory_space<vmem>>, vector<16xi32>,
      %get3A_145 = arith.index_cast %mul3A_103 : i32 to index
      %get3A_146 = tpu.vector_load %arg11[%get3A_145] {strides = array<i32>} : memref<8192xi32, #tpu.memory_space<vmem>>, vector<16xi32>,
      %get3A_147 = arith.index_cast %mul3A_107 : i32 to index
      %get3A_148 = tpu.vector_load %arg11[%get3A_147] {strides = array<i32>} : memref<8192xi32, #tpu.memory_space<vmem>>, vector<16xi32>,
      %get3A_149 = arith.index_cast %mul3A_111 : i32 to index
      %get3A_150 = tpu.vector_load %arg11[%get3A_149] {strides = array<i32>} : memref<8192xi32, #tpu.memory_space<vmem>>, vector<16xi32>,
      %get3A_151 = arith.index_cast %mul3A_115 : i32 to index
      %get3A_152 = tpu.vector_load %arg12[%get3A_151] {strides = array<i32>} : memref<8192xi32, #tpu.memory_space<vmem>>, vector<16xi32>,
      %get3A_153 = arith.index_cast %mul3A_119 : i32 to index
      %get3A_154 = tpu.vector_load %arg12[%get3A_153] {strides = array<i32>} : memref<8192xi32, #tpu.memory_space<vmem>>, vector<16xi32>,
      %get3A_155 = arith.index_cast %mul3A_123 : i32 to index
      %get3A_156 = tpu.vector_load %arg12[%get3A_155] {strides = array<i32>} : memref<8192xi32, #tpu.memory_space<vmem>>, vector<16xi32>,
      %get3A_157 = arith.index_cast %mul3A_127 : i32 to index
      %get3A_158 = tpu.vector_load %arg12[%get3A_157] {strides = array<i32>} : memref<8192xi32, #tpu.memory_space<vmem>>, vector<16xi32>,
      %shift_right_logical3A = arith.constant 4 : i32
      %shift_right_logical3A_159 = vector.broadcast %shift_right_logical3A : i32 to vector<16xi32>
      %shift_right_logical3A_160 = arith.shrui %get3A_128, %shift_right_logical3A_159 : vector<16xi32>
      %and3A = arith.constant 4080 : i32
      %and3A_161 = vector.broadcast %and3A : i32 to vector<16xi32>
      %and3A_162 = arith.andi %shift_right_logical3A_160, %and3A_161 : vector<16xi32>
      %or3A = arith.ori %and3A_162, %iota3A : vector<16xi32>
      %add3A_163 = arith.constant 0 : i32
      %add3A_164 = vector.broadcast %add3A_163 : i32 to vector<16xi32>
      %add3A_165 = arith.addi %or3A, %add3A_164 : vector<16xi32>
      %shift_right_logical3A_166 = arith.constant 4 : i32
      %shift_right_logical3A_167 = vector.broadcast %shift_right_logical3A_166 : i32 to vector<16xi32>
      %shift_right_logical3A_168 = arith.shrui %get3A_130, %shift_right_logical3A_167 : vector<16xi32>
      %and3A_169 = arith.constant 4080 : i32
      %and3A_170 = vector.broadcast %and3A_169 : i32 to vector<16xi32>
      %and3A_171 = arith.andi %shift_right_logical3A_168, %and3A_170 : vector<16xi32>
      %or3A_172 = arith.ori %and3A_171, %iota3A : vector<16xi32>
      %add3A_173 = arith.constant 4096 : i32
      %add3A_174 = vector.broadcast %add3A_173 : i32 to vector<16xi32>
      %add3A_175 = arith.addi %or3A_172, %add3A_174 : vector<16xi32>
      %shift_right_logical3A_176 = arith.constant 4 : i32
      %shift_right_logical3A_177 = vector.broadcast %shift_right_logical3A_176 : i32 to vector<16xi32>
      %shift_right_logical3A_178 = arith.shrui %get3A_132, %shift_right_logical3A_177 : vector<16xi32>
      %and3A_179 = arith.constant 4080 : i32
      %and3A_180 = vector.broadcast %and3A_179 : i32 to vector<16xi32>
      %and3A_181 = arith.andi %shift_right_logical3A_178, %and3A_180 : vector<16xi32>
      %or3A_182 = arith.ori %and3A_181, %iota3A : vector<16xi32>
      %add3A_183 = arith.constant 8192 : i32
      %add3A_184 = vector.broadcast %add3A_183 : i32 to vector<16xi32>
      %add3A_185 = arith.addi %or3A_182, %add3A_184 : vector<16xi32>
      %shift_right_logical3A_186 = arith.constant 4 : i32
      %shift_right_logical3A_187 = vector.broadcast %shift_right_logical3A_186 : i32 to vector<16xi32>
      %shift_right_logical3A_188 = arith.shrui %get3A_134, %shift_right_logical3A_187 : vector<16xi32>
      %and3A_189 = arith.constant 4080 : i32
      %and3A_190 = vector.broadcast %and3A_189 : i32 to vector<16xi32>
      %and3A_191 = arith.andi %shift_right_logical3A_188, %and3A_190 : vector<16xi32>
      %or3A_192 = arith.ori %and3A_191, %iota3A : vector<16xi32>
      %add3A_193 = arith.constant 12288 : i32
      %add3A_194 = vector.broadcast %add3A_193 : i32 to vector<16xi32>
      %add3A_195 = arith.addi %or3A_192, %add3A_194 : vector<16xi32>
      %shift_right_logical3A_196 = arith.constant 4 : i32
      %shift_right_logical3A_197 = vector.broadcast %shift_right_logical3A_196 : i32 to vector<16xi32>
      %shift_right_logical3A_198 = arith.shrui %get3A_136, %shift_right_logical3A_197 : vector<16xi32>
      %and3A_199 = arith.constant 4080 : i32
      %and3A_200 = vector.broadcast %and3A_199 : i32 to vector<16xi32>
      %and3A_201 = arith.andi %shift_right_logical3A_198, %and3A_200 : vector<16xi32>
      %or3A_202 = arith.ori %and3A_201, %iota3A : vector<16xi32>
      %add3A_203 = arith.constant 0 : i32
      %add3A_204 = vector.broadcast %add3A_203 : i32 to vector<16xi32>
      %add3A_205 = arith.addi %or3A_202, %add3A_204 : vector<16xi32>
      %shift_right_logical3A_206 = arith.constant 4 : i32
      %shift_right_logical3A_207 = vector.broadcast %shift_right_logical3A_206 : i32 to vector<16xi32>
      %shift_right_logical3A_208 = arith.shrui %get3A_138, %shift_right_logical3A_207 : vector<16xi32>
      %and3A_209 = arith.constant 4080 : i32
      %and3A_210 = vector.broadcast %and3A_209 : i32 to vector<16xi32>
      %and3A_211 = arith.andi %shift_right_logical3A_208, %and3A_210 : vector<16xi32>
      %or3A_212 = arith.ori %and3A_211, %iota3A : vector<16xi32>
      %add3A_213 = arith.constant 4096 : i32
      %add3A_214 = vector.broadcast %add3A_213 : i32 to vector<16xi32>
      %add3A_215 = arith.addi %or3A_212, %add3A_214 : vector<16xi32>
      %shift_right_logical3A_216 = arith.constant 4 : i32
      %shift_right_logical3A_217 = vector.broadcast %shift_right_logical3A_216 : i32 to vector<16xi32>
      %shift_right_logical3A_218 = arith.shrui %get3A_140, %shift_right_logical3A_217 : vector<16xi32>
      %and3A_219 = arith.constant 4080 : i32
      %and3A_220 = vector.broadcast %and3A_219 : i32 to vector<16xi32>
      %and3A_221 = arith.andi %shift_right_logical3A_218, %and3A_220 : vector<16xi32>
      %or3A_222 = arith.ori %and3A_221, %iota3A : vector<16xi32>
      %add3A_223 = arith.constant 8192 : i32
      %add3A_224 = vector.broadcast %add3A_223 : i32 to vector<16xi32>
      %add3A_225 = arith.addi %or3A_222, %add3A_224 : vector<16xi32>
      %shift_right_logical3A_226 = arith.constant 4 : i32
      %shift_right_logical3A_227 = vector.broadcast %shift_right_logical3A_226 : i32 to vector<16xi32>
      %shift_right_logical3A_228 = arith.shrui %get3A_142, %shift_right_logical3A_227 : vector<16xi32>
      %and3A_229 = arith.constant 4080 : i32
      %and3A_230 = vector.broadcast %and3A_229 : i32 to vector<16xi32>
      %and3A_231 = arith.andi %shift_right_logical3A_228, %and3A_230 : vector<16xi32>
      %or3A_232 = arith.ori %and3A_231, %iota3A : vector<16xi32>
      %add3A_233 = arith.constant 12288 : i32
      %add3A_234 = vector.broadcast %add3A_233 : i32 to vector<16xi32>
      %add3A_235 = arith.addi %or3A_232, %add3A_234 : vector<16xi32>
      %gather3A = tpu.vector_load_idx %arg15[%add3A_165] : memref<16384xi32, #tpu.memory_space<vmem>>[vector<16xi32>], vector<16xi32>,
      %gather3A_236 = tpu.vector_load_idx %arg15[%add3A_175] : memref<16384xi32, #tpu.memory_space<vmem>>[vector<16xi32>], vector<16xi32>,
      %gather3A_237 = tpu.vector_load_idx %arg15[%add3A_185] : memref<16384xi32, #tpu.memory_space<vmem>>[vector<16xi32>], vector<16xi32>,
      %gather3A_238 = tpu.vector_load_idx %arg15[%add3A_195] : memref<16384xi32, #tpu.memory_space<vmem>>[vector<16xi32>], vector<16xi32>,
      %gather3A_239 = tpu.vector_load_idx %arg16[%add3A_205] : memref<16384xi32, #tpu.memory_space<vmem>>[vector<16xi32>], vector<16xi32>,
      %gather3A_240 = tpu.vector_load_idx %arg16[%add3A_215] : memref<16384xi32, #tpu.memory_space<vmem>>[vector<16xi32>], vector<16xi32>,
      %gather3A_241 = tpu.vector_load_idx %arg16[%add3A_225] : memref<16384xi32, #tpu.memory_space<vmem>>[vector<16xi32>], vector<16xi32>,
      %gather3A_242 = tpu.vector_load_idx %arg16[%add3A_235] : memref<16384xi32, #tpu.memory_space<vmem>>[vector<16xi32>], vector<16xi32>,
      %shift_right_logical3A_243 = arith.constant 9 : i32
      %shift_right_logical3A_244 = vector.broadcast %shift_right_logical3A_243 : i32 to vector<16xi32>
      %shift_right_logical3A_245 = arith.shrui %gather3A, %shift_right_logical3A_244 : vector<16xi32>
      %and3A_246 = arith.constant 511 : i32
      %and3A_247 = vector.broadcast %and3A_246 : i32 to vector<16xi32>
      %and3A_248 = arith.andi %gather3A, %and3A_247 : vector<16xi32>
      %shift_left3A = arith.constant 4 : i32
      %shift_left3A_249 = vector.broadcast %shift_left3A : i32 to vector<16xi32>
      %shift_left3A_250 = arith.shli %and3A_248, %shift_left3A_249 : vector<16xi32>
      %or3A_251 = arith.ori %shift_left3A_250, %shift_right_logical3A_245 : vector<16xi32>
      %shift_right_logical3A_252 = arith.constant 9 : i32
      %shift_right_logical3A_253 = vector.broadcast %shift_right_logical3A_252 : i32 to vector<16xi32>
      %shift_right_logical3A_254 = arith.shrui %gather3A_236, %shift_right_logical3A_253 : vector<16xi32>
      %and3A_255 = arith.constant 511 : i32
      %and3A_256 = vector.broadcast %and3A_255 : i32 to vector<16xi32>
      %and3A_257 = arith.andi %gather3A_236, %and3A_256 : vector<16xi32>
      %shift_left3A_258 = arith.constant 4 : i32
      %shift_left3A_259 = vector.broadcast %shift_left3A_258 : i32 to vector<16xi32>
      %shift_left3A_260 = arith.shli %and3A_257, %shift_left3A_259 : vector<16xi32>
      %or3A_261 = arith.ori %shift_left3A_260, %shift_right_logical3A_254 : vector<16xi32>
      %shift_right_logical3A_262 = arith.constant 9 : i32
      %shift_right_logical3A_263 = vector.broadcast %shift_right_logical3A_262 : i32 to vector<16xi32>
      %shift_right_logical3A_264 = arith.shrui %gather3A_237, %shift_right_logical3A_263 : vector<16xi32>
      %and3A_265 = arith.constant 511 : i32
      %and3A_266 = vector.broadcast %and3A_265 : i32 to vector<16xi32>
      %and3A_267 = arith.andi %gather3A_237, %and3A_266 : vector<16xi32>
      %shift_left3A_268 = arith.constant 4 : i32
      %shift_left3A_269 = vector.broadcast %shift_left3A_268 : i32 to vector<16xi32>
      %shift_left3A_270 = arith.shli %and3A_267, %shift_left3A_269 : vector<16xi32>
      %or3A_271 = arith.ori %shift_left3A_270, %shift_right_logical3A_264 : vector<16xi32>
      %shift_right_logical3A_272 = arith.constant 9 : i32
      %shift_right_logical3A_273 = vector.broadcast %shift_right_logical3A_272 : i32 to vector<16xi32>
      %shift_right_logical3A_274 = arith.shrui %gather3A_238, %shift_right_logical3A_273 : vector<16xi32>
      %and3A_275 = arith.constant 511 : i32
      %and3A_276 = vector.broadcast %and3A_275 : i32 to vector<16xi32>
      %and3A_277 = arith.andi %gather3A_238, %and3A_276 : vector<16xi32>
      %shift_left3A_278 = arith.constant 4 : i32
      %shift_left3A_279 = vector.broadcast %shift_left3A_278 : i32 to vector<16xi32>
      %shift_left3A_280 = arith.shli %and3A_277, %shift_left3A_279 : vector<16xi32>
      %or3A_281 = arith.ori %shift_left3A_280, %shift_right_logical3A_274 : vector<16xi32>
      %shift_right_logical3A_282 = arith.constant 9 : i32
      %shift_right_logical3A_283 = vector.broadcast %shift_right_logical3A_282 : i32 to vector<16xi32>
      %shift_right_logical3A_284 = arith.shrui %gather3A_239, %shift_right_logical3A_283 : vector<16xi32>
      %and3A_285 = arith.constant 511 : i32
      %and3A_286 = vector.broadcast %and3A_285 : i32 to vector<16xi32>
      %and3A_287 = arith.andi %gather3A_239, %and3A_286 : vector<16xi32>
      %shift_left3A_288 = arith.constant 4 : i32
      %shift_left3A_289 = vector.broadcast %shift_left3A_288 : i32 to vector<16xi32>
      %shift_left3A_290 = arith.shli %and3A_287, %shift_left3A_289 : vector<16xi32>
      %or3A_291 = arith.ori %shift_left3A_290, %shift_right_logical3A_284 : vector<16xi32>
      %shift_right_logical3A_292 = arith.constant 9 : i32
      %shift_right_logical3A_293 = vector.broadcast %shift_right_logical3A_292 : i32 to vector<16xi32>
      %shift_right_logical3A_294 = arith.shrui %gather3A_240, %shift_right_logical3A_293 : vector<16xi32>
      %and3A_295 = arith.constant 511 : i32
      %and3A_296 = vector.broadcast %and3A_295 : i32 to vector<16xi32>
      %and3A_297 = arith.andi %gather3A_240, %and3A_296 : vector<16xi32>
      %shift_left3A_298 = arith.constant 4 : i32
      %shift_left3A_299 = vector.broadcast %shift_left3A_298 : i32 to vector<16xi32>
      %shift_left3A_300 = arith.shli %and3A_297, %shift_left3A_299 : vector<16xi32>
      %or3A_301 = arith.ori %shift_left3A_300, %shift_right_logical3A_294 : vector<16xi32>
      %shift_right_logical3A_302 = arith.constant 9 : i32
      %shift_right_logical3A_303 = vector.broadcast %shift_right_logical3A_302 : i32 to vector<16xi32>
      %shift_right_logical3A_304 = arith.shrui %gather3A_241, %shift_right_logical3A_303 : vector<16xi32>
      %and3A_305 = arith.constant 511 : i32
      %and3A_306 = vector.broadcast %and3A_305 : i32 to vector<16xi32>
      %and3A_307 = arith.andi %gather3A_241, %and3A_306 : vector<16xi32>
      %shift_left3A_308 = arith.constant 4 : i32
      %shift_left3A_309 = vector.broadcast %shift_left3A_308 : i32 to vector<16xi32>
      %shift_left3A_310 = arith.shli %and3A_307, %shift_left3A_309 : vector<16xi32>
      %or3A_311 = arith.ori %shift_left3A_310, %shift_right_logical3A_304 : vector<16xi32>
      %shift_right_logical3A_312 = arith.constant 9 : i32
      %shift_right_logical3A_313 = vector.broadcast %shift_right_logical3A_312 : i32 to vector<16xi32>
      %shift_right_logical3A_314 = arith.shrui %gather3A_242, %shift_right_logical3A_313 : vector<16xi32>
      %and3A_315 = arith.constant 511 : i32
      %and3A_316 = vector.broadcast %and3A_315 : i32 to vector<16xi32>
      %and3A_317 = arith.andi %gather3A_242, %and3A_316 : vector<16xi32>
      %shift_left3A_318 = arith.constant 4 : i32
      %shift_left3A_319 = vector.broadcast %shift_left3A_318 : i32 to vector<16xi32>
      %shift_left3A_320 = arith.shli %and3A_317, %shift_left3A_319 : vector<16xi32>
      %or3A_321 = arith.ori %shift_left3A_320, %shift_right_logical3A_314 : vector<16xi32>
      %shift_right_logical3A_322 = arith.constant 12 : i32
      %shift_right_logical3A_323 = vector.broadcast %shift_right_logical3A_322 : i32 to vector<16xi32>
      %shift_right_logical3A_324 = arith.shrui %get3A_128, %shift_right_logical3A_323 : vector<16xi32>
      %and3A_325 = arith.constant 4080 : i32
      %and3A_326 = vector.broadcast %and3A_325 : i32 to vector<16xi32>
      %and3A_327 = arith.andi %shift_right_logical3A_324, %and3A_326 : vector<16xi32>
      %or3A_328 = arith.ori %and3A_327, %shift_right_logical3A_245 : vector<16xi32>
      %shift_right_logical3A_329 = arith.constant 7 : i32
      %shift_right_logical3A_330 = vector.broadcast %shift_right_logical3A_329 : i32 to vector<16xi32>
      %shift_right_logical3A_331 = arith.shrui %gather3A, %shift_right_logical3A_330 : vector<16xi32>
      %and3A_332 = arith.constant 3 : i32
      %and3A_333 = vector.broadcast %and3A_332 : i32 to vector<16xi32>
      %and3A_334 = arith.andi %shift_right_logical3A_331, %and3A_333 : vector<16xi32>
      %shift_left3A_335 = arith.constant 12 : i32
      %shift_left3A_336 = vector.broadcast %shift_left3A_335 : i32 to vector<16xi32>
      %shift_left3A_337 = arith.shli %and3A_334, %shift_left3A_336 : vector<16xi32>
      %or3A_338 = arith.ori %or3A_328, %shift_left3A_337 : vector<16xi32>
      %shift_right_logical3A_339 = arith.constant 12 : i32
      %shift_right_logical3A_340 = vector.broadcast %shift_right_logical3A_339 : i32 to vector<16xi32>
      %shift_right_logical3A_341 = arith.shrui %get3A_130, %shift_right_logical3A_340 : vector<16xi32>
      %and3A_342 = arith.constant 4080 : i32
      %and3A_343 = vector.broadcast %and3A_342 : i32 to vector<16xi32>
      %and3A_344 = arith.andi %shift_right_logical3A_341, %and3A_343 : vector<16xi32>
      %or3A_345 = arith.ori %and3A_344, %shift_right_logical3A_254 : vector<16xi32>
      %shift_right_logical3A_346 = arith.constant 7 : i32
      %shift_right_logical3A_347 = vector.broadcast %shift_right_logical3A_346 : i32 to vector<16xi32>
      %shift_right_logical3A_348 = arith.shrui %gather3A_236, %shift_right_logical3A_347 : vector<16xi32>
      %and3A_349 = arith.constant 3 : i32
      %and3A_350 = vector.broadcast %and3A_349 : i32 to vector<16xi32>
      %and3A_351 = arith.andi %shift_right_logical3A_348, %and3A_350 : vector<16xi32>
      %shift_left3A_352 = arith.constant 12 : i32
      %shift_left3A_353 = vector.broadcast %shift_left3A_352 : i32 to vector<16xi32>
      %shift_left3A_354 = arith.shli %and3A_351, %shift_left3A_353 : vector<16xi32>
      %or3A_355 = arith.ori %or3A_345, %shift_left3A_354 : vector<16xi32>
      %shift_right_logical3A_356 = arith.constant 12 : i32
      %shift_right_logical3A_357 = vector.broadcast %shift_right_logical3A_356 : i32 to vector<16xi32>
      %shift_right_logical3A_358 = arith.shrui %get3A_132, %shift_right_logical3A_357 : vector<16xi32>
      %and3A_359 = arith.constant 4080 : i32
      %and3A_360 = vector.broadcast %and3A_359 : i32 to vector<16xi32>
      %and3A_361 = arith.andi %shift_right_logical3A_358, %and3A_360 : vector<16xi32>
      %or3A_362 = arith.ori %and3A_361, %shift_right_logical3A_264 : vector<16xi32>
      %shift_right_logical3A_363 = arith.constant 7 : i32
      %shift_right_logical3A_364 = vector.broadcast %shift_right_logical3A_363 : i32 to vector<16xi32>
      %shift_right_logical3A_365 = arith.shrui %gather3A_237, %shift_right_logical3A_364 : vector<16xi32>
      %and3A_366 = arith.constant 3 : i32
      %and3A_367 = vector.broadcast %and3A_366 : i32 to vector<16xi32>
      %and3A_368 = arith.andi %shift_right_logical3A_365, %and3A_367 : vector<16xi32>
      %shift_left3A_369 = arith.constant 12 : i32
      %shift_left3A_370 = vector.broadcast %shift_left3A_369 : i32 to vector<16xi32>
      %shift_left3A_371 = arith.shli %and3A_368, %shift_left3A_370 : vector<16xi32>
      %or3A_372 = arith.ori %or3A_362, %shift_left3A_371 : vector<16xi32>
      %shift_right_logical3A_373 = arith.constant 12 : i32
      %shift_right_logical3A_374 = vector.broadcast %shift_right_logical3A_373 : i32 to vector<16xi32>
      %shift_right_logical3A_375 = arith.shrui %get3A_134, %shift_right_logical3A_374 : vector<16xi32>
      %and3A_376 = arith.constant 4080 : i32
      %and3A_377 = vector.broadcast %and3A_376 : i32 to vector<16xi32>
      %and3A_378 = arith.andi %shift_right_logical3A_375, %and3A_377 : vector<16xi32>
      %or3A_379 = arith.ori %and3A_378, %shift_right_logical3A_274 : vector<16xi32>
      %shift_right_logical3A_380 = arith.constant 7 : i32
      %shift_right_logical3A_381 = vector.broadcast %shift_right_logical3A_380 : i32 to vector<16xi32>
      %shift_right_logical3A_382 = arith.shrui %gather3A_238, %shift_right_logical3A_381 : vector<16xi32>
      %and3A_383 = arith.constant 3 : i32
      %and3A_384 = vector.broadcast %and3A_383 : i32 to vector<16xi32>
      %and3A_385 = arith.andi %shift_right_logical3A_382, %and3A_384 : vector<16xi32>
      %shift_left3A_386 = arith.constant 12 : i32
      %shift_left3A_387 = vector.broadcast %shift_left3A_386 : i32 to vector<16xi32>
      %shift_left3A_388 = arith.shli %and3A_385, %shift_left3A_387 : vector<16xi32>
      %or3A_389 = arith.ori %or3A_379, %shift_left3A_388 : vector<16xi32>
      %shift_right_logical3A_390 = arith.constant 12 : i32
      %shift_right_logical3A_391 = vector.broadcast %shift_right_logical3A_390 : i32 to vector<16xi32>
      %shift_right_logical3A_392 = arith.shrui %get3A_136, %shift_right_logical3A_391 : vector<16xi32>
      %and3A_393 = arith.constant 4080 : i32
      %and3A_394 = vector.broadcast %and3A_393 : i32 to vector<16xi32>
      %and3A_395 = arith.andi %shift_right_logical3A_392, %and3A_394 : vector<16xi32>
      %or3A_396 = arith.ori %and3A_395, %shift_right_logical3A_284 : vector<16xi32>
      %shift_right_logical3A_397 = arith.constant 7 : i32
      %shift_right_logical3A_398 = vector.broadcast %shift_right_logical3A_397 : i32 to vector<16xi32>
      %shift_right_logical3A_399 = arith.shrui %gather3A_239, %shift_right_logical3A_398 : vector<16xi32>
      %and3A_400 = arith.constant 3 : i32
      %and3A_401 = vector.broadcast %and3A_400 : i32 to vector<16xi32>
      %and3A_402 = arith.andi %shift_right_logical3A_399, %and3A_401 : vector<16xi32>
      %shift_left3A_403 = arith.constant 12 : i32
      %shift_left3A_404 = vector.broadcast %shift_left3A_403 : i32 to vector<16xi32>
      %shift_left3A_405 = arith.shli %and3A_402, %shift_left3A_404 : vector<16xi32>
      %or3A_406 = arith.ori %or3A_396, %shift_left3A_405 : vector<16xi32>
      %shift_right_logical3A_407 = arith.constant 12 : i32
      %shift_right_logical3A_408 = vector.broadcast %shift_right_logical3A_407 : i32 to vector<16xi32>
      %shift_right_logical3A_409 = arith.shrui %get3A_138, %shift_right_logical3A_408 : vector<16xi32>
      %and3A_410 = arith.constant 4080 : i32
      %and3A_411 = vector.broadcast %and3A_410 : i32 to vector<16xi32>
      %and3A_412 = arith.andi %shift_right_logical3A_409, %and3A_411 : vector<16xi32>
      %or3A_413 = arith.ori %and3A_412, %shift_right_logical3A_294 : vector<16xi32>
      %shift_right_logical3A_414 = arith.constant 7 : i32
      %shift_right_logical3A_415 = vector.broadcast %shift_right_logical3A_414 : i32 to vector<16xi32>
      %shift_right_logical3A_416 = arith.shrui %gather3A_240, %shift_right_logical3A_415 : vector<16xi32>
      %and3A_417 = arith.constant 3 : i32
      %and3A_418 = vector.broadcast %and3A_417 : i32 to vector<16xi32>
      %and3A_419 = arith.andi %shift_right_logical3A_416, %and3A_418 : vector<16xi32>
      %shift_left3A_420 = arith.constant 12 : i32
      %shift_left3A_421 = vector.broadcast %shift_left3A_420 : i32 to vector<16xi32>
      %shift_left3A_422 = arith.shli %and3A_419, %shift_left3A_421 : vector<16xi32>
      %or3A_423 = arith.ori %or3A_413, %shift_left3A_422 : vector<16xi32>
      %shift_right_logical3A_424 = arith.constant 12 : i32
      %shift_right_logical3A_425 = vector.broadcast %shift_right_logical3A_424 : i32 to vector<16xi32>
      %shift_right_logical3A_426 = arith.shrui %get3A_140, %shift_right_logical3A_425 : vector<16xi32>
      %and3A_427 = arith.constant 4080 : i32
      %and3A_428 = vector.broadcast %and3A_427 : i32 to vector<16xi32>
      %and3A_429 = arith.andi %shift_right_logical3A_426, %and3A_428 : vector<16xi32>
      %or3A_430 = arith.ori %and3A_429, %shift_right_logical3A_304 : vector<16xi32>
      %shift_right_logical3A_431 = arith.constant 7 : i32
      %shift_right_logical3A_432 = vector.broadcast %shift_right_logical3A_431 : i32 to vector<16xi32>
      %shift_right_logical3A_433 = arith.shrui %gather3A_241, %shift_right_logical3A_432 : vector<16xi32>
      %and3A_434 = arith.constant 3 : i32
      %and3A_435 = vector.broadcast %and3A_434 : i32 to vector<16xi32>
      %and3A_436 = arith.andi %shift_right_logical3A_433, %and3A_435 : vector<16xi32>
      %shift_left3A_437 = arith.constant 12 : i32
      %shift_left3A_438 = vector.broadcast %shift_left3A_437 : i32 to vector<16xi32>
      %shift_left3A_439 = arith.shli %and3A_436, %shift_left3A_438 : vector<16xi32>
      %or3A_440 = arith.ori %or3A_430, %shift_left3A_439 : vector<16xi32>
      %shift_right_logical3A_441 = arith.constant 12 : i32
      %shift_right_logical3A_442 = vector.broadcast %shift_right_logical3A_441 : i32 to vector<16xi32>
      %shift_right_logical3A_443 = arith.shrui %get3A_142, %shift_right_logical3A_442 : vector<16xi32>
      %and3A_444 = arith.constant 4080 : i32
      %and3A_445 = vector.broadcast %and3A_444 : i32 to vector<16xi32>
      %and3A_446 = arith.andi %shift_right_logical3A_443, %and3A_445 : vector<16xi32>
      %or3A_447 = arith.ori %and3A_446, %shift_right_logical3A_314 : vector<16xi32>
      %shift_right_logical3A_448 = arith.constant 7 : i32
      %shift_right_logical3A_449 = vector.broadcast %shift_right_logical3A_448 : i32 to vector<16xi32>
      %shift_right_logical3A_450 = arith.shrui %gather3A_242, %shift_right_logical3A_449 : vector<16xi32>
      %and3A_451 = arith.constant 3 : i32
      %and3A_452 = vector.broadcast %and3A_451 : i32 to vector<16xi32>
      %and3A_453 = arith.andi %shift_right_logical3A_450, %and3A_452 : vector<16xi32>
      %shift_left3A_454 = arith.constant 12 : i32
      %shift_left3A_455 = vector.broadcast %shift_left3A_454 : i32 to vector<16xi32>
      %shift_left3A_456 = arith.shli %and3A_453, %shift_left3A_455 : vector<16xi32>
      %or3A_457 = arith.ori %or3A_447, %shift_left3A_456 : vector<16xi32>
      %shift_right_logical3A_458 = arith.constant 16 : i32
      %shift_right_logical3A_459 = vector.broadcast %shift_right_logical3A_458 : i32 to vector<16xi32>
      %shift_right_logical3A_460 = arith.shrui %get3A_128, %shift_right_logical3A_459 : vector<16xi32>
      %shift_left3A_461 = arith.constant 13 : i32
      %shift_left3A_462 = vector.broadcast %shift_left3A_461 : i32 to vector<16xi32>
      %shift_left3A_463 = arith.shli %shift_right_logical3A_460, %shift_left3A_462 : vector<16xi32>
      %or3A_464 = arith.ori %shift_left3A_463, %get3A_144 : vector<16xi32>
      %shift_right_logical3A_465 = arith.constant 16 : i32
      %shift_right_logical3A_466 = vector.broadcast %shift_right_logical3A_465 : i32 to vector<16xi32>
      %shift_right_logical3A_467 = arith.shrui %get3A_130, %shift_right_logical3A_466 : vector<16xi32>
      %shift_left3A_468 = arith.constant 13 : i32
      %shift_left3A_469 = vector.broadcast %shift_left3A_468 : i32 to vector<16xi32>
      %shift_left3A_470 = arith.shli %shift_right_logical3A_467, %shift_left3A_469 : vector<16xi32>
      %or3A_471 = arith.ori %shift_left3A_470, %get3A_146 : vector<16xi32>
      %shift_right_logical3A_472 = arith.constant 16 : i32
      %shift_right_logical3A_473 = vector.broadcast %shift_right_logical3A_472 : i32 to vector<16xi32>
      %shift_right_logical3A_474 = arith.shrui %get3A_132, %shift_right_logical3A_473 : vector<16xi32>
      %shift_left3A_475 = arith.constant 13 : i32
      %shift_left3A_476 = vector.broadcast %shift_left3A_475 : i32 to vector<16xi32>
      %shift_left3A_477 = arith.shli %shift_right_logical3A_474, %shift_left3A_476 : vector<16xi32>
      %or3A_478 = arith.ori %shift_left3A_477, %get3A_148 : vector<16xi32>
      %shift_right_logical3A_479 = arith.constant 16 : i32
      %shift_right_logical3A_480 = vector.broadcast %shift_right_logical3A_479 : i32 to vector<16xi32>
      %shift_right_logical3A_481 = arith.shrui %get3A_134, %shift_right_logical3A_480 : vector<16xi32>
      %shift_left3A_482 = arith.constant 13 : i32
      %shift_left3A_483 = vector.broadcast %shift_left3A_482 : i32 to vector<16xi32>
      %shift_left3A_484 = arith.shli %shift_right_logical3A_481, %shift_left3A_483 : vector<16xi32>
      %or3A_485 = arith.ori %shift_left3A_484, %get3A_150 : vector<16xi32>
      %shift_right_logical3A_486 = arith.constant 16 : i32
      %shift_right_logical3A_487 = vector.broadcast %shift_right_logical3A_486 : i32 to vector<16xi32>
      %shift_right_logical3A_488 = arith.shrui %get3A_136, %shift_right_logical3A_487 : vector<16xi32>
      %shift_left3A_489 = arith.constant 13 : i32
      %shift_left3A_490 = vector.broadcast %shift_left3A_489 : i32 to vector<16xi32>
      %shift_left3A_491 = arith.shli %shift_right_logical3A_488, %shift_left3A_490 : vector<16xi32>
      %or3A_492 = arith.ori %shift_left3A_491, %get3A_152 : vector<16xi32>
      %shift_right_logical3A_493 = arith.constant 16 : i32
      %shift_right_logical3A_494 = vector.broadcast %shift_right_logical3A_493 : i32 to vector<16xi32>
      %shift_right_logical3A_495 = arith.shrui %get3A_138, %shift_right_logical3A_494 : vector<16xi32>
      %shift_left3A_496 = arith.constant 13 : i32
      %shift_left3A_497 = vector.broadcast %shift_left3A_496 : i32 to vector<16xi32>
      %shift_left3A_498 = arith.shli %shift_right_logical3A_495, %shift_left3A_497 : vector<16xi32>
      %or3A_499 = arith.ori %shift_left3A_498, %get3A_154 : vector<16xi32>
      %shift_right_logical3A_500 = arith.constant 16 : i32
      %shift_right_logical3A_501 = vector.broadcast %shift_right_logical3A_500 : i32 to vector<16xi32>
      %shift_right_logical3A_502 = arith.shrui %get3A_140, %shift_right_logical3A_501 : vector<16xi32>
      %shift_left3A_503 = arith.constant 13 : i32
      %shift_left3A_504 = vector.broadcast %shift_left3A_503 : i32 to vector<16xi32>
      %shift_left3A_505 = arith.shli %shift_right_logical3A_502, %shift_left3A_504 : vector<16xi32>
      %or3A_506 = arith.ori %shift_left3A_505, %get3A_156 : vector<16xi32>
      %shift_right_logical3A_507 = arith.constant 16 : i32
      %shift_right_logical3A_508 = vector.broadcast %shift_right_logical3A_507 : i32 to vector<16xi32>
      %shift_right_logical3A_509 = arith.shrui %get3A_142, %shift_right_logical3A_508 : vector<16xi32>
      %shift_left3A_510 = arith.constant 13 : i32
      %shift_left3A_511 = vector.broadcast %shift_left3A_510 : i32 to vector<16xi32>
      %shift_left3A_512 = arith.shli %shift_right_logical3A_509, %shift_left3A_511 : vector<16xi32>
      %or3A_513 = arith.ori %shift_left3A_512, %get3A_158 : vector<16xi32>
      tpu.vector_store_idx %arg7[%or3A_251], %or3A_464 : memref<8192xi32, #tpu.memory_space<vmem>>[vector<16xi32>], vector<16xi32>,
      tpu.vector_store_idx %arg7[%or3A_261], %or3A_471 : memref<8192xi32, #tpu.memory_space<vmem>>[vector<16xi32>], vector<16xi32>,
      tpu.vector_store_idx %arg7[%or3A_271], %or3A_478 : memref<8192xi32, #tpu.memory_space<vmem>>[vector<16xi32>], vector<16xi32>,
      tpu.vector_store_idx %arg7[%or3A_281], %or3A_485 : memref<8192xi32, #tpu.memory_space<vmem>>[vector<16xi32>], vector<16xi32>,
      tpu.vector_store_idx %arg8[%or3A_291], %or3A_492 : memref<8192xi32, #tpu.memory_space<vmem>>[vector<16xi32>], vector<16xi32>,
      tpu.vector_store_idx %arg8[%or3A_301], %or3A_499 : memref<8192xi32, #tpu.memory_space<vmem>>[vector<16xi32>], vector<16xi32>,
      tpu.vector_store_idx %arg8[%or3A_311], %or3A_506 : memref<8192xi32, #tpu.memory_space<vmem>>[vector<16xi32>], vector<16xi32>,
      tpu.vector_store_idx %arg8[%or3A_321], %or3A_513 : memref<8192xi32, #tpu.memory_space<vmem>>[vector<16xi32>], vector<16xi32>,
      tpu.vector_store_idx %arg15[%add3A_165], %broadcast_in_dim3A_4 {add = true} : memref<16384xi32, #tpu.memory_space<vmem>>[vector<16xi32>], vector<16xi32>,
      tpu.vector_store_idx %arg15[%add3A_175], %broadcast_in_dim3A_4 {add = true} : memref<16384xi32, #tpu.memory_space<vmem>>[vector<16xi32>], vector<16xi32>,
      tpu.vector_store_idx %arg15[%add3A_185], %broadcast_in_dim3A_4 {add = true} : memref<16384xi32, #tpu.memory_space<vmem>>[vector<16xi32>], vector<16xi32>,
      tpu.vector_store_idx %arg15[%add3A_195], %broadcast_in_dim3A_4 {add = true} : memref<16384xi32, #tpu.memory_space<vmem>>[vector<16xi32>], vector<16xi32>,
      tpu.vector_store_idx %arg16[%add3A_205], %broadcast_in_dim3A_4 {add = true} : memref<16384xi32, #tpu.memory_space<vmem>>[vector<16xi32>], vector<16xi32>,
      tpu.vector_store_idx %arg16[%add3A_215], %broadcast_in_dim3A_4 {add = true} : memref<16384xi32, #tpu.memory_space<vmem>>[vector<16xi32>], vector<16xi32>,
      tpu.vector_store_idx %arg16[%add3A_225], %broadcast_in_dim3A_4 {add = true} : memref<16384xi32, #tpu.memory_space<vmem>>[vector<16xi32>], vector<16xi32>,
      tpu.vector_store_idx %arg16[%add3A_235], %broadcast_in_dim3A_4 {add = true} : memref<16384xi32, #tpu.memory_space<vmem>>[vector<16xi32>], vector<16xi32>,
      tpu.vector_store_idx %arg13[%or3A_338], %broadcast_in_dim3A_4 {add = true} : memref<16384xi32, #tpu.memory_space<vmem>>[vector<16xi32>], vector<16xi32>,
      tpu.vector_store_idx %arg13[%or3A_355], %broadcast_in_dim3A_4 {add = true} : memref<16384xi32, #tpu.memory_space<vmem>>[vector<16xi32>], vector<16xi32>,
      tpu.vector_store_idx %arg13[%or3A_372], %broadcast_in_dim3A_4 {add = true} : memref<16384xi32, #tpu.memory_space<vmem>>[vector<16xi32>], vector<16xi32>,
      tpu.vector_store_idx %arg13[%or3A_389], %broadcast_in_dim3A_4 {add = true} : memref<16384xi32, #tpu.memory_space<vmem>>[vector<16xi32>], vector<16xi32>,
      tpu.vector_store_idx %arg14[%or3A_406], %broadcast_in_dim3A_4 {add = true} : memref<16384xi32, #tpu.memory_space<vmem>>[vector<16xi32>], vector<16xi32>,
      tpu.vector_store_idx %arg14[%or3A_423], %broadcast_in_dim3A_4 {add = true} : memref<16384xi32, #tpu.memory_space<vmem>>[vector<16xi32>], vector<16xi32>,
      tpu.vector_store_idx %arg14[%or3A_440], %broadcast_in_dim3A_4 {add = true} : memref<16384xi32, #tpu.memory_space<vmem>>[vector<16xi32>], vector<16xi32>,
      tpu.vector_store_idx %arg14[%or3A_457], %broadcast_in_dim3A_4 {add = true} : memref<16384xi32, #tpu.memory_space<vmem>>[vector<16xi32>], vector<16xi32>,
      %scan3A_514 = arith.constant 0 : i32
      %scan3A_515 = arith.constant 1 : i32
      %scan3A_516 = arith.addi %scan3A_94, %scan3A_515 : i32
      %add3A_517 = arith.constant 0 : i32
      %add3A_518 = arith.addi %scan3A_516, %add3A_517 : i32
      %mul3A_519 = arith.constant 16 : i32
      %mul3A_520 = arith.muli %add3A_518, %mul3A_519 : i32
      %add3A_521 = arith.constant 128 : i32
      %add3A_522 = arith.addi %scan3A_516, %add3A_521 : i32
      %mul3A_523 = arith.constant 16 : i32
      %mul3A_524 = arith.muli %add3A_522, %mul3A_523 : i32
      %add3A_525 = arith.constant 256 : i32
      %add3A_526 = arith.addi %scan3A_516, %add3A_525 : i32
      %mul3A_527 = arith.constant 16 : i32
      %mul3A_528 = arith.muli %add3A_526, %mul3A_527 : i32
      %add3A_529 = arith.constant 384 : i32
      %add3A_530 = arith.addi %scan3A_516, %add3A_529 : i32
      %mul3A_531 = arith.constant 16 : i32
      %mul3A_532 = arith.muli %add3A_530, %mul3A_531 : i32
      %add3A_533 = arith.constant 0 : i32
      %add3A_534 = arith.addi %scan3A_516, %add3A_533 : i32
      %mul3A_535 = arith.constant 16 : i32
      %mul3A_536 = arith.muli %add3A_534, %mul3A_535 : i32
      %add3A_537 = arith.constant 128 : i32
      %add3A_538 = arith.addi %scan3A_516, %add3A_537 : i32
      %mul3A_539 = arith.constant 16 : i32
      %mul3A_540 = arith.muli %add3A_538, %mul3A_539 : i32
      %add3A_541 = arith.constant 256 : i32
      %add3A_542 = arith.addi %scan3A_516, %add3A_541 : i32
      %mul3A_543 = arith.constant 16 : i32
      %mul3A_544 = arith.muli %add3A_542, %mul3A_543 : i32
      %add3A_545 = arith.constant 384 : i32
      %add3A_546 = arith.addi %scan3A_516, %add3A_545 : i32
      %mul3A_547 = arith.constant 16 : i32
      %mul3A_548 = arith.muli %add3A_546, %mul3A_547 : i32
      %get3A_549 = arith.index_cast %mul3A_520 : i32 to index
      %get3A_550 = tpu.vector_load %arg9[%get3A_549] {strides = array<i32>} : memref<8192xi32, #tpu.memory_space<vmem>>, vector<16xi32>,
      %get3A_551 = arith.index_cast %mul3A_524 : i32 to index
      %get3A_552 = tpu.vector_load %arg9[%get3A_551] {strides = array<i32>} : memref<8192xi32, #tpu.memory_space<vmem>>, vector<16xi32>,
      %get3A_553 = arith.index_cast %mul3A_528 : i32 to index
      %get3A_554 = tpu.vector_load %arg9[%get3A_553] {strides = array<i32>} : memref<8192xi32, #tpu.memory_space<vmem>>, vector<16xi32>,
      %get3A_555 = arith.index_cast %mul3A_532 : i32 to index
      %get3A_556 = tpu.vector_load %arg9[%get3A_555] {strides = array<i32>} : memref<8192xi32, #tpu.memory_space<vmem>>, vector<16xi32>,
      %get3A_557 = arith.index_cast %mul3A_536 : i32 to index
      %get3A_558 = tpu.vector_load %arg10[%get3A_557] {strides = array<i32>} : memref<8192xi32, #tpu.memory_space<vmem>>, vector<16xi32>,
      %get3A_559 = arith.index_cast %mul3A_540 : i32 to index
      %get3A_560 = tpu.vector_load %arg10[%get3A_559] {strides = array<i32>} : memref<8192xi32, #tpu.memory_space<vmem>>, vector<16xi32>,
      %get3A_561 = arith.index_cast %mul3A_544 : i32 to index
      %get3A_562 = tpu.vector_load %arg10[%get3A_561] {strides = array<i32>} : memref<8192xi32, #tpu.memory_space<vmem>>, vector<16xi32>,
      %get3A_563 = arith.index_cast %mul3A_548 : i32 to index
      %get3A_564 = tpu.vector_load %arg10[%get3A_563] {strides = array<i32>} : memref<8192xi32, #tpu.memory_space<vmem>>, vector<16xi32>,
      %get3A_565 = arith.index_cast %mul3A_520 : i32 to index
      %get3A_566 = tpu.vector_load %arg11[%get3A_565] {strides = array<i32>} : memref<8192xi32, #tpu.memory_space<vmem>>, vector<16xi32>,
      %get3A_567 = arith.index_cast %mul3A_524 : i32 to index
      %get3A_568 = tpu.vector_load %arg11[%get3A_567] {strides = array<i32>} : memref<8192xi32, #tpu.memory_space<vmem>>, vector<16xi32>,
      %get3A_569 = arith.index_cast %mul3A_528 : i32 to index
      %get3A_570 = tpu.vector_load %arg11[%get3A_569] {strides = array<i32>} : memref<8192xi32, #tpu.memory_space<vmem>>, vector<16xi32>,
      %get3A_571 = arith.index_cast %mul3A_532 : i32 to index
      %get3A_572 = tpu.vector_load %arg11[%get3A_571] {strides = array<i32>} : memref<8192xi32, #tpu.memory_space<vmem>>, vector<16xi32>,
      %get3A_573 = arith.index_cast %mul3A_536 : i32 to index
      %get3A_574 = tpu.vector_load %arg12[%get3A_573] {strides = array<i32>} : memref<8192xi32, #tpu.memory_space<vmem>>, vector<16xi32>,
      %get3A_575 = arith.index_cast %mul3A_540 : i32 to index
      %get3A_576 = tpu.vector_load %arg12[%get3A_575] {strides = array<i32>} : memref<8192xi32, #tpu.memory_space<vmem>>, vector<16xi32>,
      %get3A_577 = arith.index_cast %mul3A_544 : i32 to index
      %get3A_578 = tpu.vector_load %arg12[%get3A_577] {strides = array<i32>} : memref<8192xi32, #tpu.memory_space<vmem>>, vector<16xi32>,
      %get3A_579 = arith.index_cast %mul3A_548 : i32 to index
      %get3A_580 = tpu.vector_load %arg12[%get3A_579] {strides = array<i32>} : memref<8192xi32, #tpu.memory_space<vmem>>, vector<16xi32>,
      %shift_right_logical3A_581 = arith.constant 4 : i32
      %shift_right_logical3A_582 = vector.broadcast %shift_right_logical3A_581 : i32 to vector<16xi32>
      %shift_right_logical3A_583 = arith.shrui %get3A_550, %shift_right_logical3A_582 : vector<16xi32>
      %and3A_584 = arith.constant 4080 : i32
      %and3A_585 = vector.broadcast %and3A_584 : i32 to vector<16xi32>
      %and3A_586 = arith.andi %shift_right_logical3A_583, %and3A_585 : vector<16xi32>
      %or3A_587 = arith.ori %and3A_586, %iota3A : vector<16xi32>
      %add3A_588 = arith.constant 0 : i32
      %add3A_589 = vector.broadcast %add3A_588 : i32 to vector<16xi32>
      %add3A_590 = arith.addi %or3A_587, %add3A_589 : vector<16xi32>
      %shift_right_logical3A_591 = arith.constant 4 : i32
      %shift_right_logical3A_592 = vector.broadcast %shift_right_logical3A_591 : i32 to vector<16xi32>
      %shift_right_logical3A_593 = arith.shrui %get3A_552, %shift_right_logical3A_592 : vector<16xi32>
      %and3A_594 = arith.constant 4080 : i32
      %and3A_595 = vector.broadcast %and3A_594 : i32 to vector<16xi32>
      %and3A_596 = arith.andi %shift_right_logical3A_593, %and3A_595 : vector<16xi32>
      %or3A_597 = arith.ori %and3A_596, %iota3A : vector<16xi32>
      %add3A_598 = arith.constant 4096 : i32
      %add3A_599 = vector.broadcast %add3A_598 : i32 to vector<16xi32>
      %add3A_600 = arith.addi %or3A_597, %add3A_599 : vector<16xi32>
      %shift_right_logical3A_601 = arith.constant 4 : i32
      %shift_right_logical3A_602 = vector.broadcast %shift_right_logical3A_601 : i32 to vector<16xi32>
      %shift_right_logical3A_603 = arith.shrui %get3A_554, %shift_right_logical3A_602 : vector<16xi32>
      %and3A_604 = arith.constant 4080 : i32
      %and3A_605 = vector.broadcast %and3A_604 : i32 to vector<16xi32>
      %and3A_606 = arith.andi %shift_right_logical3A_603, %and3A_605 : vector<16xi32>
      %or3A_607 = arith.ori %and3A_606, %iota3A : vector<16xi32>
      %add3A_608 = arith.constant 8192 : i32
      %add3A_609 = vector.broadcast %add3A_608 : i32 to vector<16xi32>
      %add3A_610 = arith.addi %or3A_607, %add3A_609 : vector<16xi32>
      %shift_right_logical3A_611 = arith.constant 4 : i32
      %shift_right_logical3A_612 = vector.broadcast %shift_right_logical3A_611 : i32 to vector<16xi32>
      %shift_right_logical3A_613 = arith.shrui %get3A_556, %shift_right_logical3A_612 : vector<16xi32>
      %and3A_614 = arith.constant 4080 : i32
      %and3A_615 = vector.broadcast %and3A_614 : i32 to vector<16xi32>
      %and3A_616 = arith.andi %shift_right_logical3A_613, %and3A_615 : vector<16xi32>
      %or3A_617 = arith.ori %and3A_616, %iota3A : vector<16xi32>
      %add3A_618 = arith.constant 12288 : i32
      %add3A_619 = vector.broadcast %add3A_618 : i32 to vector<16xi32>
      %add3A_620 = arith.addi %or3A_617, %add3A_619 : vector<16xi32>
      %shift_right_logical3A_621 = arith.constant 4 : i32
      %shift_right_logical3A_622 = vector.broadcast %shift_right_logical3A_621 : i32 to vector<16xi32>
      %shift_right_logical3A_623 = arith.shrui %get3A_558, %shift_right_logical3A_622 : vector<16xi32>
      %and3A_624 = arith.constant 4080 : i32
      %and3A_625 = vector.broadcast %and3A_624 : i32 to vector<16xi32>
      %and3A_626 = arith.andi %shift_right_logical3A_623, %and3A_625 : vector<16xi32>
      %or3A_627 = arith.ori %and3A_626, %iota3A : vector<16xi32>
      %add3A_628 = arith.constant 0 : i32
      %add3A_629 = vector.broadcast %add3A_628 : i32 to vector<16xi32>
      %add3A_630 = arith.addi %or3A_627, %add3A_629 : vector<16xi32>
      %shift_right_logical3A_631 = arith.constant 4 : i32
      %shift_right_logical3A_632 = vector.broadcast %shift_right_logical3A_631 : i32 to vector<16xi32>
      %shift_right_logical3A_633 = arith.shrui %get3A_560, %shift_right_logical3A_632 : vector<16xi32>
      %and3A_634 = arith.constant 4080 : i32
      %and3A_635 = vector.broadcast %and3A_634 : i32 to vector<16xi32>
      %and3A_636 = arith.andi %shift_right_logical3A_633, %and3A_635 : vector<16xi32>
      %or3A_637 = arith.ori %and3A_636, %iota3A : vector<16xi32>
      %add3A_638 = arith.constant 4096 : i32
      %add3A_639 = vector.broadcast %add3A_638 : i32 to vector<16xi32>
      %add3A_640 = arith.addi %or3A_637, %add3A_639 : vector<16xi32>
      %shift_right_logical3A_641 = arith.constant 4 : i32
      %shift_right_logical3A_642 = vector.broadcast %shift_right_logical3A_641 : i32 to vector<16xi32>
      %shift_right_logical3A_643 = arith.shrui %get3A_562, %shift_right_logical3A_642 : vector<16xi32>
      %and3A_644 = arith.constant 4080 : i32
      %and3A_645 = vector.broadcast %and3A_644 : i32 to vector<16xi32>
      %and3A_646 = arith.andi %shift_right_logical3A_643, %and3A_645 : vector<16xi32>
      %or3A_647 = arith.ori %and3A_646, %iota3A : vector<16xi32>
      %add3A_648 = arith.constant 8192 : i32
      %add3A_649 = vector.broadcast %add3A_648 : i32 to vector<16xi32>
      %add3A_650 = arith.addi %or3A_647, %add3A_649 : vector<16xi32>
      %shift_right_logical3A_651 = arith.constant 4 : i32
      %shift_right_logical3A_652 = vector.broadcast %shift_right_logical3A_651 : i32 to vector<16xi32>
      %shift_right_logical3A_653 = arith.shrui %get3A_564, %shift_right_logical3A_652 : vector<16xi32>
      %and3A_654 = arith.constant 4080 : i32
      %and3A_655 = vector.broadcast %and3A_654 : i32 to vector<16xi32>
      %and3A_656 = arith.andi %shift_right_logical3A_653, %and3A_655 : vector<16xi32>
      %or3A_657 = arith.ori %and3A_656, %iota3A : vector<16xi32>
      %add3A_658 = arith.constant 12288 : i32
      %add3A_659 = vector.broadcast %add3A_658 : i32 to vector<16xi32>
      %add3A_660 = arith.addi %or3A_657, %add3A_659 : vector<16xi32>
      %gather3A_661 = tpu.vector_load_idx %arg15[%add3A_590] : memref<16384xi32, #tpu.memory_space<vmem>>[vector<16xi32>], vector<16xi32>,
      %gather3A_662 = tpu.vector_load_idx %arg15[%add3A_600] : memref<16384xi32, #tpu.memory_space<vmem>>[vector<16xi32>], vector<16xi32>,
      %gather3A_663 = tpu.vector_load_idx %arg15[%add3A_610] : memref<16384xi32, #tpu.memory_space<vmem>>[vector<16xi32>], vector<16xi32>,
      %gather3A_664 = tpu.vector_load_idx %arg15[%add3A_620] : memref<16384xi32, #tpu.memory_space<vmem>>[vector<16xi32>], vector<16xi32>,
      %gather3A_665 = tpu.vector_load_idx %arg16[%add3A_630] : memref<16384xi32, #tpu.memory_space<vmem>>[vector<16xi32>], vector<16xi32>,
      %gather3A_666 = tpu.vector_load_idx %arg16[%add3A_640] : memref<16384xi32, #tpu.memory_space<vmem>>[vector<16xi32>], vector<16xi32>,
      %gather3A_667 = tpu.vector_load_idx %arg16[%add3A_650] : memref<16384xi32, #tpu.memory_space<vmem>>[vector<16xi32>], vector<16xi32>,
      %gather3A_668 = tpu.vector_load_idx %arg16[%add3A_660] : memref<16384xi32, #tpu.memory_space<vmem>>[vector<16xi32>], vector<16xi32>,
      %shift_right_logical3A_669 = arith.constant 9 : i32
      %shift_right_logical3A_670 = vector.broadcast %shift_right_logical3A_669 : i32 to vector<16xi32>
      %shift_right_logical3A_671 = arith.shrui %gather3A_661, %shift_right_logical3A_670 : vector<16xi32>
      %and3A_672 = arith.constant 511 : i32
      %and3A_673 = vector.broadcast %and3A_672 : i32 to vector<16xi32>
      %and3A_674 = arith.andi %gather3A_661, %and3A_673 : vector<16xi32>
      %shift_left3A_675 = arith.constant 4 : i32
      %shift_left3A_676 = vector.broadcast %shift_left3A_675 : i32 to vector<16xi32>
      %shift_left3A_677 = arith.shli %and3A_674, %shift_left3A_676 : vector<16xi32>
      %or3A_678 = arith.ori %shift_left3A_677, %shift_right_logical3A_671 : vector<16xi32>
      %shift_right_logical3A_679 = arith.constant 9 : i32
      %shift_right_logical3A_680 = vector.broadcast %shift_right_logical3A_679 : i32 to vector<16xi32>
      %shift_right_logical3A_681 = arith.shrui %gather3A_662, %shift_right_logical3A_680 : vector<16xi32>
      %and3A_682 = arith.constant 511 : i32
      %and3A_683 = vector.broadcast %and3A_682 : i32 to vector<16xi32>
      %and3A_684 = arith.andi %gather3A_662, %and3A_683 : vector<16xi32>
      %shift_left3A_685 = arith.constant 4 : i32
      %shift_left3A_686 = vector.broadcast %shift_left3A_685 : i32 to vector<16xi32>
      %shift_left3A_687 = arith.shli %and3A_684, %shift_left3A_686 : vector<16xi32>
      %or3A_688 = arith.ori %shift_left3A_687, %shift_right_logical3A_681 : vector<16xi32>
      %shift_right_logical3A_689 = arith.constant 9 : i32
      %shift_right_logical3A_690 = vector.broadcast %shift_right_logical3A_689 : i32 to vector<16xi32>
      %shift_right_logical3A_691 = arith.shrui %gather3A_663, %shift_right_logical3A_690 : vector<16xi32>
      %and3A_692 = arith.constant 511 : i32
      %and3A_693 = vector.broadcast %and3A_692 : i32 to vector<16xi32>
      %and3A_694 = arith.andi %gather3A_663, %and3A_693 : vector<16xi32>
      %shift_left3A_695 = arith.constant 4 : i32
      %shift_left3A_696 = vector.broadcast %shift_left3A_695 : i32 to vector<16xi32>
      %shift_left3A_697 = arith.shli %and3A_694, %shift_left3A_696 : vector<16xi32>
      %or3A_698 = arith.ori %shift_left3A_697, %shift_right_logical3A_691 : vector<16xi32>
      %shift_right_logical3A_699 = arith.constant 9 : i32
      %shift_right_logical3A_700 = vector.broadcast %shift_right_logical3A_699 : i32 to vector<16xi32>
      %shift_right_logical3A_701 = arith.shrui %gather3A_664, %shift_right_logical3A_700 : vector<16xi32>
      %and3A_702 = arith.constant 511 : i32
      %and3A_703 = vector.broadcast %and3A_702 : i32 to vector<16xi32>
      %and3A_704 = arith.andi %gather3A_664, %and3A_703 : vector<16xi32>
      %shift_left3A_705 = arith.constant 4 : i32
      %shift_left3A_706 = vector.broadcast %shift_left3A_705 : i32 to vector<16xi32>
      %shift_left3A_707 = arith.shli %and3A_704, %shift_left3A_706 : vector<16xi32>
      %or3A_708 = arith.ori %shift_left3A_707, %shift_right_logical3A_701 : vector<16xi32>
      %shift_right_logical3A_709 = arith.constant 9 : i32
      %shift_right_logical3A_710 = vector.broadcast %shift_right_logical3A_709 : i32 to vector<16xi32>
      %shift_right_logical3A_711 = arith.shrui %gather3A_665, %shift_right_logical3A_710 : vector<16xi32>
      %and3A_712 = arith.constant 511 : i32
      %and3A_713 = vector.broadcast %and3A_712 : i32 to vector<16xi32>
      %and3A_714 = arith.andi %gather3A_665, %and3A_713 : vector<16xi32>
      %shift_left3A_715 = arith.constant 4 : i32
      %shift_left3A_716 = vector.broadcast %shift_left3A_715 : i32 to vector<16xi32>
      %shift_left3A_717 = arith.shli %and3A_714, %shift_left3A_716 : vector<16xi32>
      %or3A_718 = arith.ori %shift_left3A_717, %shift_right_logical3A_711 : vector<16xi32>
      %shift_right_logical3A_719 = arith.constant 9 : i32
      %shift_right_logical3A_720 = vector.broadcast %shift_right_logical3A_719 : i32 to vector<16xi32>
      %shift_right_logical3A_721 = arith.shrui %gather3A_666, %shift_right_logical3A_720 : vector<16xi32>
      %and3A_722 = arith.constant 511 : i32
      %and3A_723 = vector.broadcast %and3A_722 : i32 to vector<16xi32>
      %and3A_724 = arith.andi %gather3A_666, %and3A_723 : vector<16xi32>
      %shift_left3A_725 = arith.constant 4 : i32
      %shift_left3A_726 = vector.broadcast %shift_left3A_725 : i32 to vector<16xi32>
      %shift_left3A_727 = arith.shli %and3A_724, %shift_left3A_726 : vector<16xi32>
      %or3A_728 = arith.ori %shift_left3A_727, %shift_right_logical3A_721 : vector<16xi32>
      %shift_right_logical3A_729 = arith.constant 9 : i32
      %shift_right_logical3A_730 = vector.broadcast %shift_right_logical3A_729 : i32 to vector<16xi32>
      %shift_right_logical3A_731 = arith.shrui %gather3A_667, %shift_right_logical3A_730 : vector<16xi32>
      %and3A_732 = arith.constant 511 : i32
      %and3A_733 = vector.broadcast %and3A_732 : i32 to vector<16xi32>
      %and3A_734 = arith.andi %gather3A_667, %and3A_733 : vector<16xi32>
      %shift_left3A_735 = arith.constant 4 : i32
      %shift_left3A_736 = vector.broadcast %shift_left3A_735 : i32 to vector<16xi32>
      %shift_left3A_737 = arith.shli %and3A_734, %shift_left3A_736 : vector<16xi32>
      %or3A_738 = arith.ori %shift_left3A_737, %shift_right_logical3A_731 : vector<16xi32>
      %shift_right_logical3A_739 = arith.constant 9 : i32
      %shift_right_logical3A_740 = vector.broadcast %shift_right_logical3A_739 : i32 to vector<16xi32>
      %shift_right_logical3A_741 = arith.shrui %gather3A_668, %shift_right_logical3A_740 : vector<16xi32>
      %and3A_742 = arith.constant 511 : i32
      %and3A_743 = vector.broadcast %and3A_742 : i32 to vector<16xi32>
      %and3A_744 = arith.andi %gather3A_668, %and3A_743 : vector<16xi32>
      %shift_left3A_745 = arith.constant 4 : i32
      %shift_left3A_746 = vector.broadcast %shift_left3A_745 : i32 to vector<16xi32>
      %shift_left3A_747 = arith.shli %and3A_744, %shift_left3A_746 : vector<16xi32>
      %or3A_748 = arith.ori %shift_left3A_747, %shift_right_logical3A_741 : vector<16xi32>
      %shift_right_logical3A_749 = arith.constant 12 : i32
      %shift_right_logical3A_750 = vector.broadcast %shift_right_logical3A_749 : i32 to vector<16xi32>
      %shift_right_logical3A_751 = arith.shrui %get3A_550, %shift_right_logical3A_750 : vector<16xi32>
      %and3A_752 = arith.constant 4080 : i32
      %and3A_753 = vector.broadcast %and3A_752 : i32 to vector<16xi32>
      %and3A_754 = arith.andi %shift_right_logical3A_751, %and3A_753 : vector<16xi32>
      %or3A_755 = arith.ori %and3A_754, %shift_right_logical3A_671 : vector<16xi32>
      %shift_right_logical3A_756 = arith.constant 7 : i32
      %shift_right_logical3A_757 = vector.broadcast %shift_right_logical3A_756 : i32 to vector<16xi32>
      %shift_right_logical3A_758 = arith.shrui %gather3A_661, %shift_right_logical3A_757 : vector<16xi32>
      %and3A_759 = arith.constant 3 : i32
      %and3A_760 = vector.broadcast %and3A_759 : i32 to vector<16xi32>
      %and3A_761 = arith.andi %shift_right_logical3A_758, %and3A_760 : vector<16xi32>
      %shift_left3A_762 = arith.constant 12 : i32
      %shift_left3A_763 = vector.broadcast %shift_left3A_762 : i32 to vector<16xi32>
      %shift_left3A_764 = arith.shli %and3A_761, %shift_left3A_763 : vector<16xi32>
      %or3A_765 = arith.ori %or3A_755, %shift_left3A_764 : vector<16xi32>
      %shift_right_logical3A_766 = arith.constant 12 : i32
      %shift_right_logical3A_767 = vector.broadcast %shift_right_logical3A_766 : i32 to vector<16xi32>
      %shift_right_logical3A_768 = arith.shrui %get3A_552, %shift_right_logical3A_767 : vector<16xi32>
      %and3A_769 = arith.constant 4080 : i32
      %and3A_770 = vector.broadcast %and3A_769 : i32 to vector<16xi32>
      %and3A_771 = arith.andi %shift_right_logical3A_768, %and3A_770 : vector<16xi32>
      %or3A_772 = arith.ori %and3A_771, %shift_right_logical3A_681 : vector<16xi32>
      %shift_right_logical3A_773 = arith.constant 7 : i32
      %shift_right_logical3A_774 = vector.broadcast %shift_right_logical3A_773 : i32 to vector<16xi32>
      %shift_right_logical3A_775 = arith.shrui %gather3A_662, %shift_right_logical3A_774 : vector<16xi32>
      %and3A_776 = arith.constant 3 : i32
      %and3A_777 = vector.broadcast %and3A_776 : i32 to vector<16xi32>
      %and3A_778 = arith.andi %shift_right_logical3A_775, %and3A_777 : vector<16xi32>
      %shift_left3A_779 = arith.constant 12 : i32
      %shift_left3A_780 = vector.broadcast %shift_left3A_779 : i32 to vector<16xi32>
      %shift_left3A_781 = arith.shli %and3A_778, %shift_left3A_780 : vector<16xi32>
      %or3A_782 = arith.ori %or3A_772, %shift_left3A_781 : vector<16xi32>
      %shift_right_logical3A_783 = arith.constant 12 : i32
      %shift_right_logical3A_784 = vector.broadcast %shift_right_logical3A_783 : i32 to vector<16xi32>
      %shift_right_logical3A_785 = arith.shrui %get3A_554, %shift_right_logical3A_784 : vector<16xi32>
      %and3A_786 = arith.constant 4080 : i32
      %and3A_787 = vector.broadcast %and3A_786 : i32 to vector<16xi32>
      %and3A_788 = arith.andi %shift_right_logical3A_785, %and3A_787 : vector<16xi32>
      %or3A_789 = arith.ori %and3A_788, %shift_right_logical3A_691 : vector<16xi32>
      %shift_right_logical3A_790 = arith.constant 7 : i32
      %shift_right_logical3A_791 = vector.broadcast %shift_right_logical3A_790 : i32 to vector<16xi32>
      %shift_right_logical3A_792 = arith.shrui %gather3A_663, %shift_right_logical3A_791 : vector<16xi32>
      %and3A_793 = arith.constant 3 : i32
      %and3A_794 = vector.broadcast %and3A_793 : i32 to vector<16xi32>
      %and3A_795 = arith.andi %shift_right_logical3A_792, %and3A_794 : vector<16xi32>
      %shift_left3A_796 = arith.constant 12 : i32
      %shift_left3A_797 = vector.broadcast %shift_left3A_796 : i32 to vector<16xi32>
      %shift_left3A_798 = arith.shli %and3A_795, %shift_left3A_797 : vector<16xi32>
      %or3A_799 = arith.ori %or3A_789, %shift_left3A_798 : vector<16xi32>
      %shift_right_logical3A_800 = arith.constant 12 : i32
      %shift_right_logical3A_801 = vector.broadcast %shift_right_logical3A_800 : i32 to vector<16xi32>
      %shift_right_logical3A_802 = arith.shrui %get3A_556, %shift_right_logical3A_801 : vector<16xi32>
      %and3A_803 = arith.constant 4080 : i32
      %and3A_804 = vector.broadcast %and3A_803 : i32 to vector<16xi32>
      %and3A_805 = arith.andi %shift_right_logical3A_802, %and3A_804 : vector<16xi32>
      %or3A_806 = arith.ori %and3A_805, %shift_right_logical3A_701 : vector<16xi32>
      %shift_right_logical3A_807 = arith.constant 7 : i32
      %shift_right_logical3A_808 = vector.broadcast %shift_right_logical3A_807 : i32 to vector<16xi32>
      %shift_right_logical3A_809 = arith.shrui %gather3A_664, %shift_right_logical3A_808 : vector<16xi32>
      %and3A_810 = arith.constant 3 : i32
      %and3A_811 = vector.broadcast %and3A_810 : i32 to vector<16xi32>
      %and3A_812 = arith.andi %shift_right_logical3A_809, %and3A_811 : vector<16xi32>
      %shift_left3A_813 = arith.constant 12 : i32
      %shift_left3A_814 = vector.broadcast %shift_left3A_813 : i32 to vector<16xi32>
      %shift_left3A_815 = arith.shli %and3A_812, %shift_left3A_814 : vector<16xi32>
      %or3A_816 = arith.ori %or3A_806, %shift_left3A_815 : vector<16xi32>
      %shift_right_logical3A_817 = arith.constant 12 : i32
      %shift_right_logical3A_818 = vector.broadcast %shift_right_logical3A_817 : i32 to vector<16xi32>
      %shift_right_logical3A_819 = arith.shrui %get3A_558, %shift_right_logical3A_818 : vector<16xi32>
      %and3A_820 = arith.constant 4080 : i32
      %and3A_821 = vector.broadcast %and3A_820 : i32 to vector<16xi32>
      %and3A_822 = arith.andi %shift_right_logical3A_819, %and3A_821 : vector<16xi32>
      %or3A_823 = arith.ori %and3A_822, %shift_right_logical3A_711 : vector<16xi32>
      %shift_right_logical3A_824 = arith.constant 7 : i32
      %shift_right_logical3A_825 = vector.broadcast %shift_right_logical3A_824 : i32 to vector<16xi32>
      %shift_right_logical3A_826 = arith.shrui %gather3A_665, %shift_right_logical3A_825 : vector<16xi32>
      %and3A_827 = arith.constant 3 : i32
      %and3A_828 = vector.broadcast %and3A_827 : i32 to vector<16xi32>
      %and3A_829 = arith.andi %shift_right_logical3A_826, %and3A_828 : vector<16xi32>
      %shift_left3A_830 = arith.constant 12 : i32
      %shift_left3A_831 = vector.broadcast %shift_left3A_830 : i32 to vector<16xi32>
      %shift_left3A_832 = arith.shli %and3A_829, %shift_left3A_831 : vector<16xi32>
      %or3A_833 = arith.ori %or3A_823, %shift_left3A_832 : vector<16xi32>
      %shift_right_logical3A_834 = arith.constant 12 : i32
      %shift_right_logical3A_835 = vector.broadcast %shift_right_logical3A_834 : i32 to vector<16xi32>
      %shift_right_logical3A_836 = arith.shrui %get3A_560, %shift_right_logical3A_835 : vector<16xi32>
      %and3A_837 = arith.constant 4080 : i32
      %and3A_838 = vector.broadcast %and3A_837 : i32 to vector<16xi32>
      %and3A_839 = arith.andi %shift_right_logical3A_836, %and3A_838 : vector<16xi32>
      %or3A_840 = arith.ori %and3A_839, %shift_right_logical3A_721 : vector<16xi32>
      %shift_right_logical3A_841 = arith.constant 7 : i32
      %shift_right_logical3A_842 = vector.broadcast %shift_right_logical3A_841 : i32 to vector<16xi32>
      %shift_right_logical3A_843 = arith.shrui %gather3A_666, %shift_right_logical3A_842 : vector<16xi32>
      %and3A_844 = arith.constant 3 : i32
      %and3A_845 = vector.broadcast %and3A_844 : i32 to vector<16xi32>
      %and3A_846 = arith.andi %shift_right_logical3A_843, %and3A_845 : vector<16xi32>
      %shift_left3A_847 = arith.constant 12 : i32
      %shift_left3A_848 = vector.broadcast %shift_left3A_847 : i32 to vector<16xi32>
      %shift_left3A_849 = arith.shli %and3A_846, %shift_left3A_848 : vector<16xi32>
      %or3A_850 = arith.ori %or3A_840, %shift_left3A_849 : vector<16xi32>
      %shift_right_logical3A_851 = arith.constant 12 : i32
      %shift_right_logical3A_852 = vector.broadcast %shift_right_logical3A_851 : i32 to vector<16xi32>
      %shift_right_logical3A_853 = arith.shrui %get3A_562, %shift_right_logical3A_852 : vector<16xi32>
      %and3A_854 = arith.constant 4080 : i32
      %and3A_855 = vector.broadcast %and3A_854 : i32 to vector<16xi32>
      %and3A_856 = arith.andi %shift_right_logical3A_853, %and3A_855 : vector<16xi32>
      %or3A_857 = arith.ori %and3A_856, %shift_right_logical3A_731 : vector<16xi32>
      %shift_right_logical3A_858 = arith.constant 7 : i32
      %shift_right_logical3A_859 = vector.broadcast %shift_right_logical3A_858 : i32 to vector<16xi32>
      %shift_right_logical3A_860 = arith.shrui %gather3A_667, %shift_right_logical3A_859 : vector<16xi32>
      %and3A_861 = arith.constant 3 : i32
      %and3A_862 = vector.broadcast %and3A_861 : i32 to vector<16xi32>
      %and3A_863 = arith.andi %shift_right_logical3A_860, %and3A_862 : vector<16xi32>
      %shift_left3A_864 = arith.constant 12 : i32
      %shift_left3A_865 = vector.broadcast %shift_left3A_864 : i32 to vector<16xi32>
      %shift_left3A_866 = arith.shli %and3A_863, %shift_left3A_865 : vector<16xi32>
      %or3A_867 = arith.ori %or3A_857, %shift_left3A_866 : vector<16xi32>
      %shift_right_logical3A_868 = arith.constant 12 : i32
      %shift_right_logical3A_869 = vector.broadcast %shift_right_logical3A_868 : i32 to vector<16xi32>
      %shift_right_logical3A_870 = arith.shrui %get3A_564, %shift_right_logical3A_869 : vector<16xi32>
      %and3A_871 = arith.constant 4080 : i32
      %and3A_872 = vector.broadcast %and3A_871 : i32 to vector<16xi32>
      %and3A_873 = arith.andi %shift_right_logical3A_870, %and3A_872 : vector<16xi32>
      %or3A_874 = arith.ori %and3A_873, %shift_right_logical3A_741 : vector<16xi32>
      %shift_right_logical3A_875 = arith.constant 7 : i32
      %shift_right_logical3A_876 = vector.broadcast %shift_right_logical3A_875 : i32 to vector<16xi32>
      %shift_right_logical3A_877 = arith.shrui %gather3A_668, %shift_right_logical3A_876 : vector<16xi32>
      %and3A_878 = arith.constant 3 : i32
      %and3A_879 = vector.broadcast %and3A_878 : i32 to vector<16xi32>
      %and3A_880 = arith.andi %shift_right_logical3A_877, %and3A_879 : vector<16xi32>
      %shift_left3A_881 = arith.constant 12 : i32
      %shift_left3A_882 = vector.broadcast %shift_left3A_881 : i32 to vector<16xi32>
      %shift_left3A_883 = arith.shli %and3A_880, %shift_left3A_882 : vector<16xi32>
      %or3A_884 = arith.ori %or3A_874, %shift_left3A_883 : vector<16xi32>
      %shift_right_logical3A_885 = arith.constant 16 : i32
      %shift_right_logical3A_886 = vector.broadcast %shift_right_logical3A_885 : i32 to vector<16xi32>
      %shift_right_logical3A_887 = arith.shrui %get3A_550, %shift_right_logical3A_886 : vector<16xi32>
      %shift_left3A_888 = arith.constant 13 : i32
      %shift_left3A_889 = vector.broadcast %shift_left3A_888 : i32 to vector<16xi32>
      %shift_left3A_890 = arith.shli %shift_right_logical3A_887, %shift_left3A_889 : vector<16xi32>
      %or3A_891 = arith.ori %shift_left3A_890, %get3A_566 : vector<16xi32>
      %shift_right_logical3A_892 = arith.constant 16 : i32
      %shift_right_logical3A_893 = vector.broadcast %shift_right_logical3A_892 : i32 to vector<16xi32>
      %shift_right_logical3A_894 = arith.shrui %get3A_552, %shift_right_logical3A_893 : vector<16xi32>
      %shift_left3A_895 = arith.constant 13 : i32
      %shift_left3A_896 = vector.broadcast %shift_left3A_895 : i32 to vector<16xi32>
      %shift_left3A_897 = arith.shli %shift_right_logical3A_894, %shift_left3A_896 : vector<16xi32>
      %or3A_898 = arith.ori %shift_left3A_897, %get3A_568 : vector<16xi32>
      %shift_right_logical3A_899 = arith.constant 16 : i32
      %shift_right_logical3A_900 = vector.broadcast %shift_right_logical3A_899 : i32 to vector<16xi32>
      %shift_right_logical3A_901 = arith.shrui %get3A_554, %shift_right_logical3A_900 : vector<16xi32>
      %shift_left3A_902 = arith.constant 13 : i32
      %shift_left3A_903 = vector.broadcast %shift_left3A_902 : i32 to vector<16xi32>
      %shift_left3A_904 = arith.shli %shift_right_logical3A_901, %shift_left3A_903 : vector<16xi32>
      %or3A_905 = arith.ori %shift_left3A_904, %get3A_570 : vector<16xi32>
      %shift_right_logical3A_906 = arith.constant 16 : i32
      %shift_right_logical3A_907 = vector.broadcast %shift_right_logical3A_906 : i32 to vector<16xi32>
      %shift_right_logical3A_908 = arith.shrui %get3A_556, %shift_right_logical3A_907 : vector<16xi32>
      %shift_left3A_909 = arith.constant 13 : i32
      %shift_left3A_910 = vector.broadcast %shift_left3A_909 : i32 to vector<16xi32>
      %shift_left3A_911 = arith.shli %shift_right_logical3A_908, %shift_left3A_910 : vector<16xi32>
      %or3A_912 = arith.ori %shift_left3A_911, %get3A_572 : vector<16xi32>
      %shift_right_logical3A_913 = arith.constant 16 : i32
      %shift_right_logical3A_914 = vector.broadcast %shift_right_logical3A_913 : i32 to vector<16xi32>
      %shift_right_logical3A_915 = arith.shrui %get3A_558, %shift_right_logical3A_914 : vector<16xi32>
      %shift_left3A_916 = arith.constant 13 : i32
      %shift_left3A_917 = vector.broadcast %shift_left3A_916 : i32 to vector<16xi32>
      %shift_left3A_918 = arith.shli %shift_right_logical3A_915, %shift_left3A_917 : vector<16xi32>
      %or3A_919 = arith.ori %shift_left3A_918, %get3A_574 : vector<16xi32>
      %shift_right_logical3A_920 = arith.constant 16 : i32
      %shift_right_logical3A_921 = vector.broadcast %shift_right_logical3A_920 : i32 to vector<16xi32>
      %shift_right_logical3A_922 = arith.shrui %get3A_560, %shift_right_logical3A_921 : vector<16xi32>
      %shift_left3A_923 = arith.constant 13 : i32
      %shift_left3A_924 = vector.broadcast %shift_left3A_923 : i32 to vector<16xi32>
      %shift_left3A_925 = arith.shli %shift_right_logical3A_922, %shift_left3A_924 : vector<16xi32>
      %or3A_926 = arith.ori %shift_left3A_925, %get3A_576 : vector<16xi32>
      %shift_right_logical3A_927 = arith.constant 16 : i32
      %shift_right_logical3A_928 = vector.broadcast %shift_right_logical3A_927 : i32 to vector<16xi32>
      %shift_right_logical3A_929 = arith.shrui %get3A_562, %shift_right_logical3A_928 : vector<16xi32>
      %shift_left3A_930 = arith.constant 13 : i32
      %shift_left3A_931 = vector.broadcast %shift_left3A_930 : i32 to vector<16xi32>
      %shift_left3A_932 = arith.shli %shift_right_logical3A_929, %shift_left3A_931 : vector<16xi32>
      %or3A_933 = arith.ori %shift_left3A_932, %get3A_578 : vector<16xi32>
      %shift_right_logical3A_934 = arith.constant 16 : i32
      %shift_right_logical3A_935 = vector.broadcast %shift_right_logical3A_934 : i32 to vector<16xi32>
      %shift_right_logical3A_936 = arith.shrui %get3A_564, %shift_right_logical3A_935 : vector<16xi32>
      %shift_left3A_937 = arith.constant 13 : i32
      %shift_left3A_938 = vector.broadcast %shift_left3A_937 : i32 to vector<16xi32>
      %shift_left3A_939 = arith.shli %shift_right_logical3A_936, %shift_left3A_938 : vector<16xi32>
      %or3A_940 = arith.ori %shift_left3A_939, %get3A_580 : vector<16xi32>
      tpu.vector_store_idx %arg7[%or3A_678], %or3A_891 : memref<8192xi32, #tpu.memory_space<vmem>>[vector<16xi32>], vector<16xi32>,
      tpu.vector_store_idx %arg7[%or3A_688], %or3A_898 : memref<8192xi32, #tpu.memory_space<vmem>>[vector<16xi32>], vector<16xi32>,
      tpu.vector_store_idx %arg7[%or3A_698], %or3A_905 : memref<8192xi32, #tpu.memory_space<vmem>>[vector<16xi32>], vector<16xi32>,
      tpu.vector_store_idx %arg7[%or3A_708], %or3A_912 : memref<8192xi32, #tpu.memory_space<vmem>>[vector<16xi32>], vector<16xi32>,
      tpu.vector_store_idx %arg8[%or3A_718], %or3A_919 : memref<8192xi32, #tpu.memory_space<vmem>>[vector<16xi32>], vector<16xi32>,
      tpu.vector_store_idx %arg8[%or3A_728], %or3A_926 : memref<8192xi32, #tpu.memory_space<vmem>>[vector<16xi32>], vector<16xi32>,
      tpu.vector_store_idx %arg8[%or3A_738], %or3A_933 : memref<8192xi32, #tpu.memory_space<vmem>>[vector<16xi32>], vector<16xi32>,
      tpu.vector_store_idx %arg8[%or3A_748], %or3A_940 : memref<8192xi32, #tpu.memory_space<vmem>>[vector<16xi32>], vector<16xi32>,
      tpu.vector_store_idx %arg15[%add3A_590], %broadcast_in_dim3A_4 {add = true} : memref<16384xi32, #tpu.memory_space<vmem>>[vector<16xi32>], vector<16xi32>,
      tpu.vector_store_idx %arg15[%add3A_600], %broadcast_in_dim3A_4 {add = true} : memref<16384xi32, #tpu.memory_space<vmem>>[vector<16xi32>], vector<16xi32>,
      tpu.vector_store_idx %arg15[%add3A_610], %broadcast_in_dim3A_4 {add = true} : memref<16384xi32, #tpu.memory_space<vmem>>[vector<16xi32>], vector<16xi32>,
      tpu.vector_store_idx %arg15[%add3A_620], %broadcast_in_dim3A_4 {add = true} : memref<16384xi32, #tpu.memory_space<vmem>>[vector<16xi32>], vector<16xi32>,
      tpu.vector_store_idx %arg16[%add3A_630], %broadcast_in_dim3A_4 {add = true} : memref<16384xi32, #tpu.memory_space<vmem>>[vector<16xi32>], vector<16xi32>,
      tpu.vector_store_idx %arg16[%add3A_640], %broadcast_in_dim3A_4 {add = true} : memref<16384xi32, #tpu.memory_space<vmem>>[vector<16xi32>], vector<16xi32>,
      tpu.vector_store_idx %arg16[%add3A_650], %broadcast_in_dim3A_4 {add = true} : memref<16384xi32, #tpu.memory_space<vmem>>[vector<16xi32>], vector<16xi32>,
      tpu.vector_store_idx %arg16[%add3A_660], %broadcast_in_dim3A_4 {add = true} : memref<16384xi32, #tpu.memory_space<vmem>>[vector<16xi32>], vector<16xi32>,
      tpu.vector_store_idx %arg13[%or3A_765], %broadcast_in_dim3A_4 {add = true} : memref<16384xi32, #tpu.memory_space<vmem>>[vector<16xi32>], vector<16xi32>,
      tpu.vector_store_idx %arg13[%or3A_782], %broadcast_in_dim3A_4 {add = true} : memref<16384xi32, #tpu.memory_space<vmem>>[vector<16xi32>], vector<16xi32>,
      tpu.vector_store_idx %arg13[%or3A_799], %broadcast_in_dim3A_4 {add = true} : memref<16384xi32, #tpu.memory_space<vmem>>[vector<16xi32>], vector<16xi32>,
      tpu.vector_store_idx %arg13[%or3A_816], %broadcast_in_dim3A_4 {add = true} : memref<16384xi32, #tpu.memory_space<vmem>>[vector<16xi32>], vector<16xi32>,
      tpu.vector_store_idx %arg14[%or3A_833], %broadcast_in_dim3A_4 {add = true} : memref<16384xi32, #tpu.memory_space<vmem>>[vector<16xi32>], vector<16xi32>,
      tpu.vector_store_idx %arg14[%or3A_850], %broadcast_in_dim3A_4 {add = true} : memref<16384xi32, #tpu.memory_space<vmem>>[vector<16xi32>], vector<16xi32>,
      tpu.vector_store_idx %arg14[%or3A_867], %broadcast_in_dim3A_4 {add = true} : memref<16384xi32, #tpu.memory_space<vmem>>[vector<16xi32>], vector<16xi32>,
      tpu.vector_store_idx %arg14[%or3A_884], %broadcast_in_dim3A_4 {add = true} : memref<16384xi32, #tpu.memory_space<vmem>>[vector<16xi32>], vector<16xi32>,
      %scan3A_941 = arith.constant 0 : i32
      scf.yield %scan3A_941 : i32
    }
    %scan3A_55 = arith.constant 128 : i32
    %scan3A_56 = arith.constant 0 : i32
    %scan3A_57 = arith.constant 0 : i32
    %scan3A_58 = arith.constant 0 : i32
    %scan3A_59 = arith.constant 256 : i32
    %scan3A_60 = arith.addi %scan3A_58, %scan3A_59 : i32
    %scan3A_61 = arith.constant 2 : i32
    %scan3A_62:2 = scf.for %scan3A_94 = %scan3A_58 to %scan3A_60 step %scan3A_61 iter_args(%scan3A_95 = %scan3A_56, %scan3A_96 = %scan3A_57) -> (i32, i32)  : i32 {
      %mul3A_97 = arith.constant 16 : i32
      %mul3A_98 = arith.muli %scan3A_94, %mul3A_97 : i32
      %add3A_99 = arith.constant 0 : i32
      %add3A_100 = arith.addi %mul3A_98, %add3A_99 : i32
      %mul3A_101 = arith.constant 16 : i32
      %mul3A_102 = arith.muli %scan3A_94, %mul3A_101 : i32
      %add3A_103 = arith.constant 4096 : i32
      %add3A_104 = arith.addi %mul3A_102, %add3A_103 : i32
      %mul3A_105 = arith.constant 16 : i32
      %mul3A_106 = arith.muli %scan3A_94, %mul3A_105 : i32
      %add3A_107 = arith.constant 8192 : i32
      %add3A_108 = arith.addi %mul3A_106, %add3A_107 : i32
      %mul3A_109 = arith.constant 16 : i32
      %mul3A_110 = arith.muli %scan3A_94, %mul3A_109 : i32
      %add3A_111 = arith.constant 12288 : i32
      %add3A_112 = arith.addi %mul3A_110, %add3A_111 : i32
      %get3A = arith.index_cast %add3A_100 : i32 to index
      %get3A_113 = tpu.vector_load %arg13[%get3A] {strides = array<i32>} : memref<16384xi32, #tpu.memory_space<vmem>>, vector<16xi32>,
      %get3A_114 = arith.index_cast %add3A_104 : i32 to index
      %get3A_115 = tpu.vector_load %arg13[%get3A_114] {strides = array<i32>} : memref<16384xi32, #tpu.memory_space<vmem>>, vector<16xi32>,
      %get3A_116 = arith.index_cast %add3A_108 : i32 to index
      %get3A_117 = tpu.vector_load %arg13[%get3A_116] {strides = array<i32>} : memref<16384xi32, #tpu.memory_space<vmem>>, vector<16xi32>,
      %get3A_118 = arith.index_cast %add3A_112 : i32 to index
      %get3A_119 = tpu.vector_load %arg13[%get3A_118] {strides = array<i32>} : memref<16384xi32, #tpu.memory_space<vmem>>, vector<16xi32>,
      %add3A_120 = arith.addi %get3A_113, %get3A_115 : vector<16xi32>
      %add3A_121 = arith.addi %add3A_120, %get3A_117 : vector<16xi32>
      %add3A_122 = arith.addi %add3A_121, %get3A_119 : vector<16xi32>
      %broadcast_in_dim3A_123 = arith.constant true
      %broadcast_in_dim3A_124 = vector.broadcast %broadcast_in_dim3A_123 : i1 to vector<16xi1>
      %masked_cumsum3A = tpu.scan <sum>, %add3A_122 masked %broadcast_in_dim3A_124 : vector<16xi32>, vector<16xi1> -> vector<16xi32>
      %sub3A = arith.subi %masked_cumsum3A, %add3A_122 : vector<16xi32>
      %add3A_125 = vector.broadcast %scan3A_95 : i32 to vector<16xi32>
      %add3A_126 = arith.addi %sub3A, %add3A_125 : vector<16xi32>
      %swap3A = arith.index_cast %add3A_100 : i32 to index
      %swap3A_127 = tpu.vector_load %arg13[%swap3A] {strides = array<i32>} : memref<16384xi32, #tpu.memory_space<vmem>>, vector<16xi32>,
      tpu.vector_store %arg13[%swap3A], %add3A_126 {strides = array<i32>} : memref<16384xi32, #tpu.memory_space<vmem>>, vector<16xi32>,
      %add3A_128 = arith.addi %add3A_126, %get3A_113 : vector<16xi32>
      %swap3A_129 = arith.index_cast %add3A_104 : i32 to index
      %swap3A_130 = tpu.vector_load %arg13[%swap3A_129] {strides = array<i32>} : memref<16384xi32, #tpu.memory_space<vmem>>, vector<16xi32>,
      tpu.vector_store %arg13[%swap3A_129], %add3A_128 {strides = array<i32>} : memref<16384xi32, #tpu.memory_space<vmem>>, vector<16xi32>,
      %add3A_131 = arith.addi %add3A_128, %get3A_115 : vector<16xi32>
      %swap3A_132 = arith.index_cast %add3A_108 : i32 to index
      %swap3A_133 = tpu.vector_load %arg13[%swap3A_132] {strides = array<i32>} : memref<16384xi32, #tpu.memory_space<vmem>>, vector<16xi32>,
      tpu.vector_store %arg13[%swap3A_132], %add3A_131 {strides = array<i32>} : memref<16384xi32, #tpu.memory_space<vmem>>, vector<16xi32>,
      %add3A_134 = arith.addi %add3A_131, %get3A_117 : vector<16xi32>
      %swap3A_135 = arith.index_cast %add3A_112 : i32 to index
      %swap3A_136 = tpu.vector_load %arg13[%swap3A_135] {strides = array<i32>} : memref<16384xi32, #tpu.memory_space<vmem>>, vector<16xi32>,
      tpu.vector_store %arg13[%swap3A_135], %add3A_134 {strides = array<i32>} : memref<16384xi32, #tpu.memory_space<vmem>>, vector<16xi32>,
      %slice3A = vector.extract_strided_slice %masked_cumsum3A {offsets = [15], sizes = [1], strides = [1]} : vector<16xi32> to vector<1xi32>
      %squeeze3A = vector.extract %slice3A[0] : i32 from vector<1xi32>
      %add3A_137 = arith.addi %scan3A_95, %squeeze3A : i32
      %get3A_138 = arith.index_cast %add3A_100 : i32 to index
      %get3A_139 = tpu.vector_load %arg14[%get3A_138] {strides = array<i32>} : memref<16384xi32, #tpu.memory_space<vmem>>, vector<16xi32>,
      %get3A_140 = arith.index_cast %add3A_104 : i32 to index
      %get3A_141 = tpu.vector_load %arg14[%get3A_140] {strides = array<i32>} : memref<16384xi32, #tpu.memory_space<vmem>>, vector<16xi32>,
      %get3A_142 = arith.index_cast %add3A_108 : i32 to index
      %get3A_143 = tpu.vector_load %arg14[%get3A_142] {strides = array<i32>} : memref<16384xi32, #tpu.memory_space<vmem>>, vector<16xi32>,
      %get3A_144 = arith.index_cast %add3A_112 : i32 to index
      %get3A_145 = tpu.vector_load %arg14[%get3A_144] {strides = array<i32>} : memref<16384xi32, #tpu.memory_space<vmem>>, vector<16xi32>,
      %add3A_146 = arith.addi %get3A_139, %get3A_141 : vector<16xi32>
      %add3A_147 = arith.addi %add3A_146, %get3A_143 : vector<16xi32>
      %add3A_148 = arith.addi %add3A_147, %get3A_145 : vector<16xi32>
      %broadcast_in_dim3A_149 = arith.constant true
      %broadcast_in_dim3A_150 = vector.broadcast %broadcast_in_dim3A_149 : i1 to vector<16xi1>
      %masked_cumsum3A_151 = tpu.scan <sum>, %add3A_148 masked %broadcast_in_dim3A_150 : vector<16xi32>, vector<16xi1> -> vector<16xi32>
      %sub3A_152 = arith.subi %masked_cumsum3A_151, %add3A_148 : vector<16xi32>
      %add3A_153 = vector.broadcast %scan3A_96 : i32 to vector<16xi32>
      %add3A_154 = arith.addi %sub3A_152, %add3A_153 : vector<16xi32>
      %swap3A_155 = arith.index_cast %add3A_100 : i32 to index
      %swap3A_156 = tpu.vector_load %arg14[%swap3A_155] {strides = array<i32>} : memref<16384xi32, #tpu.memory_space<vmem>>, vector<16xi32>,
      tpu.vector_store %arg14[%swap3A_155], %add3A_154 {strides = array<i32>} : memref<16384xi32, #tpu.memory_space<vmem>>, vector<16xi32>,
      %add3A_157 = arith.addi %add3A_154, %get3A_139 : vector<16xi32>
      %swap3A_158 = arith.index_cast %add3A_104 : i32 to index
      %swap3A_159 = tpu.vector_load %arg14[%swap3A_158] {strides = array<i32>} : memref<16384xi32, #tpu.memory_space<vmem>>, vector<16xi32>,
      tpu.vector_store %arg14[%swap3A_158], %add3A_157 {strides = array<i32>} : memref<16384xi32, #tpu.memory_space<vmem>>, vector<16xi32>,
      %add3A_160 = arith.addi %add3A_157, %get3A_141 : vector<16xi32>
      %swap3A_161 = arith.index_cast %add3A_108 : i32 to index
      %swap3A_162 = tpu.vector_load %arg14[%swap3A_161] {strides = array<i32>} : memref<16384xi32, #tpu.memory_space<vmem>>, vector<16xi32>,
      tpu.vector_store %arg14[%swap3A_161], %add3A_160 {strides = array<i32>} : memref<16384xi32, #tpu.memory_space<vmem>>, vector<16xi32>,
      %add3A_163 = arith.addi %add3A_160, %get3A_143 : vector<16xi32>
      %swap3A_164 = arith.index_cast %add3A_112 : i32 to index
      %swap3A_165 = tpu.vector_load %arg14[%swap3A_164] {strides = array<i32>} : memref<16384xi32, #tpu.memory_space<vmem>>, vector<16xi32>,
      tpu.vector_store %arg14[%swap3A_164], %add3A_163 {strides = array<i32>} : memref<16384xi32, #tpu.memory_space<vmem>>, vector<16xi32>,
      %slice3A_166 = vector.extract_strided_slice %masked_cumsum3A_151 {offsets = [15], sizes = [1], strides = [1]} : vector<16xi32> to vector<1xi32>
      %squeeze3A_167 = vector.extract %slice3A_166[0] : i32 from vector<1xi32>
      %add3A_168 = arith.addi %scan3A_96, %squeeze3A_167 : i32
      %swap3A_169 = arith.index_cast %add3A_100 : i32 to index
      %swap3A_170 = tpu.vector_load %arg15[%swap3A_169] {strides = array<i32>} : memref<16384xi32, #tpu.memory_space<vmem>>, vector<16xi32>,
      tpu.vector_store %arg15[%swap3A_169], %broadcast_in_dim3A_6 {strides = array<i32>} : memref<16384xi32, #tpu.memory_space<vmem>>, vector<16xi32>,
      %swap3A_171 = arith.index_cast %add3A_104 : i32 to index
      %swap3A_172 = tpu.vector_load %arg15[%swap3A_171] {strides = array<i32>} : memref<16384xi32, #tpu.memory_space<vmem>>, vector<16xi32>,
      tpu.vector_store %arg15[%swap3A_171], %broadcast_in_dim3A_6 {strides = array<i32>} : memref<16384xi32, #tpu.memory_space<vmem>>, vector<16xi32>,
      %swap3A_173 = arith.index_cast %add3A_108 : i32 to index
      %swap3A_174 = tpu.vector_load %arg15[%swap3A_173] {strides = array<i32>} : memref<16384xi32, #tpu.memory_space<vmem>>, vector<16xi32>,
      tpu.vector_store %arg15[%swap3A_173], %broadcast_in_dim3A_6 {strides = array<i32>} : memref<16384xi32, #tpu.memory_space<vmem>>, vector<16xi32>,
      %swap3A_175 = arith.index_cast %add3A_112 : i32 to index
      %swap3A_176 = tpu.vector_load %arg15[%swap3A_175] {strides = array<i32>} : memref<16384xi32, #tpu.memory_space<vmem>>, vector<16xi32>,
      tpu.vector_store %arg15[%swap3A_175], %broadcast_in_dim3A_6 {strides = array<i32>} : memref<16384xi32, #tpu.memory_space<vmem>>, vector<16xi32>,
      %swap3A_177 = arith.index_cast %add3A_100 : i32 to index
      %swap3A_178 = tpu.vector_load %arg16[%swap3A_177] {strides = array<i32>} : memref<16384xi32, #tpu.memory_space<vmem>>, vector<16xi32>,
      tpu.vector_store %arg16[%swap3A_177], %broadcast_in_dim3A_6 {strides = array<i32>} : memref<16384xi32, #tpu.memory_space<vmem>>, vector<16xi32>,
      %swap3A_179 = arith.index_cast %add3A_104 : i32 to index
      %swap3A_180 = tpu.vector_load %arg16[%swap3A_179] {strides = array<i32>} : memref<16384xi32, #tpu.memory_space<vmem>>, vector<16xi32>,
      tpu.vector_store %arg16[%swap3A_179], %broadcast_in_dim3A_6 {strides = array<i32>} : memref<16384xi32, #tpu.memory_space<vmem>>, vector<16xi32>,
      %swap3A_181 = arith.index_cast %add3A_108 : i32 to index
      %swap3A_182 = tpu.vector_load %arg16[%swap3A_181] {strides = array<i32>} : memref<16384xi32, #tpu.memory_space<vmem>>, vector<16xi32>,
      tpu.vector_store %arg16[%swap3A_181], %broadcast_in_dim3A_6 {strides = array<i32>} : memref<16384xi32, #tpu.memory_space<vmem>>, vector<16xi32>,
      %swap3A_183 = arith.index_cast %add3A_112 : i32 to index
      %swap3A_184 = tpu.vector_load %arg16[%swap3A_183] {strides = array<i32>} : memref<16384xi32, #tpu.memory_space<vmem>>, vector<16xi32>,
      tpu.vector_store %arg16[%swap3A_183], %broadcast_in_dim3A_6 {strides = array<i32>} : memref<16384xi32, #tpu.memory_space<vmem>>, vector<16xi32>,
      %scan3A_185 = arith.constant 1 : i32
      %scan3A_186 = arith.addi %scan3A_94, %scan3A_185 : i32
      %mul3A_187 = arith.constant 16 : i32
      %mul3A_188 = arith.muli %scan3A_186, %mul3A_187 : i32
      %add3A_189 = arith.constant 0 : i32
      %add3A_190 = arith.addi %mul3A_188, %add3A_189 : i32
      %mul3A_191 = arith.constant 16 : i32
      %mul3A_192 = arith.muli %scan3A_186, %mul3A_191 : i32
      %add3A_193 = arith.constant 4096 : i32
      %add3A_194 = arith.addi %mul3A_192, %add3A_193 : i32
      %mul3A_195 = arith.constant 16 : i32
      %mul3A_196 = arith.muli %scan3A_186, %mul3A_195 : i32
      %add3A_197 = arith.constant 8192 : i32
      %add3A_198 = arith.addi %mul3A_196, %add3A_197 : i32
      %mul3A_199 = arith.constant 16 : i32
      %mul3A_200 = arith.muli %scan3A_186, %mul3A_199 : i32
      %add3A_201 = arith.constant 12288 : i32
      %add3A_202 = arith.addi %mul3A_200, %add3A_201 : i32
      %get3A_203 = arith.index_cast %add3A_190 : i32 to index
      %get3A_204 = tpu.vector_load %arg13[%get3A_203] {strides = array<i32>} : memref<16384xi32, #tpu.memory_space<vmem>>, vector<16xi32>,
      %get3A_205 = arith.index_cast %add3A_194 : i32 to index
      %get3A_206 = tpu.vector_load %arg13[%get3A_205] {strides = array<i32>} : memref<16384xi32, #tpu.memory_space<vmem>>, vector<16xi32>,
      %get3A_207 = arith.index_cast %add3A_198 : i32 to index
      %get3A_208 = tpu.vector_load %arg13[%get3A_207] {strides = array<i32>} : memref<16384xi32, #tpu.memory_space<vmem>>, vector<16xi32>,
      %get3A_209 = arith.index_cast %add3A_202 : i32 to index
      %get3A_210 = tpu.vector_load %arg13[%get3A_209] {strides = array<i32>} : memref<16384xi32, #tpu.memory_space<vmem>>, vector<16xi32>,
      %add3A_211 = arith.addi %get3A_204, %get3A_206 : vector<16xi32>
      %add3A_212 = arith.addi %add3A_211, %get3A_208 : vector<16xi32>
      %add3A_213 = arith.addi %add3A_212, %get3A_210 : vector<16xi32>
      %broadcast_in_dim3A_214 = arith.constant true
      %broadcast_in_dim3A_215 = vector.broadcast %broadcast_in_dim3A_214 : i1 to vector<16xi1>
      %masked_cumsum3A_216 = tpu.scan <sum>, %add3A_213 masked %broadcast_in_dim3A_215 : vector<16xi32>, vector<16xi1> -> vector<16xi32>
      %sub3A_217 = arith.subi %masked_cumsum3A_216, %add3A_213 : vector<16xi32>
      %add3A_218 = vector.broadcast %add3A_137 : i32 to vector<16xi32>
      %add3A_219 = arith.addi %sub3A_217, %add3A_218 : vector<16xi32>
      %swap3A_220 = arith.index_cast %add3A_190 : i32 to index
      %swap3A_221 = tpu.vector_load %arg13[%swap3A_220] {strides = array<i32>} : memref<16384xi32, #tpu.memory_space<vmem>>, vector<16xi32>,
      tpu.vector_store %arg13[%swap3A_220], %add3A_219 {strides = array<i32>} : memref<16384xi32, #tpu.memory_space<vmem>>, vector<16xi32>,
      %add3A_222 = arith.addi %add3A_219, %get3A_204 : vector<16xi32>
      %swap3A_223 = arith.index_cast %add3A_194 : i32 to index
      %swap3A_224 = tpu.vector_load %arg13[%swap3A_223] {strides = array<i32>} : memref<16384xi32, #tpu.memory_space<vmem>>, vector<16xi32>,
      tpu.vector_store %arg13[%swap3A_223], %add3A_222 {strides = array<i32>} : memref<16384xi32, #tpu.memory_space<vmem>>, vector<16xi32>,
      %add3A_225 = arith.addi %add3A_222, %get3A_206 : vector<16xi32>
      %swap3A_226 = arith.index_cast %add3A_198 : i32 to index
      %swap3A_227 = tpu.vector_load %arg13[%swap3A_226] {strides = array<i32>} : memref<16384xi32, #tpu.memory_space<vmem>>, vector<16xi32>,
      tpu.vector_store %arg13[%swap3A_226], %add3A_225 {strides = array<i32>} : memref<16384xi32, #tpu.memory_space<vmem>>, vector<16xi32>,
      %add3A_228 = arith.addi %add3A_225, %get3A_208 : vector<16xi32>
      %swap3A_229 = arith.index_cast %add3A_202 : i32 to index
      %swap3A_230 = tpu.vector_load %arg13[%swap3A_229] {strides = array<i32>} : memref<16384xi32, #tpu.memory_space<vmem>>, vector<16xi32>,
      tpu.vector_store %arg13[%swap3A_229], %add3A_228 {strides = array<i32>} : memref<16384xi32, #tpu.memory_space<vmem>>, vector<16xi32>,
      %slice3A_231 = vector.extract_strided_slice %masked_cumsum3A_216 {offsets = [15], sizes = [1], strides = [1]} : vector<16xi32> to vector<1xi32>
      %squeeze3A_232 = vector.extract %slice3A_231[0] : i32 from vector<1xi32>
      %add3A_233 = arith.addi %add3A_137, %squeeze3A_232 : i32
      %get3A_234 = arith.index_cast %add3A_190 : i32 to index
      %get3A_235 = tpu.vector_load %arg14[%get3A_234] {strides = array<i32>} : memref<16384xi32, #tpu.memory_space<vmem>>, vector<16xi32>,
      %get3A_236 = arith.index_cast %add3A_194 : i32 to index
      %get3A_237 = tpu.vector_load %arg14[%get3A_236] {strides = array<i32>} : memref<16384xi32, #tpu.memory_space<vmem>>, vector<16xi32>,
      %get3A_238 = arith.index_cast %add3A_198 : i32 to index
      %get3A_239 = tpu.vector_load %arg14[%get3A_238] {strides = array<i32>} : memref<16384xi32, #tpu.memory_space<vmem>>, vector<16xi32>,
      %get3A_240 = arith.index_cast %add3A_202 : i32 to index
      %get3A_241 = tpu.vector_load %arg14[%get3A_240] {strides = array<i32>} : memref<16384xi32, #tpu.memory_space<vmem>>, vector<16xi32>,
      %add3A_242 = arith.addi %get3A_235, %get3A_237 : vector<16xi32>
      %add3A_243 = arith.addi %add3A_242, %get3A_239 : vector<16xi32>
      %add3A_244 = arith.addi %add3A_243, %get3A_241 : vector<16xi32>
      %broadcast_in_dim3A_245 = arith.constant true
      %broadcast_in_dim3A_246 = vector.broadcast %broadcast_in_dim3A_245 : i1 to vector<16xi1>
      %masked_cumsum3A_247 = tpu.scan <sum>, %add3A_244 masked %broadcast_in_dim3A_246 : vector<16xi32>, vector<16xi1> -> vector<16xi32>
      %sub3A_248 = arith.subi %masked_cumsum3A_247, %add3A_244 : vector<16xi32>
      %add3A_249 = vector.broadcast %add3A_168 : i32 to vector<16xi32>
      %add3A_250 = arith.addi %sub3A_248, %add3A_249 : vector<16xi32>
      %swap3A_251 = arith.index_cast %add3A_190 : i32 to index
      %swap3A_252 = tpu.vector_load %arg14[%swap3A_251] {strides = array<i32>} : memref<16384xi32, #tpu.memory_space<vmem>>, vector<16xi32>,
      tpu.vector_store %arg14[%swap3A_251], %add3A_250 {strides = array<i32>} : memref<16384xi32, #tpu.memory_space<vmem>>, vector<16xi32>,
      %add3A_253 = arith.addi %add3A_250, %get3A_235 : vector<16xi32>
      %swap3A_254 = arith.index_cast %add3A_194 : i32 to index
      %swap3A_255 = tpu.vector_load %arg14[%swap3A_254] {strides = array<i32>} : memref<16384xi32, #tpu.memory_space<vmem>>, vector<16xi32>,
      tpu.vector_store %arg14[%swap3A_254], %add3A_253 {strides = array<i32>} : memref<16384xi32, #tpu.memory_space<vmem>>, vector<16xi32>,
      %add3A_256 = arith.addi %add3A_253, %get3A_237 : vector<16xi32>
      %swap3A_257 = arith.index_cast %add3A_198 : i32 to index
      %swap3A_258 = tpu.vector_load %arg14[%swap3A_257] {strides = array<i32>} : memref<16384xi32, #tpu.memory_space<vmem>>, vector<16xi32>,
      tpu.vector_store %arg14[%swap3A_257], %add3A_256 {strides = array<i32>} : memref<16384xi32, #tpu.memory_space<vmem>>, vector<16xi32>,
      %add3A_259 = arith.addi %add3A_256, %get3A_239 : vector<16xi32>
      %swap3A_260 = arith.index_cast %add3A_202 : i32 to index
      %swap3A_261 = tpu.vector_load %arg14[%swap3A_260] {strides = array<i32>} : memref<16384xi32, #tpu.memory_space<vmem>>, vector<16xi32>,
      tpu.vector_store %arg14[%swap3A_260], %add3A_259 {strides = array<i32>} : memref<16384xi32, #tpu.memory_space<vmem>>, vector<16xi32>,
      %slice3A_262 = vector.extract_strided_slice %masked_cumsum3A_247 {offsets = [15], sizes = [1], strides = [1]} : vector<16xi32> to vector<1xi32>
      %squeeze3A_263 = vector.extract %slice3A_262[0] : i32 from vector<1xi32>
      %add3A_264 = arith.addi %add3A_168, %squeeze3A_263 : i32
      %swap3A_265 = arith.index_cast %add3A_190 : i32 to index
      %swap3A_266 = tpu.vector_load %arg15[%swap3A_265] {strides = array<i32>} : memref<16384xi32, #tpu.memory_space<vmem>>, vector<16xi32>,
      tpu.vector_store %arg15[%swap3A_265], %broadcast_in_dim3A_6 {strides = array<i32>} : memref<16384xi32, #tpu.memory_space<vmem>>, vector<16xi32>,
      %swap3A_267 = arith.index_cast %add3A_194 : i32 to index
      %swap3A_268 = tpu.vector_load %arg15[%swap3A_267] {strides = array<i32>} : memref<16384xi32, #tpu.memory_space<vmem>>, vector<16xi32>,
      tpu.vector_store %arg15[%swap3A_267], %broadcast_in_dim3A_6 {strides = array<i32>} : memref<16384xi32, #tpu.memory_space<vmem>>, vector<16xi32>,
      %swap3A_269 = arith.index_cast %add3A_198 : i32 to index
      %swap3A_270 = tpu.vector_load %arg15[%swap3A_269] {strides = array<i32>} : memref<16384xi32, #tpu.memory_space<vmem>>, vector<16xi32>,
      tpu.vector_store %arg15[%swap3A_269], %broadcast_in_dim3A_6 {strides = array<i32>} : memref<16384xi32, #tpu.memory_space<vmem>>, vector<16xi32>,
      %swap3A_271 = arith.index_cast %add3A_202 : i32 to index
      %swap3A_272 = tpu.vector_load %arg15[%swap3A_271] {strides = array<i32>} : memref<16384xi32, #tpu.memory_space<vmem>>, vector<16xi32>,
      tpu.vector_store %arg15[%swap3A_271], %broadcast_in_dim3A_6 {strides = array<i32>} : memref<16384xi32, #tpu.memory_space<vmem>>, vector<16xi32>,
      %swap3A_273 = arith.index_cast %add3A_190 : i32 to index
      %swap3A_274 = tpu.vector_load %arg16[%swap3A_273] {strides = array<i32>} : memref<16384xi32, #tpu.memory_space<vmem>>, vector<16xi32>,
      tpu.vector_store %arg16[%swap3A_273], %broadcast_in_dim3A_6 {strides = array<i32>} : memref<16384xi32, #tpu.memory_space<vmem>>, vector<16xi32>,
      %swap3A_275 = arith.index_cast %add3A_194 : i32 to index
      %swap3A_276 = tpu.vector_load %arg16[%swap3A_275] {strides = array<i32>} : memref<16384xi32, #tpu.memory_space<vmem>>, vector<16xi32>,
      tpu.vector_store %arg16[%swap3A_275], %broadcast_in_dim3A_6 {strides = array<i32>} : memref<16384xi32, #tpu.memory_space<vmem>>, vector<16xi32>,
      %swap3A_277 = arith.index_cast %add3A_198 : i32 to index
      %swap3A_278 = tpu.vector_load %arg16[%swap3A_277] {strides = array<i32>} : memref<16384xi32, #tpu.memory_space<vmem>>, vector<16xi32>,
      tpu.vector_store %arg16[%swap3A_277], %broadcast_in_dim3A_6 {strides = array<i32>} : memref<16384xi32, #tpu.memory_space<vmem>>, vector<16xi32>,
      %swap3A_279 = arith.index_cast %add3A_202 : i32 to index
      %swap3A_280 = tpu.vector_load %arg16[%swap3A_279] {strides = array<i32>} : memref<16384xi32, #tpu.memory_space<vmem>>, vector<16xi32>,
      tpu.vector_store %arg16[%swap3A_279], %broadcast_in_dim3A_6 {strides = array<i32>} : memref<16384xi32, #tpu.memory_space<vmem>>, vector<16xi32>,
      scf.yield %add3A_233, %add3A_264 : i32, i32
    }
    %scan3A_63 = arith.constant 256 : i32
    %scan3A_64 = arith.constant 0 : i32
    %scan3A_65 = arith.constant 0 : i32
    %scan3A_66 = arith.constant 128 : i32
    %scan3A_67 = arith.addi %scan3A_65, %scan3A_66 : i32
    %scan3A_68 = arith.constant 2 : i32
    %scan3A_69 = scf.for %scan3A_94 = %scan3A_65 to %scan3A_67 step %scan3A_68 iter_args(%scan3A_95 = %scan3A_64) -> (i32)  : i32 {
      %add3A_96 = arith.constant 0 : i32
      %add3A_97 = arith.addi %scan3A_94, %add3A_96 : i32
      %mul3A_98 = arith.constant 16 : i32
      %mul3A_99 = arith.muli %add3A_97, %mul3A_98 : i32
      %add3A_100 = arith.constant 128 : i32
      %add3A_101 = arith.addi %scan3A_94, %add3A_100 : i32
      %mul3A_102 = arith.constant 16 : i32
      %mul3A_103 = arith.muli %add3A_101, %mul3A_102 : i32
      %add3A_104 = arith.constant 256 : i32
      %add3A_105 = arith.addi %scan3A_94, %add3A_104 : i32
      %mul3A_106 = arith.constant 16 : i32
      %mul3A_107 = arith.muli %add3A_105, %mul3A_106 : i32
      %add3A_108 = arith.constant 384 : i32
      %add3A_109 = arith.addi %scan3A_94, %add3A_108 : i32
      %mul3A_110 = arith.constant 16 : i32
      %mul3A_111 = arith.muli %add3A_109, %mul3A_110 : i32
      %add3A_112 = arith.constant 0 : i32
      %add3A_113 = arith.addi %scan3A_94, %add3A_112 : i32
      %mul3A_114 = arith.constant 16 : i32
      %mul3A_115 = arith.muli %add3A_113, %mul3A_114 : i32
      %add3A_116 = arith.constant 128 : i32
      %add3A_117 = arith.addi %scan3A_94, %add3A_116 : i32
      %mul3A_118 = arith.constant 16 : i32
      %mul3A_119 = arith.muli %add3A_117, %mul3A_118 : i32
      %add3A_120 = arith.constant 256 : i32
      %add3A_121 = arith.addi %scan3A_94, %add3A_120 : i32
      %mul3A_122 = arith.constant 16 : i32
      %mul3A_123 = arith.muli %add3A_121, %mul3A_122 : i32
      %add3A_124 = arith.constant 384 : i32
      %add3A_125 = arith.addi %scan3A_94, %add3A_124 : i32
      %mul3A_126 = arith.constant 16 : i32
      %mul3A_127 = arith.muli %add3A_125, %mul3A_126 : i32
      %get3A = arith.index_cast %mul3A_99 : i32 to index
      %get3A_128 = tpu.vector_load %arg7[%get3A] {strides = array<i32>} : memref<8192xi32, #tpu.memory_space<vmem>>, vector<16xi32>,
      %get3A_129 = arith.index_cast %mul3A_103 : i32 to index
      %get3A_130 = tpu.vector_load %arg7[%get3A_129] {strides = array<i32>} : memref<8192xi32, #tpu.memory_space<vmem>>, vector<16xi32>,
      %get3A_131 = arith.index_cast %mul3A_107 : i32 to index
      %get3A_132 = tpu.vector_load %arg7[%get3A_131] {strides = array<i32>} : memref<8192xi32, #tpu.memory_space<vmem>>, vector<16xi32>,
      %get3A_133 = arith.index_cast %mul3A_111 : i32 to index
      %get3A_134 = tpu.vector_load %arg7[%get3A_133] {strides = array<i32>} : memref<8192xi32, #tpu.memory_space<vmem>>, vector<16xi32>,
      %get3A_135 = arith.index_cast %mul3A_115 : i32 to index
      %get3A_136 = tpu.vector_load %arg8[%get3A_135] {strides = array<i32>} : memref<8192xi32, #tpu.memory_space<vmem>>, vector<16xi32>,
      %get3A_137 = arith.index_cast %mul3A_119 : i32 to index
      %get3A_138 = tpu.vector_load %arg8[%get3A_137] {strides = array<i32>} : memref<8192xi32, #tpu.memory_space<vmem>>, vector<16xi32>,
      %get3A_139 = arith.index_cast %mul3A_123 : i32 to index
      %get3A_140 = tpu.vector_load %arg8[%get3A_139] {strides = array<i32>} : memref<8192xi32, #tpu.memory_space<vmem>>, vector<16xi32>,
      %get3A_141 = arith.index_cast %mul3A_127 : i32 to index
      %get3A_142 = tpu.vector_load %arg8[%get3A_141] {strides = array<i32>} : memref<8192xi32, #tpu.memory_space<vmem>>, vector<16xi32>,
      %shift_right_logical3A = arith.constant 9 : i32
      %shift_right_logical3A_143 = vector.broadcast %shift_right_logical3A : i32 to vector<16xi32>
      %shift_right_logical3A_144 = arith.shrui %get3A_128, %shift_right_logical3A_143 : vector<16xi32>
      %and3A = arith.constant 4080 : i32
      %and3A_145 = vector.broadcast %and3A : i32 to vector<16xi32>
      %and3A_146 = arith.andi %shift_right_logical3A_144, %and3A_145 : vector<16xi32>
      %or3A = arith.ori %and3A_146, %iota3A : vector<16xi32>
      %add3A_147 = arith.constant 0 : i32
      %add3A_148 = vector.broadcast %add3A_147 : i32 to vector<16xi32>
      %add3A_149 = arith.addi %or3A, %add3A_148 : vector<16xi32>
      %shift_right_logical3A_150 = arith.constant 9 : i32
      %shift_right_logical3A_151 = vector.broadcast %shift_right_logical3A_150 : i32 to vector<16xi32>
      %shift_right_logical3A_152 = arith.shrui %get3A_130, %shift_right_logical3A_151 : vector<16xi32>
      %and3A_153 = arith.constant 4080 : i32
      %and3A_154 = vector.broadcast %and3A_153 : i32 to vector<16xi32>
      %and3A_155 = arith.andi %shift_right_logical3A_152, %and3A_154 : vector<16xi32>
      %or3A_156 = arith.ori %and3A_155, %iota3A : vector<16xi32>
      %add3A_157 = arith.constant 4096 : i32
      %add3A_158 = vector.broadcast %add3A_157 : i32 to vector<16xi32>
      %add3A_159 = arith.addi %or3A_156, %add3A_158 : vector<16xi32>
      %shift_right_logical3A_160 = arith.constant 9 : i32
      %shift_right_logical3A_161 = vector.broadcast %shift_right_logical3A_160 : i32 to vector<16xi32>
      %shift_right_logical3A_162 = arith.shrui %get3A_132, %shift_right_logical3A_161 : vector<16xi32>
      %and3A_163 = arith.constant 4080 : i32
      %and3A_164 = vector.broadcast %and3A_163 : i32 to vector<16xi32>
      %and3A_165 = arith.andi %shift_right_logical3A_162, %and3A_164 : vector<16xi32>
      %or3A_166 = arith.ori %and3A_165, %iota3A : vector<16xi32>
      %add3A_167 = arith.constant 8192 : i32
      %add3A_168 = vector.broadcast %add3A_167 : i32 to vector<16xi32>
      %add3A_169 = arith.addi %or3A_166, %add3A_168 : vector<16xi32>
      %shift_right_logical3A_170 = arith.constant 9 : i32
      %shift_right_logical3A_171 = vector.broadcast %shift_right_logical3A_170 : i32 to vector<16xi32>
      %shift_right_logical3A_172 = arith.shrui %get3A_134, %shift_right_logical3A_171 : vector<16xi32>
      %and3A_173 = arith.constant 4080 : i32
      %and3A_174 = vector.broadcast %and3A_173 : i32 to vector<16xi32>
      %and3A_175 = arith.andi %shift_right_logical3A_172, %and3A_174 : vector<16xi32>
      %or3A_176 = arith.ori %and3A_175, %iota3A : vector<16xi32>
      %add3A_177 = arith.constant 12288 : i32
      %add3A_178 = vector.broadcast %add3A_177 : i32 to vector<16xi32>
      %add3A_179 = arith.addi %or3A_176, %add3A_178 : vector<16xi32>
      %shift_right_logical3A_180 = arith.constant 9 : i32
      %shift_right_logical3A_181 = vector.broadcast %shift_right_logical3A_180 : i32 to vector<16xi32>
      %shift_right_logical3A_182 = arith.shrui %get3A_136, %shift_right_logical3A_181 : vector<16xi32>
      %and3A_183 = arith.constant 4080 : i32
      %and3A_184 = vector.broadcast %and3A_183 : i32 to vector<16xi32>
      %and3A_185 = arith.andi %shift_right_logical3A_182, %and3A_184 : vector<16xi32>
      %or3A_186 = arith.ori %and3A_185, %iota3A : vector<16xi32>
      %add3A_187 = arith.constant 0 : i32
      %add3A_188 = vector.broadcast %add3A_187 : i32 to vector<16xi32>
      %add3A_189 = arith.addi %or3A_186, %add3A_188 : vector<16xi32>
      %shift_right_logical3A_190 = arith.constant 9 : i32
      %shift_right_logical3A_191 = vector.broadcast %shift_right_logical3A_190 : i32 to vector<16xi32>
      %shift_right_logical3A_192 = arith.shrui %get3A_138, %shift_right_logical3A_191 : vector<16xi32>
      %and3A_193 = arith.constant 4080 : i32
      %and3A_194 = vector.broadcast %and3A_193 : i32 to vector<16xi32>
      %and3A_195 = arith.andi %shift_right_logical3A_192, %and3A_194 : vector<16xi32>
      %or3A_196 = arith.ori %and3A_195, %iota3A : vector<16xi32>
      %add3A_197 = arith.constant 4096 : i32
      %add3A_198 = vector.broadcast %add3A_197 : i32 to vector<16xi32>
      %add3A_199 = arith.addi %or3A_196, %add3A_198 : vector<16xi32>
      %shift_right_logical3A_200 = arith.constant 9 : i32
      %shift_right_logical3A_201 = vector.broadcast %shift_right_logical3A_200 : i32 to vector<16xi32>
      %shift_right_logical3A_202 = arith.shrui %get3A_140, %shift_right_logical3A_201 : vector<16xi32>
      %and3A_203 = arith.constant 4080 : i32
      %and3A_204 = vector.broadcast %and3A_203 : i32 to vector<16xi32>
      %and3A_205 = arith.andi %shift_right_logical3A_202, %and3A_204 : vector<16xi32>
      %or3A_206 = arith.ori %and3A_205, %iota3A : vector<16xi32>
      %add3A_207 = arith.constant 8192 : i32
      %add3A_208 = vector.broadcast %add3A_207 : i32 to vector<16xi32>
      %add3A_209 = arith.addi %or3A_206, %add3A_208 : vector<16xi32>
      %shift_right_logical3A_210 = arith.constant 9 : i32
      %shift_right_logical3A_211 = vector.broadcast %shift_right_logical3A_210 : i32 to vector<16xi32>
      %shift_right_logical3A_212 = arith.shrui %get3A_142, %shift_right_logical3A_211 : vector<16xi32>
      %and3A_213 = arith.constant 4080 : i32
      %and3A_214 = vector.broadcast %and3A_213 : i32 to vector<16xi32>
      %and3A_215 = arith.andi %shift_right_logical3A_212, %and3A_214 : vector<16xi32>
      %or3A_216 = arith.ori %and3A_215, %iota3A : vector<16xi32>
      %add3A_217 = arith.constant 12288 : i32
      %add3A_218 = vector.broadcast %add3A_217 : i32 to vector<16xi32>
      %add3A_219 = arith.addi %or3A_216, %add3A_218 : vector<16xi32>
      %gather3A = tpu.vector_load_idx %arg13[%add3A_149] : memref<16384xi32, #tpu.memory_space<vmem>>[vector<16xi32>], vector<16xi32>,
      %gather3A_220 = tpu.vector_load_idx %arg13[%add3A_159] : memref<16384xi32, #tpu.memory_space<vmem>>[vector<16xi32>], vector<16xi32>,
      %gather3A_221 = tpu.vector_load_idx %arg13[%add3A_169] : memref<16384xi32, #tpu.memory_space<vmem>>[vector<16xi32>], vector<16xi32>,
      %gather3A_222 = tpu.vector_load_idx %arg13[%add3A_179] : memref<16384xi32, #tpu.memory_space<vmem>>[vector<16xi32>], vector<16xi32>,
      %gather3A_223 = tpu.vector_load_idx %arg14[%add3A_189] : memref<16384xi32, #tpu.memory_space<vmem>>[vector<16xi32>], vector<16xi32>,
      %gather3A_224 = tpu.vector_load_idx %arg14[%add3A_199] : memref<16384xi32, #tpu.memory_space<vmem>>[vector<16xi32>], vector<16xi32>,
      %gather3A_225 = tpu.vector_load_idx %arg14[%add3A_209] : memref<16384xi32, #tpu.memory_space<vmem>>[vector<16xi32>], vector<16xi32>,
      %gather3A_226 = tpu.vector_load_idx %arg14[%add3A_219] : memref<16384xi32, #tpu.memory_space<vmem>>[vector<16xi32>], vector<16xi32>,
      %shift_right_logical3A_227 = arith.constant 9 : i32
      %shift_right_logical3A_228 = vector.broadcast %shift_right_logical3A_227 : i32 to vector<16xi32>
      %shift_right_logical3A_229 = arith.shrui %gather3A, %shift_right_logical3A_228 : vector<16xi32>
      %and3A_230 = arith.constant 511 : i32
      %and3A_231 = vector.broadcast %and3A_230 : i32 to vector<16xi32>
      %and3A_232 = arith.andi %gather3A, %and3A_231 : vector<16xi32>
      %shift_left3A = arith.constant 4 : i32
      %shift_left3A_233 = vector.broadcast %shift_left3A : i32 to vector<16xi32>
      %shift_left3A_234 = arith.shli %and3A_232, %shift_left3A_233 : vector<16xi32>
      %or3A_235 = arith.ori %shift_left3A_234, %shift_right_logical3A_229 : vector<16xi32>
      %shift_right_logical3A_236 = arith.constant 9 : i32
      %shift_right_logical3A_237 = vector.broadcast %shift_right_logical3A_236 : i32 to vector<16xi32>
      %shift_right_logical3A_238 = arith.shrui %gather3A_220, %shift_right_logical3A_237 : vector<16xi32>
      %and3A_239 = arith.constant 511 : i32
      %and3A_240 = vector.broadcast %and3A_239 : i32 to vector<16xi32>
      %and3A_241 = arith.andi %gather3A_220, %and3A_240 : vector<16xi32>
      %shift_left3A_242 = arith.constant 4 : i32
      %shift_left3A_243 = vector.broadcast %shift_left3A_242 : i32 to vector<16xi32>
      %shift_left3A_244 = arith.shli %and3A_241, %shift_left3A_243 : vector<16xi32>
      %or3A_245 = arith.ori %shift_left3A_244, %shift_right_logical3A_238 : vector<16xi32>
      %shift_right_logical3A_246 = arith.constant 9 : i32
      %shift_right_logical3A_247 = vector.broadcast %shift_right_logical3A_246 : i32 to vector<16xi32>
      %shift_right_logical3A_248 = arith.shrui %gather3A_221, %shift_right_logical3A_247 : vector<16xi32>
      %and3A_249 = arith.constant 511 : i32
      %and3A_250 = vector.broadcast %and3A_249 : i32 to vector<16xi32>
      %and3A_251 = arith.andi %gather3A_221, %and3A_250 : vector<16xi32>
      %shift_left3A_252 = arith.constant 4 : i32
      %shift_left3A_253 = vector.broadcast %shift_left3A_252 : i32 to vector<16xi32>
      %shift_left3A_254 = arith.shli %and3A_251, %shift_left3A_253 : vector<16xi32>
      %or3A_255 = arith.ori %shift_left3A_254, %shift_right_logical3A_248 : vector<16xi32>
      %shift_right_logical3A_256 = arith.constant 9 : i32
      %shift_right_logical3A_257 = vector.broadcast %shift_right_logical3A_256 : i32 to vector<16xi32>
      %shift_right_logical3A_258 = arith.shrui %gather3A_222, %shift_right_logical3A_257 : vector<16xi32>
      %and3A_259 = arith.constant 511 : i32
      %and3A_260 = vector.broadcast %and3A_259 : i32 to vector<16xi32>
      %and3A_261 = arith.andi %gather3A_222, %and3A_260 : vector<16xi32>
      %shift_left3A_262 = arith.constant 4 : i32
      %shift_left3A_263 = vector.broadcast %shift_left3A_262 : i32 to vector<16xi32>
      %shift_left3A_264 = arith.shli %and3A_261, %shift_left3A_263 : vector<16xi32>
      %or3A_265 = arith.ori %shift_left3A_264, %shift_right_logical3A_258 : vector<16xi32>
      %shift_right_logical3A_266 = arith.constant 9 : i32
      %shift_right_logical3A_267 = vector.broadcast %shift_right_logical3A_266 : i32 to vector<16xi32>
      %shift_right_logical3A_268 = arith.shrui %gather3A_223, %shift_right_logical3A_267 : vector<16xi32>
      %and3A_269 = arith.constant 511 : i32
      %and3A_270 = vector.broadcast %and3A_269 : i32 to vector<16xi32>
      %and3A_271 = arith.andi %gather3A_223, %and3A_270 : vector<16xi32>
      %shift_left3A_272 = arith.constant 4 : i32
      %shift_left3A_273 = vector.broadcast %shift_left3A_272 : i32 to vector<16xi32>
      %shift_left3A_274 = arith.shli %and3A_271, %shift_left3A_273 : vector<16xi32>
      %or3A_275 = arith.ori %shift_left3A_274, %shift_right_logical3A_268 : vector<16xi32>
      %shift_right_logical3A_276 = arith.constant 9 : i32
      %shift_right_logical3A_277 = vector.broadcast %shift_right_logical3A_276 : i32 to vector<16xi32>
      %shift_right_logical3A_278 = arith.shrui %gather3A_224, %shift_right_logical3A_277 : vector<16xi32>
      %and3A_279 = arith.constant 511 : i32
      %and3A_280 = vector.broadcast %and3A_279 : i32 to vector<16xi32>
      %and3A_281 = arith.andi %gather3A_224, %and3A_280 : vector<16xi32>
      %shift_left3A_282 = arith.constant 4 : i32
      %shift_left3A_283 = vector.broadcast %shift_left3A_282 : i32 to vector<16xi32>
      %shift_left3A_284 = arith.shli %and3A_281, %shift_left3A_283 : vector<16xi32>
      %or3A_285 = arith.ori %shift_left3A_284, %shift_right_logical3A_278 : vector<16xi32>
      %shift_right_logical3A_286 = arith.constant 9 : i32
      %shift_right_logical3A_287 = vector.broadcast %shift_right_logical3A_286 : i32 to vector<16xi32>
      %shift_right_logical3A_288 = arith.shrui %gather3A_225, %shift_right_logical3A_287 : vector<16xi32>
      %and3A_289 = arith.constant 511 : i32
      %and3A_290 = vector.broadcast %and3A_289 : i32 to vector<16xi32>
      %and3A_291 = arith.andi %gather3A_225, %and3A_290 : vector<16xi32>
      %shift_left3A_292 = arith.constant 4 : i32
      %shift_left3A_293 = vector.broadcast %shift_left3A_292 : i32 to vector<16xi32>
      %shift_left3A_294 = arith.shli %and3A_291, %shift_left3A_293 : vector<16xi32>
      %or3A_295 = arith.ori %shift_left3A_294, %shift_right_logical3A_288 : vector<16xi32>
      %shift_right_logical3A_296 = arith.constant 9 : i32
      %shift_right_logical3A_297 = vector.broadcast %shift_right_logical3A_296 : i32 to vector<16xi32>
      %shift_right_logical3A_298 = arith.shrui %gather3A_226, %shift_right_logical3A_297 : vector<16xi32>
      %and3A_299 = arith.constant 511 : i32
      %and3A_300 = vector.broadcast %and3A_299 : i32 to vector<16xi32>
      %and3A_301 = arith.andi %gather3A_226, %and3A_300 : vector<16xi32>
      %shift_left3A_302 = arith.constant 4 : i32
      %shift_left3A_303 = vector.broadcast %shift_left3A_302 : i32 to vector<16xi32>
      %shift_left3A_304 = arith.shli %and3A_301, %shift_left3A_303 : vector<16xi32>
      %or3A_305 = arith.ori %shift_left3A_304, %shift_right_logical3A_298 : vector<16xi32>
      %shift_right_logical3A_306 = arith.constant 17 : i32
      %shift_right_logical3A_307 = vector.broadcast %shift_right_logical3A_306 : i32 to vector<16xi32>
      %shift_right_logical3A_308 = arith.shrui %get3A_128, %shift_right_logical3A_307 : vector<16xi32>
      %and3A_309 = arith.constant 4080 : i32
      %and3A_310 = vector.broadcast %and3A_309 : i32 to vector<16xi32>
      %and3A_311 = arith.andi %shift_right_logical3A_308, %and3A_310 : vector<16xi32>
      %or3A_312 = arith.ori %and3A_311, %shift_right_logical3A_229 : vector<16xi32>
      %shift_right_logical3A_313 = arith.constant 7 : i32
      %shift_right_logical3A_314 = vector.broadcast %shift_right_logical3A_313 : i32 to vector<16xi32>
      %shift_right_logical3A_315 = arith.shrui %gather3A, %shift_right_logical3A_314 : vector<16xi32>
      %and3A_316 = arith.constant 3 : i32
      %and3A_317 = vector.broadcast %and3A_316 : i32 to vector<16xi32>
      %and3A_318 = arith.andi %shift_right_logical3A_315, %and3A_317 : vector<16xi32>
      %shift_left3A_319 = arith.constant 12 : i32
      %shift_left3A_320 = vector.broadcast %shift_left3A_319 : i32 to vector<16xi32>
      %shift_left3A_321 = arith.shli %and3A_318, %shift_left3A_320 : vector<16xi32>
      %or3A_322 = arith.ori %or3A_312, %shift_left3A_321 : vector<16xi32>
      %shift_right_logical3A_323 = arith.constant 17 : i32
      %shift_right_logical3A_324 = vector.broadcast %shift_right_logical3A_323 : i32 to vector<16xi32>
      %shift_right_logical3A_325 = arith.shrui %get3A_130, %shift_right_logical3A_324 : vector<16xi32>
      %and3A_326 = arith.constant 4080 : i32
      %and3A_327 = vector.broadcast %and3A_326 : i32 to vector<16xi32>
      %and3A_328 = arith.andi %shift_right_logical3A_325, %and3A_327 : vector<16xi32>
      %or3A_329 = arith.ori %and3A_328, %shift_right_logical3A_238 : vector<16xi32>
      %shift_right_logical3A_330 = arith.constant 7 : i32
      %shift_right_logical3A_331 = vector.broadcast %shift_right_logical3A_330 : i32 to vector<16xi32>
      %shift_right_logical3A_332 = arith.shrui %gather3A_220, %shift_right_logical3A_331 : vector<16xi32>
      %and3A_333 = arith.constant 3 : i32
      %and3A_334 = vector.broadcast %and3A_333 : i32 to vector<16xi32>
      %and3A_335 = arith.andi %shift_right_logical3A_332, %and3A_334 : vector<16xi32>
      %shift_left3A_336 = arith.constant 12 : i32
      %shift_left3A_337 = vector.broadcast %shift_left3A_336 : i32 to vector<16xi32>
      %shift_left3A_338 = arith.shli %and3A_335, %shift_left3A_337 : vector<16xi32>
      %or3A_339 = arith.ori %or3A_329, %shift_left3A_338 : vector<16xi32>
      %shift_right_logical3A_340 = arith.constant 17 : i32
      %shift_right_logical3A_341 = vector.broadcast %shift_right_logical3A_340 : i32 to vector<16xi32>
      %shift_right_logical3A_342 = arith.shrui %get3A_132, %shift_right_logical3A_341 : vector<16xi32>
      %and3A_343 = arith.constant 4080 : i32
      %and3A_344 = vector.broadcast %and3A_343 : i32 to vector<16xi32>
      %and3A_345 = arith.andi %shift_right_logical3A_342, %and3A_344 : vector<16xi32>
      %or3A_346 = arith.ori %and3A_345, %shift_right_logical3A_248 : vector<16xi32>
      %shift_right_logical3A_347 = arith.constant 7 : i32
      %shift_right_logical3A_348 = vector.broadcast %shift_right_logical3A_347 : i32 to vector<16xi32>
      %shift_right_logical3A_349 = arith.shrui %gather3A_221, %shift_right_logical3A_348 : vector<16xi32>
      %and3A_350 = arith.constant 3 : i32
      %and3A_351 = vector.broadcast %and3A_350 : i32 to vector<16xi32>
      %and3A_352 = arith.andi %shift_right_logical3A_349, %and3A_351 : vector<16xi32>
      %shift_left3A_353 = arith.constant 12 : i32
      %shift_left3A_354 = vector.broadcast %shift_left3A_353 : i32 to vector<16xi32>
      %shift_left3A_355 = arith.shli %and3A_352, %shift_left3A_354 : vector<16xi32>
      %or3A_356 = arith.ori %or3A_346, %shift_left3A_355 : vector<16xi32>
      %shift_right_logical3A_357 = arith.constant 17 : i32
      %shift_right_logical3A_358 = vector.broadcast %shift_right_logical3A_357 : i32 to vector<16xi32>
      %shift_right_logical3A_359 = arith.shrui %get3A_134, %shift_right_logical3A_358 : vector<16xi32>
      %and3A_360 = arith.constant 4080 : i32
      %and3A_361 = vector.broadcast %and3A_360 : i32 to vector<16xi32>
      %and3A_362 = arith.andi %shift_right_logical3A_359, %and3A_361 : vector<16xi32>
      %or3A_363 = arith.ori %and3A_362, %shift_right_logical3A_258 : vector<16xi32>
      %shift_right_logical3A_364 = arith.constant 7 : i32
      %shift_right_logical3A_365 = vector.broadcast %shift_right_logical3A_364 : i32 to vector<16xi32>
      %shift_right_logical3A_366 = arith.shrui %gather3A_222, %shift_right_logical3A_365 : vector<16xi32>
      %and3A_367 = arith.constant 3 : i32
      %and3A_368 = vector.broadcast %and3A_367 : i32 to vector<16xi32>
      %and3A_369 = arith.andi %shift_right_logical3A_366, %and3A_368 : vector<16xi32>
      %shift_left3A_370 = arith.constant 12 : i32
      %shift_left3A_371 = vector.broadcast %shift_left3A_370 : i32 to vector<16xi32>
      %shift_left3A_372 = arith.shli %and3A_369, %shift_left3A_371 : vector<16xi32>
      %or3A_373 = arith.ori %or3A_363, %shift_left3A_372 : vector<16xi32>
      %shift_right_logical3A_374 = arith.constant 17 : i32
      %shift_right_logical3A_375 = vector.broadcast %shift_right_logical3A_374 : i32 to vector<16xi32>
      %shift_right_logical3A_376 = arith.shrui %get3A_136, %shift_right_logical3A_375 : vector<16xi32>
      %and3A_377 = arith.constant 4080 : i32
      %and3A_378 = vector.broadcast %and3A_377 : i32 to vector<16xi32>
      %and3A_379 = arith.andi %shift_right_logical3A_376, %and3A_378 : vector<16xi32>
      %or3A_380 = arith.ori %and3A_379, %shift_right_logical3A_268 : vector<16xi32>
      %shift_right_logical3A_381 = arith.constant 7 : i32
      %shift_right_logical3A_382 = vector.broadcast %shift_right_logical3A_381 : i32 to vector<16xi32>
      %shift_right_logical3A_383 = arith.shrui %gather3A_223, %shift_right_logical3A_382 : vector<16xi32>
      %and3A_384 = arith.constant 3 : i32
      %and3A_385 = vector.broadcast %and3A_384 : i32 to vector<16xi32>
      %and3A_386 = arith.andi %shift_right_logical3A_383, %and3A_385 : vector<16xi32>
      %shift_left3A_387 = arith.constant 12 : i32
      %shift_left3A_388 = vector.broadcast %shift_left3A_387 : i32 to vector<16xi32>
      %shift_left3A_389 = arith.shli %and3A_386, %shift_left3A_388 : vector<16xi32>
      %or3A_390 = arith.ori %or3A_380, %shift_left3A_389 : vector<16xi32>
      %shift_right_logical3A_391 = arith.constant 17 : i32
      %shift_right_logical3A_392 = vector.broadcast %shift_right_logical3A_391 : i32 to vector<16xi32>
      %shift_right_logical3A_393 = arith.shrui %get3A_138, %shift_right_logical3A_392 : vector<16xi32>
      %and3A_394 = arith.constant 4080 : i32
      %and3A_395 = vector.broadcast %and3A_394 : i32 to vector<16xi32>
      %and3A_396 = arith.andi %shift_right_logical3A_393, %and3A_395 : vector<16xi32>
      %or3A_397 = arith.ori %and3A_396, %shift_right_logical3A_278 : vector<16xi32>
      %shift_right_logical3A_398 = arith.constant 7 : i32
      %shift_right_logical3A_399 = vector.broadcast %shift_right_logical3A_398 : i32 to vector<16xi32>
      %shift_right_logical3A_400 = arith.shrui %gather3A_224, %shift_right_logical3A_399 : vector<16xi32>
      %and3A_401 = arith.constant 3 : i32
      %and3A_402 = vector.broadcast %and3A_401 : i32 to vector<16xi32>
      %and3A_403 = arith.andi %shift_right_logical3A_400, %and3A_402 : vector<16xi32>
      %shift_left3A_404 = arith.constant 12 : i32
      %shift_left3A_405 = vector.broadcast %shift_left3A_404 : i32 to vector<16xi32>
      %shift_left3A_406 = arith.shli %and3A_403, %shift_left3A_405 : vector<16xi32>
      %or3A_407 = arith.ori %or3A_397, %shift_left3A_406 : vector<16xi32>
      %shift_right_logical3A_408 = arith.constant 17 : i32
      %shift_right_logical3A_409 = vector.broadcast %shift_right_logical3A_408 : i32 to vector<16xi32>
      %shift_right_logical3A_410 = arith.shrui %get3A_140, %shift_right_logical3A_409 : vector<16xi32>
      %and3A_411 = arith.constant 4080 : i32
      %and3A_412 = vector.broadcast %and3A_411 : i32 to vector<16xi32>
      %and3A_413 = arith.andi %shift_right_logical3A_410, %and3A_412 : vector<16xi32>
      %or3A_414 = arith.ori %and3A_413, %shift_right_logical3A_288 : vector<16xi32>
      %shift_right_logical3A_415 = arith.constant 7 : i32
      %shift_right_logical3A_416 = vector.broadcast %shift_right_logical3A_415 : i32 to vector<16xi32>
      %shift_right_logical3A_417 = arith.shrui %gather3A_225, %shift_right_logical3A_416 : vector<16xi32>
      %and3A_418 = arith.constant 3 : i32
      %and3A_419 = vector.broadcast %and3A_418 : i32 to vector<16xi32>
      %and3A_420 = arith.andi %shift_right_logical3A_417, %and3A_419 : vector<16xi32>
      %shift_left3A_421 = arith.constant 12 : i32
      %shift_left3A_422 = vector.broadcast %shift_left3A_421 : i32 to vector<16xi32>
      %shift_left3A_423 = arith.shli %and3A_420, %shift_left3A_422 : vector<16xi32>
      %or3A_424 = arith.ori %or3A_414, %shift_left3A_423 : vector<16xi32>
      %shift_right_logical3A_425 = arith.constant 17 : i32
      %shift_right_logical3A_426 = vector.broadcast %shift_right_logical3A_425 : i32 to vector<16xi32>
      %shift_right_logical3A_427 = arith.shrui %get3A_142, %shift_right_logical3A_426 : vector<16xi32>
      %and3A_428 = arith.constant 4080 : i32
      %and3A_429 = vector.broadcast %and3A_428 : i32 to vector<16xi32>
      %and3A_430 = arith.andi %shift_right_logical3A_427, %and3A_429 : vector<16xi32>
      %or3A_431 = arith.ori %and3A_430, %shift_right_logical3A_298 : vector<16xi32>
      %shift_right_logical3A_432 = arith.constant 7 : i32
      %shift_right_logical3A_433 = vector.broadcast %shift_right_logical3A_432 : i32 to vector<16xi32>
      %shift_right_logical3A_434 = arith.shrui %gather3A_226, %shift_right_logical3A_433 : vector<16xi32>
      %and3A_435 = arith.constant 3 : i32
      %and3A_436 = vector.broadcast %and3A_435 : i32 to vector<16xi32>
      %and3A_437 = arith.andi %shift_right_logical3A_434, %and3A_436 : vector<16xi32>
      %shift_left3A_438 = arith.constant 12 : i32
      %shift_left3A_439 = vector.broadcast %shift_left3A_438 : i32 to vector<16xi32>
      %shift_left3A_440 = arith.shli %and3A_437, %shift_left3A_439 : vector<16xi32>
      %or3A_441 = arith.ori %or3A_431, %shift_left3A_440 : vector<16xi32>
      tpu.vector_store_idx %arg9[%or3A_235], %get3A_128 : memref<8192xi32, #tpu.memory_space<vmem>>[vector<16xi32>], vector<16xi32>,
      tpu.vector_store_idx %arg9[%or3A_245], %get3A_130 : memref<8192xi32, #tpu.memory_space<vmem>>[vector<16xi32>], vector<16xi32>,
      tpu.vector_store_idx %arg9[%or3A_255], %get3A_132 : memref<8192xi32, #tpu.memory_space<vmem>>[vector<16xi32>], vector<16xi32>,
      tpu.vector_store_idx %arg9[%or3A_265], %get3A_134 : memref<8192xi32, #tpu.memory_space<vmem>>[vector<16xi32>], vector<16xi32>,
      tpu.vector_store_idx %arg10[%or3A_275], %get3A_136 : memref<8192xi32, #tpu.memory_space<vmem>>[vector<16xi32>], vector<16xi32>,
      tpu.vector_store_idx %arg10[%or3A_285], %get3A_138 : memref<8192xi32, #tpu.memory_space<vmem>>[vector<16xi32>], vector<16xi32>,
      tpu.vector_store_idx %arg10[%or3A_295], %get3A_140 : memref<8192xi32, #tpu.memory_space<vmem>>[vector<16xi32>], vector<16xi32>,
      tpu.vector_store_idx %arg10[%or3A_305], %get3A_142 : memref<8192xi32, #tpu.memory_space<vmem>>[vector<16xi32>], vector<16xi32>,
      tpu.vector_store_idx %arg13[%add3A_149], %broadcast_in_dim3A_4 {add = true} : memref<16384xi32, #tpu.memory_space<vmem>>[vector<16xi32>], vector<16xi32>,
      tpu.vector_store_idx %arg13[%add3A_159], %broadcast_in_dim3A_4 {add = true} : memref<16384xi32, #tpu.memory_space<vmem>>[vector<16xi32>], vector<16xi32>,
      tpu.vector_store_idx %arg13[%add3A_169], %broadcast_in_dim3A_4 {add = true} : memref<16384xi32, #tpu.memory_space<vmem>>[vector<16xi32>], vector<16xi32>,
      tpu.vector_store_idx %arg13[%add3A_179], %broadcast_in_dim3A_4 {add = true} : memref<16384xi32, #tpu.memory_space<vmem>>[vector<16xi32>], vector<16xi32>,
      tpu.vector_store_idx %arg14[%add3A_189], %broadcast_in_dim3A_4 {add = true} : memref<16384xi32, #tpu.memory_space<vmem>>[vector<16xi32>], vector<16xi32>,
      tpu.vector_store_idx %arg14[%add3A_199], %broadcast_in_dim3A_4 {add = true} : memref<16384xi32, #tpu.memory_space<vmem>>[vector<16xi32>], vector<16xi32>,
      tpu.vector_store_idx %arg14[%add3A_209], %broadcast_in_dim3A_4 {add = true} : memref<16384xi32, #tpu.memory_space<vmem>>[vector<16xi32>], vector<16xi32>,
      tpu.vector_store_idx %arg14[%add3A_219], %broadcast_in_dim3A_4 {add = true} : memref<16384xi32, #tpu.memory_space<vmem>>[vector<16xi32>], vector<16xi32>,
      tpu.vector_store_idx %arg15[%or3A_322], %broadcast_in_dim3A_4 {add = true} : memref<16384xi32, #tpu.memory_space<vmem>>[vector<16xi32>], vector<16xi32>,
      tpu.vector_store_idx %arg15[%or3A_339], %broadcast_in_dim3A_4 {add = true} : memref<16384xi32, #tpu.memory_space<vmem>>[vector<16xi32>], vector<16xi32>,
      tpu.vector_store_idx %arg15[%or3A_356], %broadcast_in_dim3A_4 {add = true} : memref<16384xi32, #tpu.memory_space<vmem>>[vector<16xi32>], vector<16xi32>,
      tpu.vector_store_idx %arg15[%or3A_373], %broadcast_in_dim3A_4 {add = true} : memref<16384xi32, #tpu.memory_space<vmem>>[vector<16xi32>], vector<16xi32>,
      tpu.vector_store_idx %arg16[%or3A_390], %broadcast_in_dim3A_4 {add = true} : memref<16384xi32, #tpu.memory_space<vmem>>[vector<16xi32>], vector<16xi32>,
      tpu.vector_store_idx %arg16[%or3A_407], %broadcast_in_dim3A_4 {add = true} : memref<16384xi32, #tpu.memory_space<vmem>>[vector<16xi32>], vector<16xi32>,
      tpu.vector_store_idx %arg16[%or3A_424], %broadcast_in_dim3A_4 {add = true} : memref<16384xi32, #tpu.memory_space<vmem>>[vector<16xi32>], vector<16xi32>,
      tpu.vector_store_idx %arg16[%or3A_441], %broadcast_in_dim3A_4 {add = true} : memref<16384xi32, #tpu.memory_space<vmem>>[vector<16xi32>], vector<16xi32>,
      %scan3A_442 = arith.constant 0 : i32
      %scan3A_443 = arith.constant 1 : i32
      %scan3A_444 = arith.addi %scan3A_94, %scan3A_443 : i32
      %add3A_445 = arith.constant 0 : i32
      %add3A_446 = arith.addi %scan3A_444, %add3A_445 : i32
      %mul3A_447 = arith.constant 16 : i32
      %mul3A_448 = arith.muli %add3A_446, %mul3A_447 : i32
      %add3A_449 = arith.constant 128 : i32
      %add3A_450 = arith.addi %scan3A_444, %add3A_449 : i32
      %mul3A_451 = arith.constant 16 : i32
      %mul3A_452 = arith.muli %add3A_450, %mul3A_451 : i32
      %add3A_453 = arith.constant 256 : i32
      %add3A_454 = arith.addi %scan3A_444, %add3A_453 : i32
      %mul3A_455 = arith.constant 16 : i32
      %mul3A_456 = arith.muli %add3A_454, %mul3A_455 : i32
      %add3A_457 = arith.constant 384 : i32
      %add3A_458 = arith.addi %scan3A_444, %add3A_457 : i32
      %mul3A_459 = arith.constant 16 : i32
      %mul3A_460 = arith.muli %add3A_458, %mul3A_459 : i32
      %add3A_461 = arith.constant 0 : i32
      %add3A_462 = arith.addi %scan3A_444, %add3A_461 : i32
      %mul3A_463 = arith.constant 16 : i32
      %mul3A_464 = arith.muli %add3A_462, %mul3A_463 : i32
      %add3A_465 = arith.constant 128 : i32
      %add3A_466 = arith.addi %scan3A_444, %add3A_465 : i32
      %mul3A_467 = arith.constant 16 : i32
      %mul3A_468 = arith.muli %add3A_466, %mul3A_467 : i32
      %add3A_469 = arith.constant 256 : i32
      %add3A_470 = arith.addi %scan3A_444, %add3A_469 : i32
      %mul3A_471 = arith.constant 16 : i32
      %mul3A_472 = arith.muli %add3A_470, %mul3A_471 : i32
      %add3A_473 = arith.constant 384 : i32
      %add3A_474 = arith.addi %scan3A_444, %add3A_473 : i32
      %mul3A_475 = arith.constant 16 : i32
      %mul3A_476 = arith.muli %add3A_474, %mul3A_475 : i32
      %get3A_477 = arith.index_cast %mul3A_448 : i32 to index
      %get3A_478 = tpu.vector_load %arg7[%get3A_477] {strides = array<i32>} : memref<8192xi32, #tpu.memory_space<vmem>>, vector<16xi32>,
      %get3A_479 = arith.index_cast %mul3A_452 : i32 to index
      %get3A_480 = tpu.vector_load %arg7[%get3A_479] {strides = array<i32>} : memref<8192xi32, #tpu.memory_space<vmem>>, vector<16xi32>,
      %get3A_481 = arith.index_cast %mul3A_456 : i32 to index
      %get3A_482 = tpu.vector_load %arg7[%get3A_481] {strides = array<i32>} : memref<8192xi32, #tpu.memory_space<vmem>>, vector<16xi32>,
      %get3A_483 = arith.index_cast %mul3A_460 : i32 to index
      %get3A_484 = tpu.vector_load %arg7[%get3A_483] {strides = array<i32>} : memref<8192xi32, #tpu.memory_space<vmem>>, vector<16xi32>,
      %get3A_485 = arith.index_cast %mul3A_464 : i32 to index
      %get3A_486 = tpu.vector_load %arg8[%get3A_485] {strides = array<i32>} : memref<8192xi32, #tpu.memory_space<vmem>>, vector<16xi32>,
      %get3A_487 = arith.index_cast %mul3A_468 : i32 to index
      %get3A_488 = tpu.vector_load %arg8[%get3A_487] {strides = array<i32>} : memref<8192xi32, #tpu.memory_space<vmem>>, vector<16xi32>,
      %get3A_489 = arith.index_cast %mul3A_472 : i32 to index
      %get3A_490 = tpu.vector_load %arg8[%get3A_489] {strides = array<i32>} : memref<8192xi32, #tpu.memory_space<vmem>>, vector<16xi32>,
      %get3A_491 = arith.index_cast %mul3A_476 : i32 to index
      %get3A_492 = tpu.vector_load %arg8[%get3A_491] {strides = array<i32>} : memref<8192xi32, #tpu.memory_space<vmem>>, vector<16xi32>,
      %shift_right_logical3A_493 = arith.constant 9 : i32
      %shift_right_logical3A_494 = vector.broadcast %shift_right_logical3A_493 : i32 to vector<16xi32>
      %shift_right_logical3A_495 = arith.shrui %get3A_478, %shift_right_logical3A_494 : vector<16xi32>
      %and3A_496 = arith.constant 4080 : i32
      %and3A_497 = vector.broadcast %and3A_496 : i32 to vector<16xi32>
      %and3A_498 = arith.andi %shift_right_logical3A_495, %and3A_497 : vector<16xi32>
      %or3A_499 = arith.ori %and3A_498, %iota3A : vector<16xi32>
      %add3A_500 = arith.constant 0 : i32
      %add3A_501 = vector.broadcast %add3A_500 : i32 to vector<16xi32>
      %add3A_502 = arith.addi %or3A_499, %add3A_501 : vector<16xi32>
      %shift_right_logical3A_503 = arith.constant 9 : i32
      %shift_right_logical3A_504 = vector.broadcast %shift_right_logical3A_503 : i32 to vector<16xi32>
      %shift_right_logical3A_505 = arith.shrui %get3A_480, %shift_right_logical3A_504 : vector<16xi32>
      %and3A_506 = arith.constant 4080 : i32
      %and3A_507 = vector.broadcast %and3A_506 : i32 to vector<16xi32>
      %and3A_508 = arith.andi %shift_right_logical3A_505, %and3A_507 : vector<16xi32>
      %or3A_509 = arith.ori %and3A_508, %iota3A : vector<16xi32>
      %add3A_510 = arith.constant 4096 : i32
      %add3A_511 = vector.broadcast %add3A_510 : i32 to vector<16xi32>
      %add3A_512 = arith.addi %or3A_509, %add3A_511 : vector<16xi32>
      %shift_right_logical3A_513 = arith.constant 9 : i32
      %shift_right_logical3A_514 = vector.broadcast %shift_right_logical3A_513 : i32 to vector<16xi32>
      %shift_right_logical3A_515 = arith.shrui %get3A_482, %shift_right_logical3A_514 : vector<16xi32>
      %and3A_516 = arith.constant 4080 : i32
      %and3A_517 = vector.broadcast %and3A_516 : i32 to vector<16xi32>
      %and3A_518 = arith.andi %shift_right_logical3A_515, %and3A_517 : vector<16xi32>
      %or3A_519 = arith.ori %and3A_518, %iota3A : vector<16xi32>
      %add3A_520 = arith.constant 8192 : i32
      %add3A_521 = vector.broadcast %add3A_520 : i32 to vector<16xi32>
      %add3A_522 = arith.addi %or3A_519, %add3A_521 : vector<16xi32>
      %shift_right_logical3A_523 = arith.constant 9 : i32
      %shift_right_logical3A_524 = vector.broadcast %shift_right_logical3A_523 : i32 to vector<16xi32>
      %shift_right_logical3A_525 = arith.shrui %get3A_484, %shift_right_logical3A_524 : vector<16xi32>
      %and3A_526 = arith.constant 4080 : i32
      %and3A_527 = vector.broadcast %and3A_526 : i32 to vector<16xi32>
      %and3A_528 = arith.andi %shift_right_logical3A_525, %and3A_527 : vector<16xi32>
      %or3A_529 = arith.ori %and3A_528, %iota3A : vector<16xi32>
      %add3A_530 = arith.constant 12288 : i32
      %add3A_531 = vector.broadcast %add3A_530 : i32 to vector<16xi32>
      %add3A_532 = arith.addi %or3A_529, %add3A_531 : vector<16xi32>
      %shift_right_logical3A_533 = arith.constant 9 : i32
      %shift_right_logical3A_534 = vector.broadcast %shift_right_logical3A_533 : i32 to vector<16xi32>
      %shift_right_logical3A_535 = arith.shrui %get3A_486, %shift_right_logical3A_534 : vector<16xi32>
      %and3A_536 = arith.constant 4080 : i32
      %and3A_537 = vector.broadcast %and3A_536 : i32 to vector<16xi32>
      %and3A_538 = arith.andi %shift_right_logical3A_535, %and3A_537 : vector<16xi32>
      %or3A_539 = arith.ori %and3A_538, %iota3A : vector<16xi32>
      %add3A_540 = arith.constant 0 : i32
      %add3A_541 = vector.broadcast %add3A_540 : i32 to vector<16xi32>
      %add3A_542 = arith.addi %or3A_539, %add3A_541 : vector<16xi32>
      %shift_right_logical3A_543 = arith.constant 9 : i32
      %shift_right_logical3A_544 = vector.broadcast %shift_right_logical3A_543 : i32 to vector<16xi32>
      %shift_right_logical3A_545 = arith.shrui %get3A_488, %shift_right_logical3A_544 : vector<16xi32>
      %and3A_546 = arith.constant 4080 : i32
      %and3A_547 = vector.broadcast %and3A_546 : i32 to vector<16xi32>
      %and3A_548 = arith.andi %shift_right_logical3A_545, %and3A_547 : vector<16xi32>
      %or3A_549 = arith.ori %and3A_548, %iota3A : vector<16xi32>
      %add3A_550 = arith.constant 4096 : i32
      %add3A_551 = vector.broadcast %add3A_550 : i32 to vector<16xi32>
      %add3A_552 = arith.addi %or3A_549, %add3A_551 : vector<16xi32>
      %shift_right_logical3A_553 = arith.constant 9 : i32
      %shift_right_logical3A_554 = vector.broadcast %shift_right_logical3A_553 : i32 to vector<16xi32>
      %shift_right_logical3A_555 = arith.shrui %get3A_490, %shift_right_logical3A_554 : vector<16xi32>
      %and3A_556 = arith.constant 4080 : i32
      %and3A_557 = vector.broadcast %and3A_556 : i32 to vector<16xi32>
      %and3A_558 = arith.andi %shift_right_logical3A_555, %and3A_557 : vector<16xi32>
      %or3A_559 = arith.ori %and3A_558, %iota3A : vector<16xi32>
      %add3A_560 = arith.constant 8192 : i32
      %add3A_561 = vector.broadcast %add3A_560 : i32 to vector<16xi32>
      %add3A_562 = arith.addi %or3A_559, %add3A_561 : vector<16xi32>
      %shift_right_logical3A_563 = arith.constant 9 : i32
      %shift_right_logical3A_564 = vector.broadcast %shift_right_logical3A_563 : i32 to vector<16xi32>
      %shift_right_logical3A_565 = arith.shrui %get3A_492, %shift_right_logical3A_564 : vector<16xi32>
      %and3A_566 = arith.constant 4080 : i32
      %and3A_567 = vector.broadcast %and3A_566 : i32 to vector<16xi32>
      %and3A_568 = arith.andi %shift_right_logical3A_565, %and3A_567 : vector<16xi32>
      %or3A_569 = arith.ori %and3A_568, %iota3A : vector<16xi32>
      %add3A_570 = arith.constant 12288 : i32
      %add3A_571 = vector.broadcast %add3A_570 : i32 to vector<16xi32>
      %add3A_572 = arith.addi %or3A_569, %add3A_571 : vector<16xi32>
      %gather3A_573 = tpu.vector_load_idx %arg13[%add3A_502] : memref<16384xi32, #tpu.memory_space<vmem>>[vector<16xi32>], vector<16xi32>,
      %gather3A_574 = tpu.vector_load_idx %arg13[%add3A_512] : memref<16384xi32, #tpu.memory_space<vmem>>[vector<16xi32>], vector<16xi32>,
      %gather3A_575 = tpu.vector_load_idx %arg13[%add3A_522] : memref<16384xi32, #tpu.memory_space<vmem>>[vector<16xi32>], vector<16xi32>,
      %gather3A_576 = tpu.vector_load_idx %arg13[%add3A_532] : memref<16384xi32, #tpu.memory_space<vmem>>[vector<16xi32>], vector<16xi32>,
      %gather3A_577 = tpu.vector_load_idx %arg14[%add3A_542] : memref<16384xi32, #tpu.memory_space<vmem>>[vector<16xi32>], vector<16xi32>,
      %gather3A_578 = tpu.vector_load_idx %arg14[%add3A_552] : memref<16384xi32, #tpu.memory_space<vmem>>[vector<16xi32>], vector<16xi32>,
      %gather3A_579 = tpu.vector_load_idx %arg14[%add3A_562] : memref<16384xi32, #tpu.memory_space<vmem>>[vector<16xi32>], vector<16xi32>,
      %gather3A_580 = tpu.vector_load_idx %arg14[%add3A_572] : memref<16384xi32, #tpu.memory_space<vmem>>[vector<16xi32>], vector<16xi32>,
      %shift_right_logical3A_581 = arith.constant 9 : i32
      %shift_right_logical3A_582 = vector.broadcast %shift_right_logical3A_581 : i32 to vector<16xi32>
      %shift_right_logical3A_583 = arith.shrui %gather3A_573, %shift_right_logical3A_582 : vector<16xi32>
      %and3A_584 = arith.constant 511 : i32
      %and3A_585 = vector.broadcast %and3A_584 : i32 to vector<16xi32>
      %and3A_586 = arith.andi %gather3A_573, %and3A_585 : vector<16xi32>
      %shift_left3A_587 = arith.constant 4 : i32
      %shift_left3A_588 = vector.broadcast %shift_left3A_587 : i32 to vector<16xi32>
      %shift_left3A_589 = arith.shli %and3A_586, %shift_left3A_588 : vector<16xi32>
      %or3A_590 = arith.ori %shift_left3A_589, %shift_right_logical3A_583 : vector<16xi32>
      %shift_right_logical3A_591 = arith.constant 9 : i32
      %shift_right_logical3A_592 = vector.broadcast %shift_right_logical3A_591 : i32 to vector<16xi32>
      %shift_right_logical3A_593 = arith.shrui %gather3A_574, %shift_right_logical3A_592 : vector<16xi32>
      %and3A_594 = arith.constant 511 : i32
      %and3A_595 = vector.broadcast %and3A_594 : i32 to vector<16xi32>
      %and3A_596 = arith.andi %gather3A_574, %and3A_595 : vector<16xi32>
      %shift_left3A_597 = arith.constant 4 : i32
      %shift_left3A_598 = vector.broadcast %shift_left3A_597 : i32 to vector<16xi32>
      %shift_left3A_599 = arith.shli %and3A_596, %shift_left3A_598 : vector<16xi32>
      %or3A_600 = arith.ori %shift_left3A_599, %shift_right_logical3A_593 : vector<16xi32>
      %shift_right_logical3A_601 = arith.constant 9 : i32
      %shift_right_logical3A_602 = vector.broadcast %shift_right_logical3A_601 : i32 to vector<16xi32>
      %shift_right_logical3A_603 = arith.shrui %gather3A_575, %shift_right_logical3A_602 : vector<16xi32>
      %and3A_604 = arith.constant 511 : i32
      %and3A_605 = vector.broadcast %and3A_604 : i32 to vector<16xi32>
      %and3A_606 = arith.andi %gather3A_575, %and3A_605 : vector<16xi32>
      %shift_left3A_607 = arith.constant 4 : i32
      %shift_left3A_608 = vector.broadcast %shift_left3A_607 : i32 to vector<16xi32>
      %shift_left3A_609 = arith.shli %and3A_606, %shift_left3A_608 : vector<16xi32>
      %or3A_610 = arith.ori %shift_left3A_609, %shift_right_logical3A_603 : vector<16xi32>
      %shift_right_logical3A_611 = arith.constant 9 : i32
      %shift_right_logical3A_612 = vector.broadcast %shift_right_logical3A_611 : i32 to vector<16xi32>
      %shift_right_logical3A_613 = arith.shrui %gather3A_576, %shift_right_logical3A_612 : vector<16xi32>
      %and3A_614 = arith.constant 511 : i32
      %and3A_615 = vector.broadcast %and3A_614 : i32 to vector<16xi32>
      %and3A_616 = arith.andi %gather3A_576, %and3A_615 : vector<16xi32>
      %shift_left3A_617 = arith.constant 4 : i32
      %shift_left3A_618 = vector.broadcast %shift_left3A_617 : i32 to vector<16xi32>
      %shift_left3A_619 = arith.shli %and3A_616, %shift_left3A_618 : vector<16xi32>
      %or3A_620 = arith.ori %shift_left3A_619, %shift_right_logical3A_613 : vector<16xi32>
      %shift_right_logical3A_621 = arith.constant 9 : i32
      %shift_right_logical3A_622 = vector.broadcast %shift_right_logical3A_621 : i32 to vector<16xi32>
      %shift_right_logical3A_623 = arith.shrui %gather3A_577, %shift_right_logical3A_622 : vector<16xi32>
      %and3A_624 = arith.constant 511 : i32
      %and3A_625 = vector.broadcast %and3A_624 : i32 to vector<16xi32>
      %and3A_626 = arith.andi %gather3A_577, %and3A_625 : vector<16xi32>
      %shift_left3A_627 = arith.constant 4 : i32
      %shift_left3A_628 = vector.broadcast %shift_left3A_627 : i32 to vector<16xi32>
      %shift_left3A_629 = arith.shli %and3A_626, %shift_left3A_628 : vector<16xi32>
      %or3A_630 = arith.ori %shift_left3A_629, %shift_right_logical3A_623 : vector<16xi32>
      %shift_right_logical3A_631 = arith.constant 9 : i32
      %shift_right_logical3A_632 = vector.broadcast %shift_right_logical3A_631 : i32 to vector<16xi32>
      %shift_right_logical3A_633 = arith.shrui %gather3A_578, %shift_right_logical3A_632 : vector<16xi32>
      %and3A_634 = arith.constant 511 : i32
      %and3A_635 = vector.broadcast %and3A_634 : i32 to vector<16xi32>
      %and3A_636 = arith.andi %gather3A_578, %and3A_635 : vector<16xi32>
      %shift_left3A_637 = arith.constant 4 : i32
      %shift_left3A_638 = vector.broadcast %shift_left3A_637 : i32 to vector<16xi32>
      %shift_left3A_639 = arith.shli %and3A_636, %shift_left3A_638 : vector<16xi32>
      %or3A_640 = arith.ori %shift_left3A_639, %shift_right_logical3A_633 : vector<16xi32>
      %shift_right_logical3A_641 = arith.constant 9 : i32
      %shift_right_logical3A_642 = vector.broadcast %shift_right_logical3A_641 : i32 to vector<16xi32>
      %shift_right_logical3A_643 = arith.shrui %gather3A_579, %shift_right_logical3A_642 : vector<16xi32>
      %and3A_644 = arith.constant 511 : i32
      %and3A_645 = vector.broadcast %and3A_644 : i32 to vector<16xi32>
      %and3A_646 = arith.andi %gather3A_579, %and3A_645 : vector<16xi32>
      %shift_left3A_647 = arith.constant 4 : i32
      %shift_left3A_648 = vector.broadcast %shift_left3A_647 : i32 to vector<16xi32>
      %shift_left3A_649 = arith.shli %and3A_646, %shift_left3A_648 : vector<16xi32>
      %or3A_650 = arith.ori %shift_left3A_649, %shift_right_logical3A_643 : vector<16xi32>
      %shift_right_logical3A_651 = arith.constant 9 : i32
      %shift_right_logical3A_652 = vector.broadcast %shift_right_logical3A_651 : i32 to vector<16xi32>
      %shift_right_logical3A_653 = arith.shrui %gather3A_580, %shift_right_logical3A_652 : vector<16xi32>
      %and3A_654 = arith.constant 511 : i32
      %and3A_655 = vector.broadcast %and3A_654 : i32 to vector<16xi32>
      %and3A_656 = arith.andi %gather3A_580, %and3A_655 : vector<16xi32>
      %shift_left3A_657 = arith.constant 4 : i32
      %shift_left3A_658 = vector.broadcast %shift_left3A_657 : i32 to vector<16xi32>
      %shift_left3A_659 = arith.shli %and3A_656, %shift_left3A_658 : vector<16xi32>
      %or3A_660 = arith.ori %shift_left3A_659, %shift_right_logical3A_653 : vector<16xi32>
      %shift_right_logical3A_661 = arith.constant 17 : i32
      %shift_right_logical3A_662 = vector.broadcast %shift_right_logical3A_661 : i32 to vector<16xi32>
      %shift_right_logical3A_663 = arith.shrui %get3A_478, %shift_right_logical3A_662 : vector<16xi32>
      %and3A_664 = arith.constant 4080 : i32
      %and3A_665 = vector.broadcast %and3A_664 : i32 to vector<16xi32>
      %and3A_666 = arith.andi %shift_right_logical3A_663, %and3A_665 : vector<16xi32>
      %or3A_667 = arith.ori %and3A_666, %shift_right_logical3A_583 : vector<16xi32>
      %shift_right_logical3A_668 = arith.constant 7 : i32
      %shift_right_logical3A_669 = vector.broadcast %shift_right_logical3A_668 : i32 to vector<16xi32>
      %shift_right_logical3A_670 = arith.shrui %gather3A_573, %shift_right_logical3A_669 : vector<16xi32>
      %and3A_671 = arith.constant 3 : i32
      %and3A_672 = vector.broadcast %and3A_671 : i32 to vector<16xi32>
      %and3A_673 = arith.andi %shift_right_logical3A_670, %and3A_672 : vector<16xi32>
      %shift_left3A_674 = arith.constant 12 : i32
      %shift_left3A_675 = vector.broadcast %shift_left3A_674 : i32 to vector<16xi32>
      %shift_left3A_676 = arith.shli %and3A_673, %shift_left3A_675 : vector<16xi32>
      %or3A_677 = arith.ori %or3A_667, %shift_left3A_676 : vector<16xi32>
      %shift_right_logical3A_678 = arith.constant 17 : i32
      %shift_right_logical3A_679 = vector.broadcast %shift_right_logical3A_678 : i32 to vector<16xi32>
      %shift_right_logical3A_680 = arith.shrui %get3A_480, %shift_right_logical3A_679 : vector<16xi32>
      %and3A_681 = arith.constant 4080 : i32
      %and3A_682 = vector.broadcast %and3A_681 : i32 to vector<16xi32>
      %and3A_683 = arith.andi %shift_right_logical3A_680, %and3A_682 : vector<16xi32>
      %or3A_684 = arith.ori %and3A_683, %shift_right_logical3A_593 : vector<16xi32>
      %shift_right_logical3A_685 = arith.constant 7 : i32
      %shift_right_logical3A_686 = vector.broadcast %shift_right_logical3A_685 : i32 to vector<16xi32>
      %shift_right_logical3A_687 = arith.shrui %gather3A_574, %shift_right_logical3A_686 : vector<16xi32>
      %and3A_688 = arith.constant 3 : i32
      %and3A_689 = vector.broadcast %and3A_688 : i32 to vector<16xi32>
      %and3A_690 = arith.andi %shift_right_logical3A_687, %and3A_689 : vector<16xi32>
      %shift_left3A_691 = arith.constant 12 : i32
      %shift_left3A_692 = vector.broadcast %shift_left3A_691 : i32 to vector<16xi32>
      %shift_left3A_693 = arith.shli %and3A_690, %shift_left3A_692 : vector<16xi32>
      %or3A_694 = arith.ori %or3A_684, %shift_left3A_693 : vector<16xi32>
      %shift_right_logical3A_695 = arith.constant 17 : i32
      %shift_right_logical3A_696 = vector.broadcast %shift_right_logical3A_695 : i32 to vector<16xi32>
      %shift_right_logical3A_697 = arith.shrui %get3A_482, %shift_right_logical3A_696 : vector<16xi32>
      %and3A_698 = arith.constant 4080 : i32
      %and3A_699 = vector.broadcast %and3A_698 : i32 to vector<16xi32>
      %and3A_700 = arith.andi %shift_right_logical3A_697, %and3A_699 : vector<16xi32>
      %or3A_701 = arith.ori %and3A_700, %shift_right_logical3A_603 : vector<16xi32>
      %shift_right_logical3A_702 = arith.constant 7 : i32
      %shift_right_logical3A_703 = vector.broadcast %shift_right_logical3A_702 : i32 to vector<16xi32>
      %shift_right_logical3A_704 = arith.shrui %gather3A_575, %shift_right_logical3A_703 : vector<16xi32>
      %and3A_705 = arith.constant 3 : i32
      %and3A_706 = vector.broadcast %and3A_705 : i32 to vector<16xi32>
      %and3A_707 = arith.andi %shift_right_logical3A_704, %and3A_706 : vector<16xi32>
      %shift_left3A_708 = arith.constant 12 : i32
      %shift_left3A_709 = vector.broadcast %shift_left3A_708 : i32 to vector<16xi32>
      %shift_left3A_710 = arith.shli %and3A_707, %shift_left3A_709 : vector<16xi32>
      %or3A_711 = arith.ori %or3A_701, %shift_left3A_710 : vector<16xi32>
      %shift_right_logical3A_712 = arith.constant 17 : i32
      %shift_right_logical3A_713 = vector.broadcast %shift_right_logical3A_712 : i32 to vector<16xi32>
      %shift_right_logical3A_714 = arith.shrui %get3A_484, %shift_right_logical3A_713 : vector<16xi32>
      %and3A_715 = arith.constant 4080 : i32
      %and3A_716 = vector.broadcast %and3A_715 : i32 to vector<16xi32>
      %and3A_717 = arith.andi %shift_right_logical3A_714, %and3A_716 : vector<16xi32>
      %or3A_718 = arith.ori %and3A_717, %shift_right_logical3A_613 : vector<16xi32>
      %shift_right_logical3A_719 = arith.constant 7 : i32
      %shift_right_logical3A_720 = vector.broadcast %shift_right_logical3A_719 : i32 to vector<16xi32>
      %shift_right_logical3A_721 = arith.shrui %gather3A_576, %shift_right_logical3A_720 : vector<16xi32>
      %and3A_722 = arith.constant 3 : i32
      %and3A_723 = vector.broadcast %and3A_722 : i32 to vector<16xi32>
      %and3A_724 = arith.andi %shift_right_logical3A_721, %and3A_723 : vector<16xi32>
      %shift_left3A_725 = arith.constant 12 : i32
      %shift_left3A_726 = vector.broadcast %shift_left3A_725 : i32 to vector<16xi32>
      %shift_left3A_727 = arith.shli %and3A_724, %shift_left3A_726 : vector<16xi32>
      %or3A_728 = arith.ori %or3A_718, %shift_left3A_727 : vector<16xi32>
      %shift_right_logical3A_729 = arith.constant 17 : i32
      %shift_right_logical3A_730 = vector.broadcast %shift_right_logical3A_729 : i32 to vector<16xi32>
      %shift_right_logical3A_731 = arith.shrui %get3A_486, %shift_right_logical3A_730 : vector<16xi32>
      %and3A_732 = arith.constant 4080 : i32
      %and3A_733 = vector.broadcast %and3A_732 : i32 to vector<16xi32>
      %and3A_734 = arith.andi %shift_right_logical3A_731, %and3A_733 : vector<16xi32>
      %or3A_735 = arith.ori %and3A_734, %shift_right_logical3A_623 : vector<16xi32>
      %shift_right_logical3A_736 = arith.constant 7 : i32
      %shift_right_logical3A_737 = vector.broadcast %shift_right_logical3A_736 : i32 to vector<16xi32>
      %shift_right_logical3A_738 = arith.shrui %gather3A_577, %shift_right_logical3A_737 : vector<16xi32>
      %and3A_739 = arith.constant 3 : i32
      %and3A_740 = vector.broadcast %and3A_739 : i32 to vector<16xi32>
      %and3A_741 = arith.andi %shift_right_logical3A_738, %and3A_740 : vector<16xi32>
      %shift_left3A_742 = arith.constant 12 : i32
      %shift_left3A_743 = vector.broadcast %shift_left3A_742 : i32 to vector<16xi32>
      %shift_left3A_744 = arith.shli %and3A_741, %shift_left3A_743 : vector<16xi32>
      %or3A_745 = arith.ori %or3A_735, %shift_left3A_744 : vector<16xi32>
      %shift_right_logical3A_746 = arith.constant 17 : i32
      %shift_right_logical3A_747 = vector.broadcast %shift_right_logical3A_746 : i32 to vector<16xi32>
      %shift_right_logical3A_748 = arith.shrui %get3A_488, %shift_right_logical3A_747 : vector<16xi32>
      %and3A_749 = arith.constant 4080 : i32
      %and3A_750 = vector.broadcast %and3A_749 : i32 to vector<16xi32>
      %and3A_751 = arith.andi %shift_right_logical3A_748, %and3A_750 : vector<16xi32>
      %or3A_752 = arith.ori %and3A_751, %shift_right_logical3A_633 : vector<16xi32>
      %shift_right_logical3A_753 = arith.constant 7 : i32
      %shift_right_logical3A_754 = vector.broadcast %shift_right_logical3A_753 : i32 to vector<16xi32>
      %shift_right_logical3A_755 = arith.shrui %gather3A_578, %shift_right_logical3A_754 : vector<16xi32>
      %and3A_756 = arith.constant 3 : i32
      %and3A_757 = vector.broadcast %and3A_756 : i32 to vector<16xi32>
      %and3A_758 = arith.andi %shift_right_logical3A_755, %and3A_757 : vector<16xi32>
      %shift_left3A_759 = arith.constant 12 : i32
      %shift_left3A_760 = vector.broadcast %shift_left3A_759 : i32 to vector<16xi32>
      %shift_left3A_761 = arith.shli %and3A_758, %shift_left3A_760 : vector<16xi32>
      %or3A_762 = arith.ori %or3A_752, %shift_left3A_761 : vector<16xi32>
      %shift_right_logical3A_763 = arith.constant 17 : i32
      %shift_right_logical3A_764 = vector.broadcast %shift_right_logical3A_763 : i32 to vector<16xi32>
      %shift_right_logical3A_765 = arith.shrui %get3A_490, %shift_right_logical3A_764 : vector<16xi32>
      %and3A_766 = arith.constant 4080 : i32
      %and3A_767 = vector.broadcast %and3A_766 : i32 to vector<16xi32>
      %and3A_768 = arith.andi %shift_right_logical3A_765, %and3A_767 : vector<16xi32>
      %or3A_769 = arith.ori %and3A_768, %shift_right_logical3A_643 : vector<16xi32>
      %shift_right_logical3A_770 = arith.constant 7 : i32
      %shift_right_logical3A_771 = vector.broadcast %shift_right_logical3A_770 : i32 to vector<16xi32>
      %shift_right_logical3A_772 = arith.shrui %gather3A_579, %shift_right_logical3A_771 : vector<16xi32>
      %and3A_773 = arith.constant 3 : i32
      %and3A_774 = vector.broadcast %and3A_773 : i32 to vector<16xi32>
      %and3A_775 = arith.andi %shift_right_logical3A_772, %and3A_774 : vector<16xi32>
      %shift_left3A_776 = arith.constant 12 : i32
      %shift_left3A_777 = vector.broadcast %shift_left3A_776 : i32 to vector<16xi32>
      %shift_left3A_778 = arith.shli %and3A_775, %shift_left3A_777 : vector<16xi32>
      %or3A_779 = arith.ori %or3A_769, %shift_left3A_778 : vector<16xi32>
      %shift_right_logical3A_780 = arith.constant 17 : i32
      %shift_right_logical3A_781 = vector.broadcast %shift_right_logical3A_780 : i32 to vector<16xi32>
      %shift_right_logical3A_782 = arith.shrui %get3A_492, %shift_right_logical3A_781 : vector<16xi32>
      %and3A_783 = arith.constant 4080 : i32
      %and3A_784 = vector.broadcast %and3A_783 : i32 to vector<16xi32>
      %and3A_785 = arith.andi %shift_right_logical3A_782, %and3A_784 : vector<16xi32>
      %or3A_786 = arith.ori %and3A_785, %shift_right_logical3A_653 : vector<16xi32>
      %shift_right_logical3A_787 = arith.constant 7 : i32
      %shift_right_logical3A_788 = vector.broadcast %shift_right_logical3A_787 : i32 to vector<16xi32>
      %shift_right_logical3A_789 = arith.shrui %gather3A_580, %shift_right_logical3A_788 : vector<16xi32>
      %and3A_790 = arith.constant 3 : i32
      %and3A_791 = vector.broadcast %and3A_790 : i32 to vector<16xi32>
      %and3A_792 = arith.andi %shift_right_logical3A_789, %and3A_791 : vector<16xi32>
      %shift_left3A_793 = arith.constant 12 : i32
      %shift_left3A_794 = vector.broadcast %shift_left3A_793 : i32 to vector<16xi32>
      %shift_left3A_795 = arith.shli %and3A_792, %shift_left3A_794 : vector<16xi32>
      %or3A_796 = arith.ori %or3A_786, %shift_left3A_795 : vector<16xi32>
      tpu.vector_store_idx %arg9[%or3A_590], %get3A_478 : memref<8192xi32, #tpu.memory_space<vmem>>[vector<16xi32>], vector<16xi32>,
      tpu.vector_store_idx %arg9[%or3A_600], %get3A_480 : memref<8192xi32, #tpu.memory_space<vmem>>[vector<16xi32>], vector<16xi32>,
      tpu.vector_store_idx %arg9[%or3A_610], %get3A_482 : memref<8192xi32, #tpu.memory_space<vmem>>[vector<16xi32>], vector<16xi32>,
      tpu.vector_store_idx %arg9[%or3A_620], %get3A_484 : memref<8192xi32, #tpu.memory_space<vmem>>[vector<16xi32>], vector<16xi32>,
      tpu.vector_store_idx %arg10[%or3A_630], %get3A_486 : memref<8192xi32, #tpu.memory_space<vmem>>[vector<16xi32>], vector<16xi32>,
      tpu.vector_store_idx %arg10[%or3A_640], %get3A_488 : memref<8192xi32, #tpu.memory_space<vmem>>[vector<16xi32>], vector<16xi32>,
      tpu.vector_store_idx %arg10[%or3A_650], %get3A_490 : memref<8192xi32, #tpu.memory_space<vmem>>[vector<16xi32>], vector<16xi32>,
      tpu.vector_store_idx %arg10[%or3A_660], %get3A_492 : memref<8192xi32, #tpu.memory_space<vmem>>[vector<16xi32>], vector<16xi32>,
      tpu.vector_store_idx %arg13[%add3A_502], %broadcast_in_dim3A_4 {add = true} : memref<16384xi32, #tpu.memory_space<vmem>>[vector<16xi32>], vector<16xi32>,
      tpu.vector_store_idx %arg13[%add3A_512], %broadcast_in_dim3A_4 {add = true} : memref<16384xi32, #tpu.memory_space<vmem>>[vector<16xi32>], vector<16xi32>,
      tpu.vector_store_idx %arg13[%add3A_522], %broadcast_in_dim3A_4 {add = true} : memref<16384xi32, #tpu.memory_space<vmem>>[vector<16xi32>], vector<16xi32>,
      tpu.vector_store_idx %arg13[%add3A_532], %broadcast_in_dim3A_4 {add = true} : memref<16384xi32, #tpu.memory_space<vmem>>[vector<16xi32>], vector<16xi32>,
      tpu.vector_store_idx %arg14[%add3A_542], %broadcast_in_dim3A_4 {add = true} : memref<16384xi32, #tpu.memory_space<vmem>>[vector<16xi32>], vector<16xi32>,
      tpu.vector_store_idx %arg14[%add3A_552], %broadcast_in_dim3A_4 {add = true} : memref<16384xi32, #tpu.memory_space<vmem>>[vector<16xi32>], vector<16xi32>,
      tpu.vector_store_idx %arg14[%add3A_562], %broadcast_in_dim3A_4 {add = true} : memref<16384xi32, #tpu.memory_space<vmem>>[vector<16xi32>], vector<16xi32>,
      tpu.vector_store_idx %arg14[%add3A_572], %broadcast_in_dim3A_4 {add = true} : memref<16384xi32, #tpu.memory_space<vmem>>[vector<16xi32>], vector<16xi32>,
      tpu.vector_store_idx %arg15[%or3A_677], %broadcast_in_dim3A_4 {add = true} : memref<16384xi32, #tpu.memory_space<vmem>>[vector<16xi32>], vector<16xi32>,
      tpu.vector_store_idx %arg15[%or3A_694], %broadcast_in_dim3A_4 {add = true} : memref<16384xi32, #tpu.memory_space<vmem>>[vector<16xi32>], vector<16xi32>,
      tpu.vector_store_idx %arg15[%or3A_711], %broadcast_in_dim3A_4 {add = true} : memref<16384xi32, #tpu.memory_space<vmem>>[vector<16xi32>], vector<16xi32>,
      tpu.vector_store_idx %arg15[%or3A_728], %broadcast_in_dim3A_4 {add = true} : memref<16384xi32, #tpu.memory_space<vmem>>[vector<16xi32>], vector<16xi32>,
      tpu.vector_store_idx %arg16[%or3A_745], %broadcast_in_dim3A_4 {add = true} : memref<16384xi32, #tpu.memory_space<vmem>>[vector<16xi32>], vector<16xi32>,
      tpu.vector_store_idx %arg16[%or3A_762], %broadcast_in_dim3A_4 {add = true} : memref<16384xi32, #tpu.memory_space<vmem>>[vector<16xi32>], vector<16xi32>,
      tpu.vector_store_idx %arg16[%or3A_779], %broadcast_in_dim3A_4 {add = true} : memref<16384xi32, #tpu.memory_space<vmem>>[vector<16xi32>], vector<16xi32>,
      tpu.vector_store_idx %arg16[%or3A_796], %broadcast_in_dim3A_4 {add = true} : memref<16384xi32, #tpu.memory_space<vmem>>[vector<16xi32>], vector<16xi32>,
      %scan3A_797 = arith.constant 0 : i32
      scf.yield %scan3A_797 : i32
    }
    %scan3A_70 = arith.constant 128 : i32
    %scan3A_71 = arith.constant 0 : i32
    %scan3A_72 = arith.constant 0 : i32
    %scan3A_73 = arith.constant 0 : i32
    %scan3A_74 = arith.constant 256 : i32
    %scan3A_75 = arith.addi %scan3A_73, %scan3A_74 : i32
    %scan3A_76 = arith.constant 2 : i32
    %scan3A_77:2 = scf.for %scan3A_94 = %scan3A_73 to %scan3A_75 step %scan3A_76 iter_args(%scan3A_95 = %scan3A_71, %scan3A_96 = %scan3A_72) -> (i32, i32)  : i32 {
      %mul3A_97 = arith.constant 16 : i32
      %mul3A_98 = arith.muli %scan3A_94, %mul3A_97 : i32
      %add3A_99 = arith.constant 0 : i32
      %add3A_100 = arith.addi %mul3A_98, %add3A_99 : i32
      %mul3A_101 = arith.constant 16 : i32
      %mul3A_102 = arith.muli %scan3A_94, %mul3A_101 : i32
      %add3A_103 = arith.constant 4096 : i32
      %add3A_104 = arith.addi %mul3A_102, %add3A_103 : i32
      %mul3A_105 = arith.constant 16 : i32
      %mul3A_106 = arith.muli %scan3A_94, %mul3A_105 : i32
      %add3A_107 = arith.constant 8192 : i32
      %add3A_108 = arith.addi %mul3A_106, %add3A_107 : i32
      %mul3A_109 = arith.constant 16 : i32
      %mul3A_110 = arith.muli %scan3A_94, %mul3A_109 : i32
      %add3A_111 = arith.constant 12288 : i32
      %add3A_112 = arith.addi %mul3A_110, %add3A_111 : i32
      %get3A = arith.index_cast %add3A_100 : i32 to index
      %get3A_113 = tpu.vector_load %arg15[%get3A] {strides = array<i32>} : memref<16384xi32, #tpu.memory_space<vmem>>, vector<16xi32>,
      %get3A_114 = arith.index_cast %add3A_104 : i32 to index
      %get3A_115 = tpu.vector_load %arg15[%get3A_114] {strides = array<i32>} : memref<16384xi32, #tpu.memory_space<vmem>>, vector<16xi32>,
      %get3A_116 = arith.index_cast %add3A_108 : i32 to index
      %get3A_117 = tpu.vector_load %arg15[%get3A_116] {strides = array<i32>} : memref<16384xi32, #tpu.memory_space<vmem>>, vector<16xi32>,
      %get3A_118 = arith.index_cast %add3A_112 : i32 to index
      %get3A_119 = tpu.vector_load %arg15[%get3A_118] {strides = array<i32>} : memref<16384xi32, #tpu.memory_space<vmem>>, vector<16xi32>,
      %add3A_120 = arith.addi %get3A_113, %get3A_115 : vector<16xi32>
      %add3A_121 = arith.addi %add3A_120, %get3A_117 : vector<16xi32>
      %add3A_122 = arith.addi %add3A_121, %get3A_119 : vector<16xi32>
      %broadcast_in_dim3A_123 = arith.constant true
      %broadcast_in_dim3A_124 = vector.broadcast %broadcast_in_dim3A_123 : i1 to vector<16xi1>
      %masked_cumsum3A = tpu.scan <sum>, %add3A_122 masked %broadcast_in_dim3A_124 : vector<16xi32>, vector<16xi1> -> vector<16xi32>
      %sub3A = arith.subi %masked_cumsum3A, %add3A_122 : vector<16xi32>
      %add3A_125 = vector.broadcast %scan3A_95 : i32 to vector<16xi32>
      %add3A_126 = arith.addi %sub3A, %add3A_125 : vector<16xi32>
      %swap3A = arith.index_cast %add3A_100 : i32 to index
      %swap3A_127 = tpu.vector_load %arg15[%swap3A] {strides = array<i32>} : memref<16384xi32, #tpu.memory_space<vmem>>, vector<16xi32>,
      tpu.vector_store %arg15[%swap3A], %add3A_126 {strides = array<i32>} : memref<16384xi32, #tpu.memory_space<vmem>>, vector<16xi32>,
      %add3A_128 = arith.addi %add3A_126, %get3A_113 : vector<16xi32>
      %swap3A_129 = arith.index_cast %add3A_104 : i32 to index
      %swap3A_130 = tpu.vector_load %arg15[%swap3A_129] {strides = array<i32>} : memref<16384xi32, #tpu.memory_space<vmem>>, vector<16xi32>,
      tpu.vector_store %arg15[%swap3A_129], %add3A_128 {strides = array<i32>} : memref<16384xi32, #tpu.memory_space<vmem>>, vector<16xi32>,
      %add3A_131 = arith.addi %add3A_128, %get3A_115 : vector<16xi32>
      %swap3A_132 = arith.index_cast %add3A_108 : i32 to index
      %swap3A_133 = tpu.vector_load %arg15[%swap3A_132] {strides = array<i32>} : memref<16384xi32, #tpu.memory_space<vmem>>, vector<16xi32>,
      tpu.vector_store %arg15[%swap3A_132], %add3A_131 {strides = array<i32>} : memref<16384xi32, #tpu.memory_space<vmem>>, vector<16xi32>,
      %add3A_134 = arith.addi %add3A_131, %get3A_117 : vector<16xi32>
      %swap3A_135 = arith.index_cast %add3A_112 : i32 to index
      %swap3A_136 = tpu.vector_load %arg15[%swap3A_135] {strides = array<i32>} : memref<16384xi32, #tpu.memory_space<vmem>>, vector<16xi32>,
      tpu.vector_store %arg15[%swap3A_135], %add3A_134 {strides = array<i32>} : memref<16384xi32, #tpu.memory_space<vmem>>, vector<16xi32>,
      %slice3A = vector.extract_strided_slice %masked_cumsum3A {offsets = [15], sizes = [1], strides = [1]} : vector<16xi32> to vector<1xi32>
      %squeeze3A = vector.extract %slice3A[0] : i32 from vector<1xi32>
      %add3A_137 = arith.addi %scan3A_95, %squeeze3A : i32
      %get3A_138 = arith.index_cast %add3A_100 : i32 to index
      %get3A_139 = tpu.vector_load %arg16[%get3A_138] {strides = array<i32>} : memref<16384xi32, #tpu.memory_space<vmem>>, vector<16xi32>,
      %get3A_140 = arith.index_cast %add3A_104 : i32 to index
      %get3A_141 = tpu.vector_load %arg16[%get3A_140] {strides = array<i32>} : memref<16384xi32, #tpu.memory_space<vmem>>, vector<16xi32>,
      %get3A_142 = arith.index_cast %add3A_108 : i32 to index
      %get3A_143 = tpu.vector_load %arg16[%get3A_142] {strides = array<i32>} : memref<16384xi32, #tpu.memory_space<vmem>>, vector<16xi32>,
      %get3A_144 = arith.index_cast %add3A_112 : i32 to index
      %get3A_145 = tpu.vector_load %arg16[%get3A_144] {strides = array<i32>} : memref<16384xi32, #tpu.memory_space<vmem>>, vector<16xi32>,
      %add3A_146 = arith.addi %get3A_139, %get3A_141 : vector<16xi32>
      %add3A_147 = arith.addi %add3A_146, %get3A_143 : vector<16xi32>
      %add3A_148 = arith.addi %add3A_147, %get3A_145 : vector<16xi32>
      %broadcast_in_dim3A_149 = arith.constant true
      %broadcast_in_dim3A_150 = vector.broadcast %broadcast_in_dim3A_149 : i1 to vector<16xi1>
      %masked_cumsum3A_151 = tpu.scan <sum>, %add3A_148 masked %broadcast_in_dim3A_150 : vector<16xi32>, vector<16xi1> -> vector<16xi32>
      %sub3A_152 = arith.subi %masked_cumsum3A_151, %add3A_148 : vector<16xi32>
      %add3A_153 = vector.broadcast %scan3A_96 : i32 to vector<16xi32>
      %add3A_154 = arith.addi %sub3A_152, %add3A_153 : vector<16xi32>
      %swap3A_155 = arith.index_cast %add3A_100 : i32 to index
      %swap3A_156 = tpu.vector_load %arg16[%swap3A_155] {strides = array<i32>} : memref<16384xi32, #tpu.memory_space<vmem>>, vector<16xi32>,
      tpu.vector_store %arg16[%swap3A_155], %add3A_154 {strides = array<i32>} : memref<16384xi32, #tpu.memory_space<vmem>>, vector<16xi32>,
      %add3A_157 = arith.addi %add3A_154, %get3A_139 : vector<16xi32>
      %swap3A_158 = arith.index_cast %add3A_104 : i32 to index
      %swap3A_159 = tpu.vector_load %arg16[%swap3A_158] {strides = array<i32>} : memref<16384xi32, #tpu.memory_space<vmem>>, vector<16xi32>,
      tpu.vector_store %arg16[%swap3A_158], %add3A_157 {strides = array<i32>} : memref<16384xi32, #tpu.memory_space<vmem>>, vector<16xi32>,
      %add3A_160 = arith.addi %add3A_157, %get3A_141 : vector<16xi32>
      %swap3A_161 = arith.index_cast %add3A_108 : i32 to index
      %swap3A_162 = tpu.vector_load %arg16[%swap3A_161] {strides = array<i32>} : memref<16384xi32, #tpu.memory_space<vmem>>, vector<16xi32>,
      tpu.vector_store %arg16[%swap3A_161], %add3A_160 {strides = array<i32>} : memref<16384xi32, #tpu.memory_space<vmem>>, vector<16xi32>,
      %add3A_163 = arith.addi %add3A_160, %get3A_143 : vector<16xi32>
      %swap3A_164 = arith.index_cast %add3A_112 : i32 to index
      %swap3A_165 = tpu.vector_load %arg16[%swap3A_164] {strides = array<i32>} : memref<16384xi32, #tpu.memory_space<vmem>>, vector<16xi32>,
      tpu.vector_store %arg16[%swap3A_164], %add3A_163 {strides = array<i32>} : memref<16384xi32, #tpu.memory_space<vmem>>, vector<16xi32>,
      %slice3A_166 = vector.extract_strided_slice %masked_cumsum3A_151 {offsets = [15], sizes = [1], strides = [1]} : vector<16xi32> to vector<1xi32>
      %squeeze3A_167 = vector.extract %slice3A_166[0] : i32 from vector<1xi32>
      %add3A_168 = arith.addi %scan3A_96, %squeeze3A_167 : i32
      %scan3A_169 = arith.constant 1 : i32
      %scan3A_170 = arith.addi %scan3A_94, %scan3A_169 : i32
      %mul3A_171 = arith.constant 16 : i32
      %mul3A_172 = arith.muli %scan3A_170, %mul3A_171 : i32
      %add3A_173 = arith.constant 0 : i32
      %add3A_174 = arith.addi %mul3A_172, %add3A_173 : i32
      %mul3A_175 = arith.constant 16 : i32
      %mul3A_176 = arith.muli %scan3A_170, %mul3A_175 : i32
      %add3A_177 = arith.constant 4096 : i32
      %add3A_178 = arith.addi %mul3A_176, %add3A_177 : i32
      %mul3A_179 = arith.constant 16 : i32
      %mul3A_180 = arith.muli %scan3A_170, %mul3A_179 : i32
      %add3A_181 = arith.constant 8192 : i32
      %add3A_182 = arith.addi %mul3A_180, %add3A_181 : i32
      %mul3A_183 = arith.constant 16 : i32
      %mul3A_184 = arith.muli %scan3A_170, %mul3A_183 : i32
      %add3A_185 = arith.constant 12288 : i32
      %add3A_186 = arith.addi %mul3A_184, %add3A_185 : i32
      %get3A_187 = arith.index_cast %add3A_174 : i32 to index
      %get3A_188 = tpu.vector_load %arg15[%get3A_187] {strides = array<i32>} : memref<16384xi32, #tpu.memory_space<vmem>>, vector<16xi32>,
      %get3A_189 = arith.index_cast %add3A_178 : i32 to index
      %get3A_190 = tpu.vector_load %arg15[%get3A_189] {strides = array<i32>} : memref<16384xi32, #tpu.memory_space<vmem>>, vector<16xi32>,
      %get3A_191 = arith.index_cast %add3A_182 : i32 to index
      %get3A_192 = tpu.vector_load %arg15[%get3A_191] {strides = array<i32>} : memref<16384xi32, #tpu.memory_space<vmem>>, vector<16xi32>,
      %get3A_193 = arith.index_cast %add3A_186 : i32 to index
      %get3A_194 = tpu.vector_load %arg15[%get3A_193] {strides = array<i32>} : memref<16384xi32, #tpu.memory_space<vmem>>, vector<16xi32>,
      %add3A_195 = arith.addi %get3A_188, %get3A_190 : vector<16xi32>
      %add3A_196 = arith.addi %add3A_195, %get3A_192 : vector<16xi32>
      %add3A_197 = arith.addi %add3A_196, %get3A_194 : vector<16xi32>
      %broadcast_in_dim3A_198 = arith.constant true
      %broadcast_in_dim3A_199 = vector.broadcast %broadcast_in_dim3A_198 : i1 to vector<16xi1>
      %masked_cumsum3A_200 = tpu.scan <sum>, %add3A_197 masked %broadcast_in_dim3A_199 : vector<16xi32>, vector<16xi1> -> vector<16xi32>
      %sub3A_201 = arith.subi %masked_cumsum3A_200, %add3A_197 : vector<16xi32>
      %add3A_202 = vector.broadcast %add3A_137 : i32 to vector<16xi32>
      %add3A_203 = arith.addi %sub3A_201, %add3A_202 : vector<16xi32>
      %swap3A_204 = arith.index_cast %add3A_174 : i32 to index
      %swap3A_205 = tpu.vector_load %arg15[%swap3A_204] {strides = array<i32>} : memref<16384xi32, #tpu.memory_space<vmem>>, vector<16xi32>,
      tpu.vector_store %arg15[%swap3A_204], %add3A_203 {strides = array<i32>} : memref<16384xi32, #tpu.memory_space<vmem>>, vector<16xi32>,
      %add3A_206 = arith.addi %add3A_203, %get3A_188 : vector<16xi32>
      %swap3A_207 = arith.index_cast %add3A_178 : i32 to index
      %swap3A_208 = tpu.vector_load %arg15[%swap3A_207] {strides = array<i32>} : memref<16384xi32, #tpu.memory_space<vmem>>, vector<16xi32>,
      tpu.vector_store %arg15[%swap3A_207], %add3A_206 {strides = array<i32>} : memref<16384xi32, #tpu.memory_space<vmem>>, vector<16xi32>,
      %add3A_209 = arith.addi %add3A_206, %get3A_190 : vector<16xi32>
      %swap3A_210 = arith.index_cast %add3A_182 : i32 to index
      %swap3A_211 = tpu.vector_load %arg15[%swap3A_210] {strides = array<i32>} : memref<16384xi32, #tpu.memory_space<vmem>>, vector<16xi32>,
      tpu.vector_store %arg15[%swap3A_210], %add3A_209 {strides = array<i32>} : memref<16384xi32, #tpu.memory_space<vmem>>, vector<16xi32>,
      %add3A_212 = arith.addi %add3A_209, %get3A_192 : vector<16xi32>
      %swap3A_213 = arith.index_cast %add3A_186 : i32 to index
      %swap3A_214 = tpu.vector_load %arg15[%swap3A_213] {strides = array<i32>} : memref<16384xi32, #tpu.memory_space<vmem>>, vector<16xi32>,
      tpu.vector_store %arg15[%swap3A_213], %add3A_212 {strides = array<i32>} : memref<16384xi32, #tpu.memory_space<vmem>>, vector<16xi32>,
      %slice3A_215 = vector.extract_strided_slice %masked_cumsum3A_200 {offsets = [15], sizes = [1], strides = [1]} : vector<16xi32> to vector<1xi32>
      %squeeze3A_216 = vector.extract %slice3A_215[0] : i32 from vector<1xi32>
      %add3A_217 = arith.addi %add3A_137, %squeeze3A_216 : i32
      %get3A_218 = arith.index_cast %add3A_174 : i32 to index
      %get3A_219 = tpu.vector_load %arg16[%get3A_218] {strides = array<i32>} : memref<16384xi32, #tpu.memory_space<vmem>>, vector<16xi32>,
      %get3A_220 = arith.index_cast %add3A_178 : i32 to index
      %get3A_221 = tpu.vector_load %arg16[%get3A_220] {strides = array<i32>} : memref<16384xi32, #tpu.memory_space<vmem>>, vector<16xi32>,
      %get3A_222 = arith.index_cast %add3A_182 : i32 to index
      %get3A_223 = tpu.vector_load %arg16[%get3A_222] {strides = array<i32>} : memref<16384xi32, #tpu.memory_space<vmem>>, vector<16xi32>,
      %get3A_224 = arith.index_cast %add3A_186 : i32 to index
      %get3A_225 = tpu.vector_load %arg16[%get3A_224] {strides = array<i32>} : memref<16384xi32, #tpu.memory_space<vmem>>, vector<16xi32>,
      %add3A_226 = arith.addi %get3A_219, %get3A_221 : vector<16xi32>
      %add3A_227 = arith.addi %add3A_226, %get3A_223 : vector<16xi32>
      %add3A_228 = arith.addi %add3A_227, %get3A_225 : vector<16xi32>
      %broadcast_in_dim3A_229 = arith.constant true
      %broadcast_in_dim3A_230 = vector.broadcast %broadcast_in_dim3A_229 : i1 to vector<16xi1>
      %masked_cumsum3A_231 = tpu.scan <sum>, %add3A_228 masked %broadcast_in_dim3A_230 : vector<16xi32>, vector<16xi1> -> vector<16xi32>
      %sub3A_232 = arith.subi %masked_cumsum3A_231, %add3A_228 : vector<16xi32>
      %add3A_233 = vector.broadcast %add3A_168 : i32 to vector<16xi32>
      %add3A_234 = arith.addi %sub3A_232, %add3A_233 : vector<16xi32>
      %swap3A_235 = arith.index_cast %add3A_174 : i32 to index
      %swap3A_236 = tpu.vector_load %arg16[%swap3A_235] {strides = array<i32>} : memref<16384xi32, #tpu.memory_space<vmem>>, vector<16xi32>,
      tpu.vector_store %arg16[%swap3A_235], %add3A_234 {strides = array<i32>} : memref<16384xi32, #tpu.memory_space<vmem>>, vector<16xi32>,
      %add3A_237 = arith.addi %add3A_234, %get3A_219 : vector<16xi32>
      %swap3A_238 = arith.index_cast %add3A_178 : i32 to index
      %swap3A_239 = tpu.vector_load %arg16[%swap3A_238] {strides = array<i32>} : memref<16384xi32, #tpu.memory_space<vmem>>, vector<16xi32>,
      tpu.vector_store %arg16[%swap3A_238], %add3A_237 {strides = array<i32>} : memref<16384xi32, #tpu.memory_space<vmem>>, vector<16xi32>,
      %add3A_240 = arith.addi %add3A_237, %get3A_221 : vector<16xi32>
      %swap3A_241 = arith.index_cast %add3A_182 : i32 to index
      %swap3A_242 = tpu.vector_load %arg16[%swap3A_241] {strides = array<i32>} : memref<16384xi32, #tpu.memory_space<vmem>>, vector<16xi32>,
      tpu.vector_store %arg16[%swap3A_241], %add3A_240 {strides = array<i32>} : memref<16384xi32, #tpu.memory_space<vmem>>, vector<16xi32>,
      %add3A_243 = arith.addi %add3A_240, %get3A_223 : vector<16xi32>
      %swap3A_244 = arith.index_cast %add3A_186 : i32 to index
      %swap3A_245 = tpu.vector_load %arg16[%swap3A_244] {strides = array<i32>} : memref<16384xi32, #tpu.memory_space<vmem>>, vector<16xi32>,
      tpu.vector_store %arg16[%swap3A_244], %add3A_243 {strides = array<i32>} : memref<16384xi32, #tpu.memory_space<vmem>>, vector<16xi32>,
      %slice3A_246 = vector.extract_strided_slice %masked_cumsum3A_231 {offsets = [15], sizes = [1], strides = [1]} : vector<16xi32> to vector<1xi32>
      %squeeze3A_247 = vector.extract %slice3A_246[0] : i32 from vector<1xi32>
      %add3A_248 = arith.addi %add3A_168, %squeeze3A_247 : i32
      scf.yield %add3A_217, %add3A_248 : i32, i32
    }
    %scan3A_78 = arith.constant 256 : i32
    %scan3A_79 = arith.constant 0 : i32
    %scan3A_80 = arith.constant 0 : i32
    %scan3A_81 = arith.constant 128 : i32
    %scan3A_82 = arith.addi %scan3A_80, %scan3A_81 : i32
    %scan3A_83 = arith.constant 2 : i32
    %scan3A_84 = scf.for %scan3A_94 = %scan3A_80 to %scan3A_82 step %scan3A_83 iter_args(%scan3A_95 = %scan3A_79) -> (i32)  : i32 {
      %add3A_96 = arith.constant 0 : i32
      %add3A_97 = arith.addi %scan3A_94, %add3A_96 : i32
      %mul3A_98 = arith.constant 16 : i32
      %mul3A_99 = arith.muli %add3A_97, %mul3A_98 : i32
      %add3A_100 = arith.constant 128 : i32
      %add3A_101 = arith.addi %scan3A_94, %add3A_100 : i32
      %mul3A_102 = arith.constant 16 : i32
      %mul3A_103 = arith.muli %add3A_101, %mul3A_102 : i32
      %add3A_104 = arith.constant 256 : i32
      %add3A_105 = arith.addi %scan3A_94, %add3A_104 : i32
      %mul3A_106 = arith.constant 16 : i32
      %mul3A_107 = arith.muli %add3A_105, %mul3A_106 : i32
      %add3A_108 = arith.constant 384 : i32
      %add3A_109 = arith.addi %scan3A_94, %add3A_108 : i32
      %mul3A_110 = arith.constant 16 : i32
      %mul3A_111 = arith.muli %add3A_109, %mul3A_110 : i32
      %add3A_112 = arith.constant 0 : i32
      %add3A_113 = arith.addi %scan3A_94, %add3A_112 : i32
      %mul3A_114 = arith.constant 16 : i32
      %mul3A_115 = arith.muli %add3A_113, %mul3A_114 : i32
      %add3A_116 = arith.constant 128 : i32
      %add3A_117 = arith.addi %scan3A_94, %add3A_116 : i32
      %mul3A_118 = arith.constant 16 : i32
      %mul3A_119 = arith.muli %add3A_117, %mul3A_118 : i32
      %add3A_120 = arith.constant 256 : i32
      %add3A_121 = arith.addi %scan3A_94, %add3A_120 : i32
      %mul3A_122 = arith.constant 16 : i32
      %mul3A_123 = arith.muli %add3A_121, %mul3A_122 : i32
      %add3A_124 = arith.constant 384 : i32
      %add3A_125 = arith.addi %scan3A_94, %add3A_124 : i32
      %mul3A_126 = arith.constant 16 : i32
      %mul3A_127 = arith.muli %add3A_125, %mul3A_126 : i32
      %get3A = arith.index_cast %mul3A_99 : i32 to index
      %get3A_128 = tpu.vector_load %arg9[%get3A] {strides = array<i32>} : memref<8192xi32, #tpu.memory_space<vmem>>, vector<16xi32>,
      %get3A_129 = arith.index_cast %mul3A_103 : i32 to index
      %get3A_130 = tpu.vector_load %arg9[%get3A_129] {strides = array<i32>} : memref<8192xi32, #tpu.memory_space<vmem>>, vector<16xi32>,
      %get3A_131 = arith.index_cast %mul3A_107 : i32 to index
      %get3A_132 = tpu.vector_load %arg9[%get3A_131] {strides = array<i32>} : memref<8192xi32, #tpu.memory_space<vmem>>, vector<16xi32>,
      %get3A_133 = arith.index_cast %mul3A_111 : i32 to index
      %get3A_134 = tpu.vector_load %arg9[%get3A_133] {strides = array<i32>} : memref<8192xi32, #tpu.memory_space<vmem>>, vector<16xi32>,
      %get3A_135 = arith.index_cast %mul3A_115 : i32 to index
      %get3A_136 = tpu.vector_load %arg10[%get3A_135] {strides = array<i32>} : memref<8192xi32, #tpu.memory_space<vmem>>, vector<16xi32>,
      %get3A_137 = arith.index_cast %mul3A_119 : i32 to index
      %get3A_138 = tpu.vector_load %arg10[%get3A_137] {strides = array<i32>} : memref<8192xi32, #tpu.memory_space<vmem>>, vector<16xi32>,
      %get3A_139 = arith.index_cast %mul3A_123 : i32 to index
      %get3A_140 = tpu.vector_load %arg10[%get3A_139] {strides = array<i32>} : memref<8192xi32, #tpu.memory_space<vmem>>, vector<16xi32>,
      %get3A_141 = arith.index_cast %mul3A_127 : i32 to index
      %get3A_142 = tpu.vector_load %arg10[%get3A_141] {strides = array<i32>} : memref<8192xi32, #tpu.memory_space<vmem>>, vector<16xi32>,
      %shift_right_logical3A = arith.constant 17 : i32
      %shift_right_logical3A_143 = vector.broadcast %shift_right_logical3A : i32 to vector<16xi32>
      %shift_right_logical3A_144 = arith.shrui %get3A_128, %shift_right_logical3A_143 : vector<16xi32>
      %and3A = arith.constant 4080 : i32
      %and3A_145 = vector.broadcast %and3A : i32 to vector<16xi32>
      %and3A_146 = arith.andi %shift_right_logical3A_144, %and3A_145 : vector<16xi32>
      %or3A = arith.ori %and3A_146, %iota3A : vector<16xi32>
      %add3A_147 = arith.constant 0 : i32
      %add3A_148 = vector.broadcast %add3A_147 : i32 to vector<16xi32>
      %add3A_149 = arith.addi %or3A, %add3A_148 : vector<16xi32>
      %shift_right_logical3A_150 = arith.constant 17 : i32
      %shift_right_logical3A_151 = vector.broadcast %shift_right_logical3A_150 : i32 to vector<16xi32>
      %shift_right_logical3A_152 = arith.shrui %get3A_130, %shift_right_logical3A_151 : vector<16xi32>
      %and3A_153 = arith.constant 4080 : i32
      %and3A_154 = vector.broadcast %and3A_153 : i32 to vector<16xi32>
      %and3A_155 = arith.andi %shift_right_logical3A_152, %and3A_154 : vector<16xi32>
      %or3A_156 = arith.ori %and3A_155, %iota3A : vector<16xi32>
      %add3A_157 = arith.constant 4096 : i32
      %add3A_158 = vector.broadcast %add3A_157 : i32 to vector<16xi32>
      %add3A_159 = arith.addi %or3A_156, %add3A_158 : vector<16xi32>
      %shift_right_logical3A_160 = arith.constant 17 : i32
      %shift_right_logical3A_161 = vector.broadcast %shift_right_logical3A_160 : i32 to vector<16xi32>
      %shift_right_logical3A_162 = arith.shrui %get3A_132, %shift_right_logical3A_161 : vector<16xi32>
      %and3A_163 = arith.constant 4080 : i32
      %and3A_164 = vector.broadcast %and3A_163 : i32 to vector<16xi32>
      %and3A_165 = arith.andi %shift_right_logical3A_162, %and3A_164 : vector<16xi32>
      %or3A_166 = arith.ori %and3A_165, %iota3A : vector<16xi32>
      %add3A_167 = arith.constant 8192 : i32
      %add3A_168 = vector.broadcast %add3A_167 : i32 to vector<16xi32>
      %add3A_169 = arith.addi %or3A_166, %add3A_168 : vector<16xi32>
      %shift_right_logical3A_170 = arith.constant 17 : i32
      %shift_right_logical3A_171 = vector.broadcast %shift_right_logical3A_170 : i32 to vector<16xi32>
      %shift_right_logical3A_172 = arith.shrui %get3A_134, %shift_right_logical3A_171 : vector<16xi32>
      %and3A_173 = arith.constant 4080 : i32
      %and3A_174 = vector.broadcast %and3A_173 : i32 to vector<16xi32>
      %and3A_175 = arith.andi %shift_right_logical3A_172, %and3A_174 : vector<16xi32>
      %or3A_176 = arith.ori %and3A_175, %iota3A : vector<16xi32>
      %add3A_177 = arith.constant 12288 : i32
      %add3A_178 = vector.broadcast %add3A_177 : i32 to vector<16xi32>
      %add3A_179 = arith.addi %or3A_176, %add3A_178 : vector<16xi32>
      %shift_right_logical3A_180 = arith.constant 17 : i32
      %shift_right_logical3A_181 = vector.broadcast %shift_right_logical3A_180 : i32 to vector<16xi32>
      %shift_right_logical3A_182 = arith.shrui %get3A_136, %shift_right_logical3A_181 : vector<16xi32>
      %and3A_183 = arith.constant 4080 : i32
      %and3A_184 = vector.broadcast %and3A_183 : i32 to vector<16xi32>
      %and3A_185 = arith.andi %shift_right_logical3A_182, %and3A_184 : vector<16xi32>
      %or3A_186 = arith.ori %and3A_185, %iota3A : vector<16xi32>
      %add3A_187 = arith.constant 0 : i32
      %add3A_188 = vector.broadcast %add3A_187 : i32 to vector<16xi32>
      %add3A_189 = arith.addi %or3A_186, %add3A_188 : vector<16xi32>
      %shift_right_logical3A_190 = arith.constant 17 : i32
      %shift_right_logical3A_191 = vector.broadcast %shift_right_logical3A_190 : i32 to vector<16xi32>
      %shift_right_logical3A_192 = arith.shrui %get3A_138, %shift_right_logical3A_191 : vector<16xi32>
      %and3A_193 = arith.constant 4080 : i32
      %and3A_194 = vector.broadcast %and3A_193 : i32 to vector<16xi32>
      %and3A_195 = arith.andi %shift_right_logical3A_192, %and3A_194 : vector<16xi32>
      %or3A_196 = arith.ori %and3A_195, %iota3A : vector<16xi32>
      %add3A_197 = arith.constant 4096 : i32
      %add3A_198 = vector.broadcast %add3A_197 : i32 to vector<16xi32>
      %add3A_199 = arith.addi %or3A_196, %add3A_198 : vector<16xi32>
      %shift_right_logical3A_200 = arith.constant 17 : i32
      %shift_right_logical3A_201 = vector.broadcast %shift_right_logical3A_200 : i32 to vector<16xi32>
      %shift_right_logical3A_202 = arith.shrui %get3A_140, %shift_right_logical3A_201 : vector<16xi32>
      %and3A_203 = arith.constant 4080 : i32
      %and3A_204 = vector.broadcast %and3A_203 : i32 to vector<16xi32>
      %and3A_205 = arith.andi %shift_right_logical3A_202, %and3A_204 : vector<16xi32>
      %or3A_206 = arith.ori %and3A_205, %iota3A : vector<16xi32>
      %add3A_207 = arith.constant 8192 : i32
      %add3A_208 = vector.broadcast %add3A_207 : i32 to vector<16xi32>
      %add3A_209 = arith.addi %or3A_206, %add3A_208 : vector<16xi32>
      %shift_right_logical3A_210 = arith.constant 17 : i32
      %shift_right_logical3A_211 = vector.broadcast %shift_right_logical3A_210 : i32 to vector<16xi32>
      %shift_right_logical3A_212 = arith.shrui %get3A_142, %shift_right_logical3A_211 : vector<16xi32>
      %and3A_213 = arith.constant 4080 : i32
      %and3A_214 = vector.broadcast %and3A_213 : i32 to vector<16xi32>
      %and3A_215 = arith.andi %shift_right_logical3A_212, %and3A_214 : vector<16xi32>
      %or3A_216 = arith.ori %and3A_215, %iota3A : vector<16xi32>
      %add3A_217 = arith.constant 12288 : i32
      %add3A_218 = vector.broadcast %add3A_217 : i32 to vector<16xi32>
      %add3A_219 = arith.addi %or3A_216, %add3A_218 : vector<16xi32>
      %gather3A = tpu.vector_load_idx %arg15[%add3A_149] : memref<16384xi32, #tpu.memory_space<vmem>>[vector<16xi32>], vector<16xi32>,
      %gather3A_220 = tpu.vector_load_idx %arg15[%add3A_159] : memref<16384xi32, #tpu.memory_space<vmem>>[vector<16xi32>], vector<16xi32>,
      %gather3A_221 = tpu.vector_load_idx %arg15[%add3A_169] : memref<16384xi32, #tpu.memory_space<vmem>>[vector<16xi32>], vector<16xi32>,
      %gather3A_222 = tpu.vector_load_idx %arg15[%add3A_179] : memref<16384xi32, #tpu.memory_space<vmem>>[vector<16xi32>], vector<16xi32>,
      %gather3A_223 = tpu.vector_load_idx %arg16[%add3A_189] : memref<16384xi32, #tpu.memory_space<vmem>>[vector<16xi32>], vector<16xi32>,
      %gather3A_224 = tpu.vector_load_idx %arg16[%add3A_199] : memref<16384xi32, #tpu.memory_space<vmem>>[vector<16xi32>], vector<16xi32>,
      %gather3A_225 = tpu.vector_load_idx %arg16[%add3A_209] : memref<16384xi32, #tpu.memory_space<vmem>>[vector<16xi32>], vector<16xi32>,
      %gather3A_226 = tpu.vector_load_idx %arg16[%add3A_219] : memref<16384xi32, #tpu.memory_space<vmem>>[vector<16xi32>], vector<16xi32>,
      %and3A_227 = arith.constant 8191 : i32
      %and3A_228 = vector.broadcast %and3A_227 : i32 to vector<16xi32>
      %and3A_229 = arith.andi %get3A_128, %and3A_228 : vector<16xi32>
      tpu.vector_store_idx %arg11[%gather3A], %and3A_229 : memref<8192xi32, #tpu.memory_space<vmem>>[vector<16xi32>], vector<16xi32>,
      %and3A_230 = arith.constant 8191 : i32
      %and3A_231 = vector.broadcast %and3A_230 : i32 to vector<16xi32>
      %and3A_232 = arith.andi %get3A_130, %and3A_231 : vector<16xi32>
      tpu.vector_store_idx %arg11[%gather3A_220], %and3A_232 : memref<8192xi32, #tpu.memory_space<vmem>>[vector<16xi32>], vector<16xi32>,
      %and3A_233 = arith.constant 8191 : i32
      %and3A_234 = vector.broadcast %and3A_233 : i32 to vector<16xi32>
      %and3A_235 = arith.andi %get3A_132, %and3A_234 : vector<16xi32>
      tpu.vector_store_idx %arg11[%gather3A_221], %and3A_235 : memref<8192xi32, #tpu.memory_space<vmem>>[vector<16xi32>], vector<16xi32>,
      %and3A_236 = arith.constant 8191 : i32
      %and3A_237 = vector.broadcast %and3A_236 : i32 to vector<16xi32>
      %and3A_238 = arith.andi %get3A_134, %and3A_237 : vector<16xi32>
      tpu.vector_store_idx %arg11[%gather3A_222], %and3A_238 : memref<8192xi32, #tpu.memory_space<vmem>>[vector<16xi32>], vector<16xi32>,
      %and3A_239 = arith.constant 8191 : i32
      %and3A_240 = vector.broadcast %and3A_239 : i32 to vector<16xi32>
      %and3A_241 = arith.andi %get3A_136, %and3A_240 : vector<16xi32>
      tpu.vector_store_idx %arg12[%gather3A_223], %and3A_241 : memref<8192xi32, #tpu.memory_space<vmem>>[vector<16xi32>], vector<16xi32>,
      %and3A_242 = arith.constant 8191 : i32
      %and3A_243 = vector.broadcast %and3A_242 : i32 to vector<16xi32>
      %and3A_244 = arith.andi %get3A_138, %and3A_243 : vector<16xi32>
      tpu.vector_store_idx %arg12[%gather3A_224], %and3A_244 : memref<8192xi32, #tpu.memory_space<vmem>>[vector<16xi32>], vector<16xi32>,
      %and3A_245 = arith.constant 8191 : i32
      %and3A_246 = vector.broadcast %and3A_245 : i32 to vector<16xi32>
      %and3A_247 = arith.andi %get3A_140, %and3A_246 : vector<16xi32>
      tpu.vector_store_idx %arg12[%gather3A_225], %and3A_247 : memref<8192xi32, #tpu.memory_space<vmem>>[vector<16xi32>], vector<16xi32>,
      %and3A_248 = arith.constant 8191 : i32
      %and3A_249 = vector.broadcast %and3A_248 : i32 to vector<16xi32>
      %and3A_250 = arith.andi %get3A_142, %and3A_249 : vector<16xi32>
      tpu.vector_store_idx %arg12[%gather3A_226], %and3A_250 : memref<8192xi32, #tpu.memory_space<vmem>>[vector<16xi32>], vector<16xi32>,
      tpu.vector_store_idx %arg15[%add3A_149], %broadcast_in_dim3A_4 {add = true} : memref<16384xi32, #tpu.memory_space<vmem>>[vector<16xi32>], vector<16xi32>,
      tpu.vector_store_idx %arg15[%add3A_159], %broadcast_in_dim3A_4 {add = true} : memref<16384xi32, #tpu.memory_space<vmem>>[vector<16xi32>], vector<16xi32>,
      tpu.vector_store_idx %arg15[%add3A_169], %broadcast_in_dim3A_4 {add = true} : memref<16384xi32, #tpu.memory_space<vmem>>[vector<16xi32>], vector<16xi32>,
      tpu.vector_store_idx %arg15[%add3A_179], %broadcast_in_dim3A_4 {add = true} : memref<16384xi32, #tpu.memory_space<vmem>>[vector<16xi32>], vector<16xi32>,
      tpu.vector_store_idx %arg16[%add3A_189], %broadcast_in_dim3A_4 {add = true} : memref<16384xi32, #tpu.memory_space<vmem>>[vector<16xi32>], vector<16xi32>,
      tpu.vector_store_idx %arg16[%add3A_199], %broadcast_in_dim3A_4 {add = true} : memref<16384xi32, #tpu.memory_space<vmem>>[vector<16xi32>], vector<16xi32>,
      tpu.vector_store_idx %arg16[%add3A_209], %broadcast_in_dim3A_4 {add = true} : memref<16384xi32, #tpu.memory_space<vmem>>[vector<16xi32>], vector<16xi32>,
      tpu.vector_store_idx %arg16[%add3A_219], %broadcast_in_dim3A_4 {add = true} : memref<16384xi32, #tpu.memory_space<vmem>>[vector<16xi32>], vector<16xi32>,
      %scan3A_251 = arith.constant 0 : i32
      %scan3A_252 = arith.constant 1 : i32
      %scan3A_253 = arith.addi %scan3A_94, %scan3A_252 : i32
      %add3A_254 = arith.constant 0 : i32
      %add3A_255 = arith.addi %scan3A_253, %add3A_254 : i32
      %mul3A_256 = arith.constant 16 : i32
      %mul3A_257 = arith.muli %add3A_255, %mul3A_256 : i32
      %add3A_258 = arith.constant 128 : i32
      %add3A_259 = arith.addi %scan3A_253, %add3A_258 : i32
      %mul3A_260 = arith.constant 16 : i32
      %mul3A_261 = arith.muli %add3A_259, %mul3A_260 : i32
      %add3A_262 = arith.constant 256 : i32
      %add3A_263 = arith.addi %scan3A_253, %add3A_262 : i32
      %mul3A_264 = arith.constant 16 : i32
      %mul3A_265 = arith.muli %add3A_263, %mul3A_264 : i32
      %add3A_266 = arith.constant 384 : i32
      %add3A_267 = arith.addi %scan3A_253, %add3A_266 : i32
      %mul3A_268 = arith.constant 16 : i32
      %mul3A_269 = arith.muli %add3A_267, %mul3A_268 : i32
      %add3A_270 = arith.constant 0 : i32
      %add3A_271 = arith.addi %scan3A_253, %add3A_270 : i32
      %mul3A_272 = arith.constant 16 : i32
      %mul3A_273 = arith.muli %add3A_271, %mul3A_272 : i32
      %add3A_274 = arith.constant 128 : i32
      %add3A_275 = arith.addi %scan3A_253, %add3A_274 : i32
      %mul3A_276 = arith.constant 16 : i32
      %mul3A_277 = arith.muli %add3A_275, %mul3A_276 : i32
      %add3A_278 = arith.constant 256 : i32
      %add3A_279 = arith.addi %scan3A_253, %add3A_278 : i32
      %mul3A_280 = arith.constant 16 : i32
      %mul3A_281 = arith.muli %add3A_279, %mul3A_280 : i32
      %add3A_282 = arith.constant 384 : i32
      %add3A_283 = arith.addi %scan3A_253, %add3A_282 : i32
      %mul3A_284 = arith.constant 16 : i32
      %mul3A_285 = arith.muli %add3A_283, %mul3A_284 : i32
      %get3A_286 = arith.index_cast %mul3A_257 : i32 to index
      %get3A_287 = tpu.vector_load %arg9[%get3A_286] {strides = array<i32>} : memref<8192xi32, #tpu.memory_space<vmem>>, vector<16xi32>,
      %get3A_288 = arith.index_cast %mul3A_261 : i32 to index
      %get3A_289 = tpu.vector_load %arg9[%get3A_288] {strides = array<i32>} : memref<8192xi32, #tpu.memory_space<vmem>>, vector<16xi32>,
      %get3A_290 = arith.index_cast %mul3A_265 : i32 to index
      %get3A_291 = tpu.vector_load %arg9[%get3A_290] {strides = array<i32>} : memref<8192xi32, #tpu.memory_space<vmem>>, vector<16xi32>,
      %get3A_292 = arith.index_cast %mul3A_269 : i32 to index
      %get3A_293 = tpu.vector_load %arg9[%get3A_292] {strides = array<i32>} : memref<8192xi32, #tpu.memory_space<vmem>>, vector<16xi32>,
      %get3A_294 = arith.index_cast %mul3A_273 : i32 to index
      %get3A_295 = tpu.vector_load %arg10[%get3A_294] {strides = array<i32>} : memref<8192xi32, #tpu.memory_space<vmem>>, vector<16xi32>,
      %get3A_296 = arith.index_cast %mul3A_277 : i32 to index
      %get3A_297 = tpu.vector_load %arg10[%get3A_296] {strides = array<i32>} : memref<8192xi32, #tpu.memory_space<vmem>>, vector<16xi32>,
      %get3A_298 = arith.index_cast %mul3A_281 : i32 to index
      %get3A_299 = tpu.vector_load %arg10[%get3A_298] {strides = array<i32>} : memref<8192xi32, #tpu.memory_space<vmem>>, vector<16xi32>,
      %get3A_300 = arith.index_cast %mul3A_285 : i32 to index
      %get3A_301 = tpu.vector_load %arg10[%get3A_300] {strides = array<i32>} : memref<8192xi32, #tpu.memory_space<vmem>>, vector<16xi32>,
      %shift_right_logical3A_302 = arith.constant 17 : i32
      %shift_right_logical3A_303 = vector.broadcast %shift_right_logical3A_302 : i32 to vector<16xi32>
      %shift_right_logical3A_304 = arith.shrui %get3A_287, %shift_right_logical3A_303 : vector<16xi32>
      %and3A_305 = arith.constant 4080 : i32
      %and3A_306 = vector.broadcast %and3A_305 : i32 to vector<16xi32>
      %and3A_307 = arith.andi %shift_right_logical3A_304, %and3A_306 : vector<16xi32>
      %or3A_308 = arith.ori %and3A_307, %iota3A : vector<16xi32>
      %add3A_309 = arith.constant 0 : i32
      %add3A_310 = vector.broadcast %add3A_309 : i32 to vector<16xi32>
      %add3A_311 = arith.addi %or3A_308, %add3A_310 : vector<16xi32>
      %shift_right_logical3A_312 = arith.constant 17 : i32
      %shift_right_logical3A_313 = vector.broadcast %shift_right_logical3A_312 : i32 to vector<16xi32>
      %shift_right_logical3A_314 = arith.shrui %get3A_289, %shift_right_logical3A_313 : vector<16xi32>
      %and3A_315 = arith.constant 4080 : i32
      %and3A_316 = vector.broadcast %and3A_315 : i32 to vector<16xi32>
      %and3A_317 = arith.andi %shift_right_logical3A_314, %and3A_316 : vector<16xi32>
      %or3A_318 = arith.ori %and3A_317, %iota3A : vector<16xi32>
      %add3A_319 = arith.constant 4096 : i32
      %add3A_320 = vector.broadcast %add3A_319 : i32 to vector<16xi32>
      %add3A_321 = arith.addi %or3A_318, %add3A_320 : vector<16xi32>
      %shift_right_logical3A_322 = arith.constant 17 : i32
      %shift_right_logical3A_323 = vector.broadcast %shift_right_logical3A_322 : i32 to vector<16xi32>
      %shift_right_logical3A_324 = arith.shrui %get3A_291, %shift_right_logical3A_323 : vector<16xi32>
      %and3A_325 = arith.constant 4080 : i32
      %and3A_326 = vector.broadcast %and3A_325 : i32 to vector<16xi32>
      %and3A_327 = arith.andi %shift_right_logical3A_324, %and3A_326 : vector<16xi32>
      %or3A_328 = arith.ori %and3A_327, %iota3A : vector<16xi32>
      %add3A_329 = arith.constant 8192 : i32
      %add3A_330 = vector.broadcast %add3A_329 : i32 to vector<16xi32>
      %add3A_331 = arith.addi %or3A_328, %add3A_330 : vector<16xi32>
      %shift_right_logical3A_332 = arith.constant 17 : i32
      %shift_right_logical3A_333 = vector.broadcast %shift_right_logical3A_332 : i32 to vector<16xi32>
      %shift_right_logical3A_334 = arith.shrui %get3A_293, %shift_right_logical3A_333 : vector<16xi32>
      %and3A_335 = arith.constant 4080 : i32
      %and3A_336 = vector.broadcast %and3A_335 : i32 to vector<16xi32>
      %and3A_337 = arith.andi %shift_right_logical3A_334, %and3A_336 : vector<16xi32>
      %or3A_338 = arith.ori %and3A_337, %iota3A : vector<16xi32>
      %add3A_339 = arith.constant 12288 : i32
      %add3A_340 = vector.broadcast %add3A_339 : i32 to vector<16xi32>
      %add3A_341 = arith.addi %or3A_338, %add3A_340 : vector<16xi32>
      %shift_right_logical3A_342 = arith.constant 17 : i32
      %shift_right_logical3A_343 = vector.broadcast %shift_right_logical3A_342 : i32 to vector<16xi32>
      %shift_right_logical3A_344 = arith.shrui %get3A_295, %shift_right_logical3A_343 : vector<16xi32>
      %and3A_345 = arith.constant 4080 : i32
      %and3A_346 = vector.broadcast %and3A_345 : i32 to vector<16xi32>
      %and3A_347 = arith.andi %shift_right_logical3A_344, %and3A_346 : vector<16xi32>
      %or3A_348 = arith.ori %and3A_347, %iota3A : vector<16xi32>
      %add3A_349 = arith.constant 0 : i32
      %add3A_350 = vector.broadcast %add3A_349 : i32 to vector<16xi32>
      %add3A_351 = arith.addi %or3A_348, %add3A_350 : vector<16xi32>
      %shift_right_logical3A_352 = arith.constant 17 : i32
      %shift_right_logical3A_353 = vector.broadcast %shift_right_logical3A_352 : i32 to vector<16xi32>
      %shift_right_logical3A_354 = arith.shrui %get3A_297, %shift_right_logical3A_353 : vector<16xi32>
      %and3A_355 = arith.constant 4080 : i32
      %and3A_356 = vector.broadcast %and3A_355 : i32 to vector<16xi32>
      %and3A_357 = arith.andi %shift_right_logical3A_354, %and3A_356 : vector<16xi32>
      %or3A_358 = arith.ori %and3A_357, %iota3A : vector<16xi32>
      %add3A_359 = arith.constant 4096 : i32
      %add3A_360 = vector.broadcast %add3A_359 : i32 to vector<16xi32>
      %add3A_361 = arith.addi %or3A_358, %add3A_360 : vector<16xi32>
      %shift_right_logical3A_362 = arith.constant 17 : i32
      %shift_right_logical3A_363 = vector.broadcast %shift_right_logical3A_362 : i32 to vector<16xi32>
      %shift_right_logical3A_364 = arith.shrui %get3A_299, %shift_right_logical3A_363 : vector<16xi32>
      %and3A_365 = arith.constant 4080 : i32
      %and3A_366 = vector.broadcast %and3A_365 : i32 to vector<16xi32>
      %and3A_367 = arith.andi %shift_right_logical3A_364, %and3A_366 : vector<16xi32>
      %or3A_368 = arith.ori %and3A_367, %iota3A : vector<16xi32>
      %add3A_369 = arith.constant 8192 : i32
      %add3A_370 = vector.broadcast %add3A_369 : i32 to vector<16xi32>
      %add3A_371 = arith.addi %or3A_368, %add3A_370 : vector<16xi32>
      %shift_right_logical3A_372 = arith.constant 17 : i32
      %shift_right_logical3A_373 = vector.broadcast %shift_right_logical3A_372 : i32 to vector<16xi32>
      %shift_right_logical3A_374 = arith.shrui %get3A_301, %shift_right_logical3A_373 : vector<16xi32>
      %and3A_375 = arith.constant 4080 : i32
      %and3A_376 = vector.broadcast %and3A_375 : i32 to vector<16xi32>
      %and3A_377 = arith.andi %shift_right_logical3A_374, %and3A_376 : vector<16xi32>
      %or3A_378 = arith.ori %and3A_377, %iota3A : vector<16xi32>
      %add3A_379 = arith.constant 12288 : i32
      %add3A_380 = vector.broadcast %add3A_379 : i32 to vector<16xi32>
      %add3A_381 = arith.addi %or3A_378, %add3A_380 : vector<16xi32>
      %gather3A_382 = tpu.vector_load_idx %arg15[%add3A_311] : memref<16384xi32, #tpu.memory_space<vmem>>[vector<16xi32>], vector<16xi32>,
      %gather3A_383 = tpu.vector_load_idx %arg15[%add3A_321] : memref<16384xi32, #tpu.memory_space<vmem>>[vector<16xi32>], vector<16xi32>,
      %gather3A_384 = tpu.vector_load_idx %arg15[%add3A_331] : memref<16384xi32, #tpu.memory_space<vmem>>[vector<16xi32>], vector<16xi32>,
      %gather3A_385 = tpu.vector_load_idx %arg15[%add3A_341] : memref<16384xi32, #tpu.memory_space<vmem>>[vector<16xi32>], vector<16xi32>,
      %gather3A_386 = tpu.vector_load_idx %arg16[%add3A_351] : memref<16384xi32, #tpu.memory_space<vmem>>[vector<16xi32>], vector<16xi32>,
      %gather3A_387 = tpu.vector_load_idx %arg16[%add3A_361] : memref<16384xi32, #tpu.memory_space<vmem>>[vector<16xi32>], vector<16xi32>,
      %gather3A_388 = tpu.vector_load_idx %arg16[%add3A_371] : memref<16384xi32, #tpu.memory_space<vmem>>[vector<16xi32>], vector<16xi32>,
      %gather3A_389 = tpu.vector_load_idx %arg16[%add3A_381] : memref<16384xi32, #tpu.memory_space<vmem>>[vector<16xi32>], vector<16xi32>,
      %and3A_390 = arith.constant 8191 : i32
      %and3A_391 = vector.broadcast %and3A_390 : i32 to vector<16xi32>
      %and3A_392 = arith.andi %get3A_287, %and3A_391 : vector<16xi32>
      tpu.vector_store_idx %arg11[%gather3A_382], %and3A_392 : memref<8192xi32, #tpu.memory_space<vmem>>[vector<16xi32>], vector<16xi32>,
      %and3A_393 = arith.constant 8191 : i32
      %and3A_394 = vector.broadcast %and3A_393 : i32 to vector<16xi32>
      %and3A_395 = arith.andi %get3A_289, %and3A_394 : vector<16xi32>
      tpu.vector_store_idx %arg11[%gather3A_383], %and3A_395 : memref<8192xi32, #tpu.memory_space<vmem>>[vector<16xi32>], vector<16xi32>,
      %and3A_396 = arith.constant 8191 : i32
      %and3A_397 = vector.broadcast %and3A_396 : i32 to vector<16xi32>
      %and3A_398 = arith.andi %get3A_291, %and3A_397 : vector<16xi32>
      tpu.vector_store_idx %arg11[%gather3A_384], %and3A_398 : memref<8192xi32, #tpu.memory_space<vmem>>[vector<16xi32>], vector<16xi32>,
      %and3A_399 = arith.constant 8191 : i32
      %and3A_400 = vector.broadcast %and3A_399 : i32 to vector<16xi32>
      %and3A_401 = arith.andi %get3A_293, %and3A_400 : vector<16xi32>
      tpu.vector_store_idx %arg11[%gather3A_385], %and3A_401 : memref<8192xi32, #tpu.memory_space<vmem>>[vector<16xi32>], vector<16xi32>,
      %and3A_402 = arith.constant 8191 : i32
      %and3A_403 = vector.broadcast %and3A_402 : i32 to vector<16xi32>
      %and3A_404 = arith.andi %get3A_295, %and3A_403 : vector<16xi32>
      tpu.vector_store_idx %arg12[%gather3A_386], %and3A_404 : memref<8192xi32, #tpu.memory_space<vmem>>[vector<16xi32>], vector<16xi32>,
      %and3A_405 = arith.constant 8191 : i32
      %and3A_406 = vector.broadcast %and3A_405 : i32 to vector<16xi32>
      %and3A_407 = arith.andi %get3A_297, %and3A_406 : vector<16xi32>
      tpu.vector_store_idx %arg12[%gather3A_387], %and3A_407 : memref<8192xi32, #tpu.memory_space<vmem>>[vector<16xi32>], vector<16xi32>,
      %and3A_408 = arith.constant 8191 : i32
      %and3A_409 = vector.broadcast %and3A_408 : i32 to vector<16xi32>
      %and3A_410 = arith.andi %get3A_299, %and3A_409 : vector<16xi32>
      tpu.vector_store_idx %arg12[%gather3A_388], %and3A_410 : memref<8192xi32, #tpu.memory_space<vmem>>[vector<16xi32>], vector<16xi32>,
      %and3A_411 = arith.constant 8191 : i32
      %and3A_412 = vector.broadcast %and3A_411 : i32 to vector<16xi32>
      %and3A_413 = arith.andi %get3A_301, %and3A_412 : vector<16xi32>
      tpu.vector_store_idx %arg12[%gather3A_389], %and3A_413 : memref<8192xi32, #tpu.memory_space<vmem>>[vector<16xi32>], vector<16xi32>,
      tpu.vector_store_idx %arg15[%add3A_311], %broadcast_in_dim3A_4 {add = true} : memref<16384xi32, #tpu.memory_space<vmem>>[vector<16xi32>], vector<16xi32>,
      tpu.vector_store_idx %arg15[%add3A_321], %broadcast_in_dim3A_4 {add = true} : memref<16384xi32, #tpu.memory_space<vmem>>[vector<16xi32>], vector<16xi32>,
      tpu.vector_store_idx %arg15[%add3A_331], %broadcast_in_dim3A_4 {add = true} : memref<16384xi32, #tpu.memory_space<vmem>>[vector<16xi32>], vector<16xi32>,
      tpu.vector_store_idx %arg15[%add3A_341], %broadcast_in_dim3A_4 {add = true} : memref<16384xi32, #tpu.memory_space<vmem>>[vector<16xi32>], vector<16xi32>,
      tpu.vector_store_idx %arg16[%add3A_351], %broadcast_in_dim3A_4 {add = true} : memref<16384xi32, #tpu.memory_space<vmem>>[vector<16xi32>], vector<16xi32>,
      tpu.vector_store_idx %arg16[%add3A_361], %broadcast_in_dim3A_4 {add = true} : memref<16384xi32, #tpu.memory_space<vmem>>[vector<16xi32>], vector<16xi32>,
      tpu.vector_store_idx %arg16[%add3A_371], %broadcast_in_dim3A_4 {add = true} : memref<16384xi32, #tpu.memory_space<vmem>>[vector<16xi32>], vector<16xi32>,
      tpu.vector_store_idx %arg16[%add3A_381], %broadcast_in_dim3A_4 {add = true} : memref<16384xi32, #tpu.memory_space<vmem>>[vector<16xi32>], vector<16xi32>,
      %scan3A_414 = arith.constant 0 : i32
      scf.yield %scan3A_414 : i32
    }
    %scan3A_85 = arith.constant 128 : i32
    %add3A_86 = arith.constant 0 : i32
    %add3A_87 = arith.addi %mul3A_8, %add3A_86 : i32
    "tpu.region"() ({
      %run_scoped3A = tpu.sem_alloc : memref<!tpu.dma_semaphore, #tpu.memory_space<semaphore_mem>>
      %dma_start3A = arith.constant 0 : i32
      %dma_start3A_94 = tpu.memref_slice %arg11[%dma_start3A] : memref<8192xi32, #tpu.memory_space<vmem>> -> memref<512xi32, #tpu.memory_space<vmem>>
      %dma_start3A_95 = arith.constant 0 : i32
      %dma_start3A_96 = tpu.memref_slice %arg3[%add3A_87, %dma_start3A_95] : memref<64x512xi32, #tpu.memory_space<hbm>> -> memref<1x512xi32, #tpu.memory_space<hbm>>
      %dma_start3A_97 = tpu.memref_squeeze %dma_start3A_96 : memref<1x512xi32, #tpu.memory_space<hbm>> -> memref<512xi32, #tpu.memory_space<hbm>>
      %dma_start3A_98 = arith.constant 0 : i32
      %dma_start3A_99 = tpu.memref_slice %arg3[%add3A_87, %dma_start3A_98] : memref<64x512xi32, #tpu.memory_space<hbm>> -> memref<1x512xi32, #tpu.memory_space<hbm>>
      %dma_start3A_100 = tpu.memref_squeeze %dma_start3A_99 : memref<1x512xi32, #tpu.memory_space<hbm>> -> memref<512xi32, #tpu.memory_space<hbm>>
      %dma_start3A_101 = arith.constant 0 : i32
      %dma_start3A_102 = tpu.memref_slice %arg11[%dma_start3A_101] : memref<8192xi32, #tpu.memory_space<vmem>> -> memref<512xi32, #tpu.memory_space<vmem>>
      tpu.enqueue_dma source(%dma_start3A_102 : memref<512xi32, #tpu.memory_space<vmem>>) target(%dma_start3A_100 : memref<512xi32, #tpu.memory_space<hbm>>) target_semaphore(%run_scoped3A : memref<!tpu.dma_semaphore, #tpu.memory_space<semaphore_mem>>)
      %dma_wait3A = arith.constant 0 : i32
      %dma_wait3A_103 = tpu.memref_slice %arg11[%dma_wait3A] : memref<8192xi32, #tpu.memory_space<vmem>> -> memref<512xi32, #tpu.memory_space<vmem>>
      %dma_wait3A_104 = arith.constant 0 : i32
      %dma_wait3A_105 = tpu.memref_slice %arg3[%add3A_87, %dma_wait3A_104] : memref<64x512xi32, #tpu.memory_space<hbm>> -> memref<1x512xi32, #tpu.memory_space<hbm>>
      %dma_wait3A_106 = tpu.memref_squeeze %dma_wait3A_105 : memref<1x512xi32, #tpu.memory_space<hbm>> -> memref<512xi32, #tpu.memory_space<hbm>>
      %dma_wait3A_107 = arith.constant 0 : i32
      %dma_wait3A_108 = tpu.memref_slice %arg3[%add3A_87, %dma_wait3A_107] : memref<64x512xi32, #tpu.memory_space<hbm>> -> memref<1x512xi32, #tpu.memory_space<hbm>>
      %dma_wait3A_109 = tpu.memref_squeeze %dma_wait3A_108 : memref<1x512xi32, #tpu.memory_space<hbm>> -> memref<512xi32, #tpu.memory_space<hbm>>
      %dma_wait3A_110 = arith.constant 0 : i32
      %dma_wait3A_111 = tpu.memref_slice %arg11[%dma_wait3A_110] : memref<8192xi32, #tpu.memory_space<vmem>> -> memref<512xi32, #tpu.memory_space<vmem>>
      tpu.wait_dma2 semaphore(%run_scoped3A : memref<!tpu.dma_semaphore, #tpu.memory_space<semaphore_mem>>) src(%dma_wait3A_111 : memref<512xi32, #tpu.memory_space<vmem>>) dst(%dma_wait3A_109 : memref<512xi32, #tpu.memory_space<hbm>>)
      tpu.yield
    }) : () -> ()
    %add3A_88 = arith.constant 0 : i32
    %add3A_89 = arith.addi %mul3A_8, %add3A_88 : i32
    "tpu.region"() ({
      %run_scoped3A = tpu.sem_alloc : memref<!tpu.dma_semaphore, #tpu.memory_space<semaphore_mem>>
      %dma_start3A = arith.constant 512 : i32
      %dma_start3A_94 = tpu.memref_slice %arg11[%dma_start3A] : memref<8192xi32, #tpu.memory_space<vmem>> -> memref<7680xi32, #tpu.memory_space<vmem>>
      %dma_start3A_95 = arith.constant 0 : i32
      %dma_start3A_96 = tpu.memref_slice %arg4[%add3A_89, %dma_start3A_95] : memref<64x7680xi32, #tpu.memory_space<hbm>> -> memref<1x7680xi32, #tpu.memory_space<hbm>>
      %dma_start3A_97 = tpu.memref_squeeze %dma_start3A_96 : memref<1x7680xi32, #tpu.memory_space<hbm>> -> memref<7680xi32, #tpu.memory_space<hbm>>
      %dma_start3A_98 = arith.constant 0 : i32
      %dma_start3A_99 = tpu.memref_slice %arg4[%add3A_89, %dma_start3A_98] : memref<64x7680xi32, #tpu.memory_space<hbm>> -> memref<1x7680xi32, #tpu.memory_space<hbm>>
      %dma_start3A_100 = tpu.memref_squeeze %dma_start3A_99 : memref<1x7680xi32, #tpu.memory_space<hbm>> -> memref<7680xi32, #tpu.memory_space<hbm>>
      %dma_start3A_101 = arith.constant 512 : i32
      %dma_start3A_102 = tpu.memref_slice %arg11[%dma_start3A_101] : memref<8192xi32, #tpu.memory_space<vmem>> -> memref<7680xi32, #tpu.memory_space<vmem>>
      tpu.enqueue_dma source(%dma_start3A_102 : memref<7680xi32, #tpu.memory_space<vmem>>) target(%dma_start3A_100 : memref<7680xi32, #tpu.memory_space<hbm>>) target_semaphore(%run_scoped3A : memref<!tpu.dma_semaphore, #tpu.memory_space<semaphore_mem>>)
      %dma_wait3A = arith.constant 512 : i32
      %dma_wait3A_103 = tpu.memref_slice %arg11[%dma_wait3A] : memref<8192xi32, #tpu.memory_space<vmem>> -> memref<7680xi32, #tpu.memory_space<vmem>>
      %dma_wait3A_104 = arith.constant 0 : i32
      %dma_wait3A_105 = tpu.memref_slice %arg4[%add3A_89, %dma_wait3A_104] : memref<64x7680xi32, #tpu.memory_space<hbm>> -> memref<1x7680xi32, #tpu.memory_space<hbm>>
      %dma_wait3A_106 = tpu.memref_squeeze %dma_wait3A_105 : memref<1x7680xi32, #tpu.memory_space<hbm>> -> memref<7680xi32, #tpu.memory_space<hbm>>
      %dma_wait3A_107 = arith.constant 0 : i32
      %dma_wait3A_108 = tpu.memref_slice %arg4[%add3A_89, %dma_wait3A_107] : memref<64x7680xi32, #tpu.memory_space<hbm>> -> memref<1x7680xi32, #tpu.memory_space<hbm>>
      %dma_wait3A_109 = tpu.memref_squeeze %dma_wait3A_108 : memref<1x7680xi32, #tpu.memory_space<hbm>> -> memref<7680xi32, #tpu.memory_space<hbm>>
      %dma_wait3A_110 = arith.constant 512 : i32
      %dma_wait3A_111 = tpu.memref_slice %arg11[%dma_wait3A_110] : memref<8192xi32, #tpu.memory_space<vmem>> -> memref<7680xi32, #tpu.memory_space<vmem>>
      tpu.wait_dma2 semaphore(%run_scoped3A : memref<!tpu.dma_semaphore, #tpu.memory_space<semaphore_mem>>) src(%dma_wait3A_111 : memref<7680xi32, #tpu.memory_space<vmem>>) dst(%dma_wait3A_109 : memref<7680xi32, #tpu.memory_space<hbm>>)
      tpu.yield
    }) : () -> ()
    %add3A_90 = arith.constant 1 : i32
    %add3A_91 = arith.addi %mul3A_8, %add3A_90 : i32
    "tpu.region"() ({
      %run_scoped3A = tpu.sem_alloc : memref<!tpu.dma_semaphore, #tpu.memory_space<semaphore_mem>>
      %dma_start3A = arith.constant 0 : i32
      %dma_start3A_94 = tpu.memref_slice %arg12[%dma_start3A] : memref<8192xi32, #tpu.memory_space<vmem>> -> memref<512xi32, #tpu.memory_space<vmem>>
      %dma_start3A_95 = arith.constant 0 : i32
      %dma_start3A_96 = tpu.memref_slice %arg3[%add3A_91, %dma_start3A_95] : memref<64x512xi32, #tpu.memory_space<hbm>> -> memref<1x512xi32, #tpu.memory_space<hbm>>
      %dma_start3A_97 = tpu.memref_squeeze %dma_start3A_96 : memref<1x512xi32, #tpu.memory_space<hbm>> -> memref<512xi32, #tpu.memory_space<hbm>>
      %dma_start3A_98 = arith.constant 0 : i32
      %dma_start3A_99 = tpu.memref_slice %arg3[%add3A_91, %dma_start3A_98] : memref<64x512xi32, #tpu.memory_space<hbm>> -> memref<1x512xi32, #tpu.memory_space<hbm>>
      %dma_start3A_100 = tpu.memref_squeeze %dma_start3A_99 : memref<1x512xi32, #tpu.memory_space<hbm>> -> memref<512xi32, #tpu.memory_space<hbm>>
      %dma_start3A_101 = arith.constant 0 : i32
      %dma_start3A_102 = tpu.memref_slice %arg12[%dma_start3A_101] : memref<8192xi32, #tpu.memory_space<vmem>> -> memref<512xi32, #tpu.memory_space<vmem>>
      tpu.enqueue_dma source(%dma_start3A_102 : memref<512xi32, #tpu.memory_space<vmem>>) target(%dma_start3A_100 : memref<512xi32, #tpu.memory_space<hbm>>) target_semaphore(%run_scoped3A : memref<!tpu.dma_semaphore, #tpu.memory_space<semaphore_mem>>)
      %dma_wait3A = arith.constant 0 : i32
      %dma_wait3A_103 = tpu.memref_slice %arg12[%dma_wait3A] : memref<8192xi32, #tpu.memory_space<vmem>> -> memref<512xi32, #tpu.memory_space<vmem>>
      %dma_wait3A_104 = arith.constant 0 : i32
      %dma_wait3A_105 = tpu.memref_slice %arg3[%add3A_91, %dma_wait3A_104] : memref<64x512xi32, #tpu.memory_space<hbm>> -> memref<1x512xi32, #tpu.memory_space<hbm>>
      %dma_wait3A_106 = tpu.memref_squeeze %dma_wait3A_105 : memref<1x512xi32, #tpu.memory_space<hbm>> -> memref<512xi32, #tpu.memory_space<hbm>>
      %dma_wait3A_107 = arith.constant 0 : i32
      %dma_wait3A_108 = tpu.memref_slice %arg3[%add3A_91, %dma_wait3A_107] : memref<64x512xi32, #tpu.memory_space<hbm>> -> memref<1x512xi32, #tpu.memory_space<hbm>>
      %dma_wait3A_109 = tpu.memref_squeeze %dma_wait3A_108 : memref<1x512xi32, #tpu.memory_space<hbm>> -> memref<512xi32, #tpu.memory_space<hbm>>
      %dma_wait3A_110 = arith.constant 0 : i32
      %dma_wait3A_111 = tpu.memref_slice %arg12[%dma_wait3A_110] : memref<8192xi32, #tpu.memory_space<vmem>> -> memref<512xi32, #tpu.memory_space<vmem>>
      tpu.wait_dma2 semaphore(%run_scoped3A : memref<!tpu.dma_semaphore, #tpu.memory_space<semaphore_mem>>) src(%dma_wait3A_111 : memref<512xi32, #tpu.memory_space<vmem>>) dst(%dma_wait3A_109 : memref<512xi32, #tpu.memory_space<hbm>>)
      tpu.yield
    }) : () -> ()
    %add3A_92 = arith.constant 1 : i32
    %add3A_93 = arith.addi %mul3A_8, %add3A_92 : i32
    "tpu.region"() ({
      %run_scoped3A = tpu.sem_alloc : memref<!tpu.dma_semaphore, #tpu.memory_space<semaphore_mem>>
      %dma_start3A = arith.constant 512 : i32
      %dma_start3A_94 = tpu.memref_slice %arg12[%dma_start3A] : memref<8192xi32, #tpu.memory_space<vmem>> -> memref<7680xi32, #tpu.memory_space<vmem>>
      %dma_start3A_95 = arith.constant 0 : i32
      %dma_start3A_96 = tpu.memref_slice %arg4[%add3A_93, %dma_start3A_95] : memref<64x7680xi32, #tpu.memory_space<hbm>> -> memref<1x7680xi32, #tpu.memory_space<hbm>>
      %dma_start3A_97 = tpu.memref_squeeze %dma_start3A_96 : memref<1x7680xi32, #tpu.memory_space<hbm>> -> memref<7680xi32, #tpu.memory_space<hbm>>
      %dma_start3A_98 = arith.constant 0 : i32
      %dma_start3A_99 = tpu.memref_slice %arg4[%add3A_93, %dma_start3A_98] : memref<64x7680xi32, #tpu.memory_space<hbm>> -> memref<1x7680xi32, #tpu.memory_space<hbm>>
      %dma_start3A_100 = tpu.memref_squeeze %dma_start3A_99 : memref<1x7680xi32, #tpu.memory_space<hbm>> -> memref<7680xi32, #tpu.memory_space<hbm>>
      %dma_start3A_101 = arith.constant 512 : i32
      %dma_start3A_102 = tpu.memref_slice %arg12[%dma_start3A_101] : memref<8192xi32, #tpu.memory_space<vmem>> -> memref<7680xi32, #tpu.memory_space<vmem>>
      tpu.enqueue_dma source(%dma_start3A_102 : memref<7680xi32, #tpu.memory_space<vmem>>) target(%dma_start3A_100 : memref<7680xi32, #tpu.memory_space<hbm>>) target_semaphore(%run_scoped3A : memref<!tpu.dma_semaphore, #tpu.memory_space<semaphore_mem>>)
      %dma_wait3A = arith.constant 512 : i32
      %dma_wait3A_103 = tpu.memref_slice %arg12[%dma_wait3A] : memref<8192xi32, #tpu.memory_space<vmem>> -> memref<7680xi32, #tpu.memory_space<vmem>>
      %dma_wait3A_104 = arith.constant 0 : i32
      %dma_wait3A_105 = tpu.memref_slice %arg4[%add3A_93, %dma_wait3A_104] : memref<64x7680xi32, #tpu.memory_space<hbm>> -> memref<1x7680xi32, #tpu.memory_space<hbm>>
      %dma_wait3A_106 = tpu.memref_squeeze %dma_wait3A_105 : memref<1x7680xi32, #tpu.memory_space<hbm>> -> memref<7680xi32, #tpu.memory_space<hbm>>
      %dma_wait3A_107 = arith.constant 0 : i32
      %dma_wait3A_108 = tpu.memref_slice %arg4[%add3A_93, %dma_wait3A_107] : memref<64x7680xi32, #tpu.memory_space<hbm>> -> memref<1x7680xi32, #tpu.memory_space<hbm>>
      %dma_wait3A_109 = tpu.memref_squeeze %dma_wait3A_108 : memref<1x7680xi32, #tpu.memory_space<hbm>> -> memref<7680xi32, #tpu.memory_space<hbm>>
      %dma_wait3A_110 = arith.constant 512 : i32
      %dma_wait3A_111 = tpu.memref_slice %arg12[%dma_wait3A_110] : memref<8192xi32, #tpu.memory_space<vmem>> -> memref<7680xi32, #tpu.memory_space<vmem>>
      tpu.wait_dma2 semaphore(%run_scoped3A : memref<!tpu.dma_semaphore, #tpu.memory_space<semaphore_mem>>) src(%dma_wait3A_111 : memref<7680xi32, #tpu.memory_space<vmem>>) dst(%dma_wait3A_109 : memref<7680xi32, #tpu.memory_space<hbm>>)
      tpu.yield
    }) : () -> ()
    return
  }
}

</mosaic_0001>

<sc_bundles>
// kernel: _run.3.cloned.1.call-start
scs
__scs_entry_jumppad:
0x0: {  	(pc) =	sbr.rel $0x88, $3  }
0x1: {  	(tag) =	ssettag $0x0;
	lr =	simm.s32 $0x1  }
0x2: {  	[smem:$0x3FA0] =	sst lr;
	_ =	strace $0xD0000000  }
0x3: {  	_ = 	snop  }
0x4: {  	_ = 	snop  }
0x5: {  	_ = 	snop  }
0x6: {  	_ = 	snop  }
0x7: {  	_ = 	snop  }
__scs_overlays_trampoline_lowered:
0x8: {  	[smem:$0x3FAF] =	sst s0  }
0x9: {  	[smem:$0x3FB0] =	sst s1  }
0xa: {  	[smem:$0x3FB1] =	sst s2  }
0xb: {  	[smem:$0x3FB2] =	sst s3  }
0xc: {  	[smem:$0x3FB3] =	sst s4  }
0xd: {  	[smem:$0x3FB4] =	sst s5  }
0xe: {  	[smem:$0x3FB5] =	sst s6  }
0xf: {  	[smem:$0x3FB6] =	sst s7  }
0x10: {  	[smem:$0x3FB7] =	sst s8  }
0x11: {  	[smem:$0x3FB8] =	sst s9;
	s0 =	simm.s32 @!p0 $0x0  }
0x12: {  	s1 =	sld [smem:$0x3F9E];
	s0 =	simm.s32 @p0 $0x1  }
0x13: {  	[smem:$0x3FB9] =	sst s0;
	s0 =	simm.s32 @!p1 $0x0  }
0x14: {  	s2 =	sld [smem:$0x3F9D];
	s0 =	simm.s32 @p1 $0x1  }
0x15: {  	[smem:$0x3FBA] =	sst s0;
	s0 =	simm.s32 @!p2 $0x0  }
0x16: {  	s3 =	sld [smem:$0x3FDB];
	s0 =	simm.s32 @p2 $0x1  }
0x17: {  	s4 =	simm.s32 $0x1BF5;
	[smem:$0x3FBC] =	sst s0  }
0x18: {  	s0 =	sld [smem:$0x3F9F];
	_ =	swait.ge [sflag:s4], $0x0  }
0x19: {  	s7 =	sld [smem:$0x3FA0]  }
0x1a: {  	s8 =	sadd.s32 $0xFFFFE003, lr  }
0x1b: {  	s9 =	sadd.s32 $0xFFFFFEF7, lr;
	s5 =	simm.s32 $0xFFFFFFFF;
	p2 =	slt.u32 s8, $0xFFFFF086  }
0x1c: {  	p1 =	slt.u32 s9, $0xF7A;
	s5 =	simm.s32 @!p2 $0x0  }
0x1d: {  	s5 =	simm.s32 @p1 $0x1;
	p0 =	seq.s32 s7, s2  }
0x1e: {  	s7 =	smul.u32 @!p0 $0xF7A, s2;
	p2 =	seq.s32 @!p0 s5, $0x0  }
0x1f: {  	s9 =	smul.u32 $0xF7A, s1;
	s8 =	simm.s32 @!p0 $0x1BF5;
	p2 =	por !p2, p0  }
0x20: {  	[sflag:s8] =	ssyncset.s32 @!p0 $0xFFFFF086;
	s6 =	sadd.s32 @!p0 s3, s7;
	s7 =	simm.s32 @!p0 $0x108  }
0x21: {  	s3 =	sadd.s32 s3, s9;
	s6 =	sadd.s32 @!p0 $0x88, s6;
	s7 =	simm.s32 @p2 $0x1082  }
0x22: {  	[simem:s7], [sflag:s8] =	dma.local @!p0 [hbm:s6], $0xF7A  }
0x23: {  	s9 =	sor.u32 $0xD0000000, s2;
	s6 =	simm.s32 $0x108;
	_ =	swait.ge @!p0 [sflag:s8], $0x0  }
0x24: {  	s3 =	sadd.s32 $0x88, s3;
	s6 =	simm.s32 @!p1 $0x1082;
	[sflag:s4] =	ssyncset.s32 $0xFFFFF086  }
0x25: {  	[simem:s6], [sflag:s4] =	dma.local [hbm:s3], $0xF7A  }
0x26: {  	[smem:$0x3FA0] =	sst s1;
	(tag) =	ssettag s2;
	_ =	strace s9  }
0x27: {  	s1 =	sld [smem:$0x3FB0]  }
0x28: {  	s2 =	sld [smem:$0x3FB1]  }
0x29: {  	s4 =	sld [smem:$0x3FB3]  }
0x2a: {  	p0 =	seq.s32 s5, $0x0;
	s5 =	sld [smem:$0x3FB4]  }
0x2b: {  	s6 =	sld [smem:$0x3FB5]  }
0x2c: {  	s7 =	sld [smem:$0x3FB6]  }
0x2d: {  	s3 =	simm.s32 $0x108;
	s8 =	sld [smem:$0x3FB7]  }
0x2e: {  	s3 =	simm.s32 @!p0 $0x1082;
	s9 =	sld [smem:$0x3FB8]  }
0x2f: {  	lr =	sadd.s32 s0, s3;
	s0 =	sld [smem:$0x3FAF]  }
0x30: {  	s3 =	sld [smem:$0x3FB2]  }
0x31: {  	[smem:$0x3FBB] =	sst s10  }
0x32: {  	s10 =	sld [smem:$0x3FB9];
	_ =	sdelay $0x3  }
0x33: {  	p0 =	seq.s32 s10, $0x1;
	s10 =	sld [smem:$0x3FBB];
	_ =	sdelay $0x3  }
0x34: {  	[smem:$0x3FBB] =	sst s10  }
0x35: {  	s10 =	sld [smem:$0x3FBA];
	_ =	sdelay $0x3  }
0x36: {  	p1 =	seq.s32 s10, $0x1;
	s10 =	sld [smem:$0x3FBB];
	_ =	sdelay $0x3  }
0x37: {  	[smem:$0x3FBB] =	sst s10  }
0x38: {  	s10 =	sld [smem:$0x3FBC]  }
0x39: {  	_ = 	snop;
	(pc) =	sbr.ind lr, $3  }
0x3a: {  	_ = 	snop  }
0x3b: {  	_ = 	snop  }
0x3c: {  	p2 =	seq.s32 s10, $0x1;
	s10 =	sld [smem:$0x3FBB]  }
0x3d: {  	_ =	shalt  }
0x3e: {  	_ =	shalt  }
0x3f: {  	_ =	shalt  }
0x40: {  	_ =	shalt  }
0x41: {  	_ =	shalt  }
0x42: {  	_ =	shalt  }
0x43: {  	_ =	shalt  }
0x44: {  	_ =	shalt  }
0x45: {  	_ =	shalt  }
0x46: {  	_ =	shalt  }
0x47: {  	_ =	shalt  }
0x48: {  	_ =	shalt  }
0x49: {  	_ =	shalt  }
0x4a: {  	_ =	shalt  }
0x4b: {  	_ =	shalt  }
0x4c: {  	_ =	shalt  }
0x4d: {  	_ =	shalt  }
0x4e: {  	_ =	shalt  }
0x4f: {  	_ =	shalt  }
0x50: {  	_ =	shalt  }
0x51: {  	_ =	shalt  }
0x52: {  	_ =	shalt  }
0x53: {  	_ =	shalt  }
0x54: {  	_ =	shalt  }
0x55: {  	_ =	shalt  }
0x56: {  	_ =	shalt  }
0x57: {  	_ =	shalt  }
0x58: {  	_ =	shalt  }
0x59: {  	_ =	shalt  }
0x5a: {  	_ =	shalt  }
0x5b: {  	_ =	shalt  }
0x5c: {  	_ =	shalt  }
0x5d: {  	_ =	shalt  }
0x5e: {  	_ =	shalt  }
0x5f: {  	_ =	shalt  }
0x60: {  	_ =	shalt  }
0x61: {  	_ =	shalt  }
0x62: {  	_ =	shalt  }
0x63: {  	_ =	shalt  }
0x64: {  	_ =	shalt  }
0x65: {  	_ =	shalt  }
0x66: {  	_ =	shalt  }
0x67: {  	_ =	shalt  }
0x68: {  	_ =	shalt  }
0x69: {  	_ =	shalt  }
0x6a: {  	_ =	shalt  }
0x6b: {  	_ =	shalt  }
0x6c: {  	_ =	shalt  }
0x6d: {  	_ =	shalt  }
0x6e: {  	_ =	shalt  }
0x6f: {  	_ =	shalt  }
0x70: {  	_ =	shalt  }
0x71: {  	_ =	shalt  }
0x72: {  	_ =	shalt  }
0x73: {  	_ =	shalt  }
0x74: {  	_ =	shalt  }
0x75: {  	_ =	shalt  }
0x76: {  	_ =	shalt  }
0x77: {  	_ =	shalt  }
0x78: {  	_ =	shalt  }
0x79: {  	_ =	shalt  }
0x7a: {  	_ =	shalt  }
0x7b: {  	_ =	shalt  }
0x7c: {  	_ =	shalt  }
0x7d: {  	_ =	shalt  }
0x7e: {  	_ =	shalt  }
0x7f: {  	_ =	shalt  }
0x80: {  	_ =	shalt  }
0x81: {  	_ =	shalt  }
0x82: {  	_ =	shalt  }
0x83: {  	_ =	shalt  }
0x84: {  	_ =	shalt  }
0x85: {  	_ =	shalt  }
0x86: {  	_ =	shalt  }
0x87: {  	_ =	shalt  }
.Lfunc_end0:
.L_simem_size_0:
called_computation_lowered:
.L_overlay_start_0:
0x88: {  	s2 =	sld [smem:$0x3FD9]  }
0x89: {  	s3 =	sld [smem:$0x3FFE];
	_ =	sdelay $0x1  }
0x8a: {  	s1 =	srdreg.scid  }
0x8b: {  	s0 =	sand.u32 $0x1, s1  }
0x8c: {  	s15 =	sshll.u32 s0, $0xA;
	s2 =	sadd.s32 s3, s2  }
0x8d: {  	s2 =	sadd.s32 s2, s15  }
0x8e: {  	[smem:$0x3FC7] =	sst s2  }
0x8f: {  	_ = 	snop  }
0x90: {  	s2 =	sld [smem:$0x3FD0];
	_ =	sdelay $0x2  }
0x91: {  	s4 =	simm.s32 $0xA;
	s5 =	simm.s32 $0x10;
	s16 =	sld [smem:$0x3FC9]  }
0x92: {  	[smem:s5], [sflag:s4] =	dma.local [hbm:s2], $0x1  }
0x93: {  	_ =	swait.eq [sflag:s4], $0x1  }
0x94: {  	[sflag:s4] =	ssyncset.done $0x0  }
0x95: {  	s17 =	sld [smem:$0x10];
	[sflag:s4] =	ssyncadd.s32 $0xFFFFFFFF  }
0x96: {  	s18 =	sld [smem:$0x11];
	(tm) =	ssettm $0x1  }
0x97: {  	s19 =	sld [smem:$0x3FFB];
	_ =	sdelay $0x3  }
0x98: {  	_ =	strace s19  }
0x99: {  	s5 =	sld [smem:$0x3FFC];
	_ =	sdelay $0x3  }
0x9a: {  	_ =	strace s5  }
0x9b: {  	s5 =	sld [smem:$0x3FFD];
	_ =	sdelay $0x3  }
0x9c: {  	_ =	strace s5  }
0x9d: {  	_ =	strace $0x8FFFFFFF  }
0x9e: {  	s20 =	sld [smem:$0x3FDB];
	_ =	sdelay $0x1  }
0x9f: {  	s6 =	simm.s32 $_scs_section_size  }
0xa0: {  	s7 =	simm.s32 $_size__tile_overlayer_lowered;
	s8 =	simm.s32 $_tile_overlayer_lowered  }
0xa1: {  	s23 =	simm.s32 $0x1BFF;
	s22 =	sshll.u32 s8, $0x1;
	s5 =	sadd.s32 s6, s20  }
0xa2: {  	s9 =	simm.s32 $0x0;
	s21 =	sshll.u32 s7, $0x1;
	s7 =	sadd.s32 s22, s5  }
0xa3: {  	[timem:s9], [sflag:s23] =	dma.local [hbm:s7], s21  }
0xa4: {  	_ =	swait.ge [sflag:s23], s21  }
0xa5: {  	s6 =	ssub.s32 $0x0, s21;
	[sflag:s23] =	ssyncset.done $0x0  }
0xa6: {  	[sflag:s23] =	ssyncadd.s32 s6;
	_ =	sdelay $0x1  }
0xa7: {  	s24 =	simm.s32 $0x1B8B  }
0xa8: {  	_ =	swait.ge [sflag:s24], $0x1  }
0xa9: {  	[sflag:s24] =	ssyncset.done $0x0  }
0xaa: {  	s25 =	simm.s32 $0x1B8E;
	[sflag:s24] =	ssyncadd.s32 $0xFFFFFFFF  }
0xab: {  	s26 =	simm.s32 $execute0_lowered;
	[smem:$0x3FD2] =	sst s25  }
0xac: {  	s6 =	sshll.u32 s26, $0x1;
	_ =	strace $0x80000046;
	[dreg:$0x1] =	wrdreg $0xFFFFFFFF  }
0xad: {  	s28 =	simm.s32 $_size_execute0_lowered;
	s5 =	sadd.s32 s5, s6;
	[dreg:$0x0] =	wrdreg $0x0  }
0xae: {  	s6 =	sshll.u32 s28, $0x1;
	[dreg:$0x2] =	wrdreg s5  }
0xaf: {  	[dreg:$0x3] =	wrdreg s6  }
0xb0: {  	[dreg:$0x4] =	wrdreg $0xC0  }
0xb1: {  	_ =	task [dreg:s9], $0x5FFFF  }
0xb2: {  	[dreg:$0x1] =	wrdreg $0xFFFFFFFF  }
0xb3: {  	[dreg:$0x0] =	wrdreg $0x60  }
0xb4: {  	[dreg:$0x2] =	wrdreg s16  }
0xb5: {  	[dreg:$0x3] =	wrdreg s17  }
0xb6: {  	[dreg:$0x4] =	wrdreg s18  }
0xb7: {  	[dreg:$0x5] =	wrdreg $0x9  }
0xb8: {  	_ =	task.clear_ibuf [dreg:s9], $0x6FFFF;
	_ =	strace $0x90000046  }
0xb9: {  	s29 =	simm.s32 $0x9;
	_ =	strace $0x80000048  }
0xba: {  	_ =	swait.ge [sflag:s29], $0x1  }
0xbb: {  	[sflag:s29] =	ssyncadd.s32 $0xFFFFFFFF  }
0xbc: {  	_ =	strace $0x90000048  }
0xbd: {  	_ =	sfence  }
0xbe: {  	s30 =	sld [smem:$0x0];
	_ =	sdelay $0x2  }
0xbf: {  	s31 =	sshll.u32 s1, $0xD;
	s1 =	sshrl.u32 s1, $0x2  }
0xc0: {  	s3 =	sand.u32 $0x4000, s31;
	s1 =	sadd.s32 s1, s30  }
0xc1: {  	s0 =	sor.u32 s3, s0;
	s1 =	sshll.u32 s1, $0x11  }
0xc2: {  	s0 =	sor.u32 s1, s0  }
0xc3: {  	s0 =	sadd.s32 $0x8F2B, s0  }
0xc4: {  	[sflag:s0] =	ssyncadd.remote.s32 $0x1  }
0xc5: {  	_ =	sfence.sel $0xFFFF  }
0xc6: {  	[dreg:$0x0] =	wrdreg $0xFFFFFFFF;
	(pc) =	sbr.abs _section_cstart, $3  }
0xc7: {  	[dreg:$0x1] =	wrdreg $0xFFFFFFFF  }
0xc8: {  	_ =	task.clear_ibuf [dreg:s9], $0x2FFFF;
	_ =	strace $0x9FFFFFFF  }
0xc9: {  	(tm) =	ssettm $0x7FFFFFFF  }
tec
execute0_lowered:
.L_overlay_start_1:
0x0: {  	(tag) =	ssettag $0x1  }
0x1: {  	s0 =	rddreg [dreg:$0x0]  }
0x2: {  	s1 =	rddreg [dreg:$0x1]  }
0x3: {  	s2 =	rddreg [dreg:$0x2];
	s3 =	srdreg.scid;
	s4 =	simm.s32 $0x0  }
0x4: {  	s7 =	stileid.u32;
	s11 =	simm.s32 $0x400;
	s12 =	simm.s32 $0x1  }
0x5: {  	s13 =	simm.s32 $0x2000;
	s14 =	simm.s32 $0x10000;
	s15 =	simm.s32 $0x14000  }
0x6: {  	s16 =	simm.s32 $0x8000;
	s17 =	simm.s32 $0xA000;
	s18 =	simm.s32 $0xC000  }
0x7: {  	s19 =	simm.s32 $0xE000;
	s20 =	simm.s32 $0x18000;
	s21 =	simm.s32 $0x1C000  }
0x8: {  	s3 =	sand.u32 $0x1, s3;
	[smem:$0x7FF] =	sst s4;
	s6 =	sshll.u32 s7, $0x9  }
0x9: {  	s7 =	sshrl.u32 s7, $0x1;
	s22 =	ssub.s32 $0x2, s3;
	s3 =	sshll.u32 s3, $0x8  }
0xa: {  	s6 =	sand.u32 $0x200, s6;
	s23 =	sshll.u32 s7, $0x10;
	s9 =	sshll.u32 s7, $0xC  }
0xb: {  	s7 =	smul.u32 $0xF000, s7;
	s5 =	sshrl.u32 s22, $0x1;
	s3 =	sor.u32 s3, s6  }
0xc: {  	_ =	strace $0x80000047;
	s4 =	ssub.s32 s22, s5;
	s6 =	sor.u32 s23, s3  }
0xd: {  	s8 =	sor.u32 $0x80, s3;
	s10 =	sor.u32 s9, s3;
	s25 =	sor.u32 s7, s3  }
0xe: {  	s22 =	simm.s32 $0x4000;
	s6 =	sshrl.u32 s6, $0x3;
	s5 =	sor.u32 s23, s8  }
0xf: {  	s10 =	sshrl.u32 s10, $0x3;
	s26 =	sor.u32 s9, s8;
	s31 =	smax.u32 s4, $0x1  }
0x10: {  	s28 =	sor.u32 s7, s8;
	s6 =	sadd.s32 s0, s6;
	[dreg:$0xa] =	wrdreg s31  }
0x11: {  	s5 =	sshrl.u32 s5, $0x3;
	s24 =	sadd.s32 s1, s10;
	[dreg:$0x4] =	wrdreg s6  }
0x12: {  	s3 =	sshrl.u32 s26, $0x3;
	s0 =	sadd.s32 s0, s5;
	[dreg:$0x6] =	wrdreg s24  }
0x13: {  	v0 =	vlaneseq.u32;
	v2 =	vimm.s32 $0x0;
	s5 =	sshrl.u32 s28, $0x3;
	s29 =	sadd.s32 s1, s3;
	[dreg:$0x5] =	wrdreg s0  }
0x14: {  	v6 =	vimm.s32 $0x7FFFFFFF;
	v7 =	vimm.s32 $0x1;
	v1 =	vmul.u32 $0x200, v0;
	s0 =	sshrl.u32 s25, $0x3;
	[dreg:$0x8] =	wrdreg s29;
	s30 =	sadd.s32 s2, s5  }
0x15: {  	v8 =	vor.u32 $0x1000, v0;
	v9 =	vor.u32 $0x2000, v0;
	v10 =	vor.u32 $0x3000, v0;
	s23 =	simm.s32 $0x6000;
	s0 =	sadd.s32 s2, s0;
	[dreg:$0x9] =	wrdreg s30  }
0x16: {  	v3 =	vor.u32 $0x80, v1;
	v4 =	vor.u32 $0x100, v1;
	v5 =	vor.u32 $0x180, v1;
	s26 =	simm.s32 $0x0;
	s2 =	simm.s32 $0x80;
	[dreg:$0x7] =	wrdreg s0  }
.LBB2_1:
0x17: {  	s0 =	simm.s32 $0x0;
	s1 =	rddreg [dreg:$0x4]  }
0x18: {  	[tilespmem:s0], [sflag:$0x1] =	stream.strided.gather [hbm4b:s1+s2], $0x2000, s11, s2, $0x38;
	v63 =	vld [tilespmem:$0x0]  }
0x19: {  	_ =	swait.ge [sflag:s12], $0x2000  }
0x1a: {  	[sflag:s12] =	ssyncset.done $0x0  }
0x1b: {  	s31 =	rddreg [dreg:$0x5];
	[sflag:s12] =	ssyncadd.s32 $0xFFFFE000  }
0x1c: {  	[tilespmem:s13], [sflag:$0x1] =	stream.strided.gather [hbm4b:s31+s2], $0x2000, s11, s2, $0x38;
	v63 =	vld [tilespmem:$0x0]  }
0x1d: {  	_ =	swait.ge [sflag:s12], $0x2000  }
0x1e: {  	[sflag:s12] =	ssyncset.done $0x0  }
0x1f: {  	s1 =	simm.s32 $0x0;
	s0 =	simm.s32 $0x40;
	[sflag:s12] =	ssyncadd.s32 $0xFFFFE000  }
.LBB2_2:
0x20: {  	p0 =	sne.s32 s0, $0x3FC0;
	[tilespmem:s1+$0x17000] =	vst v2  }
0x21: {  	[tilespmem:s1+$0x10000] =	vst v2  }
0x22: {  	[tilespmem:s1+$0x11000] =	vst v2  }
.Ltmp0:
0x23: {  	[tilespmem:s1+$0x12000] =	vst v2;
	(pc) =	sbr.rel @p0 .LBB2_2-.Ltmp0, $4  }
0x24: {  	[tilespmem:s1+$0x13000] =	vst v2  }
0x25: {  	[tilespmem:s1+$0x14000] =	vst v2  }
0x26: {  	[tilespmem:s1+$0x15000] =	vst v2  }
0x27: {  	[tilespmem:s1+$0x16000] =	vst v2;
	s1 =	sshra.s32 s0, $0x2;
	s0 =	sadd.s32 $0x40, s0  }
0x28: {  	[tilespmem:s1+$0x17000] =	vst v2  }
0x29: {  	[tilespmem:s1+$0x10000] =	vst v2  }
0x2a: {  	[tilespmem:s1+$0x11000] =	vst v2  }
0x2b: {  	[tilespmem:s1+$0x12000] =	vst v2  }
0x2c: {  	[tilespmem:s1+$0x13000] =	vst v2  }
0x2d: {  	[tilespmem:s1+$0x14000] =	vst v2  }
0x2e: {  	[tilespmem:s1+$0x15000] =	vst v2;
	s0 =	simm.s32 $0x0  }
0x2f: {  	[tilespmem:s1+$0x16000] =	vst v2;
	s1 =	simm.s32 $0x5000;
	s2 =	simm.s32 $0x7000;
	s3 =	simm.s32 $0x0  }
.LBB2_4:
0x30: {  	v11 =	vor.u32 s3, v1  }
0x31: {  	v12 =	vor.u32 s3, v3  }
0x32: {  	v13 =	vor.u32 s3, v4  }
0x33: {  	v14 =	vor.u32 s3, v5;
	_ =	sdelay $0x1  }
0x34: {  	v15 =	vld.idx.msk [tilespmem:v11+s0+$0x0], $0xffff  }
0x35: {  	v16 =	vld.idx.msk [tilespmem:v12+s0+$0x0], $0xffff  }
0x36: {  	v17 =	vld.idx.msk [tilespmem:v13+s0+$0x0], $0xffff  }
0x37: {  	v18 =	vld.idx.msk [tilespmem:v14+s0+$0x0], $0xffff  }
0x38: {  	v11 =	vld.idx.msk [tilespmem:v11+s13+$0x0], $0xffff  }
0x39: {  	v12 =	vld.idx.msk [tilespmem:v12+s13+$0x0], $0xffff  }
0x3a: {  	v13 =	vld.idx.msk [tilespmem:v13+s13+$0x0], $0xffff  }
0x3b: {  	v14 =	vld.idx.msk [tilespmem:v14+s13+$0x0], $0xffff;
	_ =	sdelay $0x1  }
0x3c: {  	v15 =	vadd.f32 $0.0e+00, v15;
	v16 =	vadd.f32 $0.0e+00, v16  }
0x3d: {  	v17 =	vadd.f32 $0.0e+00, v17;
	v18 =	vadd.f32 $0.0e+00, v18  }
0x3e: {  	v11 =	vadd.f32 $0.0e+00, v11;
	v12 =	vadd.f32 $0.0e+00, v12  }
0x3f: {  	v13 =	vadd.f32 $0.0e+00, v13;
	v14 =	vadd.f32 $0.0e+00, v14  }
0x40: {  	vm0 =	vlt.s32 v15, $0x0;
	vm1 =	vlt.s32 v16, $0x0;
	vm14 =	vlt.s32 v17, $0x0  }
0x41: {  	vm15 =	vlt.s32 v18, $0x0;
	vm4 =	vlt.s32 v11, $0x0;
	vm5 =	vlt.s32 v12, $0x0  }
0x42: {  	vm6 =	vlt.s32 v13, $0x0;
	vm7 =	vlt.s32 v14, $0x0;
	v19 =	vsel vm0, $0x0, v6  }
0x43: {  	v20 =	vsel vm1, $0x0, v6;
	v46 =	vsel vm14, $0x0, v6;
	v47 =	vsel vm15, $0x0, v6  }
0x44: {  	v48 =	vsel vm4, $0x0, v6;
	v49 =	vsel vm5, $0x0, v6;
	v50 =	vsel vm6, $0x0, v6  }
0x45: {  	v51 =	vsel vm7, $0x0, v6;
	v15 =	vxor.u32 v15, v19;
	v16 =	vxor.u32 v16, v20  }
0x46: {  	v17 =	vxor.u32 v17, v46;
	v18 =	vxor.u32 v18, v47;
	v11 =	vxor.u32 v11, v48;
	[tilespmem:s1+$0xFFFFF000] =	vst v15  }
0x47: {  	v12 =	vxor.u32 v12, v49;
	v13 =	vxor.u32 v13, v50;
	v15 =	vshll.u32 v15, $0x4;
	[tilespmem:s1+$0xFFFFF800] =	vst v16  }
0x48: {  	v14 =	vxor.u32 v14, v51;
	v16 =	vshll.u32 v16, $0x4;
	[tilespmem:s1+$0x0] =	vst v17;
	v15 =	vor.u32 v0, v15  }
0x49: {  	v17 =	vshll.u32 v17, $0x4;
	[tilespmem:s1+$0x800] =	vst v18;
	v16 =	vand.u32 $0xFFF, v16;
	v15 =	vand.u32 $0xFFF, v15  }
0x4a: {  	v18 =	vshll.u32 v18, $0x4;
	[tilespmem:s2+$0xFFFFF000] =	vst v11;
	v17 =	vand.u32 $0xFFF, v17;
	v16 =	vor.u32 v8, v16  }
0x4b: {  	v11 =	vshll.u32 v11, $0x4;
	[tilespmem:s2+$0xFFFFF800] =	vst v12;
	v18 =	vand.u32 $0xFFF, v18;
	v17 =	vor.u32 v9, v17  }
0x4c: {  	v12 =	vshll.u32 v12, $0x4;
	[tilespmem:s2+$0x0] =	vst v13;
	v11 =	vor.u32 v0, v11;
	v18 =	vor.u32 v10, v18  }
0x4d: {  	v13 =	vshll.u32 v13, $0x4;
	[tilespmem:s2+$0x800] =	vst v14;
	v12 =	vand.u32 $0xFFF, v12;
	v11 =	vand.u32 $0xFFF, v11  }
0x4e: {  	v14 =	vshll.u32 v14, $0x4;
	v13 =	vand.u32 $0xFFF, v13;
	v12 =	vor.u32 v8, v12;
	[tilespmem:v15+s14+$0x0] =	vst.idx.add.s32.msk $0xffff, v7  }
0x4f: {  	v14 =	vand.u32 $0xFFF, v14;
	v13 =	vor.u32 v9, v13;
	[tilespmem:v16+s14+$0x0] =	vst.idx.add.s32.msk $0xffff, v7  }
0x50: {  	s4 =	sadd.s32 $0x1, s3;
	v14 =	vor.u32 v10, v14;
	[tilespmem:v17+s14+$0x0] =	vst.idx.add.s32.msk $0xffff, v7  }
0x51: {  	v52 =	vor.u32 s4, v1;
	[tilespmem:v18+s14+$0x0] =	vst.idx.add.s32.msk $0xffff, v7  }
0x52: {  	v53 =	vor.u32 s4, v4;
	[tilespmem:v11+s15+$0x0] =	vst.idx.add.s32.msk $0xffff, v7  }
0x53: {  	v54 =	vor.u32 s4, v5;
	[tilespmem:v12+s15+$0x0] =	vst.idx.add.s32.msk $0xffff, v7  }
0x54: {  	[tilespmem:v13+s15+$0x0] =	vst.idx.add.s32.msk $0xffff, v7  }
0x55: {  	[tilespmem:v14+s15+$0x0] =	vst.idx.add.s32.msk $0xffff, v7  }
0x56: {  	v14 =	vld.idx.msk [tilespmem:v52+s0+$0x0], $0xffff  }
0x57: {  	v11 =	vor.u32 s4, v3;
	v17 =	vld.idx.msk [tilespmem:v53+s0+$0x0], $0xffff  }
0x58: {  	v18 =	vld.idx.msk [tilespmem:v54+s0+$0x0], $0xffff  }
0x59: {  	v15 =	vld.idx.msk [tilespmem:v52+s13+$0x0], $0xffff  }
0x5a: {  	v12 =	vld.idx.msk [tilespmem:v53+s13+$0x0], $0xffff  }
0x5b: {  	v13 =	vld.idx.msk [tilespmem:v54+s13+$0x0], $0xffff  }
0x5c: {  	v16 =	vld.idx.msk [tilespmem:v11+s0+$0x0], $0xffff  }
0x5d: {  	v11 =	vld.idx.msk [tilespmem:v11+s13+$0x0], $0xffff;
	_ =	sdelay $0x1  }
0x5e: {  	v14 =	vadd.f32 $0.0e+00, v14;
	v17 =	vadd.f32 $0.0e+00, v17  }
0x5f: {  	v18 =	vadd.f32 $0.0e+00, v18;
	v15 =	vadd.f32 $0.0e+00, v15  }
0x60: {  	v12 =	vadd.f32 $0.0e+00, v12;
	v13 =	vadd.f32 $0.0e+00, v13  }
0x61: {  	v16 =	vadd.f32 $0.0e+00, v16;
	v11 =	vadd.f32 $0.0e+00, v11  }
0x62: {  	vm8 =	vlt.s32 v14, $0x0;
	vm10 =	vlt.s32 v17, $0x0;
	vm11 =	vlt.s32 v18, $0x0  }
0x63: {  	vm12 =	vlt.s32 v15, $0x0;
	vm14 =	vlt.s32 v12, $0x0;
	vm15 =	vlt.s32 v13, $0x0  }
0x64: {  	vm9 =	vlt.s32 v16, $0x0;
	v55 =	vsel vm8, $0x0, v6;
	v57 =	vsel vm10, $0x0, v6  }
0x65: {  	v58 =	vsel vm11, $0x0, v6;
	v59 =	vsel vm12, $0x0, v6;
	vm13 =	vlt.s32 v11, $0x0  }
0x66: {  	v61 =	vsel vm14, $0x0, v6;
	v62 =	vsel vm15, $0x0, v6;
	v56 =	vsel vm9, $0x0, v6  }
0x67: {  	v14 =	vxor.u32 v14, v55;
	v17 =	vxor.u32 v17, v57;
	v18 =	vxor.u32 v18, v58  }
0x68: {  	v15 =	vxor.u32 v15, v59;
	v60 =	vsel vm13, $0x0, v6;
	v12 =	vxor.u32 v12, v61;
	[tilespmem:s1+$0xFFFFF010] =	vst v14  }
0x69: {  	v13 =	vxor.u32 v13, v62;
	v16 =	vxor.u32 v16, v56;
	v14 =	vshll.u32 v14, $0x4;
	[tilespmem:s1+$0x10] =	vst v17  }
0x6a: {  	v11 =	vxor.u32 v11, v60;
	[tilespmem:s1+$0xFFFFF810] =	vst v16;
	v14 =	vor.u32 v0, v14;
	v16 =	vshll.u32 v16, $0x4  }
0x6b: {  	v17 =	vshll.u32 v17, $0x4;
	[tilespmem:s1+$0x810] =	vst v18;
	v14 =	vand.u32 $0xFFF, v14;
	v16 =	vand.u32 $0xFFF, v16  }
0x6c: {  	v18 =	vshll.u32 v18, $0x4;
	v17 =	vand.u32 $0xFFF, v17;
	[tilespmem:s2+$0xFFFFF010] =	vst v15;
	v16 =	vor.u32 v8, v16  }
0x6d: {  	v18 =	vand.u32 $0xFFF, v18;
	v15 =	vshll.u32 v15, $0x4;
	[tilespmem:s2+$0xFFFFF810] =	vst v11;
	v17 =	vor.u32 v9, v17  }
0x6e: {  	v11 =	vshll.u32 v11, $0x4;
	[tilespmem:s2+$0x10] =	vst v12;
	v18 =	vor.u32 v10, v18;
	v15 =	vor.u32 v0, v15  }
0x6f: {  	v12 =	vshll.u32 v12, $0x4;
	[tilespmem:s2+$0x810] =	vst v13;
	v11 =	vand.u32 $0xFFF, v11;
	v15 =	vand.u32 $0xFFF, v15  }
0x70: {  	v13 =	vshll.u32 v13, $0x4;
	v12 =	vand.u32 $0xFFF, v12;
	v11 =	vor.u32 v8, v11;
	[tilespmem:v14+s14+$0x0] =	vst.idx.add.s32.msk $0xffff, v7  }
0x71: {  	v13 =	vand.u32 $0xFFF, v13;
	v12 =	vor.u32 v9, v12;
	[tilespmem:v16+s14+$0x0] =	vst.idx.add.s32.msk $0xffff, v7  }
0x72: {  	p0 =	slt.u32 s3, $0x7E;
	v13 =	vor.u32 v10, v13;
	[tilespmem:v17+s14+$0x0] =	vst.idx.add.s32.msk $0xffff, v7  }
.Ltmp1:
0x73: {  	[tilespmem:v18+s14+$0x0] =	vst.idx.add.s32.msk $0xffff, v7;
	(pc) =	sbr.rel @p0 .LBB2_4-.Ltmp1, $4  }
0x74: {  	[tilespmem:v15+s15+$0x0] =	vst.idx.add.s32.msk $0xffff, v7  }
0x75: {  	s3 =	sadd.s32 $0x2, s3;
	[tilespmem:v11+s15+$0x0] =	vst.idx.add.s32.msk $0xffff, v7  }
0x76: {  	s30 =	simm.s32 $0x12000;
	s28 =	simm.s32 $0x16000;
	s25 =	simm.s32 $0x1A000;
	[tilespmem:v12+s15+$0x0] =	vst.idx.add.s32.msk $0xffff, v7  }
0x77: {  	s24 =	simm.s32 $0x1E000;
	s1 =	sadd.s32 $0x20, s1;
	s2 =	sadd.s32 $0x20, s2;
	[tilespmem:v13+s15+$0x0] =	vst.idx.add.s32.msk $0xffff, v7  }
0x78: {  	v11 =	vld [tilespmem:s30+$0xFFFFF000]  }
0x79: {  	v12 =	vld [tilespmem:s30+$0xFFFFE000]  }
0x7a: {  	v13 =	vld [tilespmem:s30+$0x0]  }
0x7b: {  	v14 =	vld [tilespmem:s30+$0x1000];
	_ =	sdelay $0x2  }
0x7c: {  	v15 =	vadd.s32 v12, v11  }
0x7d: {  	v15 =	vadd.s32 v13, v15  }
0x7e: {  	v14 =	vadd.s32 v14, v15  }
0x7f: {  	(xrf0) =	vadd.scan.msk.s32 $0xffff, v14;
	_ =	sdelay $0x5  }
0x80: {  	v15, _, _ =	vpop (xrf0)  }
0x81: {  	v14 =	vsub.s32 v15, v14  }
0x82: {  	v14 =	vadd.s32 s0, v14  }
0x83: {  	[tilespmem:s30+$0xFFFFE000] =	vst v14;
	v12 =	vadd.s32 v12, v14  }
0x84: {  	[tilespmem:s30+$0xFFFFF000] =	vst v12;
	v11 =	vadd.s32 v11, v12  }
0x85: {  	[tilespmem:s30+$0x0] =	vst v11;
	v11 =	vadd.s32 v13, v11  }
0x86: {  	[tilespmem:s30+$0x1000] =	vst v11  }
0x87: {  	v11 =	vld [tilespmem:s28+$0xFFFFE000]  }
0x88: {  	v12 =	vld [tilespmem:s28+$0xFFFFF000]  }
0x89: {  	v13 =	vld [tilespmem:s28+$0x0]  }
0x8a: {  	v14 =	vld [tilespmem:s28+$0x1000];
	_ =	sdelay $0x2  }
0x8b: {  	v16 =	vadd.s32 v11, v12  }
0x8c: {  	v16 =	vadd.s32 v13, v16  }
0x8d: {  	v14 =	vadd.s32 v14, v16  }
0x8e: {  	(xrf0) =	vadd.scan.msk.s32 $0xffff, v14;
	_ =	sdelay $0x5  }
0x8f: {  	v62, _, _ =	vpop (xrf0)  }
0x90: {  	v14 =	vsub.s32 v62, v14  }
0x91: {  	v14 =	vadd.s32 s0, v14  }
0x92: {  	[tilespmem:s28+$0xFFFFE000] =	vst v14;
	v11 =	vadd.s32 v11, v14  }
0x93: {  	[tilespmem:s28+$0xFFFFF000] =	vst v11;
	v11 =	vadd.s32 v12, v11  }
0x94: {  	[tilespmem:s28+$0x0] =	vst v11;
	v11 =	vadd.s32 v13, v11  }
0x95: {  	[tilespmem:s28+$0x1000] =	vst v11  }
0x96: {  	[tilespmem:s25+$0xFFFFE000] =	vst v2  }
0x97: {  	[tilespmem:s25+$0x0] =	vst v2  }
0x98: {  	[tilespmem:s25+$0x1000] =	vst v2  }
0x99: {  	[tilespmem:s25+$0xFFFFF000] =	vst v2  }
0x9a: {  	[tilespmem:s24+$0xFFFFE000] =	vst v2  }
0x9b: {  	[tilespmem:s24+$0xFFFFF000] =	vst v2  }
0x9c: {  	[tilespmem:s24+$0x1000] =	vst v2  }
0x9d: {  	[tilespmem:s24+$0x0] =	vst v2  }
0x9e: {  	(v2sf) =	vpush v15, $0xF;
	v11 =	vld [tilespmem:s30+$0xFFFFE010]  }
0x9f: {  	v12 =	vld [tilespmem:s30+$0xFFFFF010]  }
0xa0: {  	v13 =	vld [tilespmem:s30+$0x10]  }
0xa1: {  	v14 =	vld [tilespmem:s30+$0x1010];
	_ =	sdelay $0x2  }
0xa2: {  	v15 =	vadd.s32 v11, v12  }
0xa3: {  	v15 =	vadd.s32 v13, v15  }
0xa4: {  	v14 =	vadd.s32 v14, v15  }
0xa5: {  	(xrf0) =	vadd.scan.msk.s32 $0xffff, v14;
	_ =	sdelay $0x5  }
0xa6: {  	s31 =	spop (v2sf);
	v15, _, _ =	vpop (xrf0)  }
0xa7: {  	s0 =	sadd.s32 $0x0, s31;
	v14 =	vsub.s32 v15, v14  }
0xa8: {  	v14 =	vadd.s32 s0, v14  }
0xa9: {  	[tilespmem:s30+$0xFFFFE010] =	vst v14;
	v11 =	vadd.s32 v11, v14  }
0xaa: {  	[tilespmem:s30+$0xFFFFF010] =	vst v11;
	v11 =	vadd.s32 v12, v11  }
0xab: {  	[tilespmem:s30+$0x10] =	vst v11;
	v11 =	vadd.s32 v13, v11  }
0xac: {  	[tilespmem:s30+$0x1010] =	vst v11  }
0xad: {  	(v2sf) =	vpush v62, $0xF;
	v13 =	vld [tilespmem:s28+$0xFFFFE010]  }
0xae: {  	v12 =	vld [tilespmem:s28+$0xFFFFF010]  }
0xaf: {  	(v2sf) =	vpush v15, $0xF;
	v11 =	vld [tilespmem:s28+$0x10]  }
0xb0: {  	v14 =	vld [tilespmem:s28+$0x1010];
	_ =	sdelay $0x2  }
0xb1: {  	v15 =	vadd.s32 v13, v12  }
0xb2: {  	v15 =	vadd.s32 v11, v15  }
0xb3: {  	v14 =	vadd.s32 v14, v15  }
0xb4: {  	(xrf0) =	vadd.scan.msk.s32 $0xffff, v14;
	_ =	sdelay $0x5  }
0xb5: {  	s1 =	spop (v2sf);
	v15, _, _ =	vpop (xrf0)  }
0xb6: {  	s7 =	sadd.s32 $0x0, s1;
	v14 =	vsub.s32 v15, v14;
	(v2sf) =	vpush v15, $0xF  }
0xb7: {  	s2 =	simm.s32 $0x0;
	s4 =	simm.s32 $0x1E020;
	s3 =	spop (v2sf);
	v14 =	vadd.s32 s7, v14  }
0xb8: {  	s5 =	simm.s32 $0x16000;
	s6 =	sadd.s32 s0, s3;
	s3 =	simm.s32 $0x1A020;
	[tilespmem:s28+$0xFFFFE010] =	vst v14;
	v13 =	vadd.s32 v13, v14  }
.LBB2_6:
0xb9: {  	s2 =	sadd.s32 $0x2, s2;
	[tilespmem:s28+$0xFFFFF010] =	vst v13;
	v12 =	vadd.s32 v12, v13;
	s30 =	sadd.s32 $0x20, s30;
	s5 =	sadd.s32 $0x20, s5  }
0xba: {  	p0 =	slt.u32 s2, $0xFE;
	[tilespmem:s28+$0x10] =	vst v12;
	v11 =	vadd.s32 v11, v12  }
0xbb: {  	[tilespmem:s28+$0x1010] =	vst v11;
	s28 =	smov.u32 s5  }
0xbc: {  	[tilespmem:s25+$0x10] =	vst v2  }
0xbd: {  	[tilespmem:s25+$0xFFFFF010] =	vst v2  }
0xbe: {  	[tilespmem:s25+$0x1010] =	vst v2  }
0xbf: {  	[tilespmem:s25+$0xFFFFE010] =	vst v2;
	s25 =	smov.u32 s3  }
0xc0: {  	[tilespmem:s24+$0x1010] =	vst v2  }
0xc1: {  	[tilespmem:s24+$0xFFFFE010] =	vst v2  }
0xc2: {  	[tilespmem:s24+$0xFFFFF010] =	vst v2  }
0xc3: {  	[tilespmem:s24+$0x10] =	vst v2;
	s24 =	smov.u32 s4  }
0xc4: {  	v11 =	vld [tilespmem:s30+$0xFFFFF000]  }
0xc5: {  	v12 =	vld [tilespmem:s30+$0xFFFFE000];
	s0 =	spop (v2sf)  }
0xc6: {  	v13 =	vld [tilespmem:s30+$0x0];
	s0 =	sadd.s32 s7, s0  }
0xc7: {  	v14 =	vld [tilespmem:s30+$0x1000];
	_ =	sdelay $0x2  }
0xc8: {  	v15 =	vadd.s32 v12, v11  }
0xc9: {  	v15 =	vadd.s32 v13, v15  }
0xca: {  	v14 =	vadd.s32 v14, v15  }
0xcb: {  	(xrf0) =	vadd.scan.msk.s32 $0xffff, v14;
	_ =	sdelay $0x5  }
0xcc: {  	v15, _, _ =	vpop (xrf0)  }
0xcd: {  	v14 =	vsub.s32 v15, v14;
	(v2sf) =	vpush v15, $0xF  }
0xce: {  	v14 =	vadd.s32 s6, v14  }
0xcf: {  	[tilespmem:s30+$0xFFFFE000] =	vst v14;
	v12 =	vadd.s32 v12, v14  }
0xd0: {  	[tilespmem:s30+$0xFFFFF000] =	vst v12;
	v11 =	vadd.s32 v11, v12  }
0xd1: {  	[tilespmem:s30+$0x0] =	vst v11;
	v11 =	vadd.s32 v13, v11  }
0xd2: {  	[tilespmem:s30+$0x1000] =	vst v11  }
0xd3: {  	v11 =	vld [tilespmem:s5+$0xFFFFE000]  }
0xd4: {  	v12 =	vld [tilespmem:s5+$0xFFFFF000]  }
0xd5: {  	v13 =	vld [tilespmem:s5+$0x0]  }
0xd6: {  	v14 =	vld [tilespmem:s5+$0x1000];
	_ =	sdelay $0x2  }
0xd7: {  	v15 =	vadd.s32 v11, v12  }
0xd8: {  	v15 =	vadd.s32 v13, v15  }
0xd9: {  	v14 =	vadd.s32 v14, v15  }
0xda: {  	s1 =	spop (v2sf);
	(xrf0) =	vadd.scan.msk.s32 $0xffff, v14;
	_ =	sdelay $0x5  }
0xdb: {  	v15, _, _ =	vpop (xrf0)  }
0xdc: {  	v14 =	vsub.s32 v15, v14;
	(v2sf) =	vpush v15, $0xF  }
0xdd: {  	v14 =	vadd.s32 s0, v14  }
0xde: {  	[tilespmem:s5+$0xFFFFE000] =	vst v14;
	v11 =	vadd.s32 v11, v14  }
0xdf: {  	[tilespmem:s5+$0xFFFFF000] =	vst v11;
	v11 =	vadd.s32 v12, v11  }
0xe0: {  	[tilespmem:s5+$0x0] =	vst v11;
	v11 =	vadd.s32 v13, v11  }
0xe1: {  	[tilespmem:s5+$0x1000] =	vst v11  }
0xe2: {  	[tilespmem:s3+$0xFFFFE000] =	vst v2  }
0xe3: {  	[tilespmem:s3+$0x0] =	vst v2  }
0xe4: {  	[tilespmem:s3+$0x1000] =	vst v2  }
0xe5: {  	[tilespmem:s3+$0xFFFFF000] =	vst v2  }
0xe6: {  	[tilespmem:s4+$0xFFFFE000] =	vst v2  }
0xe7: {  	[tilespmem:s4+$0xFFFFF000] =	vst v2  }
0xe8: {  	[tilespmem:s4+$0x1000] =	vst v2  }
0xe9: {  	[tilespmem:s4+$0x0] =	vst v2  }
0xea: {  	v11 =	vld [tilespmem:s30+$0xFFFFE010]  }
0xeb: {  	v12 =	vld [tilespmem:s30+$0xFFFFF010];
	s7 =	spop (v2sf)  }
0xec: {  	v13 =	vld [tilespmem:s30+$0x10]  }
0xed: {  	v14 =	vld [tilespmem:s30+$0x1010];
	_ =	sdelay $0x2  }
0xee: {  	v15 =	vadd.s32 v11, v12  }
0xef: {  	v15 =	vadd.s32 v13, v15  }
0xf0: {  	v14 =	vadd.s32 v14, v15  }
0xf1: {  	(xrf0) =	vadd.scan.msk.s32 $0xffff, v14;
	_ =	sdelay $0x5  }
0xf2: {  	v15, _, _ =	vpop (xrf0)  }
0xf3: {  	s1 =	sadd.s32 s6, s1;
	v14 =	vsub.s32 v15, v14;
	(v2sf) =	vpush v15, $0xF  }
0xf4: {  	v14 =	vadd.s32 s1, v14  }
0xf5: {  	[tilespmem:s30+$0xFFFFE010] =	vst v14;
	v11 =	vadd.s32 v11, v14  }
0xf6: {  	[tilespmem:s30+$0xFFFFF010] =	vst v11;
	v11 =	vadd.s32 v12, v11  }
0xf7: {  	[tilespmem:s30+$0x10] =	vst v11;
	v11 =	vadd.s32 v13, v11  }
0xf8: {  	[tilespmem:s30+$0x1010] =	vst v11  }
0xf9: {  	v13 =	vld [tilespmem:s5+$0xFFFFE010]  }
0xfa: {  	v12 =	vld [tilespmem:s5+$0xFFFFF010]  }
0xfb: {  	v11 =	vld [tilespmem:s5+$0x10]  }
0xfc: {  	v14 =	vld [tilespmem:s5+$0x1010];
	_ =	sdelay $0x2  }
0xfd: {  	v15 =	vadd.s32 v13, v12  }
0xfe: {  	v15 =	vadd.s32 v11, v15  }
0xff: {  	v14 =	vadd.s32 v14, v15  }
0x100: {  	s6 =	spop (v2sf);
	(xrf0) =	vadd.scan.msk.s32 $0xffff, v14  }
0x101: {  	s6 =	sadd.s32 s1, s6;
	_ =	sdelay $0x3  }
.Ltmp2:
0x102: {  	(pc) =	sbr.rel @p0 .LBB2_6-.Ltmp2, $4  }
0x103: {  	v15, _, _ =	vpop (xrf0)  }
0x104: {  	s7 =	sadd.s32 s0, s7;
	v14 =	vsub.s32 v15, v14;
	(v2sf) =	vpush v15, $0xF  }
0x105: {  	s29 =	simm.s32 $0x7000;
	s1 =	simm.s32 $0x5000;
	v14 =	vadd.s32 s7, v14  }
0x106: {  	s3 =	sadd.s32 $0x20, s3;
	s4 =	sadd.s32 $0x20, s4;
	s0 =	simm.s32 $0x0;
	[tilespmem:s5+$0xFFFFE010] =	vst v14;
	v13 =	vadd.s32 v13, v14  }
0x107: {  	_ =	sdelay $0x1  }
0x108: {  	[tilespmem:s28+$0xFFFFF010] =	vst v13;
	v12 =	vadd.s32 v12, v13  }
0x109: {  	[tilespmem:s28+$0x10] =	vst v12;
	v11 =	vadd.s32 v11, v12  }
0x10a: {  	[tilespmem:s28+$0x1010] =	vst v11  }
0x10b: {  	[tilespmem:s25+$0x10] =	vst v2  }
0x10c: {  	[tilespmem:s25+$0xFFFFF010] =	vst v2  }
0x10d: {  	[tilespmem:s25+$0x1010] =	vst v2  }
0x10e: {  	[tilespmem:s25+$0xFFFFE010] =	vst v2  }
0x10f: {  	[tilespmem:s24+$0x1010] =	vst v2  }
0x110: {  	[tilespmem:s24+$0xFFFFE010] =	vst v2  }
0x111: {  	[tilespmem:s24+$0xFFFFF010] =	vst v2  }
0x112: {  	s30 =	simm.s32 $0x0;
	[tilespmem:s24+$0x10] =	vst v2;
	s2 =	spop (v2sf)  }
.LBB2_8:
0x113: {  	v11 =	vld [tilespmem:s1+$0xFFFFF000]  }
0x114: {  	v12 =	vld [tilespmem:s1+$0xFFFFF800]  }
0x115: {  	v13 =	vld [tilespmem:s1+$0x0]  }
0x116: {  	v14 =	vld [tilespmem:s1+$0x800]  }
0x117: {  	v15 =	vld [tilespmem:s29+$0xFFFFF000]  }
0x118: {  	v16 =	vshll.u32 v11, $0x4  }
0x119: {  	v17 =	vld [tilespmem:s29+$0xFFFFF800];
	v18 =	vshll.u32 v12, $0x4;
	v16 =	vor.u32 v0, v16  }
0x11a: {  	v19 =	vshll.u32 v13, $0x4;
	v18 =	vand.u32 $0xFFF, v18;
	v16 =	vand.u32 $0xFFF, v16  }
0x11b: {  	v20 =	vld [tilespmem:s29+$0x0];
	v21 =	vshll.u32 v14, $0x4;
	v19 =	vand.u32 $0xFFF, v19;
	v18 =	vor.u32 v8, v18  }
0x11c: {  	v23 =	vshll.u32 v15, $0x4;
	v21 =	vand.u32 $0xFFF, v21;
	v19 =	vor.u32 v9, v19  }
0x11d: {  	v22 =	vld [tilespmem:s29+$0x800];
	v23 =	vor.u32 v0, v23;
	v21 =	vor.u32 v10, v21  }
0x11e: {  	v24 =	vshll.u32 v17, $0x4;
	v23 =	vand.u32 $0xFFF, v23  }
0x11f: {  	v24 =	vand.u32 $0xFFF, v24;
	v25 =	vld.idx.msk [tilespmem:v16+s14+$0x0], $0xffff  }
0x120: {  	v26 =	vshll.u32 v20, $0x4;
	v24 =	vor.u32 v8, v24;
	v27 =	vld.idx.msk [tilespmem:v18+s14+$0x0], $0xffff  }
0x121: {  	v26 =	vand.u32 $0xFFF, v26;
	v29 =	vld.idx.msk [tilespmem:v19+s14+$0x0], $0xffff  }
0x122: {  	v28 =	vshll.u32 v22, $0x4;
	v26 =	vor.u32 v9, v26;
	v30 =	vld.idx.msk [tilespmem:v21+s14+$0x0], $0xffff  }
0x123: {  	v28 =	vand.u32 $0xFFF, v28;
	v31 =	vld.idx.msk [tilespmem:v23+s15+$0x0], $0xffff  }
0x124: {  	v28 =	vor.u32 v10, v28  }
0x125: {  	v33 =	vld.idx.msk [tilespmem:v24+s15+$0x0], $0xffff;
	v32 =	vshll.u32 v25, $0x4  }
0x126: {  	v34 =	vshrl.u32 v25, $0x9;
	v35 =	vshll.u32 v27, $0x4;
	v36 =	vshrl.u32 v27, $0x9  }
0x127: {  	v37 =	vld.idx.msk [tilespmem:v26+s15+$0x0], $0xffff;
	v38 =	vshrl.u32 v29, $0x9;
	v39 =	vshll.u32 v29, $0x4;
	v40 =	vshll.u32 v30, $0x4  }
0x128: {  	v42 =	vshrl.u32 v30, $0x9;
	v43 =	vshrl.u32 v31, $0x9;
	v32 =	vand.u32 $0x1FF0, v32  }
0x129: {  	v41 =	vld.idx.msk [tilespmem:v28+s15+$0x0], $0xffff;
	v44 =	vshll.u32 v31, $0x4;
	v35 =	vand.u32 $0x1FF0, v35;
	v32 =	vor.u32 v34, v32  }
0x12a: {  	v45 =	vshll.u32 v33, $0x4;
	v39 =	vand.u32 $0x1FF0, v39;
	v35 =	vor.u32 v36, v35  }
0x12b: {  	v46 =	vshrl.u32 v33, $0x9;
	v40 =	vand.u32 $0x1FF0, v40;
	v39 =	vor.u32 v38, v39  }
0x12c: {  	v47 =	vshll.u32 v37, $0x4;
	v44 =	vand.u32 $0x1FF0, v44;
	v40 =	vor.u32 v42, v40  }
0x12d: {  	v48 =	vshrl.u32 v37, $0x9;
	v45 =	vand.u32 $0x1FF0, v45;
	v44 =	vor.u32 v43, v44  }
0x12e: {  	v49 =	vshll.u32 v41, $0x4;
	v47 =	vand.u32 $0x1FF0, v47;
	v45 =	vor.u32 v46, v45;
	[tilespmem:v32+s16+$0x0] =	vst.idx.msk $0xffff, v11  }
0x12f: {  	v50 =	vshrl.u32 v41, $0x9;
	v49 =	vand.u32 $0x1FF0, v49;
	v47 =	vor.u32 v48, v47;
	[tilespmem:v35+s16+$0x0] =	vst.idx.msk $0xffff, v12  }
0x130: {  	v49 =	vor.u32 v50, v49;
	[tilespmem:v39+s16+$0x0] =	vst.idx.msk $0xffff, v13  }
0x131: {  	[tilespmem:v40+s16+$0x0] =	vst.idx.msk $0xffff, v14  }
0x132: {  	[tilespmem:v44+s17+$0x0] =	vst.idx.msk $0xffff, v15  }
0x133: {  	[tilespmem:v45+s17+$0x0] =	vst.idx.msk $0xffff, v17  }
0x134: {  	[tilespmem:v47+s17+$0x0] =	vst.idx.msk $0xffff, v20  }
0x135: {  	v51 =	vor.u32 s30, v1;
	[tilespmem:v49+s17+$0x0] =	vst.idx.msk $0xffff, v22  }
0x136: {  	v52 =	vor.u32 s30, v3;
	[tilespmem:v32+s18+$0x0] =	vst.idx.msk $0xffff, v51  }
0x137: {  	v58 =	vor.u32 s30, v4;
	v59 =	vor.u32 s30, v5;
	[tilespmem:v35+s18+$0x0] =	vst.idx.msk $0xffff, v52  }
0x138: {  	v25 =	vshll.u32 v25, $0x5;
	v27 =	vshll.u32 v27, $0x5;
	v61 =	vshll.u32 v29, $0x5;
	[tilespmem:v39+s18+$0x0] =	vst.idx.msk $0xffff, v58  }
0x139: {  	v62 =	vshll.u32 v30, $0x5;
	v30 =	vshll.u32 v31, $0x5;
	v31 =	vshll.u32 v33, $0x5;
	[tilespmem:v40+s18+$0x0] =	vst.idx.msk $0xffff, v59  }
0x13a: {  	v25 =	vand.u32 $0x3000, v25;
	v60 =	vand.u32 $0x3000, v27;
	v11 =	vshrl.u32 v11, $0x4;
	[tilespmem:v44+s19+$0x0] =	vst.idx.msk $0xffff, v51  }
0x13b: {  	v29 =	vand.u32 $0x3000, v62;
	v11 =	vand.u32 $0xFF0, v11;
	v12 =	vshrl.u32 v12, $0x4;
	[tilespmem:v45+s19+$0x0] =	vst.idx.msk $0xffff, v52  }
0x13c: {  	v33 =	vand.u32 $0x3000, v31;
	v11 =	vor.u32 v25, v11;
	v12 =	vand.u32 $0xFF0, v12;
	[tilespmem:v47+s19+$0x0] =	vst.idx.msk $0xffff, v58  }
0x13d: {  	v13 =	vshrl.u32 v13, $0x4;
	v25 =	vand.u32 $0x3000, v61;
	v11 =	vor.u32 v34, v11;
	[tilespmem:v49+s19+$0x0] =	vst.idx.msk $0xffff, v59  }
0x13e: {  	v12 =	vor.u32 v60, v12;
	v13 =	vand.u32 $0xFF0, v13;
	v14 =	vshrl.u32 v14, $0x4;
	[tilespmem:v16+s14+$0x0] =	vst.idx.add.s32.msk $0xffff, v7  }
0x13f: {  	v34 =	vshrl.u32 v20, $0x4;
	v12 =	vor.u32 v36, v12;
	v13 =	vor.u32 v25, v13;
	[tilespmem:v18+s14+$0x0] =	vst.idx.add.s32.msk $0xffff, v7  }
0x140: {  	v14 =	vand.u32 $0xFF0, v14;
	v15 =	vshrl.u32 v15, $0x4;
	v36 =	vshrl.u32 v22, $0x4;
	[tilespmem:v19+s14+$0x0] =	vst.idx.add.s32.msk $0xffff, v7  }
0x141: {  	v13 =	vor.u32 v38, v13;
	v14 =	vor.u32 v29, v14;
	v15 =	vand.u32 $0xFF0, v15;
	[tilespmem:v21+s14+$0x0] =	vst.idx.add.s32.msk $0xffff, v7  }
0x142: {  	v17 =	vshrl.u32 v17, $0x4;
	v38 =	vand.u32 $0xFF0, v36;
	v14 =	vor.u32 v42, v14;
	[tilespmem:v23+s15+$0x0] =	vst.idx.add.s32.msk $0xffff, v7  }
0x143: {  	v32 =	vand.u32 $0xFF0, v17;
	v17 =	vand.u32 $0xFF0, v34;
	v16 =	vand.u32 $0x3000, v30;
	[tilespmem:v24+s15+$0x0] =	vst.idx.add.s32.msk $0xffff, v7  }
0x144: {  	v35 =	vshll.u32 v37, $0x5;
	v37 =	vshll.u32 v41, $0x5;
	v15 =	vor.u32 v16, v15;
	[tilespmem:v26+s15+$0x0] =	vst.idx.add.s32.msk $0xffff, v7  }
0x145: {  	v16 =	vor.u32 v33, v32;
	v18 =	vand.u32 $0x3000, v35;
	v15 =	vor.u32 v43, v15;
	[tilespmem:v28+s15+$0x0] =	vst.idx.add.s32.msk $0xffff, v7  }
0x146: {  	v39 =	vand.u32 $0x3000, v37;
	v16 =	vor.u32 v46, v16;
	v17 =	vor.u32 v18, v17;
	[tilespmem:v11+s20+$0x0] =	vst.idx.add.s32.msk $0xffff, v7  }
0x147: {  	v40 =	vor.u32 v39, v38;
	v11 =	vor.u32 v48, v17;
	[tilespmem:v12+s20+$0x0] =	vst.idx.add.s32.msk $0xffff, v7  }
0x148: {  	v41 =	vor.u32 v50, v40;
	[tilespmem:v13+s20+$0x0] =	vst.idx.add.s32.msk $0xffff, v7  }
0x149: {  	[tilespmem:v14+s20+$0x0] =	vst.idx.add.s32.msk $0xffff, v7  }
0x14a: {  	[tilespmem:v15+s21+$0x0] =	vst.idx.add.s32.msk $0xffff, v7  }
0x14b: {  	[tilespmem:v16+s21+$0x0] =	vst.idx.add.s32.msk $0xffff, v7  }
0x14c: {  	[tilespmem:v11+s21+$0x0] =	vst.idx.add.s32.msk $0xffff, v7  }
0x14d: {  	[tilespmem:v41+s21+$0x0] =	vst.idx.add.s32.msk $0xffff, v7  }
0x14e: {  	v11 =	vld [tilespmem:s1+$0xFFFFF010]  }
0x14f: {  	v12 =	vld [tilespmem:s1+$0xFFFFF810]  }
0x150: {  	v13 =	vld [tilespmem:s1+$0x10]  }
0x151: {  	v14 =	vld [tilespmem:s1+$0x810]  }
0x152: {  	v15 =	vld [tilespmem:s29+$0xFFFFF010]  }
0x153: {  	v42 =	vshll.u32 v11, $0x4  }
0x154: {  	v17 =	vld [tilespmem:s29+$0xFFFFF810];
	v43 =	vshll.u32 v12, $0x4;
	v16 =	vor.u32 v0, v42  }
0x155: {  	v44 =	vshll.u32 v13, $0x4;
	v18 =	vand.u32 $0xFFF, v43;
	v16 =	vand.u32 $0xFFF, v16  }
0x156: {  	v20 =	vld [tilespmem:s29+$0x10];
	v45 =	vshll.u32 v14, $0x4;
	v19 =	vand.u32 $0xFFF, v44;
	v18 =	vor.u32 v8, v18  }
0x157: {  	v46 =	vshll.u32 v15, $0x4;
	v21 =	vand.u32 $0xFFF, v45;
	v19 =	vor.u32 v9, v19  }
0x158: {  	v22 =	vld [tilespmem:s29+$0x810];
	v23 =	vor.u32 v0, v46;
	v21 =	vor.u32 v10, v21  }
0x159: {  	v47 =	vshll.u32 v17, $0x4;
	v23 =	vand.u32 $0xFFF, v23  }
0x15a: {  	v24 =	vand.u32 $0xFFF, v47;
	v25 =	vld.idx.msk [tilespmem:v16+s14+$0x0], $0xffff  }
0x15b: {  	v48 =	vshll.u32 v20, $0x4;
	v24 =	vor.u32 v8, v24;
	v27 =	vld.idx.msk [tilespmem:v18+s14+$0x0], $0xffff  }
0x15c: {  	v26 =	vand.u32 $0xFFF, v48;
	v29 =	vld.idx.msk [tilespmem:v19+s14+$0x0], $0xffff  }
0x15d: {  	v49 =	vshll.u32 v22, $0x4;
	v26 =	vor.u32 v9, v26;
	v30 =	vld.idx.msk [tilespmem:v21+s14+$0x0], $0xffff  }
0x15e: {  	v28 =	vand.u32 $0xFFF, v49;
	v31 =	vld.idx.msk [tilespmem:v23+s15+$0x0], $0xffff  }
0x15f: {  	v28 =	vor.u32 v10, v28  }
0x160: {  	v33 =	vld.idx.msk [tilespmem:v24+s15+$0x0], $0xffff;
	v50 =	vshll.u32 v25, $0x4  }
0x161: {  	v34 =	vshrl.u32 v25, $0x9;
	v51 =	vshll.u32 v27, $0x4;
	v36 =	vshrl.u32 v27, $0x9  }
0x162: {  	v37 =	vld.idx.msk [tilespmem:v26+s15+$0x0], $0xffff;
	v38 =	vshrl.u32 v29, $0x9;
	v52 =	vshll.u32 v29, $0x4;
	v53 =	vshll.u32 v30, $0x4  }
0x163: {  	v42 =	vshrl.u32 v30, $0x9;
	v43 =	vshrl.u32 v31, $0x9;
	v32 =	vand.u32 $0x1FF0, v50  }
0x164: {  	v41 =	vld.idx.msk [tilespmem:v28+s15+$0x0], $0xffff;
	v54 =	vshll.u32 v31, $0x4;
	v35 =	vand.u32 $0x1FF0, v51;
	v32 =	vor.u32 v34, v32  }
0x165: {  	v55 =	vshll.u32 v33, $0x4;
	v39 =	vand.u32 $0x1FF0, v52;
	v35 =	vor.u32 v36, v35  }
0x166: {  	v56 =	vshrl.u32 v33, $0x9;
	v40 =	vand.u32 $0x1FF0, v53;
	v39 =	vor.u32 v38, v39  }
0x167: {  	v57 =	vshll.u32 v37, $0x4;
	v44 =	vand.u32 $0x1FF0, v54;
	v40 =	vor.u32 v42, v40  }
0x168: {  	v48 =	vshrl.u32 v37, $0x9;
	v45 =	vand.u32 $0x1FF0, v55;
	v44 =	vor.u32 v43, v44  }
0x169: {  	v58 =	vshll.u32 v41, $0x4;
	v47 =	vand.u32 $0x1FF0, v57;
	v45 =	vor.u32 v56, v45;
	[tilespmem:v32+s16+$0x0] =	vst.idx.msk $0xffff, v11  }
0x16a: {  	v50 =	vshrl.u32 v41, $0x9;
	v49 =	vand.u32 $0x1FF0, v58;
	v47 =	vor.u32 v48, v47;
	[tilespmem:v35+s16+$0x0] =	vst.idx.msk $0xffff, v12  }
0x16b: {  	v49 =	vor.u32 v50, v49;
	[tilespmem:v39+s16+$0x0] =	vst.idx.msk $0xffff, v13  }
0x16c: {  	[tilespmem:v40+s16+$0x0] =	vst.idx.msk $0xffff, v14  }
0x16d: {  	[tilespmem:v44+s17+$0x0] =	vst.idx.msk $0xffff, v15  }
0x16e: {  	[tilespmem:v45+s17+$0x0] =	vst.idx.msk $0xffff, v17  }
0x16f: {  	s2 =	sadd.s32 $0x1, s30;
	[tilespmem:v47+s17+$0x0] =	vst.idx.msk $0xffff, v20  }
0x170: {  	v59 =	vor.u32 s2, v1;
	[tilespmem:v49+s17+$0x0] =	vst.idx.msk $0xffff, v22  }
0x171: {  	v60 =	vor.u32 s2, v3;
	[tilespmem:v32+s18+$0x0] =	vst.idx.msk $0xffff, v59  }
0x172: {  	v61 =	vor.u32 s2, v4;
	v25 =	vshll.u32 v25, $0x5;
	[tilespmem:v35+s18+$0x0] =	vst.idx.msk $0xffff, v60  }
0x173: {  	v62 =	vor.u32 s2, v5;
	v27 =	vshll.u32 v27, $0x5;
	v25 =	vand.u32 $0x3000, v25;
	[tilespmem:v39+s18+$0x0] =	vst.idx.msk $0xffff, v61  }
0x174: {  	v51 =	vshll.u32 v31, $0x5;
	v52 =	vshll.u32 v33, $0x5;
	v11 =	vshrl.u32 v11, $0x4;
	[tilespmem:v40+s18+$0x0] =	vst.idx.msk $0xffff, v62  }
0x175: {  	v55 =	vshrl.u32 v20, $0x4;
	v57 =	vshrl.u32 v22, $0x4;
	v11 =	vand.u32 $0xFF0, v11;
	[tilespmem:v44+s19+$0x0] =	vst.idx.msk $0xffff, v59  }
0x176: {  	v54 =	vand.u32 $0x3000, v52;
	v12 =	vshrl.u32 v12, $0x4;
	v11 =	vor.u32 v25, v11;
	[tilespmem:v45+s19+$0x0] =	vst.idx.msk $0xffff, v60  }
0x177: {  	v12 =	vand.u32 $0xFF0, v12;
	v13 =	vshrl.u32 v13, $0x4;
	v11 =	vor.u32 v34, v11;
	[tilespmem:v47+s19+$0x0] =	vst.idx.msk $0xffff, v61  }
0x178: {  	v13 =	vand.u32 $0xFF0, v13;
	v14 =	vshrl.u32 v14, $0x4;
	v15 =	vshrl.u32 v15, $0x4;
	[tilespmem:v49+s19+$0x0] =	vst.idx.msk $0xffff, v62  }
0x179: {  	v14 =	vand.u32 $0xFF0, v14;
	v15 =	vand.u32 $0xFF0, v15;
	v17 =	vshrl.u32 v17, $0x4;
	[tilespmem:v16+s14+$0x0] =	vst.idx.add.s32.msk $0xffff, v7  }
0x17a: {  	v53 =	vand.u32 $0xFF0, v17;
	v40 =	vand.u32 $0x3000, v27;
	v45 =	vshll.u32 v29, $0x5;
	[tilespmem:v18+s14+$0x0] =	vst.idx.add.s32.msk $0xffff, v7  }
0x17b: {  	v12 =	vor.u32 v40, v12;
	v25 =	vand.u32 $0x3000, v45;
	v47 =	vshll.u32 v30, $0x5;
	[tilespmem:v19+s14+$0x0] =	vst.idx.add.s32.msk $0xffff, v7  }
0x17c: {  	v12 =	vor.u32 v36, v12;
	v13 =	vor.u32 v25, v13;
	v49 =	vand.u32 $0x3000, v47;
	[tilespmem:v21+s14+$0x0] =	vst.idx.add.s32.msk $0xffff, v7  }
0x17d: {  	v13 =	vor.u32 v38, v13;
	v14 =	vor.u32 v49, v14;
	v16 =	vand.u32 $0x3000, v51;
	[tilespmem:v23+s15+$0x0] =	vst.idx.add.s32.msk $0xffff, v7  }
0x17e: {  	v58 =	vshll.u32 v41, $0x5;
	v15 =	vor.u32 v16, v15;
	v16 =	vor.u32 v54, v53;
	[tilespmem:v24+s15+$0x0] =	vst.idx.add.s32.msk $0xffff, v7  }
0x17f: {  	v14 =	vor.u32 v42, v14;
	v16 =	vor.u32 v56, v16;
	v56 =	vshll.u32 v37, $0x5;
	[tilespmem:v26+s15+$0x0] =	vst.idx.add.s32.msk $0xffff, v7  }
0x180: {  	v17 =	vand.u32 $0xFF0, v55;
	v15 =	vor.u32 v43, v15;
	v18 =	vand.u32 $0x3000, v56;
	[tilespmem:v28+s15+$0x0] =	vst.idx.add.s32.msk $0xffff, v7  }
0x181: {  	v59 =	vand.u32 $0xFF0, v57;
	v60 =	vand.u32 $0x3000, v58;
	v17 =	vor.u32 v18, v17;
	[tilespmem:v11+s20+$0x0] =	vst.idx.add.s32.msk $0xffff, v7  }
0x182: {  	v61 =	vor.u32 v60, v59;
	v11 =	vor.u32 v48, v17;
	[tilespmem:v12+s20+$0x0] =	vst.idx.add.s32.msk $0xffff, v7  }
0x183: {  	p0 =	slt.u32 s30, $0x7E;
	v62 =	vor.u32 v50, v61;
	[tilespmem:v13+s20+$0x0] =	vst.idx.add.s32.msk $0xffff, v7  }
.Ltmp3:
0x184: {  	[tilespmem:v14+s20+$0x0] =	vst.idx.add.s32.msk $0xffff, v7;
	(pc) =	sbr.rel @p0 .LBB2_8-.Ltmp3, $4  }
0x185: {  	[tilespmem:v15+s21+$0x0] =	vst.idx.add.s32.msk $0xffff, v7  }
0x186: {  	s30 =	sadd.s32 $0x2, s30;
	s28 =	simm.s32 $0xFFFFFFFE;
	[tilespmem:v16+s21+$0x0] =	vst.idx.add.s32.msk $0xffff, v7  }
0x187: {  	s3 =	simm.s32 $0x1E000;
	s25 =	simm.s32 $0x12000;
	s24 =	simm.s32 $0x16000;
	[tilespmem:v11+s21+$0x0] =	vst.idx.add.s32.msk $0xffff, v7  }
0x188: {  	s2 =	simm.s32 $0x1A000;
	s1 =	sadd.s32 $0x20, s1;
	s29 =	sadd.s32 $0x20, s29;
	[tilespmem:v62+s21+$0x0] =	vst.idx.add.s32.msk $0xffff, v7  }
0x189: {  	v11 =	vld [tilespmem:s2+$0xFFFFF000]  }
0x18a: {  	v12 =	vld [tilespmem:s2+$0xFFFFE000]  }
0x18b: {  	v13 =	vld [tilespmem:s2+$0x0]  }
0x18c: {  	v14 =	vld [tilespmem:s2+$0x1000];
	_ =	sdelay $0x2  }
0x18d: {  	v15 =	vadd.s32 v12, v11  }
0x18e: {  	v15 =	vadd.s32 v13, v15  }
0x18f: {  	v14 =	vadd.s32 v14, v15  }
0x190: {  	(xrf0) =	vadd.scan.msk.s32 $0xffff, v14;
	_ =	sdelay $0x5  }
0x191: {  	v15, _, _ =	vpop (xrf0)  }
0x192: {  	v14 =	vsub.s32 v15, v14  }
0x193: {  	v14 =	vadd.s32 s0, v14  }
0x194: {  	[tilespmem:s2+$0xFFFFE000] =	vst v14;
	v12 =	vadd.s32 v12, v14  }
0x195: {  	[tilespmem:s2+$0xFFFFF000] =	vst v12;
	v11 =	vadd.s32 v11, v12  }
0x196: {  	[tilespmem:s2+$0x0] =	vst v11;
	v11 =	vadd.s32 v13, v11  }
0x197: {  	[tilespmem:s2+$0x1000] =	vst v11  }
0x198: {  	v11 =	vld [tilespmem:s3+$0xFFFFE000]  }
0x199: {  	v12 =	vld [tilespmem:s3+$0xFFFFF000]  }
0x19a: {  	v13 =	vld [tilespmem:s3+$0x0]  }
0x19b: {  	v14 =	vld [tilespmem:s3+$0x1000];
	_ =	sdelay $0x2  }
0x19c: {  	v16 =	vadd.s32 v11, v12  }
0x19d: {  	v16 =	vadd.s32 v13, v16  }
0x19e: {  	v14 =	vadd.s32 v14, v16  }
0x19f: {  	(xrf0) =	vadd.scan.msk.s32 $0xffff, v14;
	_ =	sdelay $0x5  }
0x1a0: {  	v16, _, _ =	vpop (xrf0)  }
0x1a1: {  	v14 =	vsub.s32 v16, v14  }
0x1a2: {  	v14 =	vadd.s32 s0, v14  }
0x1a3: {  	[tilespmem:s3+$0xFFFFE000] =	vst v14;
	v11 =	vadd.s32 v11, v14  }
0x1a4: {  	[tilespmem:s3+$0xFFFFF000] =	vst v11;
	v11 =	vadd.s32 v12, v11  }
0x1a5: {  	[tilespmem:s3+$0x0] =	vst v11;
	v11 =	vadd.s32 v13, v11  }
0x1a6: {  	[tilespmem:s3+$0x1000] =	vst v11  }
0x1a7: {  	[tilespmem:s25+$0xFFFFE000] =	vst v2  }
0x1a8: {  	[tilespmem:s25+$0x0] =	vst v2  }
0x1a9: {  	[tilespmem:s25+$0x1000] =	vst v2  }
0x1aa: {  	[tilespmem:s25+$0xFFFFF000] =	vst v2  }
0x1ab: {  	[tilespmem:s24+$0xFFFFE000] =	vst v2  }
0x1ac: {  	[tilespmem:s24+$0xFFFFF000] =	vst v2  }
0x1ad: {  	[tilespmem:s24+$0x1000] =	vst v2  }
0x1ae: {  	[tilespmem:s24+$0x0] =	vst v2  }
0x1af: {  	(v2sf) =	vpush v15, $0xF;
	v11 =	vld [tilespmem:s2+$0xFFFFE010]  }
0x1b0: {  	v12 =	vld [tilespmem:s2+$0xFFFFF010]  }
0x1b1: {  	v13 =	vld [tilespmem:s2+$0x10]  }
0x1b2: {  	v14 =	vld [tilespmem:s2+$0x1010];
	_ =	sdelay $0x2  }
0x1b3: {  	v15 =	vadd.s32 v11, v12  }
0x1b4: {  	v15 =	vadd.s32 v13, v15  }
0x1b5: {  	v14 =	vadd.s32 v14, v15  }
0x1b6: {  	(xrf0) =	vadd.scan.msk.s32 $0xffff, v14;
	_ =	sdelay $0x5  }
0x1b7: {  	s10 =	spop (v2sf);
	v15, _, _ =	vpop (xrf0)  }
0x1b8: {  	s0 =	sadd.s32 $0x0, s10;
	v14 =	vsub.s32 v15, v14  }
0x1b9: {  	v14 =	vadd.s32 s0, v14  }
0x1ba: {  	[tilespmem:s2+$0xFFFFE010] =	vst v14;
	v11 =	vadd.s32 v11, v14  }
0x1bb: {  	[tilespmem:s2+$0xFFFFF010] =	vst v11;
	v11 =	vadd.s32 v12, v11  }
0x1bc: {  	(v2sf) =	vpush v16, $0xF;
	[tilespmem:s2+$0x10] =	vst v11;
	v11 =	vadd.s32 v13, v11  }
0x1bd: {  	(v2sf) =	vpush v15, $0xF;
	[tilespmem:s2+$0x1010] =	vst v11  }
0x1be: {  	v13 =	vld [tilespmem:s3+$0xFFFFE010]  }
0x1bf: {  	v12 =	vld [tilespmem:s3+$0xFFFFF010]  }
0x1c0: {  	v11 =	vld [tilespmem:s3+$0x10]  }
0x1c1: {  	v14 =	vld [tilespmem:s3+$0x1010];
	_ =	sdelay $0x2  }
0x1c2: {  	v15 =	vadd.s32 v13, v12  }
0x1c3: {  	v15 =	vadd.s32 v11, v15  }
0x1c4: {  	v14 =	vadd.s32 v14, v15  }
0x1c5: {  	(xrf0) =	vadd.scan.msk.s32 $0xffff, v14;
	_ =	sdelay $0x2  }
0x1c6: {  	s4 =	simm.s32 $0x0;
	s30 =	simm.s32 $0xD000;
	s31 =	simm.s32 $0xB000  }
0x1c7: {  	s6 =	simm.s32 $0x16020;
	s29 =	simm.s32 $0x1E000;
	s1 =	spop (v2sf)  }
0x1c8: {  	s8 =	sadd.s32 $0x0, s1;
	s1 =	simm.s32 $0xF000;
	s5 =	spop (v2sf)  }
0x1c9: {  	s7 =	sadd.s32 s0, s5;
	s0 =	simm.s32 $0x9000;
	s5 =	simm.s32 $0x12020;
	v15, _, _ =	vpop (xrf0)  }
.LBB2_10:
0x1ca: {  	s4 =	sadd.s32 $0x2, s4;
	v14 =	vsub.s32 v15, v14;
	s2 =	sadd.s32 $0x20, s2;
	s3 =	sadd.s32 $0x20, s3  }
0x1cb: {  	p0 =	slt.u32 s4, $0xFE;
	v14 =	vadd.s32 s8, v14;
	(v2sf) =	vpush v15, $0xF  }
0x1cc: {  	[tilespmem:s29+$0xFFFFE010] =	vst v14;
	v13 =	vadd.s32 v13, v14  }
0x1cd: {  	[tilespmem:s29+$0xFFFFF010] =	vst v13;
	v12 =	vadd.s32 v12, v13  }
0x1ce: {  	[tilespmem:s29+$0x10] =	vst v12;
	v11 =	vadd.s32 v11, v12  }
0x1cf: {  	[tilespmem:s29+$0x1010] =	vst v11;
	s29 =	smov.u32 s3  }
0x1d0: {  	[tilespmem:s25+$0x10] =	vst v2  }
0x1d1: {  	[tilespmem:s25+$0xFFFFF010] =	vst v2  }
0x1d2: {  	[tilespmem:s25+$0xFFFFE010] =	vst v2  }
0x1d3: {  	[tilespmem:s25+$0x1010] =	vst v2;
	s25 =	smov.u32 s5  }
0x1d4: {  	[tilespmem:s24+$0x1010] =	vst v2  }
0x1d5: {  	[tilespmem:s24+$0xFFFFE010] =	vst v2  }
0x1d6: {  	[tilespmem:s24+$0xFFFFF010] =	vst v2  }
0x1d7: {  	[tilespmem:s24+$0x10] =	vst v2;
	s24 =	smov.u32 s6;
	_ =	sdelay $0x1  }
0x1d8: {  	v11 =	vld [tilespmem:s2+$0xFFFFF000]  }
0x1d9: {  	v12 =	vld [tilespmem:s2+$0xFFFFE000];
	s9 =	spop (v2sf)  }
0x1da: {  	v13 =	vld [tilespmem:s2+$0x0];
	s8 =	sadd.s32 s8, s9  }
0x1db: {  	v14 =	vld [tilespmem:s2+$0x1000];
	_ =	sdelay $0x2  }
0x1dc: {  	v15 =	vadd.s32 v12, v11  }
0x1dd: {  	v15 =	vadd.s32 v13, v15  }
0x1de: {  	v14 =	vadd.s32 v14, v15  }
0x1df: {  	(xrf0) =	vadd.scan.msk.s32 $0xffff, v14;
	_ =	sdelay $0x5  }
0x1e0: {  	v15, _, _ =	vpop (xrf0)  }
0x1e1: {  	v14 =	vsub.s32 v15, v14;
	(v2sf) =	vpush v15, $0xF  }
0x1e2: {  	v14 =	vadd.s32 s7, v14  }
0x1e3: {  	[tilespmem:s2+$0xFFFFE000] =	vst v14;
	v12 =	vadd.s32 v12, v14  }
0x1e4: {  	[tilespmem:s2+$0xFFFFF000] =	vst v12;
	v11 =	vadd.s32 v11, v12  }
0x1e5: {  	[tilespmem:s2+$0x0] =	vst v11;
	v11 =	vadd.s32 v13, v11  }
0x1e6: {  	[tilespmem:s2+$0x1000] =	vst v11  }
0x1e7: {  	v11 =	vld [tilespmem:s3+$0xFFFFE000]  }
0x1e8: {  	v12 =	vld [tilespmem:s3+$0xFFFFF000]  }
0x1e9: {  	v13 =	vld [tilespmem:s3+$0x0]  }
0x1ea: {  	v14 =	vld [tilespmem:s3+$0x1000];
	_ =	sdelay $0x2  }
0x1eb: {  	v15 =	vadd.s32 v11, v12  }
0x1ec: {  	v15 =	vadd.s32 v13, v15  }
0x1ed: {  	v14 =	vadd.s32 v14, v15  }
0x1ee: {  	s9 =	spop (v2sf);
	(xrf0) =	vadd.scan.msk.s32 $0xffff, v14;
	_ =	sdelay $0x5  }
0x1ef: {  	v15, _, _ =	vpop (xrf0)  }
0x1f0: {  	v14 =	vsub.s32 v15, v14;
	(v2sf) =	vpush v15, $0xF  }
0x1f1: {  	v14 =	vadd.s32 s8, v14  }
0x1f2: {  	[tilespmem:s3+$0xFFFFE000] =	vst v14;
	v11 =	vadd.s32 v11, v14  }
0x1f3: {  	[tilespmem:s3+$0xFFFFF000] =	vst v11;
	v11 =	vadd.s32 v12, v11  }
0x1f4: {  	[tilespmem:s3+$0x0] =	vst v11;
	v11 =	vadd.s32 v13, v11  }
0x1f5: {  	[tilespmem:s3+$0x1000] =	vst v11  }
0x1f6: {  	[tilespmem:s5+$0xFFFFE000] =	vst v2  }
0x1f7: {  	[tilespmem:s5+$0x0] =	vst v2  }
0x1f8: {  	[tilespmem:s5+$0x1000] =	vst v2  }
0x1f9: {  	[tilespmem:s5+$0xFFFFF000] =	vst v2  }
0x1fa: {  	[tilespmem:s6+$0xFFFFE000] =	vst v2  }
0x1fb: {  	[tilespmem:s6+$0xFFFFF000] =	vst v2  }
0x1fc: {  	[tilespmem:s6+$0x1000] =	vst v2;
	_ =	sdelay $0x1  }
0x1fd: {  	[tilespmem:s6+$0x0] =	vst v2  }
0x1fe: {  	v11 =	vld [tilespmem:s2+$0xFFFFE010];
	s10 =	spop (v2sf)  }
0x1ff: {  	s8 =	sadd.s32 s8, s10;
	v12 =	vld [tilespmem:s2+$0xFFFFF010]  }
0x200: {  	v13 =	vld [tilespmem:s2+$0x10]  }
0x201: {  	v14 =	vld [tilespmem:s2+$0x1010];
	_ =	sdelay $0x2  }
0x202: {  	v15 =	vadd.s32 v11, v12  }
0x203: {  	v15 =	vadd.s32 v13, v15  }
0x204: {  	v14 =	vadd.s32 v14, v15  }
0x205: {  	(xrf0) =	vadd.scan.msk.s32 $0xffff, v14;
	_ =	sdelay $0x5  }
0x206: {  	v15, _, _ =	vpop (xrf0)  }
0x207: {  	s7 =	sadd.s32 s7, s9;
	v14 =	vsub.s32 v15, v14;
	(v2sf) =	vpush v15, $0xF  }
0x208: {  	v14 =	vadd.s32 s7, v14  }
0x209: {  	[tilespmem:s2+$0xFFFFE010] =	vst v14;
	v11 =	vadd.s32 v11, v14  }
0x20a: {  	[tilespmem:s2+$0xFFFFF010] =	vst v11;
	v11 =	vadd.s32 v12, v11  }
0x20b: {  	[tilespmem:s2+$0x10] =	vst v11;
	v11 =	vadd.s32 v13, v11  }
0x20c: {  	[tilespmem:s2+$0x1010] =	vst v11  }
0x20d: {  	v13 =	vld [tilespmem:s3+$0xFFFFE010]  }
0x20e: {  	v12 =	vld [tilespmem:s3+$0xFFFFF010]  }
0x20f: {  	v11 =	vld [tilespmem:s3+$0x10]  }
0x210: {  	v14 =	vld [tilespmem:s3+$0x1010];
	_ =	sdelay $0x2  }
0x211: {  	v15 =	vadd.s32 v13, v12  }
0x212: {  	v15 =	vadd.s32 v11, v15  }
0x213: {  	v14 =	vadd.s32 v14, v15  }
0x214: {  	s9 =	spop (v2sf);
	(xrf0) =	vadd.scan.msk.s32 $0xffff, v14  }
0x215: {  	s7 =	sadd.s32 s7, s9  }
.Ltmp4:
0x216: {  	(pc) =	sbr.rel @p0 .LBB2_10-.Ltmp4, $2  }
0x217: {  	_ =	sdelay $0x2  }
0x218: {  	s5 =	sadd.s32 $0x20, s5;
	s6 =	sadd.s32 $0x20, s6;
	v15, _, _ =	vpop (xrf0)  }
0x219: {  	(v2sf) =	vpush v15, $0xF;
	_ =	sdelay $0x1  }
0x21a: {  	v14 =	vsub.s32 v15, v14  }
0x21b: {  	v14 =	vadd.s32 s8, v14  }
0x21c: {  	[tilespmem:s29+$0xFFFFE010] =	vst v14;
	v13 =	vadd.s32 v13, v14  }
0x21d: {  	[tilespmem:s29+$0xFFFFF010] =	vst v13;
	v12 =	vadd.s32 v12, v13  }
0x21e: {  	[tilespmem:s29+$0x10] =	vst v12;
	v11 =	vadd.s32 v11, v12  }
0x21f: {  	[tilespmem:s29+$0x1010] =	vst v11  }
0x220: {  	[tilespmem:s25+$0x10] =	vst v2  }
0x221: {  	[tilespmem:s25+$0xFFFFF010] =	vst v2  }
0x222: {  	[tilespmem:s25+$0xFFFFE010] =	vst v2  }
0x223: {  	[tilespmem:s25+$0x1010] =	vst v2  }
0x224: {  	[tilespmem:s24+$0x1010] =	vst v2  }
0x225: {  	[tilespmem:s24+$0xFFFFE010] =	vst v2  }
0x226: {  	[tilespmem:s24+$0xFFFFF010] =	vst v2  }
0x227: {  	[tilespmem:s24+$0x10] =	vst v2;
	s2 =	spop (v2sf)  }
.LBB2_12:
0x228: {  	v16 =	vld [tilespmem:s0+$0xFFFFF000]  }
0x229: {  	v19 =	vld [tilespmem:s0+$0x800]  }
0x22a: {  	v14 =	vld [tilespmem:s31+$0xFFFFF000]  }
0x22b: {  	v13 =	vld [tilespmem:s31+$0xFFFFF800]  }
0x22c: {  	v17 =	vld [tilespmem:s0+$0xFFFFF800]  }
0x22d: {  	v18 =	vld [tilespmem:s0+$0x0];
	v11 =	vshrl.u32 v16, $0x4  }
0x22e: {  	v12 =	vld [tilespmem:s31+$0x0];
	v22 =	vshrl.u32 v19, $0x4;
	v11 =	vand.u32 $0xFF0, v11  }
0x22f: {  	v55 =	vshrl.u32 v14, $0x4;
	v54 =	vand.u32 $0xFF0, v22;
	v20 =	vor.u32 v0, v11  }
0x230: {  	v57 =	vshrl.u32 v13, $0x4;
	v56 =	vand.u32 $0xFF0, v55;
	v24 =	vor.u32 v10, v54  }
0x231: {  	v49 =	vld [tilespmem:s30+$0xFFFFF000];
	v15 =	vshrl.u32 v17, $0x4;
	v58 =	vand.u32 $0xFF0, v57;
	v26 =	vor.u32 v0, v56  }
0x232: {  	v51 =	vld [tilespmem:s30+$0xFFFFF800];
	v53 =	vshrl.u32 v18, $0x4;
	v11 =	vand.u32 $0xFF0, v15;
	v27 =	vor.u32 v8, v58  }
0x233: {  	v59 =	vshrl.u32 v12, $0x4;
	v15 =	vand.u32 $0xFF0, v53;
	v21 =	vor.u32 v8, v11;
	v11 =	vld [tilespmem:s31+$0x800]  }
0x234: {  	v60 =	vand.u32 $0xFF0, v59;
	v23 =	vor.u32 v9, v15;
	v25 =	vld.idx.msk [tilespmem:v20+s20+$0x0], $0xffff  }
0x235: {  	v53 =	vshrl.u32 v16, $0xC;
	v56 =	vshrl.u32 v17, $0xC;
	v16 =	vshrl.u32 v16, $0x3;
	v30 =	vld.idx.msk [tilespmem:v24+s20+$0x0], $0xffff  }
0x236: {  	v17 =	vshrl.u32 v17, $0x3;
	v58 =	vshrl.u32 v19, $0x3;
	v15 =	vor.u32 v9, v60;
	v31 =	vld.idx.msk [tilespmem:v26+s21+$0x0], $0xffff  }
0x237: {  	v53 =	vand.u32 $0xFF0, v53;
	v62 =	vand.u32 $0xFF0, v56;
	v16 =	vand.u32 $0x1FFFE000, v16;
	v34 =	vld.idx.msk [tilespmem:v27+s21+$0x0], $0xffff  }
0x238: {  	v17 =	vand.u32 $0x1FFFE000, v17;
	v60 =	vand.u32 $0x1FFFE000, v58;
	v61 =	vld.idx.msk [tilespmem:v21+s20+$0x0], $0xffff;
	v28 =	vshrl.u32 v11, $0x4  }
0x239: {  	v16 =	vor.u32 v16, v49;
	v17 =	vor.u32 v17, v51;
	v29 =	vld.idx.msk [tilespmem:v23+s20+$0x0], $0xffff;
	v28 =	vand.u32 $0xFF0, v28  }
0x23a: {  	v51 =	vshrl.u32 v13, $0x3;
	v28 =	vor.u32 v10, v28;
	v32 =	vshll.u32 v25, $0x4  }
0x23b: {  	v36 =	vld.idx.msk [tilespmem:v15+s21+$0x0], $0xffff;
	v33 =	vshrl.u32 v25, $0x9;
	v41 =	vshrl.u32 v30, $0x9;
	v42 =	vshll.u32 v30, $0x4  }
0x23c: {  	v43 =	vshll.u32 v31, $0x4;
	v44 =	vshrl.u32 v31, $0x9;
	v45 =	vshrl.u32 v34, $0x9  }
0x23d: {  	v46 =	vshll.u32 v34, $0x4;
	v25 =	vshll.u32 v25, $0x5;
	v32 =	vand.u32 $0x1FF0, v32  }
0x23e: {  	v35 =	vshll.u32 v61, $0x4;
	v37 =	vshrl.u32 v61, $0x9;
	v38 =	vshll.u32 v29, $0x4  }
0x23f: {  	v39 =	vshrl.u32 v29, $0x9;
	v42 =	vand.u32 $0x1FF0, v42;
	v43 =	vand.u32 $0x1FF0, v43  }
0x240: {  	v47 =	vshll.u32 v36, $0x4;
	v46 =	vand.u32 $0x1FF0, v46;
	v48 =	vshrl.u32 v36, $0x9  }
0x241: {  	v55 =	vld [tilespmem:s30+$0x800];
	v25 =	vand.u32 $0x3000, v25;
	v22 =	vshll.u32 v61, $0x5;
	v61 =	vshrl.u32 v14, $0x3  }
0x242: {  	v32 =	vor.u32 v33, v32;
	v35 =	vand.u32 $0x1FF0, v35;
	v38 =	vand.u32 $0x1FF0, v38;
	v40 =	vld.idx.msk [tilespmem:v28+s21+$0x0], $0xffff  }
0x243: {  	v54 =	vld [tilespmem:s30+$0x0];
	v42 =	vor.u32 v41, v42;
	v43 =	vor.u32 v44, v43;
	v35 =	vor.u32 v37, v35  }
0x244: {  	v57 =	vld [tilespmem:s1+$0xFFFFF000];
	v47 =	vand.u32 $0x1FF0, v47;
	v46 =	vor.u32 v45, v46;
	v38 =	vor.u32 v39, v38  }
0x245: {  	v56 =	vld [tilespmem:s1+$0xFFFFF800];
	v25 =	vor.u32 v25, v53;
	v22 =	vand.u32 $0x3000, v22;
	v53 =	vshrl.u32 v18, $0x3  }
0x246: {  	v47 =	vor.u32 v48, v47;
	v25 =	vor.u32 v33, v25;
	v22 =	vor.u32 v22, v62;
	v33 =	vld [tilespmem:s1+$0x0]  }
0x247: {  	v49 =	vand.u32 $0x1FFFE000, v53;
	v22 =	vor.u32 v37, v22;
	v37 =	vld [tilespmem:s1+$0x800];
	[tilespmem:v32+s22+$0x0] =	vst.idx.msk $0xffff, v16;
	v50 =	vshll.u32 v40, $0x4  }
0x248: {  	v59 =	vor.u32 v49, v54;
	v52 =	vshrl.u32 v40, $0x9;
	[tilespmem:v35+s22+$0x0] =	vst.idx.msk $0xffff, v17;
	v50 =	vand.u32 $0x1FF0, v50  }
0x249: {  	v62 =	vor.u32 v60, v55;
	v49 =	vand.u32 $0x1FFFE000, v61;
	[tilespmem:v38+s22+$0x0] =	vst.idx.msk $0xffff, v59;
	v50 =	vor.u32 v52, v50  }
0x24a: {  	v55 =	vshrl.u32 v12, $0x3;
	v54 =	vand.u32 $0x1FFFE000, v51;
	v53 =	vor.u32 v49, v57;
	[tilespmem:v42+s22+$0x0] =	vst.idx.msk $0xffff, v62  }
0x24b: {  	v58 =	vshrl.u32 v11, $0x3;
	v56 =	vor.u32 v54, v56;
	v57 =	vand.u32 $0x1FFFE000, v55;
	[tilespmem:v43+s23+$0x0] =	vst.idx.msk $0xffff, v53  }
0x24c: {  	v13 =	vshrl.u32 v13, $0xC;
	v61 =	vand.u32 $0x1FFFE000, v58;
	v60 =	vor.u32 v57, v33;
	[tilespmem:v46+s23+$0x0] =	vst.idx.msk $0xffff, v56  }
0x24d: {  	v13 =	vand.u32 $0xFF0, v13;
	v11 =	vshrl.u32 v11, $0xC;
	v32 =	vor.u32 v61, v37;
	[tilespmem:v47+s23+$0x0] =	vst.idx.msk $0xffff, v60  }
0x24e: {  	v11 =	vand.u32 $0xFF0, v11;
	v14 =	vshrl.u32 v14, $0xC;
	v12 =	vshrl.u32 v12, $0xC;
	[tilespmem:v50+s23+$0x0] =	vst.idx.msk $0xffff, v32  }
0x24f: {  	v14 =	vand.u32 $0xFF0, v14;
	v12 =	vand.u32 $0xFF0, v12;
	v33 =	vshrl.u32 v19, $0xC;
	[tilespmem:v20+s20+$0x0] =	vst.idx.add.s32.msk $0xffff, v7  }
0x250: {  	v35 =	vshll.u32 v30, $0x5;
	v59 =	vshrl.u32 v18, $0xC;
	v37 =	vand.u32 $0xFF0, v33;
	[tilespmem:v21+s20+$0x0] =	vst.idx.add.s32.msk $0xffff, v7  }
0x251: {  	v38 =	vand.u32 $0x3000, v35;
	v62 =	vshll.u32 v29, $0x5;
	v42 =	vshll.u32 v31, $0x5;
	[tilespmem:v23+s20+$0x0] =	vst.idx.add.s32.msk $0xffff, v7  }
0x252: {  	v16 =	vand.u32 $0xFF0, v59;
	v17 =	vand.u32 $0x3000, v62;
	v18 =	vand.u32 $0x3000, v42;
	[tilespmem:v24+s20+$0x0] =	vst.idx.add.s32.msk $0xffff, v7  }
0x253: {  	v43 =	vshll.u32 v34, $0x5;
	v16 =	vor.u32 v17, v16;
	v17 =	vor.u32 v38, v37;
	[tilespmem:v26+s21+$0x0] =	vst.idx.add.s32.msk $0xffff, v7  }
0x254: {  	v14 =	vor.u32 v18, v14;
	v46 =	vand.u32 $0x3000, v43;
	v16 =	vor.u32 v39, v16;
	[tilespmem:v27+s21+$0x0] =	vst.idx.add.s32.msk $0xffff, v7  }
0x255: {  	v17 =	vor.u32 v41, v17;
	v14 =	vor.u32 v44, v14;
	v47 =	vshll.u32 v36, $0x5;
	[tilespmem:v15+s21+$0x0] =	vst.idx.add.s32.msk $0xffff, v7  }
0x256: {  	v13 =	vor.u32 v46, v13;
	v49 =	vand.u32 $0x3000, v47;
	v50 =	vshll.u32 v40, $0x5;
	[tilespmem:v28+s21+$0x0] =	vst.idx.add.s32.msk $0xffff, v7  }
0x257: {  	v13 =	vor.u32 v45, v13;
	v12 =	vor.u32 v49, v12;
	v51 =	vand.u32 $0x3000, v50;
	[tilespmem:v25+s14+$0x0] =	vst.idx.add.s32.msk $0xffff, v7  }
0x258: {  	v12 =	vor.u32 v48, v12;
	v11 =	vor.u32 v51, v11;
	[tilespmem:v22+s14+$0x0] =	vst.idx.add.s32.msk $0xffff, v7  }
0x259: {  	v11 =	vor.u32 v52, v11;
	[tilespmem:v16+s14+$0x0] =	vst.idx.add.s32.msk $0xffff, v7  }
0x25a: {  	[tilespmem:v17+s14+$0x0] =	vst.idx.add.s32.msk $0xffff, v7  }
0x25b: {  	[tilespmem:v14+s15+$0x0] =	vst.idx.add.s32.msk $0xffff, v7  }
0x25c: {  	[tilespmem:v13+s15+$0x0] =	vst.idx.add.s32.msk $0xffff, v7  }
0x25d: {  	[tilespmem:v12+s15+$0x0] =	vst.idx.add.s32.msk $0xffff, v7  }
0x25e: {  	[tilespmem:v11+s15+$0x0] =	vst.idx.add.s32.msk $0xffff, v7  }
0x25f: {  	v16 =	vld [tilespmem:s0+$0xFFFFF010]  }
0x260: {  	v17 =	vld [tilespmem:s0+$0xFFFFF810]  }
0x261: {  	v18 =	vld [tilespmem:s0+$0x10]  }
0x262: {  	v19 =	vld [tilespmem:s0+$0x810]  }
0x263: {  	v14 =	vld [tilespmem:s31+$0xFFFFF010]  }
0x264: {  	v13 =	vld [tilespmem:s31+$0xFFFFF810]  }
0x265: {  	v12 =	vld [tilespmem:s31+$0x10]  }
0x266: {  	v11 =	vshrl.u32 v16, $0x4;
	v52 =	vshrl.u32 v17, $0x4  }
0x267: {  	v53 =	vshrl.u32 v18, $0x4;
	v54 =	vshrl.u32 v19, $0x4;
	v11 =	vand.u32 $0xFF0, v11  }
0x268: {  	v56 =	vshrl.u32 v14, $0x4;
	v15 =	vand.u32 $0xFF0, v53;
	v20 =	vor.u32 v0, v11  }
0x269: {  	v58 =	vshrl.u32 v13, $0x4;
	v55 =	vand.u32 $0xFF0, v54;
	v23 =	vor.u32 v9, v15  }
0x26a: {  	v60 =	vshrl.u32 v12, $0x4;
	v57 =	vand.u32 $0xFF0, v56;
	v24 =	vor.u32 v10, v55  }
0x26b: {  	v49 =	vld [tilespmem:s30+$0xFFFFF010];
	v59 =	vand.u32 $0xFF0, v58;
	v11 =	vand.u32 $0xFF0, v52;
	v26 =	vor.u32 v0, v57  }
0x26c: {  	v61 =	vand.u32 $0xFF0, v60;
	v27 =	vor.u32 v8, v59;
	v21 =	vor.u32 v8, v11;
	v11 =	vld [tilespmem:s31+$0x810]  }
0x26d: {  	v15 =	vor.u32 v9, v61;
	v25 =	vld.idx.msk [tilespmem:v20+s20+$0x0], $0xffff  }
0x26e: {  	v29 =	vld.idx.msk [tilespmem:v23+s20+$0x0], $0xffff  }
0x26f: {  	v30 =	vld.idx.msk [tilespmem:v24+s20+$0x0], $0xffff  }
0x270: {  	v59 =	vshrl.u32 v16, $0xC;
	v61 =	vshrl.u32 v17, $0xC;
	v31 =	vld.idx.msk [tilespmem:v26+s21+$0x0], $0xffff  }
0x271: {  	v16 =	vshrl.u32 v16, $0x3;
	v17 =	vshrl.u32 v17, $0x3;
	v34 =	vld.idx.msk [tilespmem:v27+s21+$0x0], $0xffff;
	v50 =	vshrl.u32 v11, $0x4  }
0x272: {  	v16 =	vand.u32 $0x1FFFE000, v16;
	v17 =	vand.u32 $0x1FFFE000, v17;
	v36 =	vld.idx.msk [tilespmem:v15+s21+$0x0], $0xffff;
	v28 =	vand.u32 $0xFF0, v50  }
0x273: {  	v16 =	vor.u32 v16, v49;
	v62 =	vld.idx.msk [tilespmem:v21+s20+$0x0], $0xffff;
	v28 =	vor.u32 v10, v28;
	v51 =	vshll.u32 v25, $0x4  }
0x274: {  	v33 =	vshrl.u32 v25, $0x9;
	v53 =	vshll.u32 v29, $0x4;
	v39 =	vshrl.u32 v29, $0x9  }
0x275: {  	v41 =	vshrl.u32 v30, $0x9;
	v54 =	vshll.u32 v30, $0x4;
	v55 =	vshll.u32 v31, $0x4  }
0x276: {  	v44 =	vshrl.u32 v31, $0x9;
	v45 =	vshrl.u32 v34, $0x9;
	v56 =	vshll.u32 v34, $0x4  }
0x277: {  	v57 =	vshll.u32 v36, $0x4;
	v48 =	vshrl.u32 v36, $0x9;
	v25 =	vshll.u32 v25, $0x5  }
0x278: {  	v32 =	vand.u32 $0x1FF0, v51;
	v52 =	vshll.u32 v62, $0x4;
	v37 =	vshrl.u32 v62, $0x9  }
0x279: {  	v38 =	vand.u32 $0x1FF0, v53;
	v42 =	vand.u32 $0x1FF0, v54;
	v43 =	vand.u32 $0x1FF0, v55  }
0x27a: {  	v46 =	vand.u32 $0x1FF0, v56;
	v47 =	vand.u32 $0x1FF0, v57;
	v53 =	vand.u32 $0xFF0, v59  }
0x27b: {  	v25 =	vand.u32 $0x3000, v25;
	v22 =	vshll.u32 v62, $0x5;
	v62 =	vand.u32 $0xFF0, v61;
	v40 =	vld.idx.msk [tilespmem:v28+s21+$0x0], $0xffff  }
0x27c: {  	v60 =	vld [tilespmem:s30+$0x10];
	v59 =	vshrl.u32 v19, $0x3;
	v32 =	vor.u32 v33, v32;
	v35 =	vand.u32 $0x1FF0, v52  }
0x27d: {  	v51 =	vld [tilespmem:s30+$0xFFFFF810];
	v38 =	vor.u32 v39, v38;
	v42 =	vor.u32 v41, v42;
	v43 =	vor.u32 v44, v43  }
0x27e: {  	v55 =	vld [tilespmem:s30+$0x810];
	v46 =	vor.u32 v45, v46;
	v47 =	vor.u32 v48, v47;
	v35 =	vor.u32 v37, v35  }
0x27f: {  	v57 =	vld [tilespmem:s1+$0xFFFFF010];
	v25 =	vor.u32 v25, v53;
	v22 =	vand.u32 $0x3000, v22;
	v61 =	vand.u32 $0x1FFFE000, v59  }
0x280: {  	v56 =	vld [tilespmem:s1+$0xFFFFF810];
	v25 =	vor.u32 v33, v25;
	v22 =	vor.u32 v22, v62;
	v58 =	vshll.u32 v40, $0x4  }
0x281: {  	v33 =	vld [tilespmem:s1+$0x10];
	v62 =	vshrl.u32 v14, $0x3;
	v50 =	vand.u32 $0x1FF0, v58;
	v58 =	vshrl.u32 v18, $0x3  }
0x282: {  	v22 =	vor.u32 v37, v22;
	v37 =	vld [tilespmem:s1+$0x810];
	v17 =	vor.u32 v17, v51;
	[tilespmem:v32+s22+$0x0] =	vst.idx.msk $0xffff, v16;
	v49 =	vand.u32 $0x1FFFE000, v58  }
0x283: {  	v54 =	vand.u32 $0x1FFFE000, v62;
	v52 =	vshrl.u32 v40, $0x9;
	[tilespmem:v35+s22+$0x0] =	vst.idx.msk $0xffff, v17;
	v60 =	vor.u32 v49, v60  }
0x284: {  	v53 =	vor.u32 v61, v55;
	v55 =	vshrl.u32 v13, $0x3;
	v50 =	vor.u32 v52, v50;
	[tilespmem:v38+s22+$0x0] =	vst.idx.msk $0xffff, v60  }
0x285: {  	v59 =	vshrl.u32 v12, $0x3;
	v57 =	vor.u32 v54, v57;
	v58 =	vand.u32 $0x1FFFE000, v55;
	[tilespmem:v42+s22+$0x0] =	vst.idx.msk $0xffff, v53  }
0x286: {  	v62 =	vshrl.u32 v11, $0x3;
	v61 =	vand.u32 $0x1FFFE000, v59;
	v60 =	vor.u32 v58, v56;
	[tilespmem:v43+s23+$0x0] =	vst.idx.msk $0xffff, v57  }
0x287: {  	v12 =	vshrl.u32 v12, $0xC;
	v42 =	vor.u32 v61, v33;
	v43 =	vand.u32 $0x1FFFE000, v62;
	[tilespmem:v46+s23+$0x0] =	vst.idx.msk $0xffff, v60  }
0x288: {  	v14 =	vshrl.u32 v14, $0xC;
	v11 =	vshrl.u32 v11, $0xC;
	v49 =	vor.u32 v43, v37;
	[tilespmem:v47+s23+$0x0] =	vst.idx.msk $0xffff, v42  }
0x289: {  	v12 =	vand.u32 $0xFF0, v12;
	v14 =	vand.u32 $0xFF0, v14;
	v11 =	vand.u32 $0xFF0, v11;
	[tilespmem:v50+s23+$0x0] =	vst.idx.msk $0xffff, v49  }
0x28a: {  	v51 =	vshrl.u32 v19, $0xC;
	v13 =	vshrl.u32 v13, $0xC;
	v59 =	vshll.u32 v36, $0x5;
	[tilespmem:v20+s20+$0x0] =	vst.idx.add.s32.msk $0xffff, v7  }
0x28b: {  	v54 =	vand.u32 $0xFF0, v51;
	v13 =	vand.u32 $0xFF0, v13;
	v38 =	vshrl.u32 v18, $0xC;
	[tilespmem:v21+s20+$0x0] =	vst.idx.add.s32.msk $0xffff, v7  }
0x28c: {  	v56 =	vshll.u32 v31, $0x5;
	v16 =	vand.u32 $0xFF0, v38;
	v46 =	vshll.u32 v29, $0x5;
	[tilespmem:v23+s20+$0x0] =	vst.idx.add.s32.msk $0xffff, v7  }
0x28d: {  	v53 =	vshll.u32 v30, $0x5;
	v18 =	vand.u32 $0x3000, v56;
	v17 =	vand.u32 $0x3000, v46;
	[tilespmem:v24+s20+$0x0] =	vst.idx.add.s32.msk $0xffff, v7  }
0x28e: {  	v61 =	vshll.u32 v40, $0x5;
	v55 =	vand.u32 $0x3000, v53;
	v16 =	vor.u32 v17, v16;
	[tilespmem:v26+s21+$0x0] =	vst.idx.add.s32.msk $0xffff, v7  }
0x28f: {  	v57 =	vshll.u32 v34, $0x5;
	v17 =	vor.u32 v55, v54;
	v16 =	vor.u32 v39, v16;
	[tilespmem:v27+s21+$0x0] =	vst.idx.add.s32.msk $0xffff, v7  }
0x290: {  	v14 =	vor.u32 v18, v14;
	v58 =	vand.u32 $0x3000, v57;
	v17 =	vor.u32 v41, v17;
	[tilespmem:v15+s21+$0x0] =	vst.idx.add.s32.msk $0xffff, v7  }
0x291: {  	v14 =	vor.u32 v44, v14;
	v60 =	vand.u32 $0x3000, v59;
	v13 =	vor.u32 v58, v13;
	[tilespmem:v28+s21+$0x0] =	vst.idx.add.s32.msk $0xffff, v7  }
0x292: {  	v62 =	vand.u32 $0x3000, v61;
	v12 =	vor.u32 v60, v12;
	v13 =	vor.u32 v45, v13;
	[tilespmem:v25+s14+$0x0] =	vst.idx.add.s32.msk $0xffff, v7  }
0x293: {  	s28 =	sadd.s32 $0x2, s28;
	v11 =	vor.u32 v62, v11;
	v12 =	vor.u32 v48, v12;
	[tilespmem:v22+s14+$0x0] =	vst.idx.add.s32.msk $0xffff, v7  }
0x294: {  	p0 =	slt.u32 s28, $0x7E;
	v11 =	vor.u32 v52, v11;
	[tilespmem:v16+s14+$0x0] =	vst.idx.add.s32.msk $0xffff, v7  }
.Ltmp5:
0x295: {  	[tilespmem:v17+s14+$0x0] =	vst.idx.add.s32.msk $0xffff, v7;
	(pc) =	sbr.rel @p0 .LBB2_12-.Ltmp5, $4  }
0x296: {  	s4 =	simm.s32 $0x0;
	[tilespmem:v14+s15+$0x0] =	vst.idx.add.s32.msk $0xffff, v7  }
0x297: {  	s29 =	simm.s32 $0xFFFFFFFE;
	s2 =	simm.s32 $0x12000;
	s3 =	simm.s32 $0x16000;
	[tilespmem:v13+s15+$0x0] =	vst.idx.add.s32.msk $0xffff, v7  }
0x298: {  	s25 =	simm.s32 $0x1A000;
	s24 =	simm.s32 $0x1E000;
	s0 =	sadd.s32 $0x20, s0;
	[tilespmem:v12+s15+$0x0] =	vst.idx.add.s32.msk $0xffff, v7  }
0x299: {  	s31 =	sadd.s32 $0x20, s31;
	s30 =	sadd.s32 $0x20, s30;
	s1 =	sadd.s32 $0x20, s1;
	[tilespmem:v11+s15+$0x0] =	vst.idx.add.s32.msk $0xffff, v7  }
0x29a: {  	v11 =	vld [tilespmem:s2+$0xFFFFF000]  }
0x29b: {  	v12 =	vld [tilespmem:s2+$0xFFFFE000]  }
0x29c: {  	v13 =	vld [tilespmem:s2+$0x0]  }
0x29d: {  	v14 =	vld [tilespmem:s2+$0x1000];
	_ =	sdelay $0x2  }
0x29e: {  	v15 =	vadd.s32 v12, v11  }
0x29f: {  	v15 =	vadd.s32 v13, v15  }
0x2a0: {  	v14 =	vadd.s32 v14, v15  }
0x2a1: {  	(xrf0) =	vadd.scan.msk.s32 $0xffff, v14;
	_ =	sdelay $0x5  }
0x2a2: {  	v58, _, _ =	vpop (xrf0)  }
0x2a3: {  	v14 =	vsub.s32 v58, v14  }
0x2a4: {  	v14 =	vadd.s32 s4, v14  }
0x2a5: {  	[tilespmem:s2+$0xFFFFE000] =	vst v14;
	v12 =	vadd.s32 v12, v14  }
0x2a6: {  	[tilespmem:s2+$0xFFFFF000] =	vst v12;
	v11 =	vadd.s32 v11, v12  }
0x2a7: {  	[tilespmem:s2+$0x0] =	vst v11;
	v11 =	vadd.s32 v13, v11  }
0x2a8: {  	[tilespmem:s2+$0x1000] =	vst v11  }
0x2a9: {  	v11 =	vld [tilespmem:s3+$0xFFFFE000]  }
0x2aa: {  	(v2sf) =	vpush v58, $0xF;
	v59 =	vld [tilespmem:s3+$0xFFFFF000]  }
0x2ab: {  	v60 =	vld [tilespmem:s3+$0x0]  }
0x2ac: {  	v61 =	vld [tilespmem:s3+$0x1000];
	_ =	sdelay $0x2  }
0x2ad: {  	v16 =	vadd.s32 v11, v59  }
0x2ae: {  	v16 =	vadd.s32 v60, v16  }
0x2af: {  	v14 =	vadd.s32 v61, v16  }
0x2b0: {  	(xrf0) =	vadd.scan.msk.s32 $0xffff, v14;
	_ =	sdelay $0x5  }
0x2b1: {  	v62, _, _ =	vpop (xrf0)  }
0x2b2: {  	s8 =	spop (v2sf);
	v14 =	vsub.s32 v62, v14;
	(v2sf) =	vpush v62, $0xF  }
0x2b3: {  	v14 =	vadd.s32 s4, v14  }
0x2b4: {  	[tilespmem:s3+$0xFFFFE000] =	vst v14;
	v11 =	vadd.s32 v11, v14  }
0x2b5: {  	[tilespmem:s3+$0xFFFFF000] =	vst v11;
	v11 =	vadd.s32 v59, v11  }
0x2b6: {  	[tilespmem:s3+$0x0] =	vst v11;
	v11 =	vadd.s32 v60, v11  }
0x2b7: {  	[tilespmem:s3+$0x1000] =	vst v11  }
0x2b8: {  	[tilespmem:s25+$0xFFFFE000] =	vst v2  }
0x2b9: {  	[tilespmem:s25+$0x0] =	vst v2  }
0x2ba: {  	[tilespmem:s25+$0x1000] =	vst v2  }
0x2bb: {  	[tilespmem:s25+$0xFFFFF000] =	vst v2  }
0x2bc: {  	[tilespmem:s24+$0xFFFFE000] =	vst v2  }
0x2bd: {  	s31 =	simm.s32 $0x0;
	s5 =	simm.s32 $0x1A020;
	s6 =	simm.s32 $0x1E020;
	[tilespmem:s24+$0xFFFFF000] =	vst v2  }
0x2be: {  	s30 =	simm.s32 $0x12000;
	s0 =	simm.s32 $0x16000;
	s7 =	simm.s32 $0x0;
	[tilespmem:s24+$0x1000] =	vst v2  }
.LBB2_14:
0x2bf: {  	s31 =	sadd.s32 $0x2, s31;
	[tilespmem:s24+$0x0] =	vst v2;
	s2 =	sadd.s32 $0x20, s2;
	s3 =	sadd.s32 $0x20, s3  }
0x2c0: {  	p0 =	slt.u32 s31, $0xFE;
	v11 =	vld [tilespmem:s30+$0xFFFFE010]  }
0x2c1: {  	v12 =	vld [tilespmem:s30+$0xFFFFF010];
	s1 =	spop (v2sf)  }
0x2c2: {  	v13 =	vld [tilespmem:s30+$0x10]  }
0x2c3: {  	v14 =	vld [tilespmem:s30+$0x1010];
	_ =	sdelay $0x2  }
0x2c4: {  	v15 =	vadd.s32 v11, v12  }
0x2c5: {  	v15 =	vadd.s32 v13, v15  }
0x2c6: {  	v14 =	vadd.s32 v14, v15  }
0x2c7: {  	(xrf0) =	vadd.scan.msk.s32 $0xffff, v14;
	_ =	sdelay $0x5  }
0x2c8: {  	v15, _, _ =	vpop (xrf0)  }
0x2c9: {  	s4 =	sadd.s32 s4, s8;
	v14 =	vsub.s32 v15, v14;
	(v2sf) =	vpush v15, $0xF  }
0x2ca: {  	v14 =	vadd.s32 s4, v14  }
0x2cb: {  	[tilespmem:s30+$0xFFFFE010] =	vst v14;
	v11 =	vadd.s32 v11, v14  }
0x2cc: {  	[tilespmem:s30+$0xFFFFF010] =	vst v11;
	v11 =	vadd.s32 v12, v11  }
0x2cd: {  	[tilespmem:s30+$0x10] =	vst v11;
	v11 =	vadd.s32 v13, v11  }
0x2ce: {  	[tilespmem:s30+$0x1010] =	vst v11;
	s30 =	smov.u32 s2  }
0x2cf: {  	v11 =	vld [tilespmem:s0+$0xFFFFE010]  }
0x2d0: {  	v12 =	vld [tilespmem:s0+$0xFFFFF010]  }
0x2d1: {  	v13 =	vld [tilespmem:s0+$0x10]  }
0x2d2: {  	v14 =	vld [tilespmem:s0+$0x1010];
	_ =	sdelay $0x2  }
0x2d3: {  	v15 =	vadd.s32 v11, v12  }
0x2d4: {  	v15 =	vadd.s32 v13, v15  }
0x2d5: {  	v14 =	vadd.s32 v14, v15  }
0x2d6: {  	s8 =	spop (v2sf);
	(xrf0) =	vadd.scan.msk.s32 $0xffff, v14  }
0x2d7: {  	s4 =	sadd.s32 s4, s8;
	_ =	sdelay $0x4  }
0x2d8: {  	v15, _, _ =	vpop (xrf0)  }
0x2d9: {  	s1 =	sadd.s32 s7, s1;
	v14 =	vsub.s32 v15, v14;
	(v2sf) =	vpush v15, $0xF  }
0x2da: {  	v14 =	vadd.s32 s1, v14  }
0x2db: {  	[tilespmem:s0+$0xFFFFE010] =	vst v14;
	v11 =	vadd.s32 v11, v14  }
0x2dc: {  	[tilespmem:s0+$0xFFFFF010] =	vst v11;
	v11 =	vadd.s32 v12, v11  }
0x2dd: {  	[tilespmem:s0+$0x10] =	vst v11;
	v11 =	vadd.s32 v13, v11  }
0x2de: {  	[tilespmem:s0+$0x1010] =	vst v11;
	s0 =	smov.u32 s3  }
0x2df: {  	[tilespmem:s25+$0xFFFFF010] =	vst v2  }
0x2e0: {  	[tilespmem:s25+$0x10] =	vst v2  }
0x2e1: {  	[tilespmem:s25+$0x1010] =	vst v2  }
0x2e2: {  	[tilespmem:s25+$0xFFFFE010] =	vst v2;
	s25 =	smov.u32 s5  }
0x2e3: {  	[tilespmem:s24+$0xFFFFE010] =	vst v2  }
0x2e4: {  	[tilespmem:s24+$0xFFFFF010] =	vst v2  }
0x2e5: {  	[tilespmem:s24+$0x10] =	vst v2  }
0x2e6: {  	[tilespmem:s24+$0x1010] =	vst v2;
	s24 =	smov.u32 s6  }
0x2e7: {  	v11 =	vld [tilespmem:s2+$0xFFFFF000]  }
0x2e8: {  	v12 =	vld [tilespmem:s2+$0xFFFFE000];
	s7 =	spop (v2sf)  }
0x2e9: {  	v13 =	vld [tilespmem:s2+$0x0];
	s7 =	sadd.s32 s1, s7  }
0x2ea: {  	v14 =	vld [tilespmem:s2+$0x1000];
	_ =	sdelay $0x2  }
0x2eb: {  	v15 =	vadd.s32 v12, v11  }
0x2ec: {  	v15 =	vadd.s32 v13, v15  }
0x2ed: {  	v14 =	vadd.s32 v14, v15  }
0x2ee: {  	(xrf0) =	vadd.scan.msk.s32 $0xffff, v14;
	_ =	sdelay $0x5  }
0x2ef: {  	v15, _, _ =	vpop (xrf0)  }
0x2f0: {  	v14 =	vsub.s32 v15, v14;
	(v2sf) =	vpush v15, $0xF  }
0x2f1: {  	v14 =	vadd.s32 s4, v14  }
0x2f2: {  	[tilespmem:s2+$0xFFFFE000] =	vst v14;
	v12 =	vadd.s32 v12, v14  }
0x2f3: {  	[tilespmem:s2+$0xFFFFF000] =	vst v12;
	v11 =	vadd.s32 v11, v12  }
0x2f4: {  	[tilespmem:s2+$0x0] =	vst v11;
	v11 =	vadd.s32 v13, v11  }
0x2f5: {  	[tilespmem:s2+$0x1000] =	vst v11  }
0x2f6: {  	v11 =	vld [tilespmem:s3+$0xFFFFE000]  }
0x2f7: {  	v12 =	vld [tilespmem:s3+$0xFFFFF000]  }
0x2f8: {  	v13 =	vld [tilespmem:s3+$0x0]  }
0x2f9: {  	v14 =	vld [tilespmem:s3+$0x1000];
	_ =	sdelay $0x2  }
0x2fa: {  	v15 =	vadd.s32 v11, v12  }
0x2fb: {  	v15 =	vadd.s32 v13, v15  }
0x2fc: {  	v14 =	vadd.s32 v14, v15  }
0x2fd: {  	s8 =	spop (v2sf);
	(xrf0) =	vadd.scan.msk.s32 $0xffff, v14;
	_ =	sdelay $0x5  }
0x2fe: {  	v15, _, _ =	vpop (xrf0)  }
0x2ff: {  	v14 =	vsub.s32 v15, v14;
	(v2sf) =	vpush v15, $0xF  }
0x300: {  	v14 =	vadd.s32 s7, v14  }
0x301: {  	[tilespmem:s3+$0xFFFFE000] =	vst v14;
	v11 =	vadd.s32 v11, v14  }
0x302: {  	[tilespmem:s3+$0xFFFFF000] =	vst v11;
	v11 =	vadd.s32 v12, v11  }
0x303: {  	[tilespmem:s3+$0x0] =	vst v11;
	v11 =	vadd.s32 v13, v11  }
0x304: {  	[tilespmem:s3+$0x1000] =	vst v11  }
0x305: {  	[tilespmem:s5+$0xFFFFE000] =	vst v2  }
0x306: {  	[tilespmem:s5+$0x0] =	vst v2  }
.Ltmp6:
0x307: {  	[tilespmem:s5+$0x1000] =	vst v2;
	(pc) =	sbr.rel @p0 .LBB2_14-.Ltmp6, $4  }
0x308: {  	[tilespmem:s5+$0xFFFFF000] =	vst v2  }
0x309: {  	[tilespmem:s6+$0xFFFFE000] =	vst v2  }
0x30a: {  	s1 =	simm.s32 $0x5000;
	[tilespmem:s6+$0xFFFFF000] =	vst v2  }
0x30b: {  	s28 =	simm.s32 $0x7000;
	s5 =	sadd.s32 $0x20, s5;
	s6 =	sadd.s32 $0x20, s6;
	[tilespmem:s24+$0x1000] =	vst v2  }
0x30c: {  	[tilespmem:s24+$0x0] =	vst v2  }
0x30d: {  	v11 =	vld [tilespmem:s30+$0xFFFFE010]  }
0x30e: {  	v12 =	vld [tilespmem:s30+$0xFFFFF010]  }
0x30f: {  	v13 =	vld [tilespmem:s30+$0x10]  }
0x310: {  	v14 =	vld [tilespmem:s30+$0x1010];
	_ =	sdelay $0x2  }
0x311: {  	v15 =	vadd.s32 v11, v12  }
0x312: {  	v15 =	vadd.s32 v13, v15  }
0x313: {  	v14 =	vadd.s32 v14, v15  }
0x314: {  	(xrf0) =	vadd.scan.msk.s32 $0xffff, v14;
	_ =	sdelay $0x5  }
0x315: {  	v58, _, _ =	vpop (xrf0)  }
0x316: {  	s2 =	sadd.s32 s4, s8;
	v14 =	vsub.s32 v58, v14  }
0x317: {  	v14 =	vadd.s32 s2, v14  }
0x318: {  	[tilespmem:s30+$0xFFFFE010] =	vst v14;
	v11 =	vadd.s32 v11, v14  }
0x319: {  	[tilespmem:s30+$0xFFFFF010] =	vst v11;
	v11 =	vadd.s32 v12, v11  }
0x31a: {  	[tilespmem:s30+$0x10] =	vst v11;
	v11 =	vadd.s32 v13, v11  }
0x31b: {  	[tilespmem:s30+$0x1010] =	vst v11  }
0x31c: {  	v11 =	vld [tilespmem:s0+$0xFFFFE010]  }
0x31d: {  	v59 =	vld [tilespmem:s0+$0xFFFFF010]  }
0x31e: {  	v60 =	vld [tilespmem:s0+$0x10]  }
0x31f: {  	v61 =	vld [tilespmem:s0+$0x1010];
	_ =	sdelay $0x2  }
0x320: {  	v16 =	vadd.s32 v11, v59  }
0x321: {  	v16 =	vadd.s32 v60, v16  }
0x322: {  	v14 =	vadd.s32 v61, v16  }
0x323: {  	(xrf0) =	vadd.scan.msk.s32 $0xffff, v14;
	_ =	sdelay $0x5  }
0x324: {  	(v2sf) =	vpush v58, $0xF;
	v62, _, _ =	vpop (xrf0)  }
0x325: {  	(v2sf) =	vpush v62, $0xF  }
0x326: {  	s10 =	spop (v2sf)  }
0x327: {  	s2 =	sadd.s32 s7, s10;
	v14 =	vsub.s32 v62, v14  }
0x328: {  	v14 =	vadd.s32 s2, v14  }
0x329: {  	[tilespmem:s0+$0xFFFFE010] =	vst v14;
	v11 =	vadd.s32 v11, v14  }
0x32a: {  	[tilespmem:s0+$0xFFFFF010] =	vst v11;
	v11 =	vadd.s32 v59, v11  }
0x32b: {  	[tilespmem:s0+$0x10] =	vst v11;
	v11 =	vadd.s32 v60, v11  }
0x32c: {  	[tilespmem:s0+$0x1010] =	vst v11  }
0x32d: {  	[tilespmem:s25+$0xFFFFF010] =	vst v2  }
0x32e: {  	[tilespmem:s25+$0x10] =	vst v2  }
0x32f: {  	[tilespmem:s25+$0x1010] =	vst v2  }
0x330: {  	[tilespmem:s25+$0xFFFFE010] =	vst v2  }
0x331: {  	[tilespmem:s24+$0xFFFFE010] =	vst v2  }
0x332: {  	[tilespmem:s24+$0xFFFFF010] =	vst v2  }
0x333: {  	s30 =	spop (v2sf);
	[tilespmem:s24+$0x10] =	vst v2  }
0x334: {  	[tilespmem:s24+$0x1010] =	vst v2;
	s31 =	spop (v2sf)  }
.LBB2_16:
0x335: {  	v11 =	vld [tilespmem:s1+$0xFFFFF000]  }
0x336: {  	v12 =	vld [tilespmem:s1+$0xFFFFF800]  }
0x337: {  	v13 =	vld [tilespmem:s1+$0x0]  }
0x338: {  	v14 =	vld [tilespmem:s1+$0x800]  }
0x339: {  	v15 =	vld [tilespmem:s28+$0xFFFFF000]  }
0x33a: {  	v17 =	vld [tilespmem:s28+$0xFFFFF800];
	v16 =	vshrl.u32 v11, $0x9  }
0x33b: {  	v18 =	vshrl.u32 v12, $0x9;
	v16 =	vand.u32 $0xFF0, v16  }
0x33c: {  	v19 =	vld [tilespmem:s28+$0x0];
	v20 =	vshrl.u32 v13, $0x9;
	v18 =	vand.u32 $0xFF0, v18;
	v16 =	vor.u32 v0, v16  }
0x33d: {  	v21 =	vshrl.u32 v14, $0x9;
	v20 =	vand.u32 $0xFF0, v20;
	v18 =	vor.u32 v8, v18  }
0x33e: {  	v22 =	vld [tilespmem:s28+$0x800];
	v23 =	vshrl.u32 v15, $0x9;
	v21 =	vand.u32 $0xFF0, v21;
	v20 =	vor.u32 v9, v20  }
0x33f: {  	v24 =	vshrl.u32 v17, $0x9;
	v23 =	vand.u32 $0xFF0, v23;
	v21 =	vor.u32 v10, v21  }
0x340: {  	v24 =	vand.u32 $0xFF0, v24;
	v23 =	vor.u32 v0, v23  }
0x341: {  	v26 =	vshrl.u32 v19, $0x9;
	v24 =	vor.u32 v8, v24;
	v25 =	vld.idx.msk [tilespmem:v16+s14+$0x0], $0xffff  }
0x342: {  	v26 =	vand.u32 $0xFF0, v26;
	v27 =	vld.idx.msk [tilespmem:v18+s14+$0x0], $0xffff  }
0x343: {  	v28 =	vshrl.u32 v22, $0x9;
	v26 =	vor.u32 v9, v26;
	v29 =	vld.idx.msk [tilespmem:v20+s14+$0x0], $0xffff  }
0x344: {  	v28 =	vand.u32 $0xFF0, v28;
	v30 =	vld.idx.msk [tilespmem:v21+s14+$0x0], $0xffff  }
0x345: {  	v28 =	vor.u32 v10, v28;
	v31 =	vld.idx.msk [tilespmem:v23+s15+$0x0], $0xffff  }
0x346: {  	v34 =	vld.idx.msk [tilespmem:v24+s15+$0x0], $0xffff  }
0x347: {  	v32 =	vshll.u32 v25, $0x4;
	v33 =	vshrl.u32 v25, $0x9  }
0x348: {  	v36 =	vld.idx.msk [tilespmem:v26+s15+$0x0], $0xffff;
	v35 =	vshll.u32 v27, $0x4;
	v37 =	vshrl.u32 v27, $0x9;
	v38 =	vshll.u32 v29, $0x4  }
0x349: {  	v39 =	vshrl.u32 v29, $0x9;
	v41 =	vshrl.u32 v30, $0x9;
	v42 =	vshll.u32 v30, $0x4  }
0x34a: {  	v40 =	vld.idx.msk [tilespmem:v28+s15+$0x0], $0xffff;
	v43 =	vshll.u32 v31, $0x4;
	v44 =	vshrl.u32 v31, $0x9;
	v32 =	vand.u32 $0x1FF0, v32  }
0x34b: {  	v45 =	vshrl.u32 v34, $0x9;
	v35 =	vand.u32 $0x1FF0, v35;
	v32 =	vor.u32 v33, v32  }
0x34c: {  	v46 =	vshll.u32 v34, $0x4;
	v38 =	vand.u32 $0x1FF0, v38;
	v35 =	vor.u32 v37, v35  }
0x34d: {  	v47 =	vshll.u32 v36, $0x4;
	v42 =	vand.u32 $0x1FF0, v42;
	v38 =	vor.u32 v39, v38  }
0x34e: {  	v48 =	vshrl.u32 v36, $0x9;
	v43 =	vand.u32 $0x1FF0, v43;
	v42 =	vor.u32 v41, v42  }
0x34f: {  	v49 =	vshll.u32 v40, $0x4;
	v46 =	vand.u32 $0x1FF0, v46;
	v43 =	vor.u32 v44, v43  }
0x350: {  	v57 =	vshrl.u32 v40, $0x9;
	v47 =	vand.u32 $0x1FF0, v47;
	v46 =	vor.u32 v45, v46;
	[tilespmem:v32+s16+$0x0] =	vst.idx.msk $0xffff, v11  }
0x351: {  	v25 =	vshll.u32 v25, $0x5;
	v49 =	vand.u32 $0x1FF0, v49;
	v47 =	vor.u32 v48, v47;
	[tilespmem:v35+s16+$0x0] =	vst.idx.msk $0xffff, v12  }
0x352: {  	v27 =	vshll.u32 v27, $0x5;
	v60 =	vshll.u32 v29, $0x5;
	v58 =	vor.u32 v57, v49;
	[tilespmem:v38+s16+$0x0] =	vst.idx.msk $0xffff, v13  }
0x353: {  	v61 =	vshll.u32 v30, $0x5;
	v29 =	vshll.u32 v31, $0x5;
	v30 =	vshll.u32 v34, $0x5;
	[tilespmem:v42+s16+$0x0] =	vst.idx.msk $0xffff, v14  }
0x354: {  	v34 =	vshrl.u32 v19, $0x11;
	v25 =	vand.u32 $0x3000, v25;
	v11 =	vshrl.u32 v11, $0x11;
	[tilespmem:v43+s17+$0x0] =	vst.idx.msk $0xffff, v15  }
0x355: {  	v59 =	vand.u32 $0x3000, v27;
	v62 =	vand.u32 $0x3000, v61;
	v11 =	vand.u32 $0xFF0, v11;
	[tilespmem:v46+s17+$0x0] =	vst.idx.msk $0xffff, v17  }
0x356: {  	v12 =	vshrl.u32 v12, $0x11;
	v35 =	vshll.u32 v36, $0x5;
	v36 =	vshrl.u32 v22, $0x11;
	[tilespmem:v47+s17+$0x0] =	vst.idx.msk $0xffff, v19  }
0x357: {  	v11 =	vor.u32 v25, v11;
	v12 =	vand.u32 $0xFF0, v12;
	v13 =	vshrl.u32 v13, $0x11;
	[tilespmem:v58+s17+$0x0] =	vst.idx.msk $0xffff, v22  }
0x358: {  	v25 =	vand.u32 $0x3000, v60;
	v38 =	vand.u32 $0xFF0, v36;
	v11 =	vor.u32 v33, v11;
	[tilespmem:v16+s14+$0x0] =	vst.idx.add.s32.msk $0xffff, v7  }
0x359: {  	v12 =	vor.u32 v59, v12;
	v13 =	vand.u32 $0xFF0, v13;
	v14 =	vshrl.u32 v14, $0x11;
	[tilespmem:v18+s14+$0x0] =	vst.idx.add.s32.msk $0xffff, v7  }
0x35a: {  	v33 =	vand.u32 $0x3000, v30;
	v12 =	vor.u32 v37, v12;
	v13 =	vor.u32 v25, v13;
	[tilespmem:v20+s14+$0x0] =	vst.idx.add.s32.msk $0xffff, v7  }
0x35b: {  	v14 =	vand.u32 $0xFF0, v14;
	v15 =	vshrl.u32 v15, $0x11;
	v37 =	vshll.u32 v40, $0x5;
	[tilespmem:v21+s14+$0x0] =	vst.idx.add.s32.msk $0xffff, v7  }
0x35c: {  	v13 =	vor.u32 v39, v13;
	v14 =	vor.u32 v62, v14;
	v15 =	vand.u32 $0xFF0, v15;
	[tilespmem:v23+s15+$0x0] =	vst.idx.add.s32.msk $0xffff, v7  }
0x35d: {  	v17 =	vshrl.u32 v17, $0x11;
	v14 =	vor.u32 v41, v14;
	v16 =	vand.u32 $0x3000, v29;
	[tilespmem:v24+s15+$0x0] =	vst.idx.add.s32.msk $0xffff, v7  }
0x35e: {  	v31 =	vand.u32 $0xFF0, v17;
	v17 =	vand.u32 $0xFF0, v34;
	v15 =	vor.u32 v16, v15;
	[tilespmem:v26+s15+$0x0] =	vst.idx.add.s32.msk $0xffff, v7  }
0x35f: {  	v16 =	vor.u32 v33, v31;
	v18 =	vand.u32 $0x3000, v35;
	v15 =	vor.u32 v44, v15;
	[tilespmem:v28+s15+$0x0] =	vst.idx.add.s32.msk $0xffff, v7  }
0x360: {  	v39 =	vand.u32 $0x3000, v37;
	v16 =	vor.u32 v45, v16;
	v17 =	vor.u32 v18, v17;
	[tilespmem:v11+s20+$0x0] =	vst.idx.add.s32.msk $0xffff, v7  }
0x361: {  	v40 =	vor.u32 v39, v38;
	v11 =	vor.u32 v48, v17;
	[tilespmem:v12+s20+$0x0] =	vst.idx.add.s32.msk $0xffff, v7  }
0x362: {  	v41 =	vor.u32 v57, v40;
	[tilespmem:v13+s20+$0x0] =	vst.idx.add.s32.msk $0xffff, v7  }
0x363: {  	[tilespmem:v14+s20+$0x0] =	vst.idx.add.s32.msk $0xffff, v7  }
0x364: {  	[tilespmem:v15+s21+$0x0] =	vst.idx.add.s32.msk $0xffff, v7  }
0x365: {  	[tilespmem:v16+s21+$0x0] =	vst.idx.add.s32.msk $0xffff, v7  }
0x366: {  	[tilespmem:v11+s21+$0x0] =	vst.idx.add.s32.msk $0xffff, v7  }
0x367: {  	[tilespmem:v41+s21+$0x0] =	vst.idx.add.s32.msk $0xffff, v7  }
0x368: {  	v11 =	vld [tilespmem:s1+$0xFFFFF010]  }
0x369: {  	v12 =	vld [tilespmem:s1+$0xFFFFF810]  }
0x36a: {  	v13 =	vld [tilespmem:s1+$0x10]  }
0x36b: {  	v14 =	vld [tilespmem:s1+$0x810]  }
0x36c: {  	v15 =	vld [tilespmem:s28+$0xFFFFF010]  }
0x36d: {  	v17 =	vld [tilespmem:s28+$0xFFFFF810];
	v42 =	vshrl.u32 v11, $0x9  }
0x36e: {  	v43 =	vshrl.u32 v12, $0x9;
	v16 =	vand.u32 $0xFF0, v42  }
0x36f: {  	v19 =	vld [tilespmem:s28+$0x10];
	v44 =	vshrl.u32 v13, $0x9;
	v18 =	vand.u32 $0xFF0, v43;
	v16 =	vor.u32 v0, v16  }
0x370: {  	v45 =	vshrl.u32 v14, $0x9;
	v20 =	vand.u32 $0xFF0, v44;
	v18 =	vor.u32 v8, v18  }
0x371: {  	v22 =	vld [tilespmem:s28+$0x810];
	v46 =	vshrl.u32 v15, $0x9;
	v21 =	vand.u32 $0xFF0, v45;
	v20 =	vor.u32 v9, v20  }
0x372: {  	v47 =	vshrl.u32 v17, $0x9;
	v23 =	vand.u32 $0xFF0, v46;
	v21 =	vor.u32 v10, v21  }
0x373: {  	v24 =	vand.u32 $0xFF0, v47;
	v23 =	vor.u32 v0, v23  }
0x374: {  	v48 =	vshrl.u32 v19, $0x9;
	v24 =	vor.u32 v8, v24;
	v25 =	vld.idx.msk [tilespmem:v16+s14+$0x0], $0xffff  }
0x375: {  	v26 =	vand.u32 $0xFF0, v48;
	v27 =	vld.idx.msk [tilespmem:v18+s14+$0x0], $0xffff  }
0x376: {  	v49 =	vshrl.u32 v22, $0x9;
	v26 =	vor.u32 v9, v26;
	v29 =	vld.idx.msk [tilespmem:v20+s14+$0x0], $0xffff  }
0x377: {  	v28 =	vand.u32 $0xFF0, v49;
	v30 =	vld.idx.msk [tilespmem:v21+s14+$0x0], $0xffff  }
0x378: {  	v28 =	vor.u32 v10, v28;
	v31 =	vld.idx.msk [tilespmem:v23+s15+$0x0], $0xffff  }
0x379: {  	v34 =	vld.idx.msk [tilespmem:v24+s15+$0x0], $0xffff  }
0x37a: {  	v50 =	vshll.u32 v25, $0x4;
	v33 =	vshrl.u32 v25, $0x9  }
0x37b: {  	v36 =	vld.idx.msk [tilespmem:v26+s15+$0x0], $0xffff;
	v51 =	vshll.u32 v27, $0x4;
	v37 =	vshrl.u32 v27, $0x9;
	v52 =	vshll.u32 v29, $0x4  }
0x37c: {  	v53 =	vshrl.u32 v29, $0x9;
	v54 =	vshrl.u32 v30, $0x9;
	v55 =	vshll.u32 v30, $0x4  }
0x37d: {  	v40 =	vld.idx.msk [tilespmem:v28+s15+$0x0], $0xffff;
	v56 =	vshll.u32 v31, $0x4;
	v57 =	vshrl.u32 v31, $0x9;
	v32 =	vand.u32 $0x1FF0, v50  }
0x37e: {  	v58 =	vshrl.u32 v34, $0x9;
	v35 =	vand.u32 $0x1FF0, v51;
	v32 =	vor.u32 v33, v32  }
0x37f: {  	v59 =	vshll.u32 v34, $0x4;
	v38 =	vand.u32 $0x1FF0, v52;
	v35 =	vor.u32 v37, v35  }
0x380: {  	v60 =	vshll.u32 v36, $0x4;
	v42 =	vand.u32 $0x1FF0, v55;
	v38 =	vor.u32 v53, v38  }
0x381: {  	v48 =	vshrl.u32 v36, $0x9;
	v43 =	vand.u32 $0x1FF0, v56;
	v42 =	vor.u32 v54, v42  }
0x382: {  	v61 =	vshll.u32 v40, $0x4;
	v46 =	vand.u32 $0x1FF0, v59;
	v43 =	vor.u32 v57, v43  }
0x383: {  	v25 =	vshll.u32 v25, $0x5;
	v47 =	vand.u32 $0x1FF0, v60;
	v46 =	vor.u32 v58, v46;
	[tilespmem:v32+s16+$0x0] =	vst.idx.msk $0xffff, v11  }
0x384: {  	v49 =	vand.u32 $0x1FF0, v61;
	v47 =	vor.u32 v48, v47;
	v32 =	vshrl.u32 v40, $0x9;
	[tilespmem:v35+s16+$0x0] =	vst.idx.msk $0xffff, v12  }
0x385: {  	v27 =	vshll.u32 v27, $0x5;
	v25 =	vand.u32 $0x3000, v25;
	v62 =	vor.u32 v32, v49;
	[tilespmem:v38+s16+$0x0] =	vst.idx.msk $0xffff, v13  }
0x386: {  	v51 =	vshll.u32 v31, $0x5;
	v52 =	vshll.u32 v34, $0x5;
	v11 =	vshrl.u32 v11, $0x11;
	[tilespmem:v42+s16+$0x0] =	vst.idx.msk $0xffff, v14  }
0x387: {  	v55 =	vshrl.u32 v19, $0x11;
	v56 =	vshll.u32 v36, $0x5;
	v11 =	vand.u32 $0xFF0, v11;
	[tilespmem:v43+s17+$0x0] =	vst.idx.msk $0xffff, v15  }
0x388: {  	v12 =	vshrl.u32 v12, $0x11;
	v49 =	vshll.u32 v30, $0x5;
	v11 =	vor.u32 v25, v11;
	[tilespmem:v46+s17+$0x0] =	vst.idx.msk $0xffff, v17  }
0x389: {  	v12 =	vand.u32 $0xFF0, v12;
	v13 =	vshrl.u32 v13, $0x11;
	v50 =	vand.u32 $0x3000, v49;
	[tilespmem:v47+s17+$0x0] =	vst.idx.msk $0xffff, v19  }
0x38a: {  	v42 =	vand.u32 $0x3000, v27;
	v11 =	vor.u32 v33, v11;
	v14 =	vshrl.u32 v14, $0x11;
	[tilespmem:v62+s17+$0x0] =	vst.idx.msk $0xffff, v22  }
0x38b: {  	v13 =	vand.u32 $0xFF0, v13;
	v12 =	vor.u32 v42, v12;
	v14 =	vand.u32 $0xFF0, v14;
	[tilespmem:v16+s14+$0x0] =	vst.idx.add.s32.msk $0xffff, v7  }
0x38c: {  	v15 =	vshrl.u32 v15, $0x11;
	v12 =	vor.u32 v37, v12;
	v46 =	vshll.u32 v29, $0x5;
	[tilespmem:v18+s14+$0x0] =	vst.idx.add.s32.msk $0xffff, v7  }
0x38d: {  	v14 =	vor.u32 v50, v14;
	v15 =	vand.u32 $0xFF0, v15;
	v25 =	vand.u32 $0x3000, v46;
	[tilespmem:v20+s14+$0x0] =	vst.idx.add.s32.msk $0xffff, v7  }
0x38e: {  	v17 =	vshrl.u32 v17, $0x11;
	v14 =	vor.u32 v54, v14;
	v13 =	vor.u32 v25, v13;
	[tilespmem:v21+s14+$0x0] =	vst.idx.add.s32.msk $0xffff, v7  }
0x38f: {  	v54 =	vand.u32 $0x3000, v52;
	v13 =	vor.u32 v53, v13;
	v16 =	vand.u32 $0x3000, v51;
	[tilespmem:v23+s15+$0x0] =	vst.idx.add.s32.msk $0xffff, v7  }
0x390: {  	v53 =	vand.u32 $0xFF0, v17;
	v17 =	vand.u32 $0xFF0, v55;
	v15 =	vor.u32 v16, v15;
	[tilespmem:v24+s15+$0x0] =	vst.idx.add.s32.msk $0xffff, v7  }
0x391: {  	v16 =	vor.u32 v54, v53;
	v18 =	vand.u32 $0x3000, v56;
	v15 =	vor.u32 v57, v15;
	[tilespmem:v26+s15+$0x0] =	vst.idx.add.s32.msk $0xffff, v7  }
0x392: {  	v16 =	vor.u32 v58, v16;
	v57 =	vshrl.u32 v22, $0x11;
	v58 =	vshll.u32 v40, $0x5;
	[tilespmem:v28+s15+$0x0] =	vst.idx.add.s32.msk $0xffff, v7  }
0x393: {  	v17 =	vor.u32 v18, v17;
	v59 =	vand.u32 $0xFF0, v57;
	v60 =	vand.u32 $0x3000, v58;
	[tilespmem:v11+s20+$0x0] =	vst.idx.add.s32.msk $0xffff, v7  }
0x394: {  	s29 =	sadd.s32 $0x2, s29;
	v61 =	vor.u32 v60, v59;
	v11 =	vor.u32 v48, v17;
	[tilespmem:v12+s20+$0x0] =	vst.idx.add.s32.msk $0xffff, v7  }
0x395: {  	p0 =	slt.u32 s29, $0x7E;
	v62 =	vor.u32 v32, v61;
	[tilespmem:v13+s20+$0x0] =	vst.idx.add.s32.msk $0xffff, v7  }
.Ltmp7:
0x396: {  	[tilespmem:v14+s20+$0x0] =	vst.idx.add.s32.msk $0xffff, v7;
	(pc) =	sbr.rel @p0 .LBB2_16-.Ltmp7, $4  }
0x397: {  	[tilespmem:v15+s21+$0x0] =	vst.idx.add.s32.msk $0xffff, v7  }
0x398: {  	[tilespmem:v16+s21+$0x0] =	vst.idx.add.s32.msk $0xffff, v7  }
0x399: {  	s5 =	simm.s32 $0x0;
	s0 =	simm.s32 $0xFFFFFFFE;
	s3 =	simm.s32 $0x1A000;
	[tilespmem:v11+s21+$0x0] =	vst.idx.add.s32.msk $0xffff, v7  }
0x39a: {  	s2 =	simm.s32 $0x1E000;
	s28 =	sadd.s32 $0x20, s28;
	s1 =	sadd.s32 $0x20, s1;
	[tilespmem:v62+s21+$0x0] =	vst.idx.add.s32.msk $0xffff, v7  }
0x39b: {  	v11 =	vld [tilespmem:s3+$0xFFFFF000]  }
0x39c: {  	v12 =	vld [tilespmem:s3+$0xFFFFE000]  }
0x39d: {  	v13 =	vld [tilespmem:s3+$0x0]  }
0x39e: {  	v14 =	vld [tilespmem:s3+$0x1000];
	_ =	sdelay $0x2  }
0x39f: {  	v15 =	vadd.s32 v12, v11  }
0x3a0: {  	v15 =	vadd.s32 v13, v15  }
0x3a1: {  	v14 =	vadd.s32 v14, v15  }
0x3a2: {  	(xrf0) =	vadd.scan.msk.s32 $0xffff, v14;
	_ =	sdelay $0x5  }
0x3a3: {  	v15, _, _ =	vpop (xrf0)  }
0x3a4: {  	v14 =	vsub.s32 v15, v14  }
0x3a5: {  	v14 =	vadd.s32 s5, v14  }
0x3a6: {  	[tilespmem:s3+$0xFFFFE000] =	vst v14;
	v12 =	vadd.s32 v12, v14  }
0x3a7: {  	[tilespmem:s3+$0xFFFFF000] =	vst v12;
	v11 =	vadd.s32 v11, v12  }
0x3a8: {  	[tilespmem:s3+$0x0] =	vst v11;
	v11 =	vadd.s32 v13, v11  }
0x3a9: {  	[tilespmem:s3+$0x1000] =	vst v11  }
0x3aa: {  	v11 =	vld [tilespmem:s2+$0xFFFFE000]  }
0x3ab: {  	(v2sf) =	vpush v15, $0xF;
	v12 =	vld [tilespmem:s2+$0xFFFFF000]  }
0x3ac: {  	v13 =	vld [tilespmem:s2+$0x0]  }
0x3ad: {  	v14 =	vld [tilespmem:s2+$0x1000];
	_ =	sdelay $0x2  }
0x3ae: {  	v16 =	vadd.s32 v11, v12  }
0x3af: {  	v16 =	vadd.s32 v13, v16  }
0x3b0: {  	v14 =	vadd.s32 v14, v16  }
0x3b1: {  	(xrf0) =	vadd.scan.msk.s32 $0xffff, v14;
	_ =	sdelay $0x5  }
0x3b2: {  	v15, _, _ =	vpop (xrf0)  }
0x3b3: {  	s8 =	spop (v2sf);
	v14 =	vsub.s32 v15, v14;
	(v2sf) =	vpush v15, $0xF  }
0x3b4: {  	v14 =	vadd.s32 s5, v14  }
0x3b5: {  	[tilespmem:s2+$0xFFFFE000] =	vst v14;
	v11 =	vadd.s32 v11, v14  }
0x3b6: {  	[tilespmem:s2+$0xFFFFF000] =	vst v11;
	v11 =	vadd.s32 v12, v11  }
0x3b7: {  	[tilespmem:s2+$0x0] =	vst v11;
	v11 =	vadd.s32 v13, v11  }
0x3b8: {  	[tilespmem:s2+$0x1000] =	vst v11  }
0x3b9: {  	v13 =	vld [tilespmem:s3+$0xFFFFE010]  }
0x3ba: {  	v11 =	vld [tilespmem:s3+$0xFFFFF010]  }
0x3bb: {  	v12 =	vld [tilespmem:s3+$0x10]  }
0x3bc: {  	s6 =	simm.s32 $0x2;
	v14 =	vld [tilespmem:s3+$0x1010]  }
0x3bd: {  	s1 =	simm.s32 $0x1A020;
	s4 =	simm.s32 $0x1E000;
	s7 =	simm.s32 $0x0  }
.LBB2_18:
0x3be: {  	s6 =	sadd.s32 $0x2, s6;
	s2 =	sadd.s32 $0x20, s2  }
0x3bf: {  	p0 =	slt.u32 s6, $0xFE;
	v15 =	vadd.s32 v13, v11  }
0x3c0: {  	v15 =	vadd.s32 v12, v15  }
0x3c1: {  	v14 =	vadd.s32 v14, v15  }
0x3c2: {  	s9 =	spop (v2sf);
	(xrf0) =	vadd.scan.msk.s32 $0xffff, v14;
	_ =	sdelay $0x5  }
0x3c3: {  	v15, _, _ =	vpop (xrf0)  }
0x3c4: {  	s5 =	sadd.s32 s5, s8;
	v14 =	vsub.s32 v15, v14;
	(v2sf) =	vpush v15, $0xF  }
0x3c5: {  	v14 =	vadd.s32 s5, v14  }
0x3c6: {  	[tilespmem:s3+$0xFFFFE010] =	vst v14;
	v13 =	vadd.s32 v13, v14  }
0x3c7: {  	[tilespmem:s3+$0xFFFFF010] =	vst v13;
	v11 =	vadd.s32 v11, v13  }
0x3c8: {  	[tilespmem:s3+$0x10] =	vst v11;
	v11 =	vadd.s32 v12, v11  }
0x3c9: {  	[tilespmem:s3+$0x1010] =	vst v11;
	s3 =	smov.u32 s1  }
0x3ca: {  	v11 =	vld [tilespmem:s4+$0xFFFFE010]  }
0x3cb: {  	v12 =	vld [tilespmem:s4+$0xFFFFF010]  }
0x3cc: {  	v13 =	vld [tilespmem:s4+$0x10]  }
0x3cd: {  	v14 =	vld [tilespmem:s4+$0x1010];
	_ =	sdelay $0x2  }
0x3ce: {  	v15 =	vadd.s32 v11, v12  }
0x3cf: {  	v15 =	vadd.s32 v13, v15  }
0x3d0: {  	v14 =	vadd.s32 v14, v15  }
0x3d1: {  	s8 =	spop (v2sf);
	(xrf0) =	vadd.scan.msk.s32 $0xffff, v14  }
0x3d2: {  	s5 =	sadd.s32 s5, s8;
	_ =	sdelay $0x2  }
0x3d3: {  	s7 =	sadd.s32 s7, s9;
	_ =	sdelay $0x1  }
0x3d4: {  	v15, _, _ =	vpop (xrf0)  }
0x3d5: {  	v14 =	vsub.s32 v15, v14;
	(v2sf) =	vpush v15, $0xF  }
0x3d6: {  	v14 =	vadd.s32 s7, v14  }
0x3d7: {  	[tilespmem:s4+$0xFFFFE010] =	vst v14;
	v11 =	vadd.s32 v11, v14  }
0x3d8: {  	[tilespmem:s4+$0xFFFFF010] =	vst v11;
	v11 =	vadd.s32 v12, v11  }
0x3d9: {  	[tilespmem:s4+$0x10] =	vst v11;
	v11 =	vadd.s32 v13, v11  }
0x3da: {  	[tilespmem:s4+$0x1010] =	vst v11;
	s4 =	smov.u32 s2  }
0x3db: {  	v11 =	vld [tilespmem:s1+$0xFFFFF000]  }
0x3dc: {  	v12 =	vld [tilespmem:s1+$0xFFFFE000]  }
0x3dd: {  	v13 =	vld [tilespmem:s1+$0x0]  }
0x3de: {  	v14 =	vld [tilespmem:s1+$0x1000];
	_ =	sdelay $0x2  }
0x3df: {  	v15 =	vadd.s32 v12, v11  }
0x3e0: {  	v15 =	vadd.s32 v13, v15  }
0x3e1: {  	v14 =	vadd.s32 v14, v15  }
0x3e2: {  	(xrf0) =	vadd.scan.msk.s32 $0xffff, v14;
	s8 =	spop (v2sf)  }
0x3e3: {  	s7 =	sadd.s32 s7, s8;
	_ =	sdelay $0x4  }
0x3e4: {  	v15, _, _ =	vpop (xrf0)  }
0x3e5: {  	v14 =	vsub.s32 v15, v14;
	(v2sf) =	vpush v15, $0xF  }
0x3e6: {  	v14 =	vadd.s32 s5, v14  }
0x3e7: {  	[tilespmem:s1+$0xFFFFE000] =	vst v14;
	v12 =	vadd.s32 v12, v14  }
0x3e8: {  	[tilespmem:s1+$0xFFFFF000] =	vst v12;
	v11 =	vadd.s32 v11, v12  }
0x3e9: {  	[tilespmem:s1+$0x0] =	vst v11;
	v11 =	vadd.s32 v13, v11  }
0x3ea: {  	[tilespmem:s1+$0x1000] =	vst v11  }
0x3eb: {  	v11 =	vld [tilespmem:s2+$0xFFFFE000]  }
0x3ec: {  	v12 =	vld [tilespmem:s2+$0xFFFFF000]  }
0x3ed: {  	v13 =	vld [tilespmem:s2+$0x0]  }
0x3ee: {  	v14 =	vld [tilespmem:s2+$0x1000];
	_ =	sdelay $0x2  }
0x3ef: {  	v15 =	vadd.s32 v11, v12  }
0x3f0: {  	v15 =	vadd.s32 v13, v15  }
0x3f1: {  	v14 =	vadd.s32 v14, v15  }
0x3f2: {  	s8 =	spop (v2sf);
	(xrf0) =	vadd.scan.msk.s32 $0xffff, v14;
	_ =	sdelay $0x5  }
0x3f3: {  	v15, _, _ =	vpop (xrf0)  }
0x3f4: {  	v14 =	vsub.s32 v15, v14;
	(v2sf) =	vpush v15, $0xF  }
0x3f5: {  	v14 =	vadd.s32 s7, v14  }
0x3f6: {  	[tilespmem:s2+$0xFFFFE000] =	vst v14;
	v11 =	vadd.s32 v11, v14  }
0x3f7: {  	s1 =	sadd.s32 $0x20, s1;
	[tilespmem:s2+$0xFFFFF000] =	vst v11;
	v11 =	vadd.s32 v12, v11  }
0x3f8: {  	[tilespmem:s2+$0x0] =	vst v11;
	v11 =	vadd.s32 v13, v11  }
0x3f9: {  	[tilespmem:s2+$0x1000] =	vst v11  }
.Ltmp8:
0x3fa: {  	v13 =	vld [tilespmem:s3+$0xFFFFE010];
	(pc) =	sbr.rel @p0 .LBB2_18-.Ltmp8, $3  }
0x3fb: {  	v11 =	vld [tilespmem:s3+$0xFFFFF010]  }
0x3fc: {  	v12 =	vld [tilespmem:s3+$0x10]  }
0x3fd: {  	v14 =	vld [tilespmem:s3+$0x1010];
	_ =	sdelay $0x1  }
0x3fe: {  	_ = 	snop  }
0x3ff: {  	v15 =	vadd.s32 v13, v11  }
0x400: {  	v15 =	vadd.s32 v12, v15  }
0x401: {  	v14 =	vadd.s32 v14, v15  }
0x402: {  	(xrf0) =	vadd.scan.msk.s32 $0xffff, v14;
	_ =	sdelay $0x5  }
0x403: {  	v38, _, _ =	vpop (xrf0)  }
0x404: {  	s5 =	sadd.s32 s5, s8;
	v14 =	vsub.s32 v38, v14  }
0x405: {  	v14 =	vadd.s32 s5, v14  }
0x406: {  	[tilespmem:s3+$0xFFFFE010] =	vst v14;
	v39 =	vadd.s32 v13, v14  }
0x407: {  	[tilespmem:s3+$0xFFFFF010] =	vst v39;
	v11 =	vadd.s32 v11, v39  }
0x408: {  	[tilespmem:s3+$0x10] =	vst v11;
	v11 =	vadd.s32 v12, v11  }
0x409: {  	[tilespmem:s3+$0x1010] =	vst v11  }
0x40a: {  	v11 =	vld [tilespmem:s4+$0xFFFFE010]  }
0x40b: {  	v40 =	vld [tilespmem:s4+$0xFFFFF010]  }
0x40c: {  	v41 =	vld [tilespmem:s4+$0x10]  }
0x40d: {  	v42 =	vld [tilespmem:s4+$0x1010];
	_ =	sdelay $0x2  }
0x40e: {  	v16 =	vadd.s32 v11, v40  }
0x40f: {  	v16 =	vadd.s32 v41, v16  }
0x410: {  	v14 =	vadd.s32 v42, v16  }
0x411: {  	(xrf0) =	vadd.scan.msk.s32 $0xffff, v14;
	_ =	sdelay $0x5  }
0x412: {  	s8 =	spop (v2sf);
	v43, _, _ =	vpop (xrf0)  }
0x413: {  	s6 =	sadd.s32 s7, s8;
	v14 =	vsub.s32 v43, v14  }
0x414: {  	v14 =	vadd.s32 s6, v14  }
0x415: {  	[tilespmem:s4+$0xFFFFE010] =	vst v14;
	v11 =	vadd.s32 v11, v14  }
0x416: {  	[tilespmem:s4+$0xFFFFF010] =	vst v11;
	v11 =	vadd.s32 v40, v11  }
0x417: {  	[tilespmem:s4+$0x10] =	vst v11;
	v11 =	vadd.s32 v41, v11  }
0x418: {  	[tilespmem:s4+$0x1010] =	vst v11  }
0x419: {  	(v2sf) =	vpush v38, $0xF;
	v11 =	vld [tilespmem:s1+$0xFFFFF000]  }
0x41a: {  	v44 =	vld [tilespmem:s1+$0xFFFFE000]  }
0x41b: {  	v45 =	vld [tilespmem:s1+$0x0]  }
0x41c: {  	v46 =	vld [tilespmem:s1+$0x1000];
	_ =	sdelay $0x2  }
0x41d: {  	v47 =	vadd.s32 v44, v11  }
0x41e: {  	v15 =	vadd.s32 v45, v47  }
0x41f: {  	v14 =	vadd.s32 v46, v15  }
0x420: {  	(xrf0) =	vadd.scan.msk.s32 $0xffff, v14;
	_ =	sdelay $0x5  }
0x421: {  	s9 =	spop (v2sf);
	v48, _, _ =	vpop (xrf0)  }
0x422: {  	s10 =	sadd.s32 s5, s9;
	v14 =	vsub.s32 v48, v14  }
0x423: {  	v14 =	vadd.s32 s10, v14  }
0x424: {  	[tilespmem:s1+$0xFFFFE000] =	vst v14;
	v12 =	vadd.s32 v44, v14  }
0x425: {  	[tilespmem:s1+$0xFFFFF000] =	vst v12;
	v11 =	vadd.s32 v11, v12  }
0x426: {  	[tilespmem:s1+$0x0] =	vst v11;
	v11 =	vadd.s32 v45, v11  }
0x427: {  	s24 =	sadd.s32 $0x20, s2;
	[tilespmem:s1+$0x1000] =	vst v11  }
0x428: {  	(v2sf) =	vpush v43, $0xF;
	v11 =	vld [tilespmem:s24+$0xFFFFE000]  }
0x429: {  	v49 =	vld [tilespmem:s24+$0xFFFFF000]  }
0x42a: {  	v50 =	vld [tilespmem:s24+$0x0]  }
0x42b: {  	v51 =	vld [tilespmem:s24+$0x1000];
	_ =	sdelay $0x2  }
0x42c: {  	v52 =	vadd.s32 v11, v49  }
0x42d: {  	v16 =	vadd.s32 v50, v52  }
0x42e: {  	v14 =	vadd.s32 v51, v16  }
0x42f: {  	(xrf0) =	vadd.scan.msk.s32 $0xffff, v14;
	_ =	sdelay $0x5  }
0x430: {  	s25 =	spop (v2sf);
	v53, _, _ =	vpop (xrf0)  }
0x431: {  	s2 =	sadd.s32 s6, s25;
	v14 =	vsub.s32 v53, v14  }
0x432: {  	v14 =	vadd.s32 s2, v14  }
0x433: {  	[tilespmem:s24+$0xFFFFE000] =	vst v14;
	v11 =	vadd.s32 v11, v14  }
0x434: {  	[tilespmem:s24+$0xFFFFF000] =	vst v11;
	v11 =	vadd.s32 v49, v11  }
0x435: {  	[tilespmem:s24+$0x0] =	vst v11;
	v11 =	vadd.s32 v50, v11  }
0x436: {  	[tilespmem:s24+$0x1000] =	vst v11  }
0x437: {  	(v2sf) =	vpush v48, $0xF;
	v11 =	vld [tilespmem:s1+$0xFFFFE010]  }
0x438: {  	v54 =	vld [tilespmem:s1+$0xFFFFF010]  }
0x439: {  	v55 =	vld [tilespmem:s1+$0x10]  }
0x43a: {  	v56 =	vld [tilespmem:s1+$0x1010];
	_ =	sdelay $0x2  }
0x43b: {  	v57 =	vadd.s32 v11, v54  }
0x43c: {  	v15 =	vadd.s32 v55, v57  }
0x43d: {  	v14 =	vadd.s32 v56, v15  }
0x43e: {  	(xrf0) =	vadd.scan.msk.s32 $0xffff, v14;
	_ =	sdelay $0x5  }
0x43f: {  	s28 =	spop (v2sf);
	v58, _, _ =	vpop (xrf0)  }
0x440: {  	s4 =	sadd.s32 s10, s28;
	v14 =	vsub.s32 v58, v14  }
0x441: {  	v14 =	vadd.s32 s4, v14  }
0x442: {  	[tilespmem:s1+$0xFFFFE010] =	vst v14;
	v11 =	vadd.s32 v11, v14  }
0x443: {  	[tilespmem:s1+$0xFFFFF010] =	vst v11;
	v11 =	vadd.s32 v54, v11  }
0x444: {  	[tilespmem:s1+$0x10] =	vst v11;
	v11 =	vadd.s32 v55, v11  }
0x445: {  	[tilespmem:s1+$0x1010] =	vst v11  }
0x446: {  	v11 =	vld [tilespmem:s24+$0xFFFFE010]  }
0x447: {  	v59 =	vld [tilespmem:s24+$0xFFFFF010]  }
0x448: {  	v60 =	vld [tilespmem:s24+$0x10]  }
0x449: {  	v61 =	vld [tilespmem:s24+$0x1010];
	_ =	sdelay $0x2  }
0x44a: {  	v17 =	vadd.s32 v11, v59  }
0x44b: {  	v17 =	vadd.s32 v60, v17  }
0x44c: {  	v14 =	vadd.s32 v61, v17  }
0x44d: {  	(xrf0) =	vadd.scan.msk.s32 $0xffff, v14  }
0x44e: {  	(v2sf) =	vpush v53, $0xF;
	_ =	sdelay $0x4  }
0x44f: {  	(v2sf) =	vpush v58, $0xF;
	v62, _, _ =	vpop (xrf0)  }
0x450: {  	(v2sf) =	vpush v62, $0xF;
	_ =	sdelay $0x8  }
0x451: {  	s29 =	spop (v2sf)  }
0x452: {  	s1 =	sadd.s32 s2, s29;
	v14 =	vsub.s32 v62, v14  }
0x453: {  	v14 =	vadd.s32 s1, v14  }
0x454: {  	[tilespmem:s24+$0xFFFFE010] =	vst v14;
	v11 =	vadd.s32 v11, v14  }
0x455: {  	[tilespmem:s24+$0xFFFFF010] =	vst v11;
	v11 =	vadd.s32 v59, v11  }
0x456: {  	s30 =	spop (v2sf);
	[tilespmem:s24+$0x10] =	vst v11;
	v11 =	vadd.s32 v60, v11  }
0x457: {  	s2 =	simm.s32 $0xB000;
	s1 =	simm.s32 $0x9000;
	[tilespmem:s24+$0x1010] =	vst v11;
	s31 =	spop (v2sf)  }
.LBB2_20:
0x458: {  	v11 =	vld [tilespmem:s1+$0xFFFFF000]  }
0x459: {  	v12 =	vld [tilespmem:s1+$0xFFFFF800]  }
0x45a: {  	v13 =	vld [tilespmem:s1+$0x0]  }
0x45b: {  	v14 =	vld [tilespmem:s1+$0x800]  }
0x45c: {  	v15 =	vld [tilespmem:s2+$0xFFFFF000]  }
0x45d: {  	v16 =	vld [tilespmem:s2+$0xFFFFF800];
	v17 =	vshrl.u32 v11, $0x11  }
0x45e: {  	v18 =	vld [tilespmem:s2+$0x0];
	v19 =	vshrl.u32 v12, $0x11;
	v17 =	vand.u32 $0xFF0, v17  }
0x45f: {  	v20 =	vld [tilespmem:s2+$0x800];
	v21 =	vshrl.u32 v13, $0x11;
	v19 =	vand.u32 $0xFF0, v19;
	v17 =	vor.u32 v0, v17  }
0x460: {  	v22 =	vshrl.u32 v14, $0x11;
	v21 =	vand.u32 $0xFF0, v21;
	v19 =	vor.u32 v8, v19  }
0x461: {  	v23 =	vshrl.u32 v15, $0x11;
	v22 =	vand.u32 $0xFF0, v22;
	v21 =	vor.u32 v9, v21  }
0x462: {  	v24 =	vshrl.u32 v16, $0x11;
	v23 =	vand.u32 $0xFF0, v23;
	v22 =	vor.u32 v10, v22  }
0x463: {  	v25 =	vshrl.u32 v18, $0x11;
	v24 =	vand.u32 $0xFF0, v24;
	v23 =	vor.u32 v0, v23  }
0x464: {  	v26 =	vshrl.u32 v20, $0x11;
	v25 =	vand.u32 $0xFF0, v25;
	v24 =	vor.u32 v8, v24;
	v27 =	vld.idx.msk [tilespmem:v17+s20+$0x0], $0xffff  }
0x465: {  	v26 =	vand.u32 $0xFF0, v26;
	v25 =	vor.u32 v9, v25;
	v28 =	vld.idx.msk [tilespmem:v19+s20+$0x0], $0xffff  }
0x466: {  	v26 =	vor.u32 v10, v26;
	v29 =	vld.idx.msk [tilespmem:v21+s20+$0x0], $0xffff  }
0x467: {  	v30 =	vld.idx.msk [tilespmem:v22+s20+$0x0], $0xffff  }
0x468: {  	v31 =	vld.idx.msk [tilespmem:v23+s21+$0x0], $0xffff  }
0x469: {  	v32 =	vld.idx.msk [tilespmem:v24+s21+$0x0], $0xffff  }
0x46a: {  	v33 =	vld.idx.msk [tilespmem:v25+s21+$0x0], $0xffff  }
0x46b: {  	v11 =	vand.u32 $0x1FFF, v11;
	v34 =	vld.idx.msk [tilespmem:v26+s21+$0x0], $0xffff  }
0x46c: {  	[tilespmem:v27+s18+$0x0] =	vst.idx.msk $0xffff, v11;
	v11 =	vand.u32 $0x1FFF, v12  }
0x46d: {  	[tilespmem:v28+s18+$0x0] =	vst.idx.msk $0xffff, v11;
	v11 =	vand.u32 $0x1FFF, v13  }
0x46e: {  	[tilespmem:v29+s18+$0x0] =	vst.idx.msk $0xffff, v11;
	v11 =	vand.u32 $0x1FFF, v14  }
0x46f: {  	[tilespmem:v30+s18+$0x0] =	vst.idx.msk $0xffff, v11;
	v11 =	vand.u32 $0x1FFF, v15  }
0x470: {  	[tilespmem:v31+s19+$0x0] =	vst.idx.msk $0xffff, v11;
	v11 =	vand.u32 $0x1FFF, v16  }
0x471: {  	[tilespmem:v32+s19+$0x0] =	vst.idx.msk $0xffff, v11;
	v11 =	vand.u32 $0x1FFF, v18  }
0x472: {  	[tilespmem:v33+s19+$0x0] =	vst.idx.msk $0xffff, v11;
	v11 =	vand.u32 $0x1FFF, v20  }
0x473: {  	[tilespmem:v34+s19+$0x0] =	vst.idx.msk $0xffff, v11  }
0x474: {  	[tilespmem:v17+s20+$0x0] =	vst.idx.add.s32.msk $0xffff, v7  }
0x475: {  	[tilespmem:v19+s20+$0x0] =	vst.idx.add.s32.msk $0xffff, v7  }
0x476: {  	[tilespmem:v21+s20+$0x0] =	vst.idx.add.s32.msk $0xffff, v7  }
0x477: {  	[tilespmem:v22+s20+$0x0] =	vst.idx.add.s32.msk $0xffff, v7  }
0x478: {  	[tilespmem:v23+s21+$0x0] =	vst.idx.add.s32.msk $0xffff, v7  }
0x479: {  	[tilespmem:v24+s21+$0x0] =	vst.idx.add.s32.msk $0xffff, v7  }
0x47a: {  	[tilespmem:v25+s21+$0x0] =	vst.idx.add.s32.msk $0xffff, v7  }
0x47b: {  	[tilespmem:v26+s21+$0x0] =	vst.idx.add.s32.msk $0xffff, v7  }
0x47c: {  	v11 =	vld [tilespmem:s1+$0xFFFFF010]  }
0x47d: {  	v48 =	vld [tilespmem:s1+$0xFFFFF810]  }
0x47e: {  	v49 =	vld [tilespmem:s1+$0x10]  }
0x47f: {  	v50 =	vld [tilespmem:s1+$0x810]  }
0x480: {  	v51 =	vld [tilespmem:s2+$0xFFFFF010]  }
0x481: {  	v52 =	vld [tilespmem:s2+$0xFFFFF810];
	v53 =	vshrl.u32 v11, $0x11  }
0x482: {  	v54 =	vld [tilespmem:s2+$0x10];
	v55 =	vshrl.u32 v48, $0x11;
	v17 =	vand.u32 $0xFF0, v53  }
0x483: {  	v56 =	vld [tilespmem:s2+$0x810];
	v57 =	vshrl.u32 v49, $0x11;
	v19 =	vand.u32 $0xFF0, v55;
	v17 =	vor.u32 v0, v17  }
0x484: {  	v58 =	vshrl.u32 v50, $0x11;
	v21 =	vand.u32 $0xFF0, v57;
	v19 =	vor.u32 v8, v19  }
0x485: {  	v59 =	vshrl.u32 v51, $0x11;
	v22 =	vand.u32 $0xFF0, v58;
	v21 =	vor.u32 v9, v21  }
0x486: {  	v60 =	vshrl.u32 v52, $0x11;
	v23 =	vand.u32 $0xFF0, v59;
	v22 =	vor.u32 v10, v22  }
0x487: {  	v61 =	vshrl.u32 v54, $0x11;
	v24 =	vand.u32 $0xFF0, v60;
	v23 =	vor.u32 v0, v23  }
0x488: {  	v62 =	vshrl.u32 v56, $0x11;
	v25 =	vand.u32 $0xFF0, v61;
	v24 =	vor.u32 v8, v24;
	v27 =	vld.idx.msk [tilespmem:v17+s20+$0x0], $0xffff  }
0x489: {  	v26 =	vand.u32 $0xFF0, v62;
	v25 =	vor.u32 v9, v25;
	v28 =	vld.idx.msk [tilespmem:v19+s20+$0x0], $0xffff  }
0x48a: {  	v26 =	vor.u32 v10, v26;
	v29 =	vld.idx.msk [tilespmem:v21+s20+$0x0], $0xffff  }
0x48b: {  	v30 =	vld.idx.msk [tilespmem:v22+s20+$0x0], $0xffff  }
0x48c: {  	v31 =	vld.idx.msk [tilespmem:v23+s21+$0x0], $0xffff  }
0x48d: {  	v32 =	vld.idx.msk [tilespmem:v24+s21+$0x0], $0xffff  }
0x48e: {  	v33 =	vld.idx.msk [tilespmem:v25+s21+$0x0], $0xffff  }
0x48f: {  	v11 =	vand.u32 $0x1FFF, v11;
	v34 =	vld.idx.msk [tilespmem:v26+s21+$0x0], $0xffff  }
0x490: {  	[tilespmem:v27+s18+$0x0] =	vst.idx.msk $0xffff, v11;
	v11 =	vand.u32 $0x1FFF, v48  }
0x491: {  	[tilespmem:v28+s18+$0x0] =	vst.idx.msk $0xffff, v11;
	v11 =	vand.u32 $0x1FFF, v49  }
0x492: {  	[tilespmem:v29+s18+$0x0] =	vst.idx.msk $0xffff, v11;
	v11 =	vand.u32 $0x1FFF, v50  }
0x493: {  	[tilespmem:v30+s18+$0x0] =	vst.idx.msk $0xffff, v11;
	v11 =	vand.u32 $0x1FFF, v51  }
0x494: {  	[tilespmem:v31+s19+$0x0] =	vst.idx.msk $0xffff, v11;
	v11 =	vand.u32 $0x1FFF, v52  }
0x495: {  	[tilespmem:v32+s19+$0x0] =	vst.idx.msk $0xffff, v11;
	v11 =	vand.u32 $0x1FFF, v54  }
0x496: {  	[tilespmem:v33+s19+$0x0] =	vst.idx.msk $0xffff, v11;
	v11 =	vand.u32 $0x1FFF, v56  }
0x497: {  	[tilespmem:v34+s19+$0x0] =	vst.idx.msk $0xffff, v11  }
0x498: {  	[tilespmem:v17+s20+$0x0] =	vst.idx.add.s32.msk $0xffff, v7  }
0x499: {  	s0 =	sadd.s32 $0x2, s0;
	[tilespmem:v19+s20+$0x0] =	vst.idx.add.s32.msk $0xffff, v7  }
0x49a: {  	p0 =	slt.u32 s0, $0x7E;
	[tilespmem:v21+s20+$0x0] =	vst.idx.add.s32.msk $0xffff, v7  }
.Ltmp9:
0x49b: {  	[tilespmem:v22+s20+$0x0] =	vst.idx.add.s32.msk $0xffff, v7;
	(pc) =	sbr.rel @p0 .LBB2_20-.Ltmp9, $4  }
0x49c: {  	[tilespmem:v23+s21+$0x0] =	vst.idx.add.s32.msk $0xffff, v7  }
0x49d: {  	[tilespmem:v24+s21+$0x0] =	vst.idx.add.s32.msk $0xffff, v7  }
0x49e: {  	[tilespmem:v25+s21+$0x0] =	vst.idx.add.s32.msk $0xffff, v7  }
0x49f: {  	s2 =	sadd.s32 $0x20, s2;
	s1 =	sadd.s32 $0x20, s1;
	[tilespmem:v26+s21+$0x0] =	vst.idx.add.s32.msk $0xffff, v7  }
0x4a0: {  	s0 =	rddreg [dreg:$0x6];
	s2 =	simm.s32 $0x80  }
0x4a1: {  	[hbm4b:s0+s2] =	stream.strided.scatter [tilespmem:s18], [sflag:$0x1], $0x200, s11, s2, $0x38;
	v63 =	vld [tilespmem:$0x0]  }
0x4a2: {  	_ =	swait.ge [sflag:s12], $0x200  }
0x4a3: {  	[sflag:s12] =	ssyncset.done $0x0  }
0x4a4: {  	s1 =	simm.s32 $0xC200;
	s25 =	rddreg [dreg:$0x7];
	[sflag:s12] =	ssyncadd.s32 $0xFFFFFE00  }
0x4a5: {  	[hbm4b:s25+s2] =	stream.strided.scatter [tilespmem:s1], [sflag:$0x1], $0x1E00, s11, s2, $0x38;
	v63 =	vld [tilespmem:$0x0]  }
0x4a6: {  	_ =	swait.ge [sflag:s12], $0x1E00  }
0x4a7: {  	[sflag:s12] =	ssyncset.done $0x0  }
0x4a8: {  	s28 =	rddreg [dreg:$0x8];
	[sflag:s12] =	ssyncadd.s32 $0xFFFFE200  }
0x4a9: {  	[hbm4b:s28+s2] =	stream.strided.scatter [tilespmem:s19], [sflag:$0x1], $0x200, s11, s2, $0x38;
	v63 =	vld [tilespmem:$0x0]  }
0x4aa: {  	_ =	swait.ge [sflag:s12], $0x200  }
0x4ab: {  	[sflag:s12] =	ssyncset.done $0x0  }
0x4ac: {  	s30 =	simm.s32 $0xE200;
	s29 =	rddreg [dreg:$0x9];
	[sflag:s12] =	ssyncadd.s32 $0xFFFFFE00  }
0x4ad: {  	[hbm4b:s29+s2] =	stream.strided.scatter [tilespmem:s30], [sflag:$0x1], $0x1E00, s11, s2, $0x38;
	v63 =	vld [tilespmem:$0x0]  }
0x4ae: {  	_ =	swait.ge [sflag:s12], $0x1E00  }
0x4af: {  	s26 =	sadd.s32 $0x1, s26;
	s31 =	rddreg [dreg:$0xa]  }
0x4b0: {  	p0 =	sne.s32 s26, s31  }
.Ltmp10:
0x4b1: {  	_ = 	snop;
	(pc) =	sbr.rel @p0 .LBB2_1-.Ltmp10, $3  }
0x4b2: {  	_ =	sdelay $0x1  }
0x4b3: {  	[sflag:s12] =	ssyncset.done $0x0  }
0x4b4: {  	[sflag:s12] =	ssyncadd.s32 $0xFFFFE200  }
0x4b5: {  	_ =	sfence.sel $0x180000  }
0x4b6: {  	[bflag:$0x0] =	sbarrier.arrive $0xFFFF  }
0x4b7: {  	_ =	strace $0x90000047  }
0x4b8: {  	s0 =	stileid.u32;
	[bflag:$0x2] =	sbarrier.arrive $0xFFFF  }
0x4b9: {  	p0 =	sne.s32 s0, $0x0;
	s0 =	rddreg [dreg:$0x3]  }
0x4ba: {  	s0 =	sadd.s32 @!p0 $0x100000, s0  }
0x4bb: {  	[sflag:s0] =	ssyncadd.tile.s32 @!p0 $0x1;
	_ =	shalt  }
.Lfunc_end2:
_tile_overlayer_lowered:
.L_overlay_start_2:
0x4bc: {  	(tag) =	ssettag $0x2  }
0x4bd: {  	s0 =	rddreg [dreg:$0x0];
	s2 =	stileid.u32  }
0x4be: {  	s1 =	rddreg [dreg:$0x1];
	p0 =	sne.s32 s2, $0x0  }
0x4bf: {  	s3 =	rddreg [dreg:$0x2];
	[bflag:$0x3] =	sbarrier.arrive $0xFFFF;
	s2 =	simm.s32 @!p0 $0x1C01  }
0x4c0: {  	[timem:s3], [sflag:s2] =	dma.local @!p0 [hbm:s0], s1  }
0x4c1: {  	s0 =	simm.s32 @!p0 $0x1  }
0x4c2: {  	_ =	swait.ge @!p0 [sflag:s0], s1  }
0x4c3: {  	s1 =	ssub.s32 @!p0 $0x0, s1;
	[sflag:s0] =	ssyncset.done @!p0 $0x0  }
0x4c4: {  	[sflag:s0] =	ssyncadd.s32 @!p0 s1  }
0x4c5: {  	[bflag:$0x3] =	sbarrier.arrive $0xFFFF  }
0x4c6: {  	_ =	shalt  }

</sc_bundles>
